<compile_context>
chip_gen: v7x
topology: tpu7x:2x2x1
jax: 0.10.2.dev20260603
libtpu: 0.0.44.dev20260713+nightly
codegen_flags: <defaults>
</compile_context>

<pallas_src>
import functools

import jax
import jax.numpy as jnp
from jax import lax
from jax.experimental import pallas as pl
from jax.experimental.pallas import tpu as pltpu
from jax.experimental.pallas import tpu_sc as plsc

N = 10000
E = 320000
IN_DIM = 128
OUT_DIM = 16

NC = 2
NS = 16
NW = NC * NS
NPAD = 10240
ET = E // NW
ETP = 10240
ROWS = ETP // 128
NDEPTH = 4
NODES_PER_TILE = NPAD // NS
FIN_PER_TILE = NPAD // NW
BS = 2048


def _zsd_body(th_ref, h_ref, w_ref, a_ref, z_ref, s_ref, d_ref):
    th = th_ref[0, 0]
    w = w_ref[...]
    wm = w * (jnp.abs(w) > th).astype(w.dtype)
    z = lax.dot_general(h_ref[...], wm, (((1,), (1,)), ((), ())),
                        preferred_element_type=jnp.float32)
    a = a_ref[...]
    am = a * (jnp.abs(a) > th).astype(a.dtype)
    a1 = am[:, :OUT_DIM]
    a2 = am[:, OUT_DIM:]
    z_ref[...] = z
    s_ref[...] = jnp.sum(z * a1, axis=1)
    d_ref[...] = jnp.sum(z * a2, axis=1)


_zsd_call = pl.pallas_call(
    _zsd_body,
    grid=(NPAD // BS,),
    in_specs=[
        pl.BlockSpec((1, 1), lambda i: (0, 0)),
        pl.BlockSpec((BS, IN_DIM), lambda i: (i, 0)),
        pl.BlockSpec((OUT_DIM, IN_DIM), lambda i: (0, 0)),
        pl.BlockSpec((1, 2 * OUT_DIM), lambda i: (0, 0)),
    ],
    out_specs=[
        pl.BlockSpec((BS, OUT_DIM), lambda i: (i, 0)),
        pl.BlockSpec((BS,), lambda i: (i,)),
        pl.BlockSpec((BS,), lambda i: (i,)),
    ],
    out_shape=[
        jax.ShapeDtypeStruct((NPAD, OUT_DIM), jnp.float32),
        jax.ShapeDtypeStruct((NPAD,), jnp.float32),
        jax.ShapeDtypeStruct((NPAD,), jnp.float32),
    ],
)


def _edge_body(edge_hbm, z_hbm, s_hbm, d_hbm, accp, denp,
               s_loc, d_loc, src1, dst1, dst2d, den_loc,
               zrows, wrows, zbuf, acc_sh, gsems, ssems):
    cid = lax.axis_index("c")
    sid = lax.axis_index("s")
    wid = cid * NS + sid
    ebase = wid * ET
    zero16 = jnp.zeros((16,), jnp.float32)
    zero16i = jnp.zeros((16,), jnp.int32)

    padn = jnp.full((16,), N, jnp.int32)
    def ztail(i, carry):
        src1[pl.ds(ET + i * 16, 16)] = zero16i
        dst1[pl.ds(ET + i * 16, 16)] = padn
        s_loc[pl.ds(N + i * 16, 16)] = zero16
        d_loc[pl.ds(N + i * 16, 16)] = zero16
        return carry
    lax.fori_loop(0, (ETP - ET) // 16, ztail, 0)

    cp_s = pltpu.async_copy(s_hbm.at[pl.ds(0, N)], s_loc.at[pl.ds(0, N)], gsems[0])
    cp_d = pltpu.async_copy(d_hbm.at[pl.ds(0, N)], d_loc.at[pl.ds(0, N)], gsems[1])
    cp_src = pltpu.async_copy(edge_hbm.at[0, pl.ds(ebase, ET)],
                              src1.at[pl.ds(0, ET)], gsems[2])
    cp_dst = pltpu.async_copy(edge_hbm.at[1, pl.ds(ebase, ET)],
                              dst1.at[pl.ds(0, ET)], gsems[3])

    def zloop(i, carry):
        zbuf[i, :] = zero16
        den_loc[pl.ds(i * 16, 16)] = zero16
        return carry
    lax.fori_loop(0, NPAD // 16, zloop, 0)

    pltpu.sync_copy(zbuf, acc_sh.at[pl.ds(sid * NODES_PER_TILE, NODES_PER_TILE)])
    cp_dst.wait()

    def rloop(i, carry):
        v = dst1[pl.ds(i * 16, 16)]
        dst2d[i // 8, pl.ds((i % 8) * 16, 16)] = v
        return carry
    lax.fori_loop(0, ETP // 16, rloop, 0)
    cp_s.wait()
    cp_d.wait()
    cp_src.wait()
    plsc.subcore_barrier()

    bufs = [(zrows[b], wrows[b], gsems[b], ssems[b]) for b in range(NDEPTH)]
    for b, (zb, wb, gs, ss) in enumerate(bufs):
        pltpu.async_copy(z_hbm.at[src1.at[pl.ds(b * 128, 128)]], zb, gs)

    def body2(jj, carry):
        for b, (zb, wb, gs, ss) in enumerate(bufs):
            j = jj * NDEPTH + b
            pltpu.make_async_copy(z_hbm.at[src1.at[pl.ds(0, 128)]], zb, gs).wait()

            @pl.when(jj > 0)
            def _():
                pltpu.make_async_copy(wb, acc_sh.at[dst2d.at[j]], ss).wait()

            @plsc.parallel_loop(0, 8, 1, unroll=4)
            def chunk(k):
                off = j * 128 + k * 16
                si = src1[pl.ds(off, 16)]
                di = dst1[pl.ds(off, 16)]
                sv = plsc.load_gather(s_loc, [si])
                dv = plsc.load_gather(d_loc, [di])
                e = sv + dv
                e = jnp.where(e > 0, e, e * jnp.float32(0.01))
                ex = jnp.exp(e)
                plsc.addupdate_scatter(den_loc, [di], ex)
                base = k * 16
                for t in range(16):
                    wb[base + t, :] = zb[base + t, :] * ex[t]
            pltpu.async_copy(wb, acc_sh.at[dst2d.at[j]], ss, add=True)

            @pl.when(j + NDEPTH < ROWS)
            def _():
                pltpu.async_copy(
                    z_hbm.at[src1.at[pl.ds((j + NDEPTH) * 128, 128)]], zb, gs)
        return carry
    lax.fori_loop(0, ROWS // NDEPTH, body2, 0)
    pltpu.sync_copy(den_loc, denp.at[cid, sid])
    for b, (zb, wb, gs, ss) in enumerate(bufs):
        pltpu.make_async_copy(wb, acc_sh.at[dst2d.at[b]], ss).wait()
    plsc.subcore_barrier()

    nbase = sid * NODES_PER_TILE
    pltpu.sync_copy(acc_sh.at[pl.ds(nbase, NODES_PER_TILE)],
                    accp.at[cid, pl.ds(nbase, NODES_PER_TILE)])


_edge_call = functools.partial(
    pl.kernel,
    out_type=(jax.ShapeDtypeStruct((NC, NPAD, OUT_DIM), jnp.float32),
              jax.ShapeDtypeStruct((NC, NS, NPAD), jnp.float32)),
    mesh=plsc.VectorSubcoreMesh(core_axis_name="c", subcore_axis_name="s",
                                num_cores=NC, num_subcores=NS),
    scratch_types=[
        pltpu.VMEM((NPAD,), jnp.float32),
        pltpu.VMEM((NPAD,), jnp.float32),
        pltpu.VMEM((ETP,), jnp.int32),
        pltpu.VMEM((ETP,), jnp.int32),
        pltpu.VMEM((ROWS, 128), jnp.int32),
        pltpu.VMEM((NPAD,), jnp.float32),
        [pltpu.VMEM((128, OUT_DIM), jnp.float32) for _ in range(NDEPTH)],
        [pltpu.VMEM((128, OUT_DIM), jnp.float32) for _ in range(NDEPTH)],
        pltpu.VMEM((NODES_PER_TILE, OUT_DIM), jnp.float32),
        pltpu.VMEM_SHARED((NPAD, OUT_DIM), jnp.float32),
        [pltpu.SemaphoreType.DMA for _ in range(NDEPTH)],
        [pltpu.SemaphoreType.DMA for _ in range(NDEPTH)],
    ],
    compiler_params=pltpu.CompilerParams(needs_layout_passes=False,
                                         use_tc_tiling_on_sc=False),
)(_edge_body)


def _fin_body(accp, denp, out, a0b, a1b, denb, outb, sem0, sem1, sem2):
    cid = lax.axis_index("c")
    sid = lax.axis_index("s")
    wid = cid * NS + sid
    nbase = wid * FIN_PER_TILE

    cp0 = pltpu.async_copy(accp.at[0, pl.ds(nbase, FIN_PER_TILE)], a0b, sem0)
    cp1 = pltpu.async_copy(accp.at[1, pl.ds(nbase, FIN_PER_TILE)], a1b, sem1)
    cp2 = pltpu.async_copy(denp.at[:, :, pl.ds(nbase, FIN_PER_TILE)], denb, sem2)
    cp0.wait()
    cp1.wait()
    cp2.wait()

    eps = jnp.float32(1e-16)
    one = jnp.float32(1.0)

    def body(v, carry):
        dtot = denb[0, 0, pl.ds(v * 16, 16)]
        for c in range(NC):
            for t in range(NS):
                if c == 0 and t == 0:
                    continue
                dtot = dtot + denb[c, t, pl.ds(v * 16, 16)]
        dtot = dtot + eps
        base = v * 16
        for t in range(16):
            y = (a0b[base + t, :] + a1b[base + t, :]) / dtot[t]
            y = jnp.where(y > 0, y, jnp.exp(y) - one)
            outb[base + t, :] = y
        return carry
    lax.fori_loop(0, FIN_PER_TILE // 16, body, 0)

    @pl.when(nbase + FIN_PER_TILE <= N)
    def _():
        pltpu.sync_copy(outb, out.at[pl.ds(nbase, FIN_PER_TILE)])

    @pl.when(nbase + FIN_PER_TILE > N)
    def _():
        pltpu.sync_copy(outb.at[pl.ds(0, N - (NW - 1) * FIN_PER_TILE)],
                        out.at[pl.ds((NW - 1) * FIN_PER_TILE,
                                     N - (NW - 1) * FIN_PER_TILE)])


_fin_call = functools.partial(
    pl.kernel,
    out_type=jax.ShapeDtypeStruct((N, OUT_DIM), jnp.float32),
    mesh=plsc.VectorSubcoreMesh(core_axis_name="c", subcore_axis_name="s",
                                num_cores=NC, num_subcores=NS),
    scratch_types=[
        pltpu.VMEM((FIN_PER_TILE, OUT_DIM), jnp.float32),
        pltpu.VMEM((FIN_PER_TILE, OUT_DIM), jnp.float32),
        pltpu.VMEM((NC, NS, FIN_PER_TILE), jnp.float32),
        pltpu.VMEM((FIN_PER_TILE, OUT_DIM), jnp.float32),
        pltpu.SemaphoreType.DMA,
        pltpu.SemaphoreType.DMA,
        pltpu.SemaphoreType.DMA,
    ],
    compiler_params=pltpu.CompilerParams(needs_layout_passes=False,
                                         use_tc_tiling_on_sc=False),
)(_fin_body)


def kernel(h, edge_index, threshold, W, A):
    th2 = jnp.reshape(threshold.astype(jnp.float32), (1, 1))
    z, s, d = _zsd_call(th2, h, W, A)
    accp, denp = _edge_call(edge_index, z, s, d)
    return _fin_call(accp, denp)

# --- scband reference (transcript-rebuilt; emitter-appended) ---
"""Pipeline reference for scband-gathead-layer-5351529251499 (READ-ONLY COPY).

The authoritative reference and input builder live on the scoring server;
editing this copy changes nothing except your own understanding.
"""

import jax, jax.numpy as jnp
import numpy as np

N = 10000
E = 320000
IN_DIM = 128
OUT_DIM = 16


def setup_inputs(seed: int = 0) -> dict:
    key = jax.random.key(seed)
    k1, k2, k3, k4 = jax.random.split(key, 4)
    h = jax.random.normal(k1, (N, IN_DIM), dtype=jnp.float32)
    edge_index = jax.random.randint(k2, (2, E), 0, N, dtype=jnp.int32)
    threshold = jnp.zeros((), dtype=jnp.float32)
    # SparseLinear weights (bias=False): fc [out_dim, in_dim], attn_fc [1, 2*out_dim]
    W = jax.random.normal(k3, (OUT_DIM, IN_DIM), dtype=jnp.float32) * (1.0 / np.sqrt(IN_DIM))
    A = jax.random.normal(k4, (1, 2 * OUT_DIM), dtype=jnp.float32) * (1.0 / np.sqrt(2 * OUT_DIM))
    return {"h": h, "edge_index": edge_index, "threshold": threshold, "W": W, "A": A}


def reference(h, edge_index, threshold, W, A):
    # SparseLinear: weights whose magnitude <= threshold are pruned
    Wm = W * (jnp.abs(W) > threshold).astype(W.dtype)
    Am = A * (jnp.abs(A) > threshold).astype(A.dtype)
    # z = fc(h, threshold)
    z = h @ Wm.T  # [N, OUT_DIM]
    src = edge_index[0]
    dst = edge_index[1]
    # edge_attention: e = leaky_relu(attn_fc(cat([z_src, z_dst])))
    z2 = jnp.concatenate([z[src], z[dst]], axis=1)  # [E, 2*OUT_DIM]
    e = jax.nn.leaky_relu(z2 @ Am.T, negative_slope=0.01)[:, 0]  # [E]
    # reduce: softmax over incoming edges (mailbox) per dst node
    emax = jax.ops.segment_max(e, dst, num_segments=N)
    emax = jnp.where(jnp.isfinite(emax), emax, 0.0)
    ex = jnp.exp(e - emax[dst])
    denom = jax.ops.segment_sum(ex, dst, num_segments=N)
    alpha = ex / (denom[dst] + 1e-16)
    # dropout on alpha is identity in eval mode
    h_out = jax.ops.segment_sum(alpha[:, None] * z[src], dst, num_segments=N)  # [N, OUT_DIM]
    # heads != 1 -> elu (dropout identity in eval)
    h_out = jax.nn.elu(h_out)
    return h_out

if __name__ == "__main__":
    import jax
    _d = setup_inputs()
    print(jax.jit(kernel)(*tuple(_d.values())))

</pallas_src>

<mosaic_0001>
#map = affine_map<(d0, d1) -> (0, 0)>
#map1 = affine_map<(d0, d1) -> (0)>
#map2 = affine_map<(d0, d1) -> (0, 0, 0)>
module attributes {stable_mosaic.version = 14 : i64} {
  func.func @_edge_body(%arg0: i32, %arg1: i32, %arg2: memref<2x320000xi32, #tpu.memory_space<hbm>>, %arg3: memref<10240x16xf32, #tpu.memory_space<hbm>>, %arg4: memref<10240xf32, #tpu.memory_space<hbm>>, %arg5: memref<10240xf32, #tpu.memory_space<hbm>>, %arg6: memref<2x10240x16xf32, #tpu.memory_space<hbm>>, %arg7: memref<2x16x10240xf32, #tpu.memory_space<hbm>>, %arg8: memref<10240xf32, #tpu.memory_space<vmem>>, %arg9: memref<10240xf32, #tpu.memory_space<vmem>>, %arg10: memref<10240xi32, #tpu.memory_space<vmem>>, %arg11: memref<10240xi32, #tpu.memory_space<vmem>>, %arg12: memref<80x128xi32, #tpu.memory_space<vmem>>, %arg13: memref<10240xf32, #tpu.memory_space<vmem>>, %arg14: memref<128x16xf32, #tpu.memory_space<vmem>>, %arg15: memref<128x16xf32, #tpu.memory_space<vmem>>, %arg16: memref<128x16xf32, #tpu.memory_space<vmem>>, %arg17: memref<128x16xf32, #tpu.memory_space<vmem>>, %arg18: memref<128x16xf32, #tpu.memory_space<vmem>>, %arg19: memref<128x16xf32, #tpu.memory_space<vmem>>, %arg20: memref<128x16xf32, #tpu.memory_space<vmem>>, %arg21: memref<128x16xf32, #tpu.memory_space<vmem>>, %arg22: memref<640x16xf32, #tpu.memory_space<vmem>>, %arg23: memref<10240x16xf32, #tpu.memory_space<vmem_shared>>, %arg24: memref<!tpu.dma_semaphore, #tpu.memory_space<semaphore_mem>>, %arg25: memref<!tpu.dma_semaphore, #tpu.memory_space<semaphore_mem>>, %arg26: memref<!tpu.dma_semaphore, #tpu.memory_space<semaphore_mem>>, %arg27: memref<!tpu.dma_semaphore, #tpu.memory_space<semaphore_mem>>, %arg28: memref<!tpu.dma_semaphore, #tpu.memory_space<semaphore_mem>>, %arg29: memref<!tpu.dma_semaphore, #tpu.memory_space<semaphore_mem>>, %arg30: memref<!tpu.dma_semaphore, #tpu.memory_space<semaphore_mem>>, %arg31: memref<!tpu.dma_semaphore, #tpu.memory_space<semaphore_mem>>) attributes {dimension_semantics = [#tpu.dimension_semantics<core_parallel>, #tpu.dimension_semantics<subcore_parallel>], iteration_bounds = array<i64: 2, 16>, scalar_prefetch = 0 : i64, scratch_operands = 24 : i64, tpu.core_type = #tpu.core_type<sc_vector_subcore>, window_params = [{transform_indices = #map}, {transform_indices = #map}, {transform_indices = #map1}, {transform_indices = #map1}, {transform_indices = #map2}, {transform_indices = #map2}]} {
    %mul3A = arith.constant 16 : i32
    %mul3A_0 = arith.muli %arg0, %mul3A : i32
    %add3A = arith.addi %mul3A_0, %arg1 : i32
    %mul3A_1 = arith.constant 10000 : i32
    %mul3A_2 = arith.muli %add3A, %mul3A_1 : i32
    %broadcast_in_dim3A = arith.constant 0.000000e+00 : f32
    %broadcast_in_dim3A_3 = vector.broadcast %broadcast_in_dim3A : f32 to vector<16xf32>
    %broadcast_in_dim3A_4 = arith.constant 0 : i32
    %broadcast_in_dim3A_5 = vector.broadcast %broadcast_in_dim3A_4 : i32 to vector<16xi32>
    %broadcast_in_dim3A_6 = arith.constant 10000 : i32
    %broadcast_in_dim3A_7 = vector.broadcast %broadcast_in_dim3A_6 : i32 to vector<16xi32>
    %scan3A = arith.constant 0 : i32
    %scan3A_8 = arith.constant 0 : i32
    %scan3A_9 = arith.constant 15 : i32
    %scan3A_10 = arith.addi %scan3A_8, %scan3A_9 : i32
    %scan3A_11 = arith.constant 1 : i32
    scf.for %scan3A_150 = %scan3A_8 to %scan3A_10 step %scan3A_11  : i32 {
      %mul3A_151 = arith.constant 16 : i32
      %mul3A_152 = arith.muli %scan3A_150, %mul3A_151 : i32
      %add3A_153 = arith.constant 10000 : i32
      %add3A_154 = arith.addi %add3A_153, %mul3A_152 : i32
      %swap3A = arith.index_cast %add3A_154 : i32 to index
      %swap3A_155 = tpu.vector_load %arg10[%swap3A] {strides = array<i32>} : memref<10240xi32, #tpu.memory_space<vmem>>, vector<16xi32>,
      tpu.vector_store %arg10[%swap3A], %broadcast_in_dim3A_5 {strides = array<i32>} : memref<10240xi32, #tpu.memory_space<vmem>>, vector<16xi32>,
      %mul3A_156 = arith.constant 16 : i32
      %mul3A_157 = arith.muli %scan3A_150, %mul3A_156 : i32
      %add3A_158 = arith.constant 10000 : i32
      %add3A_159 = arith.addi %add3A_158, %mul3A_157 : i32
      %swap3A_160 = arith.index_cast %add3A_159 : i32 to index
      %swap3A_161 = tpu.vector_load %arg11[%swap3A_160] {strides = array<i32>} : memref<10240xi32, #tpu.memory_space<vmem>>, vector<16xi32>,
      tpu.vector_store %arg11[%swap3A_160], %broadcast_in_dim3A_7 {strides = array<i32>} : memref<10240xi32, #tpu.memory_space<vmem>>, vector<16xi32>,
      %mul3A_162 = arith.constant 16 : i32
      %mul3A_163 = arith.muli %scan3A_150, %mul3A_162 : i32
      %add3A_164 = arith.constant 10000 : i32
      %add3A_165 = arith.addi %add3A_164, %mul3A_163 : i32
      %swap3A_166 = arith.index_cast %add3A_165 : i32 to index
      %swap3A_167 = tpu.vector_load %arg8[%swap3A_166] {strides = array<i32>} : memref<10240xf32, #tpu.memory_space<vmem>>, vector<16xf32>,
      tpu.vector_store %arg8[%swap3A_166], %broadcast_in_dim3A_3 {strides = array<i32>} : memref<10240xf32, #tpu.memory_space<vmem>>, vector<16xf32>,
      %mul3A_168 = arith.constant 16 : i32
      %mul3A_169 = arith.muli %scan3A_150, %mul3A_168 : i32
      %add3A_170 = arith.constant 10000 : i32
      %add3A_171 = arith.addi %add3A_170, %mul3A_169 : i32
      %swap3A_172 = arith.index_cast %add3A_171 : i32 to index
      %swap3A_173 = tpu.vector_load %arg9[%swap3A_172] {strides = array<i32>} : memref<10240xf32, #tpu.memory_space<vmem>>, vector<16xf32>,
      tpu.vector_store %arg9[%swap3A_172], %broadcast_in_dim3A_3 {strides = array<i32>} : memref<10240xf32, #tpu.memory_space<vmem>>, vector<16xf32>,
    }
    %scan3A_12 = arith.constant 15 : i32
    %dma_start3A = arith.constant 0 : i32
    %dma_start3A_13 = tpu.memref_slice %arg8[%dma_start3A] : memref<10240xf32, #tpu.memory_space<vmem>> -> memref<10000xf32, #tpu.memory_space<vmem>>
    %dma_start3A_14 = arith.constant 0 : i32
    %dma_start3A_15 = tpu.memref_slice %arg4[%dma_start3A_14] : memref<10240xf32, #tpu.memory_space<hbm>> -> memref<10000xf32, #tpu.memory_space<hbm>>
    %dma_start3A_16 = arith.constant 0 : i32
    %dma_start3A_17 = tpu.memref_slice %arg8[%dma_start3A_16] : memref<10240xf32, #tpu.memory_space<vmem>> -> memref<10000xf32, #tpu.memory_space<vmem>>
    %dma_start3A_18 = arith.constant 0 : i32
    %dma_start3A_19 = tpu.memref_slice %arg4[%dma_start3A_18] : memref<10240xf32, #tpu.memory_space<hbm>> -> memref<10000xf32, #tpu.memory_space<hbm>>
    tpu.enqueue_dma source(%dma_start3A_19 : memref<10000xf32, #tpu.memory_space<hbm>>) target(%dma_start3A_17 : memref<10000xf32, #tpu.memory_space<vmem>>) target_semaphore(%arg24 : memref<!tpu.dma_semaphore, #tpu.memory_space<semaphore_mem>>)
    %dma_start3A_20 = arith.constant 0 : i32
    %dma_start3A_21 = tpu.memref_slice %arg9[%dma_start3A_20] : memref<10240xf32, #tpu.memory_space<vmem>> -> memref<10000xf32, #tpu.memory_space<vmem>>
    %dma_start3A_22 = arith.constant 0 : i32
    %dma_start3A_23 = tpu.memref_slice %arg5[%dma_start3A_22] : memref<10240xf32, #tpu.memory_space<hbm>> -> memref<10000xf32, #tpu.memory_space<hbm>>
    %dma_start3A_24 = arith.constant 0 : i32
    %dma_start3A_25 = tpu.memref_slice %arg9[%dma_start3A_24] : memref<10240xf32, #tpu.memory_space<vmem>> -> memref<10000xf32, #tpu.memory_space<vmem>>
    %dma_start3A_26 = arith.constant 0 : i32
    %dma_start3A_27 = tpu.memref_slice %arg5[%dma_start3A_26] : memref<10240xf32, #tpu.memory_space<hbm>> -> memref<10000xf32, #tpu.memory_space<hbm>>
    tpu.enqueue_dma source(%dma_start3A_27 : memref<10000xf32, #tpu.memory_space<hbm>>) target(%dma_start3A_25 : memref<10000xf32, #tpu.memory_space<vmem>>) target_semaphore(%arg25 : memref<!tpu.dma_semaphore, #tpu.memory_space<semaphore_mem>>)
    %dma_start3A_28 = arith.constant 0 : i32
    %dma_start3A_29 = arith.constant 0 : i32
    %dma_start3A_30 = tpu.memref_slice %arg10[%dma_start3A_29] : memref<10240xi32, #tpu.memory_space<vmem>> -> memref<10000xi32, #tpu.memory_space<vmem>>
    %dma_start3A_31 = tpu.memref_slice %arg2[%dma_start3A_28, %mul3A_2] : memref<2x320000xi32, #tpu.memory_space<hbm>> -> memref<1x10000xi32, #tpu.memory_space<hbm>>
    %dma_start3A_32 = tpu.memref_squeeze %dma_start3A_31 : memref<1x10000xi32, #tpu.memory_space<hbm>> -> memref<10000xi32, #tpu.memory_space<hbm>>
    %dma_start3A_33 = arith.constant 0 : i32
    %dma_start3A_34 = tpu.memref_slice %arg10[%dma_start3A_33] : memref<10240xi32, #tpu.memory_space<vmem>> -> memref<10000xi32, #tpu.memory_space<vmem>>
    %dma_start3A_35 = tpu.memref_slice %arg2[%dma_start3A_28, %mul3A_2] : memref<2x320000xi32, #tpu.memory_space<hbm>> -> memref<1x10000xi32, #tpu.memory_space<hbm>>
    %dma_start3A_36 = tpu.memref_squeeze %dma_start3A_35 : memref<1x10000xi32, #tpu.memory_space<hbm>> -> memref<10000xi32, #tpu.memory_space<hbm>>
    tpu.enqueue_dma source(%dma_start3A_36 : memref<10000xi32, #tpu.memory_space<hbm>>) target(%dma_start3A_34 : memref<10000xi32, #tpu.memory_space<vmem>>) target_semaphore(%arg26 : memref<!tpu.dma_semaphore, #tpu.memory_space<semaphore_mem>>)
    %dma_start3A_37 = arith.constant 1 : i32
    %dma_start3A_38 = arith.constant 0 : i32
    %dma_start3A_39 = tpu.memref_slice %arg11[%dma_start3A_38] : memref<10240xi32, #tpu.memory_space<vmem>> -> memref<10000xi32, #tpu.memory_space<vmem>>
    %dma_start3A_40 = tpu.memref_slice %arg2[%dma_start3A_37, %mul3A_2] : memref<2x320000xi32, #tpu.memory_space<hbm>> -> memref<1x10000xi32, #tpu.memory_space<hbm>>
    %dma_start3A_41 = tpu.memref_squeeze %dma_start3A_40 : memref<1x10000xi32, #tpu.memory_space<hbm>> -> memref<10000xi32, #tpu.memory_space<hbm>>
    %dma_start3A_42 = arith.constant 0 : i32
    %dma_start3A_43 = tpu.memref_slice %arg11[%dma_start3A_42] : memref<10240xi32, #tpu.memory_space<vmem>> -> memref<10000xi32, #tpu.memory_space<vmem>>
    %dma_start3A_44 = tpu.memref_slice %arg2[%dma_start3A_37, %mul3A_2] : memref<2x320000xi32, #tpu.memory_space<hbm>> -> memref<1x10000xi32, #tpu.memory_space<hbm>>
    %dma_start3A_45 = tpu.memref_squeeze %dma_start3A_44 : memref<1x10000xi32, #tpu.memory_space<hbm>> -> memref<10000xi32, #tpu.memory_space<hbm>>
    tpu.enqueue_dma source(%dma_start3A_45 : memref<10000xi32, #tpu.memory_space<hbm>>) target(%dma_start3A_43 : memref<10000xi32, #tpu.memory_space<vmem>>) target_semaphore(%arg27 : memref<!tpu.dma_semaphore, #tpu.memory_space<semaphore_mem>>)
    %scan3A_46 = arith.constant 0 : i32
    %scan3A_47 = arith.constant 0 : i32
    %scan3A_48 = arith.constant 640 : i32
    %scan3A_49 = arith.addi %scan3A_47, %scan3A_48 : i32
    %scan3A_50 = arith.constant 1 : i32
    scf.for %scan3A_150 = %scan3A_47 to %scan3A_49 step %scan3A_50  : i32 {
      %swap3A = arith.index_cast %scan3A_150 : i32 to index
      %swap3A_151 = arith.constant 0 : index
      %swap3A_152 = tpu.vector_load %arg22[%swap3A, %swap3A_151] {strides = array<i32>} : memref<640x16xf32, #tpu.memory_space<vmem>>, vector<16xf32>,
      tpu.vector_store %arg22[%swap3A, %swap3A_151], %broadcast_in_dim3A_3 {strides = array<i32>} : memref<640x16xf32, #tpu.memory_space<vmem>>, vector<16xf32>,
      %mul3A_153 = arith.constant 16 : i32
      %mul3A_154 = arith.muli %scan3A_150, %mul3A_153 : i32
      %swap3A_155 = arith.index_cast %mul3A_154 : i32 to index
      %swap3A_156 = tpu.vector_load %arg13[%swap3A_155] {strides = array<i32>} : memref<10240xf32, #tpu.memory_space<vmem>>, vector<16xf32>,
      tpu.vector_store %arg13[%swap3A_155], %broadcast_in_dim3A_3 {strides = array<i32>} : memref<10240xf32, #tpu.memory_space<vmem>>, vector<16xf32>,
    }
    %scan3A_51 = arith.constant 640 : i32
    %mul3A_52 = arith.constant 640 : i32
    %mul3A_53 = arith.muli %arg1, %mul3A_52 : i32
    "tpu.region"() ({
      %run_scoped3A = tpu.sem_alloc : memref<!tpu.dma_semaphore, #tpu.memory_space<semaphore_mem>>
      %dma_start3A_150 = arith.constant 0 : i32
      %dma_start3A_151 = tpu.memref_slice %arg23[%mul3A_53, %dma_start3A_150] : memref<10240x16xf32, #tpu.memory_space<vmem_shared>> -> memref<640x16xf32, #tpu.memory_space<vmem_shared>>
      %dma_start3A_152 = arith.constant 0 : i32
      %dma_start3A_153 = tpu.memref_slice %arg23[%mul3A_53, %dma_start3A_152] : memref<10240x16xf32, #tpu.memory_space<vmem_shared>> -> memref<640x16xf32, #tpu.memory_space<vmem_shared>>
      tpu.enqueue_dma source(%arg22 : memref<640x16xf32, #tpu.memory_space<vmem>>) target(%dma_start3A_153 : memref<640x16xf32, #tpu.memory_space<vmem_shared>>) target_semaphore(%run_scoped3A : memref<!tpu.dma_semaphore, #tpu.memory_space<semaphore_mem>>)
      %dma_wait3A_154 = arith.constant 0 : i32
      %dma_wait3A_155 = tpu.memref_slice %arg23[%mul3A_53, %dma_wait3A_154] : memref<10240x16xf32, #tpu.memory_space<vmem_shared>> -> memref<640x16xf32, #tpu.memory_space<vmem_shared>>
      %dma_wait3A_156 = arith.constant 0 : i32
      %dma_wait3A_157 = tpu.memref_slice %arg23[%mul3A_53, %dma_wait3A_156] : memref<10240x16xf32, #tpu.memory_space<vmem_shared>> -> memref<640x16xf32, #tpu.memory_space<vmem_shared>>
      tpu.wait_dma2 semaphore(%run_scoped3A : memref<!tpu.dma_semaphore, #tpu.memory_space<semaphore_mem>>) src(%arg22 : memref<640x16xf32, #tpu.memory_space<vmem>>) dst(%dma_wait3A_157 : memref<640x16xf32, #tpu.memory_space<vmem_shared>>)
      tpu.yield
    }) : () -> ()
    %dma_wait3A = arith.constant 1 : i32
    %dma_wait3A_54 = arith.constant 0 : i32
    %dma_wait3A_55 = tpu.memref_slice %arg11[%dma_wait3A_54] : memref<10240xi32, #tpu.memory_space<vmem>> -> memref<10000xi32, #tpu.memory_space<vmem>>
    %dma_wait3A_56 = tpu.memref_slice %arg2[%dma_wait3A, %mul3A_2] : memref<2x320000xi32, #tpu.memory_space<hbm>> -> memref<1x10000xi32, #tpu.memory_space<hbm>>
    %dma_wait3A_57 = tpu.memref_squeeze %dma_wait3A_56 : memref<1x10000xi32, #tpu.memory_space<hbm>> -> memref<10000xi32, #tpu.memory_space<hbm>>
    %dma_wait3A_58 = arith.constant 0 : i32
    %dma_wait3A_59 = tpu.memref_slice %arg11[%dma_wait3A_58] : memref<10240xi32, #tpu.memory_space<vmem>> -> memref<10000xi32, #tpu.memory_space<vmem>>
    %dma_wait3A_60 = tpu.memref_slice %arg2[%dma_wait3A, %mul3A_2] : memref<2x320000xi32, #tpu.memory_space<hbm>> -> memref<1x10000xi32, #tpu.memory_space<hbm>>
    %dma_wait3A_61 = tpu.memref_squeeze %dma_wait3A_60 : memref<1x10000xi32, #tpu.memory_space<hbm>> -> memref<10000xi32, #tpu.memory_space<hbm>>
    tpu.wait_dma2 semaphore(%arg27 : memref<!tpu.dma_semaphore, #tpu.memory_space<semaphore_mem>>) src(%dma_wait3A_61 : memref<10000xi32, #tpu.memory_space<hbm>>) dst(%dma_wait3A_59 : memref<10000xi32, #tpu.memory_space<vmem>>)
    %scan3A_62 = arith.constant 0 : i32
    %scan3A_63 = arith.constant 0 : i32
    %scan3A_64 = arith.constant 640 : i32
    %scan3A_65 = arith.addi %scan3A_63, %scan3A_64 : i32
    %scan3A_66 = arith.constant 1 : i32
    scf.for %scan3A_150 = %scan3A_63 to %scan3A_65 step %scan3A_66  : i32 {
      %mul3A_151 = arith.constant 16 : i32
      %mul3A_152 = arith.muli %scan3A_150, %mul3A_151 : i32
      %get3A = arith.index_cast %mul3A_152 : i32 to index
      %get3A_153 = tpu.vector_load %arg11[%get3A] {strides = array<i32>} : memref<10240xi32, #tpu.memory_space<vmem>>, vector<16xi32>,
      %jit3A = arith.constant 8 : i32
      %div3A = arith.divsi %scan3A_150, %jit3A : i32
      %sign3A = arith.constant 0 : i32
      %sign3A_154 = arith.cmpi sgt, %scan3A_150, %sign3A : i32
      %sign3A_155 = arith.extui %sign3A_154 : i1 to i32
      %sign3A_156 = arith.constant 0 : i32
      %sign3A_157 = arith.cmpi slt, %scan3A_150, %sign3A_156 : i32
      %sign3A_158 = arith.extui %sign3A_157 : i1 to i32
      %sign3A_159 = arith.subi %sign3A_155, %sign3A_158 : i32
      %sign3A_160 = arith.constant 0 : i32
      %sign3A_161 = arith.cmpi sgt, %jit3A, %sign3A_160 : i32
      %sign3A_162 = arith.extui %sign3A_161 : i1 to i32
      %sign3A_163 = arith.constant 0 : i32
      %sign3A_164 = arith.cmpi slt, %jit3A, %sign3A_163 : i32
      %sign3A_165 = arith.extui %sign3A_164 : i1 to i32
      %sign3A_166 = arith.subi %sign3A_162, %sign3A_165 : i32
      %ne3A = arith.cmpi ne, %sign3A_159, %sign3A_166 : i32
      %rem3A = arith.remsi %scan3A_150, %jit3A : i32
      %ne3A_167 = arith.constant 0 : i32
      %ne3A_168 = arith.cmpi ne, %rem3A, %ne3A_167 : i32
      %and3A = arith.andi %ne3A, %ne3A_168 : i1
      %sub3A = arith.constant 1 : i32
      %sub3A_169 = arith.subi %div3A, %sub3A : i32
      %select_n3A = arith.select %and3A, %sub3A_169, %div3A : i32
      %jit3A_170 = arith.constant 8 : i32
      %eq3A = arith.constant 0 : i32
      %eq3A_171 = arith.cmpi eq, %jit3A_170, %eq3A : i32
      %jit3A_172 = arith.constant 1 : i32
      %select_n3A_173 = arith.select %eq3A_171, %jit3A_172, %jit3A_170 : i32
      %rem3A_174 = arith.remsi %scan3A_150, %select_n3A_173 : i32
      %ne3A_175 = arith.constant 0 : i32
      %ne3A_176 = arith.cmpi ne, %rem3A_174, %ne3A_175 : i32
      %lt3A = arith.constant 0 : i32
      %lt3A_177 = arith.cmpi slt, %rem3A_174, %lt3A : i32
      %lt3A_178 = arith.constant 0 : i32
      %lt3A_179 = arith.cmpi slt, %select_n3A_173, %lt3A_178 : i32
      %ne3A_180 = arith.xori %lt3A_177, %lt3A_179 : i1
      %and3A_181 = arith.andi %ne3A_180, %ne3A_176 : i1
      %add3A_182 = arith.addi %rem3A_174, %select_n3A_173 : i32
      %select_n3A_183 = arith.select %and3A_181, %add3A_182, %rem3A_174 : i32
      %mul3A_184 = arith.constant 16 : i32
      %mul3A_185 = arith.muli %select_n3A_183, %mul3A_184 : i32
      %swap3A = arith.index_cast %select_n3A : i32 to index
      %swap3A_186 = arith.index_cast %mul3A_185 : i32 to index
      %swap3A_187 = tpu.vector_load %arg12[%swap3A, %swap3A_186] {strides = array<i32>} : memref<80x128xi32, #tpu.memory_space<vmem>>, vector<16xi32>,
      tpu.vector_store %arg12[%swap3A, %swap3A_186], %get3A_153 {strides = array<i32>} : memref<80x128xi32, #tpu.memory_space<vmem>>, vector<16xi32>,
    }
    %scan3A_67 = arith.constant 640 : i32
    %dma_wait3A_68 = arith.constant 0 : i32
    %dma_wait3A_69 = tpu.memref_slice %arg8[%dma_wait3A_68] : memref<10240xf32, #tpu.memory_space<vmem>> -> memref<10000xf32, #tpu.memory_space<vmem>>
    %dma_wait3A_70 = arith.constant 0 : i32
    %dma_wait3A_71 = tpu.memref_slice %arg4[%dma_wait3A_70] : memref<10240xf32, #tpu.memory_space<hbm>> -> memref<10000xf32, #tpu.memory_space<hbm>>
    %dma_wait3A_72 = arith.constant 0 : i32
    %dma_wait3A_73 = tpu.memref_slice %arg8[%dma_wait3A_72] : memref<10240xf32, #tpu.memory_space<vmem>> -> memref<10000xf32, #tpu.memory_space<vmem>>
    %dma_wait3A_74 = arith.constant 0 : i32
    %dma_wait3A_75 = tpu.memref_slice %arg4[%dma_wait3A_74] : memref<10240xf32, #tpu.memory_space<hbm>> -> memref<10000xf32, #tpu.memory_space<hbm>>
    tpu.wait_dma2 semaphore(%arg24 : memref<!tpu.dma_semaphore, #tpu.memory_space<semaphore_mem>>) src(%dma_wait3A_75 : memref<10000xf32, #tpu.memory_space<hbm>>) dst(%dma_wait3A_73 : memref<10000xf32, #tpu.memory_space<vmem>>)
    %dma_wait3A_76 = arith.constant 0 : i32
    %dma_wait3A_77 = tpu.memref_slice %arg9[%dma_wait3A_76] : memref<10240xf32, #tpu.memory_space<vmem>> -> memref<10000xf32, #tpu.memory_space<vmem>>
    %dma_wait3A_78 = arith.constant 0 : i32
    %dma_wait3A_79 = tpu.memref_slice %arg5[%dma_wait3A_78] : memref<10240xf32, #tpu.memory_space<hbm>> -> memref<10000xf32, #tpu.memory_space<hbm>>
    %dma_wait3A_80 = arith.constant 0 : i32
    %dma_wait3A_81 = tpu.memref_slice %arg9[%dma_wait3A_80] : memref<10240xf32, #tpu.memory_space<vmem>> -> memref<10000xf32, #tpu.memory_space<vmem>>
    %dma_wait3A_82 = arith.constant 0 : i32
    %dma_wait3A_83 = tpu.memref_slice %arg5[%dma_wait3A_82] : memref<10240xf32, #tpu.memory_space<hbm>> -> memref<10000xf32, #tpu.memory_space<hbm>>
    tpu.wait_dma2 semaphore(%arg25 : memref<!tpu.dma_semaphore, #tpu.memory_space<semaphore_mem>>) src(%dma_wait3A_83 : memref<10000xf32, #tpu.memory_space<hbm>>) dst(%dma_wait3A_81 : memref<10000xf32, #tpu.memory_space<vmem>>)
    %dma_wait3A_84 = arith.constant 0 : i32
    %dma_wait3A_85 = arith.constant 0 : i32
    %dma_wait3A_86 = tpu.memref_slice %arg10[%dma_wait3A_85] : memref<10240xi32, #tpu.memory_space<vmem>> -> memref<10000xi32, #tpu.memory_space<vmem>>
    %dma_wait3A_87 = tpu.memref_slice %arg2[%dma_wait3A_84, %mul3A_2] : memref<2x320000xi32, #tpu.memory_space<hbm>> -> memref<1x10000xi32, #tpu.memory_space<hbm>>
    %dma_wait3A_88 = tpu.memref_squeeze %dma_wait3A_87 : memref<1x10000xi32, #tpu.memory_space<hbm>> -> memref<10000xi32, #tpu.memory_space<hbm>>
    %dma_wait3A_89 = arith.constant 0 : i32
    %dma_wait3A_90 = tpu.memref_slice %arg10[%dma_wait3A_89] : memref<10240xi32, #tpu.memory_space<vmem>> -> memref<10000xi32, #tpu.memory_space<vmem>>
    %dma_wait3A_91 = tpu.memref_slice %arg2[%dma_wait3A_84, %mul3A_2] : memref<2x320000xi32, #tpu.memory_space<hbm>> -> memref<1x10000xi32, #tpu.memory_space<hbm>>
    %dma_wait3A_92 = tpu.memref_squeeze %dma_wait3A_91 : memref<1x10000xi32, #tpu.memory_space<hbm>> -> memref<10000xi32, #tpu.memory_space<hbm>>
    tpu.wait_dma2 semaphore(%arg26 : memref<!tpu.dma_semaphore, #tpu.memory_space<semaphore_mem>>) src(%dma_wait3A_92 : memref<10000xi32, #tpu.memory_space<hbm>>) dst(%dma_wait3A_90 : memref<10000xi32, #tpu.memory_space<vmem>>)
    %barrier3A = arith.constant 0 : index
    tpu.barrier barrier_id(%barrier3A)
    %dma_start3A_93 = arith.constant 0 : i32
    %dma_start3A_94 = tpu.memref_slice %arg10[%dma_start3A_93] : memref<10240xi32, #tpu.memory_space<vmem>> -> memref<128xi32, #tpu.memory_space<vmem>>
    %dma_start3A_95 = arith.constant 0 : i32
    %dma_start3A_96 = arith.constant 0 : i32
    %dma_start3A_97 = tpu.memref_slice %arg3[%dma_start3A_95, %dma_start3A_96] : memref<10240x16xf32, #tpu.memory_space<hbm>> -> memref<10240x16xf32, #tpu.memory_space<hbm>>
    tpu.enqueue_indirect_dma source(%dma_start3A_97 : memref<10240x16xf32, #tpu.memory_space<hbm>>) target(%arg14 : memref<128x16xf32, #tpu.memory_space<vmem>>) offsets(%dma_start3A_94 : memref<128xi32, #tpu.memory_space<vmem>>) semaphore(%arg24 : memref<!tpu.dma_semaphore, #tpu.memory_space<semaphore_mem>>)
    %dma_start3A_98 = arith.constant 128 : i32
    %dma_start3A_99 = tpu.memref_slice %arg10[%dma_start3A_98] : memref<10240xi32, #tpu.memory_space<vmem>> -> memref<128xi32, #tpu.memory_space<vmem>>
    %dma_start3A_100 = arith.constant 0 : i32
    %dma_start3A_101 = arith.constant 0 : i32
    %dma_start3A_102 = tpu.memref_slice %arg3[%dma_start3A_100, %dma_start3A_101] : memref<10240x16xf32, #tpu.memory_space<hbm>> -> memref<10240x16xf32, #tpu.memory_space<hbm>>
    tpu.enqueue_indirect_dma source(%dma_start3A_102 : memref<10240x16xf32, #tpu.memory_space<hbm>>) target(%arg15 : memref<128x16xf32, #tpu.memory_space<vmem>>) offsets(%dma_start3A_99 : memref<128xi32, #tpu.memory_space<vmem>>) semaphore(%arg25 : memref<!tpu.dma_semaphore, #tpu.memory_space<semaphore_mem>>)
    %dma_start3A_103 = arith.constant 256 : i32
    %dma_start3A_104 = tpu.memref_slice %arg10[%dma_start3A_103] : memref<10240xi32, #tpu.memory_space<vmem>> -> memref<128xi32, #tpu.memory_space<vmem>>
    %dma_start3A_105 = arith.constant 0 : i32
    %dma_start3A_106 = arith.constant 0 : i32
    %dma_start3A_107 = tpu.memref_slice %arg3[%dma_start3A_105, %dma_start3A_106] : memref<10240x16xf32, #tpu.memory_space<hbm>> -> memref<10240x16xf32, #tpu.memory_space<hbm>>
    tpu.enqueue_indirect_dma source(%dma_start3A_107 : memref<10240x16xf32, #tpu.memory_space<hbm>>) target(%arg16 : memref<128x16xf32, #tpu.memory_space<vmem>>) offsets(%dma_start3A_104 : memref<128xi32, #tpu.memory_space<vmem>>) semaphore(%arg26 : memref<!tpu.dma_semaphore, #tpu.memory_space<semaphore_mem>>)
    %dma_start3A_108 = arith.constant 384 : i32
    %dma_start3A_109 = tpu.memref_slice %arg10[%dma_start3A_108] : memref<10240xi32, #tpu.memory_space<vmem>> -> memref<128xi32, #tpu.memory_space<vmem>>
    %dma_start3A_110 = arith.constant 0 : i32
    %dma_start3A_111 = arith.constant 0 : i32
    %dma_start3A_112 = tpu.memref_slice %arg3[%dma_start3A_110, %dma_start3A_111] : memref<10240x16xf32, #tpu.memory_space<hbm>> -> memref<10240x16xf32, #tpu.memory_space<hbm>>
    tpu.enqueue_indirect_dma source(%dma_start3A_112 : memref<10240x16xf32, #tpu.memory_space<hbm>>) target(%arg17 : memref<128x16xf32, #tpu.memory_space<vmem>>) offsets(%dma_start3A_109 : memref<128xi32, #tpu.memory_space<vmem>>) semaphore(%arg27 : memref<!tpu.dma_semaphore, #tpu.memory_space<semaphore_mem>>)
    %scan3A_113 = arith.constant 0 : i32
    %scan3A_114 = arith.constant 0 : i32
    %scan3A_115 = arith.constant 20 : i32
    %scan3A_116 = arith.addi %scan3A_114, %scan3A_115 : i32
    %scan3A_117 = arith.constant 1 : i32
    scf.for %scan3A_150 = %scan3A_114 to %scan3A_116 step %scan3A_117  : i32 {
      %mul3A_151 = arith.constant 4 : i32
      %mul3A_152 = arith.muli %scan3A_150, %mul3A_151 : i32
      %add3A_153 = arith.constant 0 : i32
      %add3A_154 = arith.addi %mul3A_152, %add3A_153 : i32
      %dma_wait3A_155 = arith.constant 0 : i32
      %dma_wait3A_156 = tpu.memref_slice %arg10[%dma_wait3A_155] : memref<10240xi32, #tpu.memory_space<vmem>> -> memref<128xi32, #tpu.memory_space<vmem>>
      %dma_wait3A_157 = arith.constant 0 : i32
      %dma_wait3A_158 = arith.constant 0 : i32
      %dma_wait3A_159 = tpu.memref_slice %arg3[%dma_wait3A_157, %dma_wait3A_158] : memref<10240x16xf32, #tpu.memory_space<hbm>> -> memref<10240x16xf32, #tpu.memory_space<hbm>>
      tpu.wait_indirect_dma semaphore(%arg24 : memref<!tpu.dma_semaphore, #tpu.memory_space<semaphore_mem>>) src(%dma_wait3A_159 : memref<10240x16xf32, #tpu.memory_space<hbm>>) dst(%arg14 : memref<128x16xf32, #tpu.memory_space<vmem>>)
      %gt3A = arith.constant 0 : i32
      %gt3A_160 = arith.cmpi sgt, %scan3A_150, %gt3A : i32
      %convert_element_type3A = arith.extui %gt3A_160 : i1 to i32
      %cond3A = arith.constant 0 : i32
      %cond3A_161 = arith.cmpi ne, %convert_element_type3A, %cond3A : i32
      scf.if %cond3A_161 {
        %dma_wait3A_266 = arith.constant 0 : i32
        %dma_wait3A_267 = tpu.memref_slice %arg12[%add3A_154, %dma_wait3A_266] : memref<80x128xi32, #tpu.memory_space<vmem>> -> memref<1x128xi32, #tpu.memory_space<vmem>>
        %dma_wait3A_268 = tpu.memref_squeeze %dma_wait3A_267 : memref<1x128xi32, #tpu.memory_space<vmem>> -> memref<128xi32, #tpu.memory_space<vmem>>
        %dma_wait3A_269 = arith.constant 0 : i32
        %dma_wait3A_270 = arith.constant 0 : i32
        %dma_wait3A_271 = tpu.memref_slice %arg23[%dma_wait3A_269, %dma_wait3A_270] : memref<10240x16xf32, #tpu.memory_space<vmem_shared>> -> memref<10240x16xf32, #tpu.memory_space<vmem_shared>>
        tpu.wait_indirect_dma semaphore(%arg28 : memref<!tpu.dma_semaphore, #tpu.memory_space<semaphore_mem>>) src(%arg18 : memref<128x16xf32, #tpu.memory_space<vmem>>) dst(%dma_wait3A_271 : memref<10240x16xf32, #tpu.memory_space<vmem_shared>>)
      } else {
      }
      %parallel_loop3A = arith.constant 0 : i32
      %parallel_loop3A_162 = arith.constant 8 : i32
      %parallel_loop3A_163 = arith.constant 1 : i32
      scf.for %parallel_loop3A_266 = %parallel_loop3A to %parallel_loop3A_162 step %parallel_loop3A_163  : i32 {
        %parallel_loop3A_267 = arith.constant 128 : i32
        %parallel_loop3A_268 = arith.muli %add3A_154, %parallel_loop3A_267 : i32
        %parallel_loop3A_269 = arith.constant 16 : i32
        %parallel_loop3A_270 = arith.muli %parallel_loop3A_266, %parallel_loop3A_269 : i32
        %parallel_loop3A_271 = arith.addi %parallel_loop3A_268, %parallel_loop3A_270 : i32
        %parallel_loop3A_272 = arith.index_cast %parallel_loop3A_271 : i32 to index
        %parallel_loop3A_273 = tpu.vector_load %arg10[%parallel_loop3A_272] {strides = array<i32>} : memref<10240xi32, #tpu.memory_space<vmem>>, vector<16xi32>,
        %parallel_loop3A_274 = arith.index_cast %parallel_loop3A_271 : i32 to index
        %parallel_loop3A_275 = tpu.vector_load %arg11[%parallel_loop3A_274] {strides = array<i32>} : memref<10240xi32, #tpu.memory_space<vmem>>, vector<16xi32>,
        %parallel_loop3A_276 = tpu.vector_load_idx %arg8[%parallel_loop3A_273] : memref<10240xf32, #tpu.memory_space<vmem>>[vector<16xi32>], vector<16xf32>,
        %parallel_loop3A_277 = tpu.vector_load_idx %arg9[%parallel_loop3A_275] : memref<10240xf32, #tpu.memory_space<vmem>>[vector<16xi32>], vector<16xf32>,
        %parallel_loop3A_278 = arith.addf %parallel_loop3A_276, %parallel_loop3A_277 : vector<16xf32>
        %parallel_loop3A_279 = arith.constant 0.000000e+00 : f32
        %parallel_loop3A_280 = vector.broadcast %parallel_loop3A_279 : f32 to vector<16xf32>
        %parallel_loop3A_281 = arith.cmpf ogt, %parallel_loop3A_278, %parallel_loop3A_280 : vector<16xf32>
        %parallel_loop3A_282 = arith.constant 0.00999999977 : f32
        %parallel_loop3A_283 = vector.broadcast %parallel_loop3A_282 : f32 to vector<16xf32>
        %parallel_loop3A_284 = arith.mulf %parallel_loop3A_278, %parallel_loop3A_283 : vector<16xf32>
        %parallel_loop3A_285 = arith.select %parallel_loop3A_281, %parallel_loop3A_278, %parallel_loop3A_284 : vector<16xi1>, vector<16xf32>
        %parallel_loop3A_286 = math.exp %parallel_loop3A_285 : vector<16xf32>
        tpu.vector_store_idx %arg13[%parallel_loop3A_275], %parallel_loop3A_286 {add = true} : memref<10240xf32, #tpu.memory_space<vmem>>[vector<16xi32>], vector<16xf32>,
        %parallel_loop3A_287 = arith.constant 16 : i32
        %parallel_loop3A_288 = arith.muli %parallel_loop3A_266, %parallel_loop3A_287 : i32
        %parallel_loop3A_289 = arith.constant 0 : i32
        %parallel_loop3A_290 = arith.addi %parallel_loop3A_288, %parallel_loop3A_289 : i32
        %parallel_loop3A_291 = arith.index_cast %parallel_loop3A_290 : i32 to index
        %parallel_loop3A_292 = arith.constant 0 : index
        %parallel_loop3A_293 = tpu.vector_load %arg14[%parallel_loop3A_291, %parallel_loop3A_292] {strides = array<i32>} : memref<128x16xf32, #tpu.memory_space<vmem>>, vector<16xf32>,
        %parallel_loop3A_294 = vector.extract_strided_slice %parallel_loop3A_286 {offsets = [0], sizes = [1], strides = [1]} : vector<16xf32> to vector<1xf32>
        %parallel_loop3A_295 = vector.extract %parallel_loop3A_294[0] : f32 from vector<1xf32>
        %parallel_loop3A_296 = vector.broadcast %parallel_loop3A_295 : f32 to vector<16xf32>
        %parallel_loop3A_297 = arith.mulf %parallel_loop3A_293, %parallel_loop3A_296 : vector<16xf32>
        %parallel_loop3A_298 = arith.constant 0 : i32
        %parallel_loop3A_299 = arith.addi %parallel_loop3A_288, %parallel_loop3A_298 : i32
        %parallel_loop3A_300 = arith.index_cast %parallel_loop3A_299 : i32 to index
        %parallel_loop3A_301 = arith.constant 0 : index
        %parallel_loop3A_302 = tpu.vector_load %arg18[%parallel_loop3A_300, %parallel_loop3A_301] {strides = array<i32>} : memref<128x16xf32, #tpu.memory_space<vmem>>, vector<16xf32>,
        tpu.vector_store %arg18[%parallel_loop3A_300, %parallel_loop3A_301], %parallel_loop3A_297 {strides = array<i32>} : memref<128x16xf32, #tpu.memory_space<vmem>>, vector<16xf32>,
        %parallel_loop3A_303 = arith.constant 1 : i32
        %parallel_loop3A_304 = arith.addi %parallel_loop3A_288, %parallel_loop3A_303 : i32
        %parallel_loop3A_305 = arith.index_cast %parallel_loop3A_304 : i32 to index
        %parallel_loop3A_306 = arith.constant 0 : index
        %parallel_loop3A_307 = tpu.vector_load %arg14[%parallel_loop3A_305, %parallel_loop3A_306] {strides = array<i32>} : memref<128x16xf32, #tpu.memory_space<vmem>>, vector<16xf32>,
        %parallel_loop3A_308 = vector.extract_strided_slice %parallel_loop3A_286 {offsets = [1], sizes = [1], strides = [1]} : vector<16xf32> to vector<1xf32>
        %parallel_loop3A_309 = vector.extract %parallel_loop3A_308[0] : f32 from vector<1xf32>
        %parallel_loop3A_310 = vector.broadcast %parallel_loop3A_309 : f32 to vector<16xf32>
        %parallel_loop3A_311 = arith.mulf %parallel_loop3A_307, %parallel_loop3A_310 : vector<16xf32>
        %parallel_loop3A_312 = arith.constant 1 : i32
        %parallel_loop3A_313 = arith.addi %parallel_loop3A_288, %parallel_loop3A_312 : i32
        %parallel_loop3A_314 = arith.index_cast %parallel_loop3A_313 : i32 to index
        %parallel_loop3A_315 = arith.constant 0 : index
        %parallel_loop3A_316 = tpu.vector_load %arg18[%parallel_loop3A_314, %parallel_loop3A_315] {strides = array<i32>} : memref<128x16xf32, #tpu.memory_space<vmem>>, vector<16xf32>,
        tpu.vector_store %arg18[%parallel_loop3A_314, %parallel_loop3A_315], %parallel_loop3A_311 {strides = array<i32>} : memref<128x16xf32, #tpu.memory_space<vmem>>, vector<16xf32>,
        %parallel_loop3A_317 = arith.constant 2 : i32
        %parallel_loop3A_318 = arith.addi %parallel_loop3A_288, %parallel_loop3A_317 : i32
        %parallel_loop3A_319 = arith.index_cast %parallel_loop3A_318 : i32 to index
        %parallel_loop3A_320 = arith.constant 0 : index
        %parallel_loop3A_321 = tpu.vector_load %arg14[%parallel_loop3A_319, %parallel_loop3A_320] {strides = array<i32>} : memref<128x16xf32, #tpu.memory_space<vmem>>, vector<16xf32>,
        %parallel_loop3A_322 = vector.extract_strided_slice %parallel_loop3A_286 {offsets = [2], sizes = [1], strides = [1]} : vector<16xf32> to vector<1xf32>
        %parallel_loop3A_323 = vector.extract %parallel_loop3A_322[0] : f32 from vector<1xf32>
        %parallel_loop3A_324 = vector.broadcast %parallel_loop3A_323 : f32 to vector<16xf32>
        %parallel_loop3A_325 = arith.mulf %parallel_loop3A_321, %parallel_loop3A_324 : vector<16xf32>
        %parallel_loop3A_326 = arith.constant 2 : i32
        %parallel_loop3A_327 = arith.addi %parallel_loop3A_288, %parallel_loop3A_326 : i32
        %parallel_loop3A_328 = arith.index_cast %parallel_loop3A_327 : i32 to index
        %parallel_loop3A_329 = arith.constant 0 : index
        %parallel_loop3A_330 = tpu.vector_load %arg18[%parallel_loop3A_328, %parallel_loop3A_329] {strides = array<i32>} : memref<128x16xf32, #tpu.memory_space<vmem>>, vector<16xf32>,
        tpu.vector_store %arg18[%parallel_loop3A_328, %parallel_loop3A_329], %parallel_loop3A_325 {strides = array<i32>} : memref<128x16xf32, #tpu.memory_space<vmem>>, vector<16xf32>,
        %parallel_loop3A_331 = arith.constant 3 : i32
        %parallel_loop3A_332 = arith.addi %parallel_loop3A_288, %parallel_loop3A_331 : i32
        %parallel_loop3A_333 = arith.index_cast %parallel_loop3A_332 : i32 to index
        %parallel_loop3A_334 = arith.constant 0 : index
        %parallel_loop3A_335 = tpu.vector_load %arg14[%parallel_loop3A_333, %parallel_loop3A_334] {strides = array<i32>} : memref<128x16xf32, #tpu.memory_space<vmem>>, vector<16xf32>,
        %parallel_loop3A_336 = vector.extract_strided_slice %parallel_loop3A_286 {offsets = [3], sizes = [1], strides = [1]} : vector<16xf32> to vector<1xf32>
        %parallel_loop3A_337 = vector.extract %parallel_loop3A_336[0] : f32 from vector<1xf32>
        %parallel_loop3A_338 = vector.broadcast %parallel_loop3A_337 : f32 to vector<16xf32>
        %parallel_loop3A_339 = arith.mulf %parallel_loop3A_335, %parallel_loop3A_338 : vector<16xf32>
        %parallel_loop3A_340 = arith.constant 3 : i32
        %parallel_loop3A_341 = arith.addi %parallel_loop3A_288, %parallel_loop3A_340 : i32
        %parallel_loop3A_342 = arith.index_cast %parallel_loop3A_341 : i32 to index
        %parallel_loop3A_343 = arith.constant 0 : index
        %parallel_loop3A_344 = tpu.vector_load %arg18[%parallel_loop3A_342, %parallel_loop3A_343] {strides = array<i32>} : memref<128x16xf32, #tpu.memory_space<vmem>>, vector<16xf32>,
        tpu.vector_store %arg18[%parallel_loop3A_342, %parallel_loop3A_343], %parallel_loop3A_339 {strides = array<i32>} : memref<128x16xf32, #tpu.memory_space<vmem>>, vector<16xf32>,
        %parallel_loop3A_345 = arith.constant 4 : i32
        %parallel_loop3A_346 = arith.addi %parallel_loop3A_288, %parallel_loop3A_345 : i32
        %parallel_loop3A_347 = arith.index_cast %parallel_loop3A_346 : i32 to index
        %parallel_loop3A_348 = arith.constant 0 : index
        %parallel_loop3A_349 = tpu.vector_load %arg14[%parallel_loop3A_347, %parallel_loop3A_348] {strides = array<i32>} : memref<128x16xf32, #tpu.memory_space<vmem>>, vector<16xf32>,
        %parallel_loop3A_350 = vector.extract_strided_slice %parallel_loop3A_286 {offsets = [4], sizes = [1], strides = [1]} : vector<16xf32> to vector<1xf32>
        %parallel_loop3A_351 = vector.extract %parallel_loop3A_350[0] : f32 from vector<1xf32>
        %parallel_loop3A_352 = vector.broadcast %parallel_loop3A_351 : f32 to vector<16xf32>
        %parallel_loop3A_353 = arith.mulf %parallel_loop3A_349, %parallel_loop3A_352 : vector<16xf32>
        %parallel_loop3A_354 = arith.constant 4 : i32
        %parallel_loop3A_355 = arith.addi %parallel_loop3A_288, %parallel_loop3A_354 : i32
        %parallel_loop3A_356 = arith.index_cast %parallel_loop3A_355 : i32 to index
        %parallel_loop3A_357 = arith.constant 0 : index
        %parallel_loop3A_358 = tpu.vector_load %arg18[%parallel_loop3A_356, %parallel_loop3A_357] {strides = array<i32>} : memref<128x16xf32, #tpu.memory_space<vmem>>, vector<16xf32>,
        tpu.vector_store %arg18[%parallel_loop3A_356, %parallel_loop3A_357], %parallel_loop3A_353 {strides = array<i32>} : memref<128x16xf32, #tpu.memory_space<vmem>>, vector<16xf32>,
        %parallel_loop3A_359 = arith.constant 5 : i32
        %parallel_loop3A_360 = arith.addi %parallel_loop3A_288, %parallel_loop3A_359 : i32
        %parallel_loop3A_361 = arith.index_cast %parallel_loop3A_360 : i32 to index
        %parallel_loop3A_362 = arith.constant 0 : index
        %parallel_loop3A_363 = tpu.vector_load %arg14[%parallel_loop3A_361, %parallel_loop3A_362] {strides = array<i32>} : memref<128x16xf32, #tpu.memory_space<vmem>>, vector<16xf32>,
        %parallel_loop3A_364 = vector.extract_strided_slice %parallel_loop3A_286 {offsets = [5], sizes = [1], strides = [1]} : vector<16xf32> to vector<1xf32>
        %parallel_loop3A_365 = vector.extract %parallel_loop3A_364[0] : f32 from vector<1xf32>
        %parallel_loop3A_366 = vector.broadcast %parallel_loop3A_365 : f32 to vector<16xf32>
        %parallel_loop3A_367 = arith.mulf %parallel_loop3A_363, %parallel_loop3A_366 : vector<16xf32>
        %parallel_loop3A_368 = arith.constant 5 : i32
        %parallel_loop3A_369 = arith.addi %parallel_loop3A_288, %parallel_loop3A_368 : i32
        %parallel_loop3A_370 = arith.index_cast %parallel_loop3A_369 : i32 to index
        %parallel_loop3A_371 = arith.constant 0 : index
        %parallel_loop3A_372 = tpu.vector_load %arg18[%parallel_loop3A_370, %parallel_loop3A_371] {strides = array<i32>} : memref<128x16xf32, #tpu.memory_space<vmem>>, vector<16xf32>,
        tpu.vector_store %arg18[%parallel_loop3A_370, %parallel_loop3A_371], %parallel_loop3A_367 {strides = array<i32>} : memref<128x16xf32, #tpu.memory_space<vmem>>, vector<16xf32>,
        %parallel_loop3A_373 = arith.constant 6 : i32
        %parallel_loop3A_374 = arith.addi %parallel_loop3A_288, %parallel_loop3A_373 : i32
        %parallel_loop3A_375 = arith.index_cast %parallel_loop3A_374 : i32 to index
        %parallel_loop3A_376 = arith.constant 0 : index
        %parallel_loop3A_377 = tpu.vector_load %arg14[%parallel_loop3A_375, %parallel_loop3A_376] {strides = array<i32>} : memref<128x16xf32, #tpu.memory_space<vmem>>, vector<16xf32>,
        %parallel_loop3A_378 = vector.extract_strided_slice %parallel_loop3A_286 {offsets = [6], sizes = [1], strides = [1]} : vector<16xf32> to vector<1xf32>
        %parallel_loop3A_379 = vector.extract %parallel_loop3A_378[0] : f32 from vector<1xf32>
        %parallel_loop3A_380 = vector.broadcast %parallel_loop3A_379 : f32 to vector<16xf32>
        %parallel_loop3A_381 = arith.mulf %parallel_loop3A_377, %parallel_loop3A_380 : vector<16xf32>
        %parallel_loop3A_382 = arith.constant 6 : i32
        %parallel_loop3A_383 = arith.addi %parallel_loop3A_288, %parallel_loop3A_382 : i32
        %parallel_loop3A_384 = arith.index_cast %parallel_loop3A_383 : i32 to index
        %parallel_loop3A_385 = arith.constant 0 : index
        %parallel_loop3A_386 = tpu.vector_load %arg18[%parallel_loop3A_384, %parallel_loop3A_385] {strides = array<i32>} : memref<128x16xf32, #tpu.memory_space<vmem>>, vector<16xf32>,
        tpu.vector_store %arg18[%parallel_loop3A_384, %parallel_loop3A_385], %parallel_loop3A_381 {strides = array<i32>} : memref<128x16xf32, #tpu.memory_space<vmem>>, vector<16xf32>,
        %parallel_loop3A_387 = arith.constant 7 : i32
        %parallel_loop3A_388 = arith.addi %parallel_loop3A_288, %parallel_loop3A_387 : i32
        %parallel_loop3A_389 = arith.index_cast %parallel_loop3A_388 : i32 to index
        %parallel_loop3A_390 = arith.constant 0 : index
        %parallel_loop3A_391 = tpu.vector_load %arg14[%parallel_loop3A_389, %parallel_loop3A_390] {strides = array<i32>} : memref<128x16xf32, #tpu.memory_space<vmem>>, vector<16xf32>,
        %parallel_loop3A_392 = vector.extract_strided_slice %parallel_loop3A_286 {offsets = [7], sizes = [1], strides = [1]} : vector<16xf32> to vector<1xf32>
        %parallel_loop3A_393 = vector.extract %parallel_loop3A_392[0] : f32 from vector<1xf32>
        %parallel_loop3A_394 = vector.broadcast %parallel_loop3A_393 : f32 to vector<16xf32>
        %parallel_loop3A_395 = arith.mulf %parallel_loop3A_391, %parallel_loop3A_394 : vector<16xf32>
        %parallel_loop3A_396 = arith.constant 7 : i32
        %parallel_loop3A_397 = arith.addi %parallel_loop3A_288, %parallel_loop3A_396 : i32
        %parallel_loop3A_398 = arith.index_cast %parallel_loop3A_397 : i32 to index
        %parallel_loop3A_399 = arith.constant 0 : index
        %parallel_loop3A_400 = tpu.vector_load %arg18[%parallel_loop3A_398, %parallel_loop3A_399] {strides = array<i32>} : memref<128x16xf32, #tpu.memory_space<vmem>>, vector<16xf32>,
        tpu.vector_store %arg18[%parallel_loop3A_398, %parallel_loop3A_399], %parallel_loop3A_395 {strides = array<i32>} : memref<128x16xf32, #tpu.memory_space<vmem>>, vector<16xf32>,
        %parallel_loop3A_401 = arith.constant 8 : i32
        %parallel_loop3A_402 = arith.addi %parallel_loop3A_288, %parallel_loop3A_401 : i32
        %parallel_loop3A_403 = arith.index_cast %parallel_loop3A_402 : i32 to index
        %parallel_loop3A_404 = arith.constant 0 : index
        %parallel_loop3A_405 = tpu.vector_load %arg14[%parallel_loop3A_403, %parallel_loop3A_404] {strides = array<i32>} : memref<128x16xf32, #tpu.memory_space<vmem>>, vector<16xf32>,
        %parallel_loop3A_406 = vector.extract_strided_slice %parallel_loop3A_286 {offsets = [8], sizes = [1], strides = [1]} : vector<16xf32> to vector<1xf32>
        %parallel_loop3A_407 = vector.extract %parallel_loop3A_406[0] : f32 from vector<1xf32>
        %parallel_loop3A_408 = vector.broadcast %parallel_loop3A_407 : f32 to vector<16xf32>
        %parallel_loop3A_409 = arith.mulf %parallel_loop3A_405, %parallel_loop3A_408 : vector<16xf32>
        %parallel_loop3A_410 = arith.constant 8 : i32
        %parallel_loop3A_411 = arith.addi %parallel_loop3A_288, %parallel_loop3A_410 : i32
        %parallel_loop3A_412 = arith.index_cast %parallel_loop3A_411 : i32 to index
        %parallel_loop3A_413 = arith.constant 0 : index
        %parallel_loop3A_414 = tpu.vector_load %arg18[%parallel_loop3A_412, %parallel_loop3A_413] {strides = array<i32>} : memref<128x16xf32, #tpu.memory_space<vmem>>, vector<16xf32>,
        tpu.vector_store %arg18[%parallel_loop3A_412, %parallel_loop3A_413], %parallel_loop3A_409 {strides = array<i32>} : memref<128x16xf32, #tpu.memory_space<vmem>>, vector<16xf32>,
        %parallel_loop3A_415 = arith.constant 9 : i32
        %parallel_loop3A_416 = arith.addi %parallel_loop3A_288, %parallel_loop3A_415 : i32
        %parallel_loop3A_417 = arith.index_cast %parallel_loop3A_416 : i32 to index
        %parallel_loop3A_418 = arith.constant 0 : index
        %parallel_loop3A_419 = tpu.vector_load %arg14[%parallel_loop3A_417, %parallel_loop3A_418] {strides = array<i32>} : memref<128x16xf32, #tpu.memory_space<vmem>>, vector<16xf32>,
        %parallel_loop3A_420 = vector.extract_strided_slice %parallel_loop3A_286 {offsets = [9], sizes = [1], strides = [1]} : vector<16xf32> to vector<1xf32>
        %parallel_loop3A_421 = vector.extract %parallel_loop3A_420[0] : f32 from vector<1xf32>
        %parallel_loop3A_422 = vector.broadcast %parallel_loop3A_421 : f32 to vector<16xf32>
        %parallel_loop3A_423 = arith.mulf %parallel_loop3A_419, %parallel_loop3A_422 : vector<16xf32>
        %parallel_loop3A_424 = arith.constant 9 : i32
        %parallel_loop3A_425 = arith.addi %parallel_loop3A_288, %parallel_loop3A_424 : i32
        %parallel_loop3A_426 = arith.index_cast %parallel_loop3A_425 : i32 to index
        %parallel_loop3A_427 = arith.constant 0 : index
        %parallel_loop3A_428 = tpu.vector_load %arg18[%parallel_loop3A_426, %parallel_loop3A_427] {strides = array<i32>} : memref<128x16xf32, #tpu.memory_space<vmem>>, vector<16xf32>,
        tpu.vector_store %arg18[%parallel_loop3A_426, %parallel_loop3A_427], %parallel_loop3A_423 {strides = array<i32>} : memref<128x16xf32, #tpu.memory_space<vmem>>, vector<16xf32>,
        %parallel_loop3A_429 = arith.constant 10 : i32
        %parallel_loop3A_430 = arith.addi %parallel_loop3A_288, %parallel_loop3A_429 : i32
        %parallel_loop3A_431 = arith.index_cast %parallel_loop3A_430 : i32 to index
        %parallel_loop3A_432 = arith.constant 0 : index
        %parallel_loop3A_433 = tpu.vector_load %arg14[%parallel_loop3A_431, %parallel_loop3A_432] {strides = array<i32>} : memref<128x16xf32, #tpu.memory_space<vmem>>, vector<16xf32>,
        %parallel_loop3A_434 = vector.extract_strided_slice %parallel_loop3A_286 {offsets = [10], sizes = [1], strides = [1]} : vector<16xf32> to vector<1xf32>
        %parallel_loop3A_435 = vector.extract %parallel_loop3A_434[0] : f32 from vector<1xf32>
        %parallel_loop3A_436 = vector.broadcast %parallel_loop3A_435 : f32 to vector<16xf32>
        %parallel_loop3A_437 = arith.mulf %parallel_loop3A_433, %parallel_loop3A_436 : vector<16xf32>
        %parallel_loop3A_438 = arith.constant 10 : i32
        %parallel_loop3A_439 = arith.addi %parallel_loop3A_288, %parallel_loop3A_438 : i32
        %parallel_loop3A_440 = arith.index_cast %parallel_loop3A_439 : i32 to index
        %parallel_loop3A_441 = arith.constant 0 : index
        %parallel_loop3A_442 = tpu.vector_load %arg18[%parallel_loop3A_440, %parallel_loop3A_441] {strides = array<i32>} : memref<128x16xf32, #tpu.memory_space<vmem>>, vector<16xf32>,
        tpu.vector_store %arg18[%parallel_loop3A_440, %parallel_loop3A_441], %parallel_loop3A_437 {strides = array<i32>} : memref<128x16xf32, #tpu.memory_space<vmem>>, vector<16xf32>,
        %parallel_loop3A_443 = arith.constant 11 : i32
        %parallel_loop3A_444 = arith.addi %parallel_loop3A_288, %parallel_loop3A_443 : i32
        %parallel_loop3A_445 = arith.index_cast %parallel_loop3A_444 : i32 to index
        %parallel_loop3A_446 = arith.constant 0 : index
        %parallel_loop3A_447 = tpu.vector_load %arg14[%parallel_loop3A_445, %parallel_loop3A_446] {strides = array<i32>} : memref<128x16xf32, #tpu.memory_space<vmem>>, vector<16xf32>,
        %parallel_loop3A_448 = vector.extract_strided_slice %parallel_loop3A_286 {offsets = [11], sizes = [1], strides = [1]} : vector<16xf32> to vector<1xf32>
        %parallel_loop3A_449 = vector.extract %parallel_loop3A_448[0] : f32 from vector<1xf32>
        %parallel_loop3A_450 = vector.broadcast %parallel_loop3A_449 : f32 to vector<16xf32>
        %parallel_loop3A_451 = arith.mulf %parallel_loop3A_447, %parallel_loop3A_450 : vector<16xf32>
        %parallel_loop3A_452 = arith.constant 11 : i32
        %parallel_loop3A_453 = arith.addi %parallel_loop3A_288, %parallel_loop3A_452 : i32
        %parallel_loop3A_454 = arith.index_cast %parallel_loop3A_453 : i32 to index
        %parallel_loop3A_455 = arith.constant 0 : index
        %parallel_loop3A_456 = tpu.vector_load %arg18[%parallel_loop3A_454, %parallel_loop3A_455] {strides = array<i32>} : memref<128x16xf32, #tpu.memory_space<vmem>>, vector<16xf32>,
        tpu.vector_store %arg18[%parallel_loop3A_454, %parallel_loop3A_455], %parallel_loop3A_451 {strides = array<i32>} : memref<128x16xf32, #tpu.memory_space<vmem>>, vector<16xf32>,
        %parallel_loop3A_457 = arith.constant 12 : i32
        %parallel_loop3A_458 = arith.addi %parallel_loop3A_288, %parallel_loop3A_457 : i32
        %parallel_loop3A_459 = arith.index_cast %parallel_loop3A_458 : i32 to index
        %parallel_loop3A_460 = arith.constant 0 : index
        %parallel_loop3A_461 = tpu.vector_load %arg14[%parallel_loop3A_459, %parallel_loop3A_460] {strides = array<i32>} : memref<128x16xf32, #tpu.memory_space<vmem>>, vector<16xf32>,
        %parallel_loop3A_462 = vector.extract_strided_slice %parallel_loop3A_286 {offsets = [12], sizes = [1], strides = [1]} : vector<16xf32> to vector<1xf32>
        %parallel_loop3A_463 = vector.extract %parallel_loop3A_462[0] : f32 from vector<1xf32>
        %parallel_loop3A_464 = vector.broadcast %parallel_loop3A_463 : f32 to vector<16xf32>
        %parallel_loop3A_465 = arith.mulf %parallel_loop3A_461, %parallel_loop3A_464 : vector<16xf32>
        %parallel_loop3A_466 = arith.constant 12 : i32
        %parallel_loop3A_467 = arith.addi %parallel_loop3A_288, %parallel_loop3A_466 : i32
        %parallel_loop3A_468 = arith.index_cast %parallel_loop3A_467 : i32 to index
        %parallel_loop3A_469 = arith.constant 0 : index
        %parallel_loop3A_470 = tpu.vector_load %arg18[%parallel_loop3A_468, %parallel_loop3A_469] {strides = array<i32>} : memref<128x16xf32, #tpu.memory_space<vmem>>, vector<16xf32>,
        tpu.vector_store %arg18[%parallel_loop3A_468, %parallel_loop3A_469], %parallel_loop3A_465 {strides = array<i32>} : memref<128x16xf32, #tpu.memory_space<vmem>>, vector<16xf32>,
        %parallel_loop3A_471 = arith.constant 13 : i32
        %parallel_loop3A_472 = arith.addi %parallel_loop3A_288, %parallel_loop3A_471 : i32
        %parallel_loop3A_473 = arith.index_cast %parallel_loop3A_472 : i32 to index
        %parallel_loop3A_474 = arith.constant 0 : index
        %parallel_loop3A_475 = tpu.vector_load %arg14[%parallel_loop3A_473, %parallel_loop3A_474] {strides = array<i32>} : memref<128x16xf32, #tpu.memory_space<vmem>>, vector<16xf32>,
        %parallel_loop3A_476 = vector.extract_strided_slice %parallel_loop3A_286 {offsets = [13], sizes = [1], strides = [1]} : vector<16xf32> to vector<1xf32>
        %parallel_loop3A_477 = vector.extract %parallel_loop3A_476[0] : f32 from vector<1xf32>
        %parallel_loop3A_478 = vector.broadcast %parallel_loop3A_477 : f32 to vector<16xf32>
        %parallel_loop3A_479 = arith.mulf %parallel_loop3A_475, %parallel_loop3A_478 : vector<16xf32>
        %parallel_loop3A_480 = arith.constant 13 : i32
        %parallel_loop3A_481 = arith.addi %parallel_loop3A_288, %parallel_loop3A_480 : i32
        %parallel_loop3A_482 = arith.index_cast %parallel_loop3A_481 : i32 to index
        %parallel_loop3A_483 = arith.constant 0 : index
        %parallel_loop3A_484 = tpu.vector_load %arg18[%parallel_loop3A_482, %parallel_loop3A_483] {strides = array<i32>} : memref<128x16xf32, #tpu.memory_space<vmem>>, vector<16xf32>,
        tpu.vector_store %arg18[%parallel_loop3A_482, %parallel_loop3A_483], %parallel_loop3A_479 {strides = array<i32>} : memref<128x16xf32, #tpu.memory_space<vmem>>, vector<16xf32>,
        %parallel_loop3A_485 = arith.constant 14 : i32
        %parallel_loop3A_486 = arith.addi %parallel_loop3A_288, %parallel_loop3A_485 : i32
        %parallel_loop3A_487 = arith.index_cast %parallel_loop3A_486 : i32 to index
        %parallel_loop3A_488 = arith.constant 0 : index
        %parallel_loop3A_489 = tpu.vector_load %arg14[%parallel_loop3A_487, %parallel_loop3A_488] {strides = array<i32>} : memref<128x16xf32, #tpu.memory_space<vmem>>, vector<16xf32>,
        %parallel_loop3A_490 = vector.extract_strided_slice %parallel_loop3A_286 {offsets = [14], sizes = [1], strides = [1]} : vector<16xf32> to vector<1xf32>
        %parallel_loop3A_491 = vector.extract %parallel_loop3A_490[0] : f32 from vector<1xf32>
        %parallel_loop3A_492 = vector.broadcast %parallel_loop3A_491 : f32 to vector<16xf32>
        %parallel_loop3A_493 = arith.mulf %parallel_loop3A_489, %parallel_loop3A_492 : vector<16xf32>
        %parallel_loop3A_494 = arith.constant 14 : i32
        %parallel_loop3A_495 = arith.addi %parallel_loop3A_288, %parallel_loop3A_494 : i32
        %parallel_loop3A_496 = arith.index_cast %parallel_loop3A_495 : i32 to index
        %parallel_loop3A_497 = arith.constant 0 : index
        %parallel_loop3A_498 = tpu.vector_load %arg18[%parallel_loop3A_496, %parallel_loop3A_497] {strides = array<i32>} : memref<128x16xf32, #tpu.memory_space<vmem>>, vector<16xf32>,
        tpu.vector_store %arg18[%parallel_loop3A_496, %parallel_loop3A_497], %parallel_loop3A_493 {strides = array<i32>} : memref<128x16xf32, #tpu.memory_space<vmem>>, vector<16xf32>,
        %parallel_loop3A_499 = arith.constant 15 : i32
        %parallel_loop3A_500 = arith.addi %parallel_loop3A_288, %parallel_loop3A_499 : i32
        %parallel_loop3A_501 = arith.index_cast %parallel_loop3A_500 : i32 to index
        %parallel_loop3A_502 = arith.constant 0 : index
        %parallel_loop3A_503 = tpu.vector_load %arg14[%parallel_loop3A_501, %parallel_loop3A_502] {strides = array<i32>} : memref<128x16xf32, #tpu.memory_space<vmem>>, vector<16xf32>,
        %parallel_loop3A_504 = vector.extract_strided_slice %parallel_loop3A_286 {offsets = [15], sizes = [1], strides = [1]} : vector<16xf32> to vector<1xf32>
        %parallel_loop3A_505 = vector.extract %parallel_loop3A_504[0] : f32 from vector<1xf32>
        %parallel_loop3A_506 = vector.broadcast %parallel_loop3A_505 : f32 to vector<16xf32>
        %parallel_loop3A_507 = arith.mulf %parallel_loop3A_503, %parallel_loop3A_506 : vector<16xf32>
        %parallel_loop3A_508 = arith.constant 15 : i32
        %parallel_loop3A_509 = arith.addi %parallel_loop3A_288, %parallel_loop3A_508 : i32
        %parallel_loop3A_510 = arith.index_cast %parallel_loop3A_509 : i32 to index
        %parallel_loop3A_511 = arith.constant 0 : index
        %parallel_loop3A_512 = tpu.vector_load %arg18[%parallel_loop3A_510, %parallel_loop3A_511] {strides = array<i32>} : memref<128x16xf32, #tpu.memory_space<vmem>>, vector<16xf32>,
        tpu.vector_store %arg18[%parallel_loop3A_510, %parallel_loop3A_511], %parallel_loop3A_507 {strides = array<i32>} : memref<128x16xf32, #tpu.memory_space<vmem>>, vector<16xf32>,
      } {sc.loop_unroll_factor = 4 : i64, sc.parallel_access}
      %dma_start3A_164 = arith.constant 0 : i32
      %dma_start3A_165 = tpu.memref_slice %arg12[%add3A_154, %dma_start3A_164] : memref<80x128xi32, #tpu.memory_space<vmem>> -> memref<1x128xi32, #tpu.memory_space<vmem>>
      %dma_start3A_166 = tpu.memref_squeeze %dma_start3A_165 : memref<1x128xi32, #tpu.memory_space<vmem>> -> memref<128xi32, #tpu.memory_space<vmem>>
      %dma_start3A_167 = arith.constant 0 : i32
      %dma_start3A_168 = arith.constant 0 : i32
      %dma_start3A_169 = tpu.memref_slice %arg23[%dma_start3A_167, %dma_start3A_168] : memref<10240x16xf32, #tpu.memory_space<vmem_shared>> -> memref<10240x16xf32, #tpu.memory_space<vmem_shared>>
      tpu.enqueue_indirect_dma source(%arg18 : memref<128x16xf32, #tpu.memory_space<vmem>>) target(%dma_start3A_169 : memref<10240x16xf32, #tpu.memory_space<vmem_shared>>) offsets(%dma_start3A_166 : memref<128xi32, #tpu.memory_space<vmem>>) semaphore(%arg28 : memref<!tpu.dma_semaphore, #tpu.memory_space<semaphore_mem>>) {add = true}
      %add3A_170 = arith.constant 4 : i32
      %add3A_171 = arith.addi %add3A_154, %add3A_170 : i32
      %lt3A = arith.constant 80 : i32
      %lt3A_172 = arith.cmpi slt, %add3A_171, %lt3A : i32
      %convert_element_type3A_173 = arith.extui %lt3A_172 : i1 to i32
      %cond3A_174 = arith.constant 0 : i32
      %cond3A_175 = arith.cmpi ne, %convert_element_type3A_173, %cond3A_174 : i32
      scf.if %cond3A_175 {
        %add3A_266 = arith.constant 4 : i32
        %add3A_267 = arith.addi %add3A_154, %add3A_266 : i32
        %mul3A_268 = arith.constant 128 : i32
        %mul3A_269 = arith.muli %add3A_267, %mul3A_268 : i32
        %dma_start3A_270 = tpu.memref_slice %arg10[%mul3A_269] : memref<10240xi32, #tpu.memory_space<vmem>> -> memref<128xi32, #tpu.memory_space<vmem>>
        %dma_start3A_271 = arith.constant 0 : i32
        %dma_start3A_272 = arith.constant 0 : i32
        %dma_start3A_273 = tpu.memref_slice %arg3[%dma_start3A_271, %dma_start3A_272] : memref<10240x16xf32, #tpu.memory_space<hbm>> -> memref<10240x16xf32, #tpu.memory_space<hbm>>
        tpu.enqueue_indirect_dma source(%dma_start3A_273 : memref<10240x16xf32, #tpu.memory_space<hbm>>) target(%arg14 : memref<128x16xf32, #tpu.memory_space<vmem>>) offsets(%dma_start3A_270 : memref<128xi32, #tpu.memory_space<vmem>>) semaphore(%arg24 : memref<!tpu.dma_semaphore, #tpu.memory_space<semaphore_mem>>)
      } else {
      }
      %mul3A_176 = arith.constant 4 : i32
      %mul3A_177 = arith.muli %scan3A_150, %mul3A_176 : i32
      %add3A_178 = arith.constant 1 : i32
      %add3A_179 = arith.addi %mul3A_177, %add3A_178 : i32
      %dma_wait3A_180 = arith.constant 0 : i32
      %dma_wait3A_181 = tpu.memref_slice %arg10[%dma_wait3A_180] : memref<10240xi32, #tpu.memory_space<vmem>> -> memref<128xi32, #tpu.memory_space<vmem>>
      %dma_wait3A_182 = arith.constant 0 : i32
      %dma_wait3A_183 = arith.constant 0 : i32
      %dma_wait3A_184 = tpu.memref_slice %arg3[%dma_wait3A_182, %dma_wait3A_183] : memref<10240x16xf32, #tpu.memory_space<hbm>> -> memref<10240x16xf32, #tpu.memory_space<hbm>>
      tpu.wait_indirect_dma semaphore(%arg25 : memref<!tpu.dma_semaphore, #tpu.memory_space<semaphore_mem>>) src(%dma_wait3A_184 : memref<10240x16xf32, #tpu.memory_space<hbm>>) dst(%arg15 : memref<128x16xf32, #tpu.memory_space<vmem>>)
      %gt3A_185 = arith.constant 0 : i32
      %gt3A_186 = arith.cmpi sgt, %scan3A_150, %gt3A_185 : i32
      %convert_element_type3A_187 = arith.extui %gt3A_186 : i1 to i32
      %cond3A_188 = arith.constant 0 : i32
      %cond3A_189 = arith.cmpi ne, %convert_element_type3A_187, %cond3A_188 : i32
      scf.if %cond3A_189 {
        %dma_wait3A_266 = arith.constant 0 : i32
        %dma_wait3A_267 = tpu.memref_slice %arg12[%add3A_179, %dma_wait3A_266] : memref<80x128xi32, #tpu.memory_space<vmem>> -> memref<1x128xi32, #tpu.memory_space<vmem>>
        %dma_wait3A_268 = tpu.memref_squeeze %dma_wait3A_267 : memref<1x128xi32, #tpu.memory_space<vmem>> -> memref<128xi32, #tpu.memory_space<vmem>>
        %dma_wait3A_269 = arith.constant 0 : i32
        %dma_wait3A_270 = arith.constant 0 : i32
        %dma_wait3A_271 = tpu.memref_slice %arg23[%dma_wait3A_269, %dma_wait3A_270] : memref<10240x16xf32, #tpu.memory_space<vmem_shared>> -> memref<10240x16xf32, #tpu.memory_space<vmem_shared>>
        tpu.wait_indirect_dma semaphore(%arg29 : memref<!tpu.dma_semaphore, #tpu.memory_space<semaphore_mem>>) src(%arg19 : memref<128x16xf32, #tpu.memory_space<vmem>>) dst(%dma_wait3A_271 : memref<10240x16xf32, #tpu.memory_space<vmem_shared>>)
      } else {
      }
      %parallel_loop3A_190 = arith.constant 0 : i32
      %parallel_loop3A_191 = arith.constant 8 : i32
      %parallel_loop3A_192 = arith.constant 1 : i32
      scf.for %parallel_loop3A_266 = %parallel_loop3A_190 to %parallel_loop3A_191 step %parallel_loop3A_192  : i32 {
        %parallel_loop3A_267 = arith.constant 128 : i32
        %parallel_loop3A_268 = arith.muli %add3A_179, %parallel_loop3A_267 : i32
        %parallel_loop3A_269 = arith.constant 16 : i32
        %parallel_loop3A_270 = arith.muli %parallel_loop3A_266, %parallel_loop3A_269 : i32
        %parallel_loop3A_271 = arith.addi %parallel_loop3A_268, %parallel_loop3A_270 : i32
        %parallel_loop3A_272 = arith.index_cast %parallel_loop3A_271 : i32 to index
        %parallel_loop3A_273 = tpu.vector_load %arg10[%parallel_loop3A_272] {strides = array<i32>} : memref<10240xi32, #tpu.memory_space<vmem>>, vector<16xi32>,
        %parallel_loop3A_274 = arith.index_cast %parallel_loop3A_271 : i32 to index
        %parallel_loop3A_275 = tpu.vector_load %arg11[%parallel_loop3A_274] {strides = array<i32>} : memref<10240xi32, #tpu.memory_space<vmem>>, vector<16xi32>,
        %parallel_loop3A_276 = tpu.vector_load_idx %arg8[%parallel_loop3A_273] : memref<10240xf32, #tpu.memory_space<vmem>>[vector<16xi32>], vector<16xf32>,
        %parallel_loop3A_277 = tpu.vector_load_idx %arg9[%parallel_loop3A_275] : memref<10240xf32, #tpu.memory_space<vmem>>[vector<16xi32>], vector<16xf32>,
        %parallel_loop3A_278 = arith.addf %parallel_loop3A_276, %parallel_loop3A_277 : vector<16xf32>
        %parallel_loop3A_279 = arith.constant 0.000000e+00 : f32
        %parallel_loop3A_280 = vector.broadcast %parallel_loop3A_279 : f32 to vector<16xf32>
        %parallel_loop3A_281 = arith.cmpf ogt, %parallel_loop3A_278, %parallel_loop3A_280 : vector<16xf32>
        %parallel_loop3A_282 = arith.constant 0.00999999977 : f32
        %parallel_loop3A_283 = vector.broadcast %parallel_loop3A_282 : f32 to vector<16xf32>
        %parallel_loop3A_284 = arith.mulf %parallel_loop3A_278, %parallel_loop3A_283 : vector<16xf32>
        %parallel_loop3A_285 = arith.select %parallel_loop3A_281, %parallel_loop3A_278, %parallel_loop3A_284 : vector<16xi1>, vector<16xf32>
        %parallel_loop3A_286 = math.exp %parallel_loop3A_285 : vector<16xf32>
        tpu.vector_store_idx %arg13[%parallel_loop3A_275], %parallel_loop3A_286 {add = true} : memref<10240xf32, #tpu.memory_space<vmem>>[vector<16xi32>], vector<16xf32>,
        %parallel_loop3A_287 = arith.constant 16 : i32
        %parallel_loop3A_288 = arith.muli %parallel_loop3A_266, %parallel_loop3A_287 : i32
        %parallel_loop3A_289 = arith.constant 0 : i32
        %parallel_loop3A_290 = arith.addi %parallel_loop3A_288, %parallel_loop3A_289 : i32
        %parallel_loop3A_291 = arith.index_cast %parallel_loop3A_290 : i32 to index
        %parallel_loop3A_292 = arith.constant 0 : index
        %parallel_loop3A_293 = tpu.vector_load %arg15[%parallel_loop3A_291, %parallel_loop3A_292] {strides = array<i32>} : memref<128x16xf32, #tpu.memory_space<vmem>>, vector<16xf32>,
        %parallel_loop3A_294 = vector.extract_strided_slice %parallel_loop3A_286 {offsets = [0], sizes = [1], strides = [1]} : vector<16xf32> to vector<1xf32>
        %parallel_loop3A_295 = vector.extract %parallel_loop3A_294[0] : f32 from vector<1xf32>
        %parallel_loop3A_296 = vector.broadcast %parallel_loop3A_295 : f32 to vector<16xf32>
        %parallel_loop3A_297 = arith.mulf %parallel_loop3A_293, %parallel_loop3A_296 : vector<16xf32>
        %parallel_loop3A_298 = arith.constant 0 : i32
        %parallel_loop3A_299 = arith.addi %parallel_loop3A_288, %parallel_loop3A_298 : i32
        %parallel_loop3A_300 = arith.index_cast %parallel_loop3A_299 : i32 to index
        %parallel_loop3A_301 = arith.constant 0 : index
        %parallel_loop3A_302 = tpu.vector_load %arg19[%parallel_loop3A_300, %parallel_loop3A_301] {strides = array<i32>} : memref<128x16xf32, #tpu.memory_space<vmem>>, vector<16xf32>,
        tpu.vector_store %arg19[%parallel_loop3A_300, %parallel_loop3A_301], %parallel_loop3A_297 {strides = array<i32>} : memref<128x16xf32, #tpu.memory_space<vmem>>, vector<16xf32>,
        %parallel_loop3A_303 = arith.constant 1 : i32
        %parallel_loop3A_304 = arith.addi %parallel_loop3A_288, %parallel_loop3A_303 : i32
        %parallel_loop3A_305 = arith.index_cast %parallel_loop3A_304 : i32 to index
        %parallel_loop3A_306 = arith.constant 0 : index
        %parallel_loop3A_307 = tpu.vector_load %arg15[%parallel_loop3A_305, %parallel_loop3A_306] {strides = array<i32>} : memref<128x16xf32, #tpu.memory_space<vmem>>, vector<16xf32>,
        %parallel_loop3A_308 = vector.extract_strided_slice %parallel_loop3A_286 {offsets = [1], sizes = [1], strides = [1]} : vector<16xf32> to vector<1xf32>
        %parallel_loop3A_309 = vector.extract %parallel_loop3A_308[0] : f32 from vector<1xf32>
        %parallel_loop3A_310 = vector.broadcast %parallel_loop3A_309 : f32 to vector<16xf32>
        %parallel_loop3A_311 = arith.mulf %parallel_loop3A_307, %parallel_loop3A_310 : vector<16xf32>
        %parallel_loop3A_312 = arith.constant 1 : i32
        %parallel_loop3A_313 = arith.addi %parallel_loop3A_288, %parallel_loop3A_312 : i32
        %parallel_loop3A_314 = arith.index_cast %parallel_loop3A_313 : i32 to index
        %parallel_loop3A_315 = arith.constant 0 : index
        %parallel_loop3A_316 = tpu.vector_load %arg19[%parallel_loop3A_314, %parallel_loop3A_315] {strides = array<i32>} : memref<128x16xf32, #tpu.memory_space<vmem>>, vector<16xf32>,
        tpu.vector_store %arg19[%parallel_loop3A_314, %parallel_loop3A_315], %parallel_loop3A_311 {strides = array<i32>} : memref<128x16xf32, #tpu.memory_space<vmem>>, vector<16xf32>,
        %parallel_loop3A_317 = arith.constant 2 : i32
        %parallel_loop3A_318 = arith.addi %parallel_loop3A_288, %parallel_loop3A_317 : i32
        %parallel_loop3A_319 = arith.index_cast %parallel_loop3A_318 : i32 to index
        %parallel_loop3A_320 = arith.constant 0 : index
        %parallel_loop3A_321 = tpu.vector_load %arg15[%parallel_loop3A_319, %parallel_loop3A_320] {strides = array<i32>} : memref<128x16xf32, #tpu.memory_space<vmem>>, vector<16xf32>,
        %parallel_loop3A_322 = vector.extract_strided_slice %parallel_loop3A_286 {offsets = [2], sizes = [1], strides = [1]} : vector<16xf32> to vector<1xf32>
        %parallel_loop3A_323 = vector.extract %parallel_loop3A_322[0] : f32 from vector<1xf32>
        %parallel_loop3A_324 = vector.broadcast %parallel_loop3A_323 : f32 to vector<16xf32>
        %parallel_loop3A_325 = arith.mulf %parallel_loop3A_321, %parallel_loop3A_324 : vector<16xf32>
        %parallel_loop3A_326 = arith.constant 2 : i32
        %parallel_loop3A_327 = arith.addi %parallel_loop3A_288, %parallel_loop3A_326 : i32
        %parallel_loop3A_328 = arith.index_cast %parallel_loop3A_327 : i32 to index
        %parallel_loop3A_329 = arith.constant 0 : index
        %parallel_loop3A_330 = tpu.vector_load %arg19[%parallel_loop3A_328, %parallel_loop3A_329] {strides = array<i32>} : memref<128x16xf32, #tpu.memory_space<vmem>>, vector<16xf32>,
        tpu.vector_store %arg19[%parallel_loop3A_328, %parallel_loop3A_329], %parallel_loop3A_325 {strides = array<i32>} : memref<128x16xf32, #tpu.memory_space<vmem>>, vector<16xf32>,
        %parallel_loop3A_331 = arith.constant 3 : i32
        %parallel_loop3A_332 = arith.addi %parallel_loop3A_288, %parallel_loop3A_331 : i32
        %parallel_loop3A_333 = arith.index_cast %parallel_loop3A_332 : i32 to index
        %parallel_loop3A_334 = arith.constant 0 : index
        %parallel_loop3A_335 = tpu.vector_load %arg15[%parallel_loop3A_333, %parallel_loop3A_334] {strides = array<i32>} : memref<128x16xf32, #tpu.memory_space<vmem>>, vector<16xf32>,
        %parallel_loop3A_336 = vector.extract_strided_slice %parallel_loop3A_286 {offsets = [3], sizes = [1], strides = [1]} : vector<16xf32> to vector<1xf32>
        %parallel_loop3A_337 = vector.extract %parallel_loop3A_336[0] : f32 from vector<1xf32>
        %parallel_loop3A_338 = vector.broadcast %parallel_loop3A_337 : f32 to vector<16xf32>
        %parallel_loop3A_339 = arith.mulf %parallel_loop3A_335, %parallel_loop3A_338 : vector<16xf32>
        %parallel_loop3A_340 = arith.constant 3 : i32
        %parallel_loop3A_341 = arith.addi %parallel_loop3A_288, %parallel_loop3A_340 : i32
        %parallel_loop3A_342 = arith.index_cast %parallel_loop3A_341 : i32 to index
        %parallel_loop3A_343 = arith.constant 0 : index
        %parallel_loop3A_344 = tpu.vector_load %arg19[%parallel_loop3A_342, %parallel_loop3A_343] {strides = array<i32>} : memref<128x16xf32, #tpu.memory_space<vmem>>, vector<16xf32>,
        tpu.vector_store %arg19[%parallel_loop3A_342, %parallel_loop3A_343], %parallel_loop3A_339 {strides = array<i32>} : memref<128x16xf32, #tpu.memory_space<vmem>>, vector<16xf32>,
        %parallel_loop3A_345 = arith.constant 4 : i32
        %parallel_loop3A_346 = arith.addi %parallel_loop3A_288, %parallel_loop3A_345 : i32
        %parallel_loop3A_347 = arith.index_cast %parallel_loop3A_346 : i32 to index
        %parallel_loop3A_348 = arith.constant 0 : index
        %parallel_loop3A_349 = tpu.vector_load %arg15[%parallel_loop3A_347, %parallel_loop3A_348] {strides = array<i32>} : memref<128x16xf32, #tpu.memory_space<vmem>>, vector<16xf32>,
        %parallel_loop3A_350 = vector.extract_strided_slice %parallel_loop3A_286 {offsets = [4], sizes = [1], strides = [1]} : vector<16xf32> to vector<1xf32>
        %parallel_loop3A_351 = vector.extract %parallel_loop3A_350[0] : f32 from vector<1xf32>
        %parallel_loop3A_352 = vector.broadcast %parallel_loop3A_351 : f32 to vector<16xf32>
        %parallel_loop3A_353 = arith.mulf %parallel_loop3A_349, %parallel_loop3A_352 : vector<16xf32>
        %parallel_loop3A_354 = arith.constant 4 : i32
        %parallel_loop3A_355 = arith.addi %parallel_loop3A_288, %parallel_loop3A_354 : i32
        %parallel_loop3A_356 = arith.index_cast %parallel_loop3A_355 : i32 to index
        %parallel_loop3A_357 = arith.constant 0 : index
        %parallel_loop3A_358 = tpu.vector_load %arg19[%parallel_loop3A_356, %parallel_loop3A_357] {strides = array<i32>} : memref<128x16xf32, #tpu.memory_space<vmem>>, vector<16xf32>,
        tpu.vector_store %arg19[%parallel_loop3A_356, %parallel_loop3A_357], %parallel_loop3A_353 {strides = array<i32>} : memref<128x16xf32, #tpu.memory_space<vmem>>, vector<16xf32>,
        %parallel_loop3A_359 = arith.constant 5 : i32
        %parallel_loop3A_360 = arith.addi %parallel_loop3A_288, %parallel_loop3A_359 : i32
        %parallel_loop3A_361 = arith.index_cast %parallel_loop3A_360 : i32 to index
        %parallel_loop3A_362 = arith.constant 0 : index
        %parallel_loop3A_363 = tpu.vector_load %arg15[%parallel_loop3A_361, %parallel_loop3A_362] {strides = array<i32>} : memref<128x16xf32, #tpu.memory_space<vmem>>, vector<16xf32>,
        %parallel_loop3A_364 = vector.extract_strided_slice %parallel_loop3A_286 {offsets = [5], sizes = [1], strides = [1]} : vector<16xf32> to vector<1xf32>
        %parallel_loop3A_365 = vector.extract %parallel_loop3A_364[0] : f32 from vector<1xf32>
        %parallel_loop3A_366 = vector.broadcast %parallel_loop3A_365 : f32 to vector<16xf32>
        %parallel_loop3A_367 = arith.mulf %parallel_loop3A_363, %parallel_loop3A_366 : vector<16xf32>
        %parallel_loop3A_368 = arith.constant 5 : i32
        %parallel_loop3A_369 = arith.addi %parallel_loop3A_288, %parallel_loop3A_368 : i32
        %parallel_loop3A_370 = arith.index_cast %parallel_loop3A_369 : i32 to index
        %parallel_loop3A_371 = arith.constant 0 : index
        %parallel_loop3A_372 = tpu.vector_load %arg19[%parallel_loop3A_370, %parallel_loop3A_371] {strides = array<i32>} : memref<128x16xf32, #tpu.memory_space<vmem>>, vector<16xf32>,
        tpu.vector_store %arg19[%parallel_loop3A_370, %parallel_loop3A_371], %parallel_loop3A_367 {strides = array<i32>} : memref<128x16xf32, #tpu.memory_space<vmem>>, vector<16xf32>,
        %parallel_loop3A_373 = arith.constant 6 : i32
        %parallel_loop3A_374 = arith.addi %parallel_loop3A_288, %parallel_loop3A_373 : i32
        %parallel_loop3A_375 = arith.index_cast %parallel_loop3A_374 : i32 to index
        %parallel_loop3A_376 = arith.constant 0 : index
        %parallel_loop3A_377 = tpu.vector_load %arg15[%parallel_loop3A_375, %parallel_loop3A_376] {strides = array<i32>} : memref<128x16xf32, #tpu.memory_space<vmem>>, vector<16xf32>,
        %parallel_loop3A_378 = vector.extract_strided_slice %parallel_loop3A_286 {offsets = [6], sizes = [1], strides = [1]} : vector<16xf32> to vector<1xf32>
        %parallel_loop3A_379 = vector.extract %parallel_loop3A_378[0] : f32 from vector<1xf32>
        %parallel_loop3A_380 = vector.broadcast %parallel_loop3A_379 : f32 to vector<16xf32>
        %parallel_loop3A_381 = arith.mulf %parallel_loop3A_377, %parallel_loop3A_380 : vector<16xf32>
        %parallel_loop3A_382 = arith.constant 6 : i32
        %parallel_loop3A_383 = arith.addi %parallel_loop3A_288, %parallel_loop3A_382 : i32
        %parallel_loop3A_384 = arith.index_cast %parallel_loop3A_383 : i32 to index
        %parallel_loop3A_385 = arith.constant 0 : index
        %parallel_loop3A_386 = tpu.vector_load %arg19[%parallel_loop3A_384, %parallel_loop3A_385] {strides = array<i32>} : memref<128x16xf32, #tpu.memory_space<vmem>>, vector<16xf32>,
        tpu.vector_store %arg19[%parallel_loop3A_384, %parallel_loop3A_385], %parallel_loop3A_381 {strides = array<i32>} : memref<128x16xf32, #tpu.memory_space<vmem>>, vector<16xf32>,
        %parallel_loop3A_387 = arith.constant 7 : i32
        %parallel_loop3A_388 = arith.addi %parallel_loop3A_288, %parallel_loop3A_387 : i32
        %parallel_loop3A_389 = arith.index_cast %parallel_loop3A_388 : i32 to index
        %parallel_loop3A_390 = arith.constant 0 : index
        %parallel_loop3A_391 = tpu.vector_load %arg15[%parallel_loop3A_389, %parallel_loop3A_390] {strides = array<i32>} : memref<128x16xf32, #tpu.memory_space<vmem>>, vector<16xf32>,
        %parallel_loop3A_392 = vector.extract_strided_slice %parallel_loop3A_286 {offsets = [7], sizes = [1], strides = [1]} : vector<16xf32> to vector<1xf32>
        %parallel_loop3A_393 = vector.extract %parallel_loop3A_392[0] : f32 from vector<1xf32>
        %parallel_loop3A_394 = vector.broadcast %parallel_loop3A_393 : f32 to vector<16xf32>
        %parallel_loop3A_395 = arith.mulf %parallel_loop3A_391, %parallel_loop3A_394 : vector<16xf32>
        %parallel_loop3A_396 = arith.constant 7 : i32
        %parallel_loop3A_397 = arith.addi %parallel_loop3A_288, %parallel_loop3A_396 : i32
        %parallel_loop3A_398 = arith.index_cast %parallel_loop3A_397 : i32 to index
        %parallel_loop3A_399 = arith.constant 0 : index
        %parallel_loop3A_400 = tpu.vector_load %arg19[%parallel_loop3A_398, %parallel_loop3A_399] {strides = array<i32>} : memref<128x16xf32, #tpu.memory_space<vmem>>, vector<16xf32>,
        tpu.vector_store %arg19[%parallel_loop3A_398, %parallel_loop3A_399], %parallel_loop3A_395 {strides = array<i32>} : memref<128x16xf32, #tpu.memory_space<vmem>>, vector<16xf32>,
        %parallel_loop3A_401 = arith.constant 8 : i32
        %parallel_loop3A_402 = arith.addi %parallel_loop3A_288, %parallel_loop3A_401 : i32
        %parallel_loop3A_403 = arith.index_cast %parallel_loop3A_402 : i32 to index
        %parallel_loop3A_404 = arith.constant 0 : index
        %parallel_loop3A_405 = tpu.vector_load %arg15[%parallel_loop3A_403, %parallel_loop3A_404] {strides = array<i32>} : memref<128x16xf32, #tpu.memory_space<vmem>>, vector<16xf32>,
        %parallel_loop3A_406 = vector.extract_strided_slice %parallel_loop3A_286 {offsets = [8], sizes = [1], strides = [1]} : vector<16xf32> to vector<1xf32>
        %parallel_loop3A_407 = vector.extract %parallel_loop3A_406[0] : f32 from vector<1xf32>
        %parallel_loop3A_408 = vector.broadcast %parallel_loop3A_407 : f32 to vector<16xf32>
        %parallel_loop3A_409 = arith.mulf %parallel_loop3A_405, %parallel_loop3A_408 : vector<16xf32>
        %parallel_loop3A_410 = arith.constant 8 : i32
        %parallel_loop3A_411 = arith.addi %parallel_loop3A_288, %parallel_loop3A_410 : i32
        %parallel_loop3A_412 = arith.index_cast %parallel_loop3A_411 : i32 to index
        %parallel_loop3A_413 = arith.constant 0 : index
        %parallel_loop3A_414 = tpu.vector_load %arg19[%parallel_loop3A_412, %parallel_loop3A_413] {strides = array<i32>} : memref<128x16xf32, #tpu.memory_space<vmem>>, vector<16xf32>,
        tpu.vector_store %arg19[%parallel_loop3A_412, %parallel_loop3A_413], %parallel_loop3A_409 {strides = array<i32>} : memref<128x16xf32, #tpu.memory_space<vmem>>, vector<16xf32>,
        %parallel_loop3A_415 = arith.constant 9 : i32
        %parallel_loop3A_416 = arith.addi %parallel_loop3A_288, %parallel_loop3A_415 : i32
        %parallel_loop3A_417 = arith.index_cast %parallel_loop3A_416 : i32 to index
        %parallel_loop3A_418 = arith.constant 0 : index
        %parallel_loop3A_419 = tpu.vector_load %arg15[%parallel_loop3A_417, %parallel_loop3A_418] {strides = array<i32>} : memref<128x16xf32, #tpu.memory_space<vmem>>, vector<16xf32>,
        %parallel_loop3A_420 = vector.extract_strided_slice %parallel_loop3A_286 {offsets = [9], sizes = [1], strides = [1]} : vector<16xf32> to vector<1xf32>
        %parallel_loop3A_421 = vector.extract %parallel_loop3A_420[0] : f32 from vector<1xf32>
        %parallel_loop3A_422 = vector.broadcast %parallel_loop3A_421 : f32 to vector<16xf32>
        %parallel_loop3A_423 = arith.mulf %parallel_loop3A_419, %parallel_loop3A_422 : vector<16xf32>
        %parallel_loop3A_424 = arith.constant 9 : i32
        %parallel_loop3A_425 = arith.addi %parallel_loop3A_288, %parallel_loop3A_424 : i32
        %parallel_loop3A_426 = arith.index_cast %parallel_loop3A_425 : i32 to index
        %parallel_loop3A_427 = arith.constant 0 : index
        %parallel_loop3A_428 = tpu.vector_load %arg19[%parallel_loop3A_426, %parallel_loop3A_427] {strides = array<i32>} : memref<128x16xf32, #tpu.memory_space<vmem>>, vector<16xf32>,
        tpu.vector_store %arg19[%parallel_loop3A_426, %parallel_loop3A_427], %parallel_loop3A_423 {strides = array<i32>} : memref<128x16xf32, #tpu.memory_space<vmem>>, vector<16xf32>,
        %parallel_loop3A_429 = arith.constant 10 : i32
        %parallel_loop3A_430 = arith.addi %parallel_loop3A_288, %parallel_loop3A_429 : i32
        %parallel_loop3A_431 = arith.index_cast %parallel_loop3A_430 : i32 to index
        %parallel_loop3A_432 = arith.constant 0 : index
        %parallel_loop3A_433 = tpu.vector_load %arg15[%parallel_loop3A_431, %parallel_loop3A_432] {strides = array<i32>} : memref<128x16xf32, #tpu.memory_space<vmem>>, vector<16xf32>,
        %parallel_loop3A_434 = vector.extract_strided_slice %parallel_loop3A_286 {offsets = [10], sizes = [1], strides = [1]} : vector<16xf32> to vector<1xf32>
        %parallel_loop3A_435 = vector.extract %parallel_loop3A_434[0] : f32 from vector<1xf32>
        %parallel_loop3A_436 = vector.broadcast %parallel_loop3A_435 : f32 to vector<16xf32>
        %parallel_loop3A_437 = arith.mulf %parallel_loop3A_433, %parallel_loop3A_436 : vector<16xf32>
        %parallel_loop3A_438 = arith.constant 10 : i32
        %parallel_loop3A_439 = arith.addi %parallel_loop3A_288, %parallel_loop3A_438 : i32
        %parallel_loop3A_440 = arith.index_cast %parallel_loop3A_439 : i32 to index
        %parallel_loop3A_441 = arith.constant 0 : index
        %parallel_loop3A_442 = tpu.vector_load %arg19[%parallel_loop3A_440, %parallel_loop3A_441] {strides = array<i32>} : memref<128x16xf32, #tpu.memory_space<vmem>>, vector<16xf32>,
        tpu.vector_store %arg19[%parallel_loop3A_440, %parallel_loop3A_441], %parallel_loop3A_437 {strides = array<i32>} : memref<128x16xf32, #tpu.memory_space<vmem>>, vector<16xf32>,
        %parallel_loop3A_443 = arith.constant 11 : i32
        %parallel_loop3A_444 = arith.addi %parallel_loop3A_288, %parallel_loop3A_443 : i32
        %parallel_loop3A_445 = arith.index_cast %parallel_loop3A_444 : i32 to index
        %parallel_loop3A_446 = arith.constant 0 : index
        %parallel_loop3A_447 = tpu.vector_load %arg15[%parallel_loop3A_445, %parallel_loop3A_446] {strides = array<i32>} : memref<128x16xf32, #tpu.memory_space<vmem>>, vector<16xf32>,
        %parallel_loop3A_448 = vector.extract_strided_slice %parallel_loop3A_286 {offsets = [11], sizes = [1], strides = [1]} : vector<16xf32> to vector<1xf32>
        %parallel_loop3A_449 = vector.extract %parallel_loop3A_448[0] : f32 from vector<1xf32>
        %parallel_loop3A_450 = vector.broadcast %parallel_loop3A_449 : f32 to vector<16xf32>
        %parallel_loop3A_451 = arith.mulf %parallel_loop3A_447, %parallel_loop3A_450 : vector<16xf32>
        %parallel_loop3A_452 = arith.constant 11 : i32
        %parallel_loop3A_453 = arith.addi %parallel_loop3A_288, %parallel_loop3A_452 : i32
        %parallel_loop3A_454 = arith.index_cast %parallel_loop3A_453 : i32 to index
        %parallel_loop3A_455 = arith.constant 0 : index
        %parallel_loop3A_456 = tpu.vector_load %arg19[%parallel_loop3A_454, %parallel_loop3A_455] {strides = array<i32>} : memref<128x16xf32, #tpu.memory_space<vmem>>, vector<16xf32>,
        tpu.vector_store %arg19[%parallel_loop3A_454, %parallel_loop3A_455], %parallel_loop3A_451 {strides = array<i32>} : memref<128x16xf32, #tpu.memory_space<vmem>>, vector<16xf32>,
        %parallel_loop3A_457 = arith.constant 12 : i32
        %parallel_loop3A_458 = arith.addi %parallel_loop3A_288, %parallel_loop3A_457 : i32
        %parallel_loop3A_459 = arith.index_cast %parallel_loop3A_458 : i32 to index
        %parallel_loop3A_460 = arith.constant 0 : index
        %parallel_loop3A_461 = tpu.vector_load %arg15[%parallel_loop3A_459, %parallel_loop3A_460] {strides = array<i32>} : memref<128x16xf32, #tpu.memory_space<vmem>>, vector<16xf32>,
        %parallel_loop3A_462 = vector.extract_strided_slice %parallel_loop3A_286 {offsets = [12], sizes = [1], strides = [1]} : vector<16xf32> to vector<1xf32>
        %parallel_loop3A_463 = vector.extract %parallel_loop3A_462[0] : f32 from vector<1xf32>
        %parallel_loop3A_464 = vector.broadcast %parallel_loop3A_463 : f32 to vector<16xf32>
        %parallel_loop3A_465 = arith.mulf %parallel_loop3A_461, %parallel_loop3A_464 : vector<16xf32>
        %parallel_loop3A_466 = arith.constant 12 : i32
        %parallel_loop3A_467 = arith.addi %parallel_loop3A_288, %parallel_loop3A_466 : i32
        %parallel_loop3A_468 = arith.index_cast %parallel_loop3A_467 : i32 to index
        %parallel_loop3A_469 = arith.constant 0 : index
        %parallel_loop3A_470 = tpu.vector_load %arg19[%parallel_loop3A_468, %parallel_loop3A_469] {strides = array<i32>} : memref<128x16xf32, #tpu.memory_space<vmem>>, vector<16xf32>,
        tpu.vector_store %arg19[%parallel_loop3A_468, %parallel_loop3A_469], %parallel_loop3A_465 {strides = array<i32>} : memref<128x16xf32, #tpu.memory_space<vmem>>, vector<16xf32>,
        %parallel_loop3A_471 = arith.constant 13 : i32
        %parallel_loop3A_472 = arith.addi %parallel_loop3A_288, %parallel_loop3A_471 : i32
        %parallel_loop3A_473 = arith.index_cast %parallel_loop3A_472 : i32 to index
        %parallel_loop3A_474 = arith.constant 0 : index
        %parallel_loop3A_475 = tpu.vector_load %arg15[%parallel_loop3A_473, %parallel_loop3A_474] {strides = array<i32>} : memref<128x16xf32, #tpu.memory_space<vmem>>, vector<16xf32>,
        %parallel_loop3A_476 = vector.extract_strided_slice %parallel_loop3A_286 {offsets = [13], sizes = [1], strides = [1]} : vector<16xf32> to vector<1xf32>
        %parallel_loop3A_477 = vector.extract %parallel_loop3A_476[0] : f32 from vector<1xf32>
        %parallel_loop3A_478 = vector.broadcast %parallel_loop3A_477 : f32 to vector<16xf32>
        %parallel_loop3A_479 = arith.mulf %parallel_loop3A_475, %parallel_loop3A_478 : vector<16xf32>
        %parallel_loop3A_480 = arith.constant 13 : i32
        %parallel_loop3A_481 = arith.addi %parallel_loop3A_288, %parallel_loop3A_480 : i32
        %parallel_loop3A_482 = arith.index_cast %parallel_loop3A_481 : i32 to index
        %parallel_loop3A_483 = arith.constant 0 : index
        %parallel_loop3A_484 = tpu.vector_load %arg19[%parallel_loop3A_482, %parallel_loop3A_483] {strides = array<i32>} : memref<128x16xf32, #tpu.memory_space<vmem>>, vector<16xf32>,
        tpu.vector_store %arg19[%parallel_loop3A_482, %parallel_loop3A_483], %parallel_loop3A_479 {strides = array<i32>} : memref<128x16xf32, #tpu.memory_space<vmem>>, vector<16xf32>,
        %parallel_loop3A_485 = arith.constant 14 : i32
        %parallel_loop3A_486 = arith.addi %parallel_loop3A_288, %parallel_loop3A_485 : i32
        %parallel_loop3A_487 = arith.index_cast %parallel_loop3A_486 : i32 to index
        %parallel_loop3A_488 = arith.constant 0 : index
        %parallel_loop3A_489 = tpu.vector_load %arg15[%parallel_loop3A_487, %parallel_loop3A_488] {strides = array<i32>} : memref<128x16xf32, #tpu.memory_space<vmem>>, vector<16xf32>,
        %parallel_loop3A_490 = vector.extract_strided_slice %parallel_loop3A_286 {offsets = [14], sizes = [1], strides = [1]} : vector<16xf32> to vector<1xf32>
        %parallel_loop3A_491 = vector.extract %parallel_loop3A_490[0] : f32 from vector<1xf32>
        %parallel_loop3A_492 = vector.broadcast %parallel_loop3A_491 : f32 to vector<16xf32>
        %parallel_loop3A_493 = arith.mulf %parallel_loop3A_489, %parallel_loop3A_492 : vector<16xf32>
        %parallel_loop3A_494 = arith.constant 14 : i32
        %parallel_loop3A_495 = arith.addi %parallel_loop3A_288, %parallel_loop3A_494 : i32
        %parallel_loop3A_496 = arith.index_cast %parallel_loop3A_495 : i32 to index
        %parallel_loop3A_497 = arith.constant 0 : index
        %parallel_loop3A_498 = tpu.vector_load %arg19[%parallel_loop3A_496, %parallel_loop3A_497] {strides = array<i32>} : memref<128x16xf32, #tpu.memory_space<vmem>>, vector<16xf32>,
        tpu.vector_store %arg19[%parallel_loop3A_496, %parallel_loop3A_497], %parallel_loop3A_493 {strides = array<i32>} : memref<128x16xf32, #tpu.memory_space<vmem>>, vector<16xf32>,
        %parallel_loop3A_499 = arith.constant 15 : i32
        %parallel_loop3A_500 = arith.addi %parallel_loop3A_288, %parallel_loop3A_499 : i32
        %parallel_loop3A_501 = arith.index_cast %parallel_loop3A_500 : i32 to index
        %parallel_loop3A_502 = arith.constant 0 : index
        %parallel_loop3A_503 = tpu.vector_load %arg15[%parallel_loop3A_501, %parallel_loop3A_502] {strides = array<i32>} : memref<128x16xf32, #tpu.memory_space<vmem>>, vector<16xf32>,
        %parallel_loop3A_504 = vector.extract_strided_slice %parallel_loop3A_286 {offsets = [15], sizes = [1], strides = [1]} : vector<16xf32> to vector<1xf32>
        %parallel_loop3A_505 = vector.extract %parallel_loop3A_504[0] : f32 from vector<1xf32>
        %parallel_loop3A_506 = vector.broadcast %parallel_loop3A_505 : f32 to vector<16xf32>
        %parallel_loop3A_507 = arith.mulf %parallel_loop3A_503, %parallel_loop3A_506 : vector<16xf32>
        %parallel_loop3A_508 = arith.constant 15 : i32
        %parallel_loop3A_509 = arith.addi %parallel_loop3A_288, %parallel_loop3A_508 : i32
        %parallel_loop3A_510 = arith.index_cast %parallel_loop3A_509 : i32 to index
        %parallel_loop3A_511 = arith.constant 0 : index
        %parallel_loop3A_512 = tpu.vector_load %arg19[%parallel_loop3A_510, %parallel_loop3A_511] {strides = array<i32>} : memref<128x16xf32, #tpu.memory_space<vmem>>, vector<16xf32>,
        tpu.vector_store %arg19[%parallel_loop3A_510, %parallel_loop3A_511], %parallel_loop3A_507 {strides = array<i32>} : memref<128x16xf32, #tpu.memory_space<vmem>>, vector<16xf32>,
      } {sc.loop_unroll_factor = 4 : i64, sc.parallel_access}
      %dma_start3A_193 = arith.constant 0 : i32
      %dma_start3A_194 = tpu.memref_slice %arg12[%add3A_179, %dma_start3A_193] : memref<80x128xi32, #tpu.memory_space<vmem>> -> memref<1x128xi32, #tpu.memory_space<vmem>>
      %dma_start3A_195 = tpu.memref_squeeze %dma_start3A_194 : memref<1x128xi32, #tpu.memory_space<vmem>> -> memref<128xi32, #tpu.memory_space<vmem>>
      %dma_start3A_196 = arith.constant 0 : i32
      %dma_start3A_197 = arith.constant 0 : i32
      %dma_start3A_198 = tpu.memref_slice %arg23[%dma_start3A_196, %dma_start3A_197] : memref<10240x16xf32, #tpu.memory_space<vmem_shared>> -> memref<10240x16xf32, #tpu.memory_space<vmem_shared>>
      tpu.enqueue_indirect_dma source(%arg19 : memref<128x16xf32, #tpu.memory_space<vmem>>) target(%dma_start3A_198 : memref<10240x16xf32, #tpu.memory_space<vmem_shared>>) offsets(%dma_start3A_195 : memref<128xi32, #tpu.memory_space<vmem>>) semaphore(%arg29 : memref<!tpu.dma_semaphore, #tpu.memory_space<semaphore_mem>>) {add = true}
      %add3A_199 = arith.constant 4 : i32
      %add3A_200 = arith.addi %add3A_179, %add3A_199 : i32
      %lt3A_201 = arith.constant 80 : i32
      %lt3A_202 = arith.cmpi slt, %add3A_200, %lt3A_201 : i32
      %convert_element_type3A_203 = arith.extui %lt3A_202 : i1 to i32
      %cond3A_204 = arith.constant 0 : i32
      %cond3A_205 = arith.cmpi ne, %convert_element_type3A_203, %cond3A_204 : i32
      scf.if %cond3A_205 {
        %add3A_266 = arith.constant 4 : i32
        %add3A_267 = arith.addi %add3A_179, %add3A_266 : i32
        %mul3A_268 = arith.constant 128 : i32
        %mul3A_269 = arith.muli %add3A_267, %mul3A_268 : i32
        %dma_start3A_270 = tpu.memref_slice %arg10[%mul3A_269] : memref<10240xi32, #tpu.memory_space<vmem>> -> memref<128xi32, #tpu.memory_space<vmem>>
        %dma_start3A_271 = arith.constant 0 : i32
        %dma_start3A_272 = arith.constant 0 : i32
        %dma_start3A_273 = tpu.memref_slice %arg3[%dma_start3A_271, %dma_start3A_272] : memref<10240x16xf32, #tpu.memory_space<hbm>> -> memref<10240x16xf32, #tpu.memory_space<hbm>>
        tpu.enqueue_indirect_dma source(%dma_start3A_273 : memref<10240x16xf32, #tpu.memory_space<hbm>>) target(%arg15 : memref<128x16xf32, #tpu.memory_space<vmem>>) offsets(%dma_start3A_270 : memref<128xi32, #tpu.memory_space<vmem>>) semaphore(%arg25 : memref<!tpu.dma_semaphore, #tpu.memory_space<semaphore_mem>>)
      } else {
      }
      %mul3A_206 = arith.constant 4 : i32
      %mul3A_207 = arith.muli %scan3A_150, %mul3A_206 : i32
      %add3A_208 = arith.constant 2 : i32
      %add3A_209 = arith.addi %mul3A_207, %add3A_208 : i32
      %dma_wait3A_210 = arith.constant 0 : i32
      %dma_wait3A_211 = tpu.memref_slice %arg10[%dma_wait3A_210] : memref<10240xi32, #tpu.memory_space<vmem>> -> memref<128xi32, #tpu.memory_space<vmem>>
      %dma_wait3A_212 = arith.constant 0 : i32
      %dma_wait3A_213 = arith.constant 0 : i32
      %dma_wait3A_214 = tpu.memref_slice %arg3[%dma_wait3A_212, %dma_wait3A_213] : memref<10240x16xf32, #tpu.memory_space<hbm>> -> memref<10240x16xf32, #tpu.memory_space<hbm>>
      tpu.wait_indirect_dma semaphore(%arg26 : memref<!tpu.dma_semaphore, #tpu.memory_space<semaphore_mem>>) src(%dma_wait3A_214 : memref<10240x16xf32, #tpu.memory_space<hbm>>) dst(%arg16 : memref<128x16xf32, #tpu.memory_space<vmem>>)
      %gt3A_215 = arith.constant 0 : i32
      %gt3A_216 = arith.cmpi sgt, %scan3A_150, %gt3A_215 : i32
      %convert_element_type3A_217 = arith.extui %gt3A_216 : i1 to i32
      %cond3A_218 = arith.constant 0 : i32
      %cond3A_219 = arith.cmpi ne, %convert_element_type3A_217, %cond3A_218 : i32
      scf.if %cond3A_219 {
        %dma_wait3A_266 = arith.constant 0 : i32
        %dma_wait3A_267 = tpu.memref_slice %arg12[%add3A_209, %dma_wait3A_266] : memref<80x128xi32, #tpu.memory_space<vmem>> -> memref<1x128xi32, #tpu.memory_space<vmem>>
        %dma_wait3A_268 = tpu.memref_squeeze %dma_wait3A_267 : memref<1x128xi32, #tpu.memory_space<vmem>> -> memref<128xi32, #tpu.memory_space<vmem>>
        %dma_wait3A_269 = arith.constant 0 : i32
        %dma_wait3A_270 = arith.constant 0 : i32
        %dma_wait3A_271 = tpu.memref_slice %arg23[%dma_wait3A_269, %dma_wait3A_270] : memref<10240x16xf32, #tpu.memory_space<vmem_shared>> -> memref<10240x16xf32, #tpu.memory_space<vmem_shared>>
        tpu.wait_indirect_dma semaphore(%arg30 : memref<!tpu.dma_semaphore, #tpu.memory_space<semaphore_mem>>) src(%arg20 : memref<128x16xf32, #tpu.memory_space<vmem>>) dst(%dma_wait3A_271 : memref<10240x16xf32, #tpu.memory_space<vmem_shared>>)
      } else {
      }
      %parallel_loop3A_220 = arith.constant 0 : i32
      %parallel_loop3A_221 = arith.constant 8 : i32
      %parallel_loop3A_222 = arith.constant 1 : i32
      scf.for %parallel_loop3A_266 = %parallel_loop3A_220 to %parallel_loop3A_221 step %parallel_loop3A_222  : i32 {
        %parallel_loop3A_267 = arith.constant 128 : i32
        %parallel_loop3A_268 = arith.muli %add3A_209, %parallel_loop3A_267 : i32
        %parallel_loop3A_269 = arith.constant 16 : i32
        %parallel_loop3A_270 = arith.muli %parallel_loop3A_266, %parallel_loop3A_269 : i32
        %parallel_loop3A_271 = arith.addi %parallel_loop3A_268, %parallel_loop3A_270 : i32
        %parallel_loop3A_272 = arith.index_cast %parallel_loop3A_271 : i32 to index
        %parallel_loop3A_273 = tpu.vector_load %arg10[%parallel_loop3A_272] {strides = array<i32>} : memref<10240xi32, #tpu.memory_space<vmem>>, vector<16xi32>,
        %parallel_loop3A_274 = arith.index_cast %parallel_loop3A_271 : i32 to index
        %parallel_loop3A_275 = tpu.vector_load %arg11[%parallel_loop3A_274] {strides = array<i32>} : memref<10240xi32, #tpu.memory_space<vmem>>, vector<16xi32>,
        %parallel_loop3A_276 = tpu.vector_load_idx %arg8[%parallel_loop3A_273] : memref<10240xf32, #tpu.memory_space<vmem>>[vector<16xi32>], vector<16xf32>,
        %parallel_loop3A_277 = tpu.vector_load_idx %arg9[%parallel_loop3A_275] : memref<10240xf32, #tpu.memory_space<vmem>>[vector<16xi32>], vector<16xf32>,
        %parallel_loop3A_278 = arith.addf %parallel_loop3A_276, %parallel_loop3A_277 : vector<16xf32>
        %parallel_loop3A_279 = arith.constant 0.000000e+00 : f32
        %parallel_loop3A_280 = vector.broadcast %parallel_loop3A_279 : f32 to vector<16xf32>
        %parallel_loop3A_281 = arith.cmpf ogt, %parallel_loop3A_278, %parallel_loop3A_280 : vector<16xf32>
        %parallel_loop3A_282 = arith.constant 0.00999999977 : f32
        %parallel_loop3A_283 = vector.broadcast %parallel_loop3A_282 : f32 to vector<16xf32>
        %parallel_loop3A_284 = arith.mulf %parallel_loop3A_278, %parallel_loop3A_283 : vector<16xf32>
        %parallel_loop3A_285 = arith.select %parallel_loop3A_281, %parallel_loop3A_278, %parallel_loop3A_284 : vector<16xi1>, vector<16xf32>
        %parallel_loop3A_286 = math.exp %parallel_loop3A_285 : vector<16xf32>
        tpu.vector_store_idx %arg13[%parallel_loop3A_275], %parallel_loop3A_286 {add = true} : memref<10240xf32, #tpu.memory_space<vmem>>[vector<16xi32>], vector<16xf32>,
        %parallel_loop3A_287 = arith.constant 16 : i32
        %parallel_loop3A_288 = arith.muli %parallel_loop3A_266, %parallel_loop3A_287 : i32
        %parallel_loop3A_289 = arith.constant 0 : i32
        %parallel_loop3A_290 = arith.addi %parallel_loop3A_288, %parallel_loop3A_289 : i32
        %parallel_loop3A_291 = arith.index_cast %parallel_loop3A_290 : i32 to index
        %parallel_loop3A_292 = arith.constant 0 : index
        %parallel_loop3A_293 = tpu.vector_load %arg16[%parallel_loop3A_291, %parallel_loop3A_292] {strides = array<i32>} : memref<128x16xf32, #tpu.memory_space<vmem>>, vector<16xf32>,
        %parallel_loop3A_294 = vector.extract_strided_slice %parallel_loop3A_286 {offsets = [0], sizes = [1], strides = [1]} : vector<16xf32> to vector<1xf32>
        %parallel_loop3A_295 = vector.extract %parallel_loop3A_294[0] : f32 from vector<1xf32>
        %parallel_loop3A_296 = vector.broadcast %parallel_loop3A_295 : f32 to vector<16xf32>
        %parallel_loop3A_297 = arith.mulf %parallel_loop3A_293, %parallel_loop3A_296 : vector<16xf32>
        %parallel_loop3A_298 = arith.constant 0 : i32
        %parallel_loop3A_299 = arith.addi %parallel_loop3A_288, %parallel_loop3A_298 : i32
        %parallel_loop3A_300 = arith.index_cast %parallel_loop3A_299 : i32 to index
        %parallel_loop3A_301 = arith.constant 0 : index
        %parallel_loop3A_302 = tpu.vector_load %arg20[%parallel_loop3A_300, %parallel_loop3A_301] {strides = array<i32>} : memref<128x16xf32, #tpu.memory_space<vmem>>, vector<16xf32>,
        tpu.vector_store %arg20[%parallel_loop3A_300, %parallel_loop3A_301], %parallel_loop3A_297 {strides = array<i32>} : memref<128x16xf32, #tpu.memory_space<vmem>>, vector<16xf32>,
        %parallel_loop3A_303 = arith.constant 1 : i32
        %parallel_loop3A_304 = arith.addi %parallel_loop3A_288, %parallel_loop3A_303 : i32
        %parallel_loop3A_305 = arith.index_cast %parallel_loop3A_304 : i32 to index
        %parallel_loop3A_306 = arith.constant 0 : index
        %parallel_loop3A_307 = tpu.vector_load %arg16[%parallel_loop3A_305, %parallel_loop3A_306] {strides = array<i32>} : memref<128x16xf32, #tpu.memory_space<vmem>>, vector<16xf32>,
        %parallel_loop3A_308 = vector.extract_strided_slice %parallel_loop3A_286 {offsets = [1], sizes = [1], strides = [1]} : vector<16xf32> to vector<1xf32>
        %parallel_loop3A_309 = vector.extract %parallel_loop3A_308[0] : f32 from vector<1xf32>
        %parallel_loop3A_310 = vector.broadcast %parallel_loop3A_309 : f32 to vector<16xf32>
        %parallel_loop3A_311 = arith.mulf %parallel_loop3A_307, %parallel_loop3A_310 : vector<16xf32>
        %parallel_loop3A_312 = arith.constant 1 : i32
        %parallel_loop3A_313 = arith.addi %parallel_loop3A_288, %parallel_loop3A_312 : i32
        %parallel_loop3A_314 = arith.index_cast %parallel_loop3A_313 : i32 to index
        %parallel_loop3A_315 = arith.constant 0 : index
        %parallel_loop3A_316 = tpu.vector_load %arg20[%parallel_loop3A_314, %parallel_loop3A_315] {strides = array<i32>} : memref<128x16xf32, #tpu.memory_space<vmem>>, vector<16xf32>,
        tpu.vector_store %arg20[%parallel_loop3A_314, %parallel_loop3A_315], %parallel_loop3A_311 {strides = array<i32>} : memref<128x16xf32, #tpu.memory_space<vmem>>, vector<16xf32>,
        %parallel_loop3A_317 = arith.constant 2 : i32
        %parallel_loop3A_318 = arith.addi %parallel_loop3A_288, %parallel_loop3A_317 : i32
        %parallel_loop3A_319 = arith.index_cast %parallel_loop3A_318 : i32 to index
        %parallel_loop3A_320 = arith.constant 0 : index
        %parallel_loop3A_321 = tpu.vector_load %arg16[%parallel_loop3A_319, %parallel_loop3A_320] {strides = array<i32>} : memref<128x16xf32, #tpu.memory_space<vmem>>, vector<16xf32>,
        %parallel_loop3A_322 = vector.extract_strided_slice %parallel_loop3A_286 {offsets = [2], sizes = [1], strides = [1]} : vector<16xf32> to vector<1xf32>
        %parallel_loop3A_323 = vector.extract %parallel_loop3A_322[0] : f32 from vector<1xf32>
        %parallel_loop3A_324 = vector.broadcast %parallel_loop3A_323 : f32 to vector<16xf32>
        %parallel_loop3A_325 = arith.mulf %parallel_loop3A_321, %parallel_loop3A_324 : vector<16xf32>
        %parallel_loop3A_326 = arith.constant 2 : i32
        %parallel_loop3A_327 = arith.addi %parallel_loop3A_288, %parallel_loop3A_326 : i32
        %parallel_loop3A_328 = arith.index_cast %parallel_loop3A_327 : i32 to index
        %parallel_loop3A_329 = arith.constant 0 : index
        %parallel_loop3A_330 = tpu.vector_load %arg20[%parallel_loop3A_328, %parallel_loop3A_329] {strides = array<i32>} : memref<128x16xf32, #tpu.memory_space<vmem>>, vector<16xf32>,
        tpu.vector_store %arg20[%parallel_loop3A_328, %parallel_loop3A_329], %parallel_loop3A_325 {strides = array<i32>} : memref<128x16xf32, #tpu.memory_space<vmem>>, vector<16xf32>,
        %parallel_loop3A_331 = arith.constant 3 : i32
        %parallel_loop3A_332 = arith.addi %parallel_loop3A_288, %parallel_loop3A_331 : i32
        %parallel_loop3A_333 = arith.index_cast %parallel_loop3A_332 : i32 to index
        %parallel_loop3A_334 = arith.constant 0 : index
        %parallel_loop3A_335 = tpu.vector_load %arg16[%parallel_loop3A_333, %parallel_loop3A_334] {strides = array<i32>} : memref<128x16xf32, #tpu.memory_space<vmem>>, vector<16xf32>,
        %parallel_loop3A_336 = vector.extract_strided_slice %parallel_loop3A_286 {offsets = [3], sizes = [1], strides = [1]} : vector<16xf32> to vector<1xf32>
        %parallel_loop3A_337 = vector.extract %parallel_loop3A_336[0] : f32 from vector<1xf32>
        %parallel_loop3A_338 = vector.broadcast %parallel_loop3A_337 : f32 to vector<16xf32>
        %parallel_loop3A_339 = arith.mulf %parallel_loop3A_335, %parallel_loop3A_338 : vector<16xf32>
        %parallel_loop3A_340 = arith.constant 3 : i32
        %parallel_loop3A_341 = arith.addi %parallel_loop3A_288, %parallel_loop3A_340 : i32
        %parallel_loop3A_342 = arith.index_cast %parallel_loop3A_341 : i32 to index
        %parallel_loop3A_343 = arith.constant 0 : index
        %parallel_loop3A_344 = tpu.vector_load %arg20[%parallel_loop3A_342, %parallel_loop3A_343] {strides = array<i32>} : memref<128x16xf32, #tpu.memory_space<vmem>>, vector<16xf32>,
        tpu.vector_store %arg20[%parallel_loop3A_342, %parallel_loop3A_343], %parallel_loop3A_339 {strides = array<i32>} : memref<128x16xf32, #tpu.memory_space<vmem>>, vector<16xf32>,
        %parallel_loop3A_345 = arith.constant 4 : i32
        %parallel_loop3A_346 = arith.addi %parallel_loop3A_288, %parallel_loop3A_345 : i32
        %parallel_loop3A_347 = arith.index_cast %parallel_loop3A_346 : i32 to index
        %parallel_loop3A_348 = arith.constant 0 : index
        %parallel_loop3A_349 = tpu.vector_load %arg16[%parallel_loop3A_347, %parallel_loop3A_348] {strides = array<i32>} : memref<128x16xf32, #tpu.memory_space<vmem>>, vector<16xf32>,
        %parallel_loop3A_350 = vector.extract_strided_slice %parallel_loop3A_286 {offsets = [4], sizes = [1], strides = [1]} : vector<16xf32> to vector<1xf32>
        %parallel_loop3A_351 = vector.extract %parallel_loop3A_350[0] : f32 from vector<1xf32>
        %parallel_loop3A_352 = vector.broadcast %parallel_loop3A_351 : f32 to vector<16xf32>
        %parallel_loop3A_353 = arith.mulf %parallel_loop3A_349, %parallel_loop3A_352 : vector<16xf32>
        %parallel_loop3A_354 = arith.constant 4 : i32
        %parallel_loop3A_355 = arith.addi %parallel_loop3A_288, %parallel_loop3A_354 : i32
        %parallel_loop3A_356 = arith.index_cast %parallel_loop3A_355 : i32 to index
        %parallel_loop3A_357 = arith.constant 0 : index
        %parallel_loop3A_358 = tpu.vector_load %arg20[%parallel_loop3A_356, %parallel_loop3A_357] {strides = array<i32>} : memref<128x16xf32, #tpu.memory_space<vmem>>, vector<16xf32>,
        tpu.vector_store %arg20[%parallel_loop3A_356, %parallel_loop3A_357], %parallel_loop3A_353 {strides = array<i32>} : memref<128x16xf32, #tpu.memory_space<vmem>>, vector<16xf32>,
        %parallel_loop3A_359 = arith.constant 5 : i32
        %parallel_loop3A_360 = arith.addi %parallel_loop3A_288, %parallel_loop3A_359 : i32
        %parallel_loop3A_361 = arith.index_cast %parallel_loop3A_360 : i32 to index
        %parallel_loop3A_362 = arith.constant 0 : index
        %parallel_loop3A_363 = tpu.vector_load %arg16[%parallel_loop3A_361, %parallel_loop3A_362] {strides = array<i32>} : memref<128x16xf32, #tpu.memory_space<vmem>>, vector<16xf32>,
        %parallel_loop3A_364 = vector.extract_strided_slice %parallel_loop3A_286 {offsets = [5], sizes = [1], strides = [1]} : vector<16xf32> to vector<1xf32>
        %parallel_loop3A_365 = vector.extract %parallel_loop3A_364[0] : f32 from vector<1xf32>
        %parallel_loop3A_366 = vector.broadcast %parallel_loop3A_365 : f32 to vector<16xf32>
        %parallel_loop3A_367 = arith.mulf %parallel_loop3A_363, %parallel_loop3A_366 : vector<16xf32>
        %parallel_loop3A_368 = arith.constant 5 : i32
        %parallel_loop3A_369 = arith.addi %parallel_loop3A_288, %parallel_loop3A_368 : i32
        %parallel_loop3A_370 = arith.index_cast %parallel_loop3A_369 : i32 to index
        %parallel_loop3A_371 = arith.constant 0 : index
        %parallel_loop3A_372 = tpu.vector_load %arg20[%parallel_loop3A_370, %parallel_loop3A_371] {strides = array<i32>} : memref<128x16xf32, #tpu.memory_space<vmem>>, vector<16xf32>,
        tpu.vector_store %arg20[%parallel_loop3A_370, %parallel_loop3A_371], %parallel_loop3A_367 {strides = array<i32>} : memref<128x16xf32, #tpu.memory_space<vmem>>, vector<16xf32>,
        %parallel_loop3A_373 = arith.constant 6 : i32
        %parallel_loop3A_374 = arith.addi %parallel_loop3A_288, %parallel_loop3A_373 : i32
        %parallel_loop3A_375 = arith.index_cast %parallel_loop3A_374 : i32 to index
        %parallel_loop3A_376 = arith.constant 0 : index
        %parallel_loop3A_377 = tpu.vector_load %arg16[%parallel_loop3A_375, %parallel_loop3A_376] {strides = array<i32>} : memref<128x16xf32, #tpu.memory_space<vmem>>, vector<16xf32>,
        %parallel_loop3A_378 = vector.extract_strided_slice %parallel_loop3A_286 {offsets = [6], sizes = [1], strides = [1]} : vector<16xf32> to vector<1xf32>
        %parallel_loop3A_379 = vector.extract %parallel_loop3A_378[0] : f32 from vector<1xf32>
        %parallel_loop3A_380 = vector.broadcast %parallel_loop3A_379 : f32 to vector<16xf32>
        %parallel_loop3A_381 = arith.mulf %parallel_loop3A_377, %parallel_loop3A_380 : vector<16xf32>
        %parallel_loop3A_382 = arith.constant 6 : i32
        %parallel_loop3A_383 = arith.addi %parallel_loop3A_288, %parallel_loop3A_382 : i32
        %parallel_loop3A_384 = arith.index_cast %parallel_loop3A_383 : i32 to index
        %parallel_loop3A_385 = arith.constant 0 : index
        %parallel_loop3A_386 = tpu.vector_load %arg20[%parallel_loop3A_384, %parallel_loop3A_385] {strides = array<i32>} : memref<128x16xf32, #tpu.memory_space<vmem>>, vector<16xf32>,
        tpu.vector_store %arg20[%parallel_loop3A_384, %parallel_loop3A_385], %parallel_loop3A_381 {strides = array<i32>} : memref<128x16xf32, #tpu.memory_space<vmem>>, vector<16xf32>,
        %parallel_loop3A_387 = arith.constant 7 : i32
        %parallel_loop3A_388 = arith.addi %parallel_loop3A_288, %parallel_loop3A_387 : i32
        %parallel_loop3A_389 = arith.index_cast %parallel_loop3A_388 : i32 to index
        %parallel_loop3A_390 = arith.constant 0 : index
        %parallel_loop3A_391 = tpu.vector_load %arg16[%parallel_loop3A_389, %parallel_loop3A_390] {strides = array<i32>} : memref<128x16xf32, #tpu.memory_space<vmem>>, vector<16xf32>,
        %parallel_loop3A_392 = vector.extract_strided_slice %parallel_loop3A_286 {offsets = [7], sizes = [1], strides = [1]} : vector<16xf32> to vector<1xf32>
        %parallel_loop3A_393 = vector.extract %parallel_loop3A_392[0] : f32 from vector<1xf32>
        %parallel_loop3A_394 = vector.broadcast %parallel_loop3A_393 : f32 to vector<16xf32>
        %parallel_loop3A_395 = arith.mulf %parallel_loop3A_391, %parallel_loop3A_394 : vector<16xf32>
        %parallel_loop3A_396 = arith.constant 7 : i32
        %parallel_loop3A_397 = arith.addi %parallel_loop3A_288, %parallel_loop3A_396 : i32
        %parallel_loop3A_398 = arith.index_cast %parallel_loop3A_397 : i32 to index
        %parallel_loop3A_399 = arith.constant 0 : index
        %parallel_loop3A_400 = tpu.vector_load %arg20[%parallel_loop3A_398, %parallel_loop3A_399] {strides = array<i32>} : memref<128x16xf32, #tpu.memory_space<vmem>>, vector<16xf32>,
        tpu.vector_store %arg20[%parallel_loop3A_398, %parallel_loop3A_399], %parallel_loop3A_395 {strides = array<i32>} : memref<128x16xf32, #tpu.memory_space<vmem>>, vector<16xf32>,
        %parallel_loop3A_401 = arith.constant 8 : i32
        %parallel_loop3A_402 = arith.addi %parallel_loop3A_288, %parallel_loop3A_401 : i32
        %parallel_loop3A_403 = arith.index_cast %parallel_loop3A_402 : i32 to index
        %parallel_loop3A_404 = arith.constant 0 : index
        %parallel_loop3A_405 = tpu.vector_load %arg16[%parallel_loop3A_403, %parallel_loop3A_404] {strides = array<i32>} : memref<128x16xf32, #tpu.memory_space<vmem>>, vector<16xf32>,
        %parallel_loop3A_406 = vector.extract_strided_slice %parallel_loop3A_286 {offsets = [8], sizes = [1], strides = [1]} : vector<16xf32> to vector<1xf32>
        %parallel_loop3A_407 = vector.extract %parallel_loop3A_406[0] : f32 from vector<1xf32>
        %parallel_loop3A_408 = vector.broadcast %parallel_loop3A_407 : f32 to vector<16xf32>
        %parallel_loop3A_409 = arith.mulf %parallel_loop3A_405, %parallel_loop3A_408 : vector<16xf32>
        %parallel_loop3A_410 = arith.constant 8 : i32
        %parallel_loop3A_411 = arith.addi %parallel_loop3A_288, %parallel_loop3A_410 : i32
        %parallel_loop3A_412 = arith.index_cast %parallel_loop3A_411 : i32 to index
        %parallel_loop3A_413 = arith.constant 0 : index
        %parallel_loop3A_414 = tpu.vector_load %arg20[%parallel_loop3A_412, %parallel_loop3A_413] {strides = array<i32>} : memref<128x16xf32, #tpu.memory_space<vmem>>, vector<16xf32>,
        tpu.vector_store %arg20[%parallel_loop3A_412, %parallel_loop3A_413], %parallel_loop3A_409 {strides = array<i32>} : memref<128x16xf32, #tpu.memory_space<vmem>>, vector<16xf32>,
        %parallel_loop3A_415 = arith.constant 9 : i32
        %parallel_loop3A_416 = arith.addi %parallel_loop3A_288, %parallel_loop3A_415 : i32
        %parallel_loop3A_417 = arith.index_cast %parallel_loop3A_416 : i32 to index
        %parallel_loop3A_418 = arith.constant 0 : index
        %parallel_loop3A_419 = tpu.vector_load %arg16[%parallel_loop3A_417, %parallel_loop3A_418] {strides = array<i32>} : memref<128x16xf32, #tpu.memory_space<vmem>>, vector<16xf32>,
        %parallel_loop3A_420 = vector.extract_strided_slice %parallel_loop3A_286 {offsets = [9], sizes = [1], strides = [1]} : vector<16xf32> to vector<1xf32>
        %parallel_loop3A_421 = vector.extract %parallel_loop3A_420[0] : f32 from vector<1xf32>
        %parallel_loop3A_422 = vector.broadcast %parallel_loop3A_421 : f32 to vector<16xf32>
        %parallel_loop3A_423 = arith.mulf %parallel_loop3A_419, %parallel_loop3A_422 : vector<16xf32>
        %parallel_loop3A_424 = arith.constant 9 : i32
        %parallel_loop3A_425 = arith.addi %parallel_loop3A_288, %parallel_loop3A_424 : i32
        %parallel_loop3A_426 = arith.index_cast %parallel_loop3A_425 : i32 to index
        %parallel_loop3A_427 = arith.constant 0 : index
        %parallel_loop3A_428 = tpu.vector_load %arg20[%parallel_loop3A_426, %parallel_loop3A_427] {strides = array<i32>} : memref<128x16xf32, #tpu.memory_space<vmem>>, vector<16xf32>,
        tpu.vector_store %arg20[%parallel_loop3A_426, %parallel_loop3A_427], %parallel_loop3A_423 {strides = array<i32>} : memref<128x16xf32, #tpu.memory_space<vmem>>, vector<16xf32>,
        %parallel_loop3A_429 = arith.constant 10 : i32
        %parallel_loop3A_430 = arith.addi %parallel_loop3A_288, %parallel_loop3A_429 : i32
        %parallel_loop3A_431 = arith.index_cast %parallel_loop3A_430 : i32 to index
        %parallel_loop3A_432 = arith.constant 0 : index
        %parallel_loop3A_433 = tpu.vector_load %arg16[%parallel_loop3A_431, %parallel_loop3A_432] {strides = array<i32>} : memref<128x16xf32, #tpu.memory_space<vmem>>, vector<16xf32>,
        %parallel_loop3A_434 = vector.extract_strided_slice %parallel_loop3A_286 {offsets = [10], sizes = [1], strides = [1]} : vector<16xf32> to vector<1xf32>
        %parallel_loop3A_435 = vector.extract %parallel_loop3A_434[0] : f32 from vector<1xf32>
        %parallel_loop3A_436 = vector.broadcast %parallel_loop3A_435 : f32 to vector<16xf32>
        %parallel_loop3A_437 = arith.mulf %parallel_loop3A_433, %parallel_loop3A_436 : vector<16xf32>
        %parallel_loop3A_438 = arith.constant 10 : i32
        %parallel_loop3A_439 = arith.addi %parallel_loop3A_288, %parallel_loop3A_438 : i32
        %parallel_loop3A_440 = arith.index_cast %parallel_loop3A_439 : i32 to index
        %parallel_loop3A_441 = arith.constant 0 : index
        %parallel_loop3A_442 = tpu.vector_load %arg20[%parallel_loop3A_440, %parallel_loop3A_441] {strides = array<i32>} : memref<128x16xf32, #tpu.memory_space<vmem>>, vector<16xf32>,
        tpu.vector_store %arg20[%parallel_loop3A_440, %parallel_loop3A_441], %parallel_loop3A_437 {strides = array<i32>} : memref<128x16xf32, #tpu.memory_space<vmem>>, vector<16xf32>,
        %parallel_loop3A_443 = arith.constant 11 : i32
        %parallel_loop3A_444 = arith.addi %parallel_loop3A_288, %parallel_loop3A_443 : i32
        %parallel_loop3A_445 = arith.index_cast %parallel_loop3A_444 : i32 to index
        %parallel_loop3A_446 = arith.constant 0 : index
        %parallel_loop3A_447 = tpu.vector_load %arg16[%parallel_loop3A_445, %parallel_loop3A_446] {strides = array<i32>} : memref<128x16xf32, #tpu.memory_space<vmem>>, vector<16xf32>,
        %parallel_loop3A_448 = vector.extract_strided_slice %parallel_loop3A_286 {offsets = [11], sizes = [1], strides = [1]} : vector<16xf32> to vector<1xf32>
        %parallel_loop3A_449 = vector.extract %parallel_loop3A_448[0] : f32 from vector<1xf32>
        %parallel_loop3A_450 = vector.broadcast %parallel_loop3A_449 : f32 to vector<16xf32>
        %parallel_loop3A_451 = arith.mulf %parallel_loop3A_447, %parallel_loop3A_450 : vector<16xf32>
        %parallel_loop3A_452 = arith.constant 11 : i32
        %parallel_loop3A_453 = arith.addi %parallel_loop3A_288, %parallel_loop3A_452 : i32
        %parallel_loop3A_454 = arith.index_cast %parallel_loop3A_453 : i32 to index
        %parallel_loop3A_455 = arith.constant 0 : index
        %parallel_loop3A_456 = tpu.vector_load %arg20[%parallel_loop3A_454, %parallel_loop3A_455] {strides = array<i32>} : memref<128x16xf32, #tpu.memory_space<vmem>>, vector<16xf32>,
        tpu.vector_store %arg20[%parallel_loop3A_454, %parallel_loop3A_455], %parallel_loop3A_451 {strides = array<i32>} : memref<128x16xf32, #tpu.memory_space<vmem>>, vector<16xf32>,
        %parallel_loop3A_457 = arith.constant 12 : i32
        %parallel_loop3A_458 = arith.addi %parallel_loop3A_288, %parallel_loop3A_457 : i32
        %parallel_loop3A_459 = arith.index_cast %parallel_loop3A_458 : i32 to index
        %parallel_loop3A_460 = arith.constant 0 : index
        %parallel_loop3A_461 = tpu.vector_load %arg16[%parallel_loop3A_459, %parallel_loop3A_460] {strides = array<i32>} : memref<128x16xf32, #tpu.memory_space<vmem>>, vector<16xf32>,
        %parallel_loop3A_462 = vector.extract_strided_slice %parallel_loop3A_286 {offsets = [12], sizes = [1], strides = [1]} : vector<16xf32> to vector<1xf32>
        %parallel_loop3A_463 = vector.extract %parallel_loop3A_462[0] : f32 from vector<1xf32>
        %parallel_loop3A_464 = vector.broadcast %parallel_loop3A_463 : f32 to vector<16xf32>
        %parallel_loop3A_465 = arith.mulf %parallel_loop3A_461, %parallel_loop3A_464 : vector<16xf32>
        %parallel_loop3A_466 = arith.constant 12 : i32
        %parallel_loop3A_467 = arith.addi %parallel_loop3A_288, %parallel_loop3A_466 : i32
        %parallel_loop3A_468 = arith.index_cast %parallel_loop3A_467 : i32 to index
        %parallel_loop3A_469 = arith.constant 0 : index
        %parallel_loop3A_470 = tpu.vector_load %arg20[%parallel_loop3A_468, %parallel_loop3A_469] {strides = array<i32>} : memref<128x16xf32, #tpu.memory_space<vmem>>, vector<16xf32>,
        tpu.vector_store %arg20[%parallel_loop3A_468, %parallel_loop3A_469], %parallel_loop3A_465 {strides = array<i32>} : memref<128x16xf32, #tpu.memory_space<vmem>>, vector<16xf32>,
        %parallel_loop3A_471 = arith.constant 13 : i32
        %parallel_loop3A_472 = arith.addi %parallel_loop3A_288, %parallel_loop3A_471 : i32
        %parallel_loop3A_473 = arith.index_cast %parallel_loop3A_472 : i32 to index
        %parallel_loop3A_474 = arith.constant 0 : index
        %parallel_loop3A_475 = tpu.vector_load %arg16[%parallel_loop3A_473, %parallel_loop3A_474] {strides = array<i32>} : memref<128x16xf32, #tpu.memory_space<vmem>>, vector<16xf32>,
        %parallel_loop3A_476 = vector.extract_strided_slice %parallel_loop3A_286 {offsets = [13], sizes = [1], strides = [1]} : vector<16xf32> to vector<1xf32>
        %parallel_loop3A_477 = vector.extract %parallel_loop3A_476[0] : f32 from vector<1xf32>
        %parallel_loop3A_478 = vector.broadcast %parallel_loop3A_477 : f32 to vector<16xf32>
        %parallel_loop3A_479 = arith.mulf %parallel_loop3A_475, %parallel_loop3A_478 : vector<16xf32>
        %parallel_loop3A_480 = arith.constant 13 : i32
        %parallel_loop3A_481 = arith.addi %parallel_loop3A_288, %parallel_loop3A_480 : i32
        %parallel_loop3A_482 = arith.index_cast %parallel_loop3A_481 : i32 to index
        %parallel_loop3A_483 = arith.constant 0 : index
        %parallel_loop3A_484 = tpu.vector_load %arg20[%parallel_loop3A_482, %parallel_loop3A_483] {strides = array<i32>} : memref<128x16xf32, #tpu.memory_space<vmem>>, vector<16xf32>,
        tpu.vector_store %arg20[%parallel_loop3A_482, %parallel_loop3A_483], %parallel_loop3A_479 {strides = array<i32>} : memref<128x16xf32, #tpu.memory_space<vmem>>, vector<16xf32>,
        %parallel_loop3A_485 = arith.constant 14 : i32
        %parallel_loop3A_486 = arith.addi %parallel_loop3A_288, %parallel_loop3A_485 : i32
        %parallel_loop3A_487 = arith.index_cast %parallel_loop3A_486 : i32 to index
        %parallel_loop3A_488 = arith.constant 0 : index
        %parallel_loop3A_489 = tpu.vector_load %arg16[%parallel_loop3A_487, %parallel_loop3A_488] {strides = array<i32>} : memref<128x16xf32, #tpu.memory_space<vmem>>, vector<16xf32>,
        %parallel_loop3A_490 = vector.extract_strided_slice %parallel_loop3A_286 {offsets = [14], sizes = [1], strides = [1]} : vector<16xf32> to vector<1xf32>
        %parallel_loop3A_491 = vector.extract %parallel_loop3A_490[0] : f32 from vector<1xf32>
        %parallel_loop3A_492 = vector.broadcast %parallel_loop3A_491 : f32 to vector<16xf32>
        %parallel_loop3A_493 = arith.mulf %parallel_loop3A_489, %parallel_loop3A_492 : vector<16xf32>
        %parallel_loop3A_494 = arith.constant 14 : i32
        %parallel_loop3A_495 = arith.addi %parallel_loop3A_288, %parallel_loop3A_494 : i32
        %parallel_loop3A_496 = arith.index_cast %parallel_loop3A_495 : i32 to index
        %parallel_loop3A_497 = arith.constant 0 : index
        %parallel_loop3A_498 = tpu.vector_load %arg20[%parallel_loop3A_496, %parallel_loop3A_497] {strides = array<i32>} : memref<128x16xf32, #tpu.memory_space<vmem>>, vector<16xf32>,
        tpu.vector_store %arg20[%parallel_loop3A_496, %parallel_loop3A_497], %parallel_loop3A_493 {strides = array<i32>} : memref<128x16xf32, #tpu.memory_space<vmem>>, vector<16xf32>,
        %parallel_loop3A_499 = arith.constant 15 : i32
        %parallel_loop3A_500 = arith.addi %parallel_loop3A_288, %parallel_loop3A_499 : i32
        %parallel_loop3A_501 = arith.index_cast %parallel_loop3A_500 : i32 to index
        %parallel_loop3A_502 = arith.constant 0 : index
        %parallel_loop3A_503 = tpu.vector_load %arg16[%parallel_loop3A_501, %parallel_loop3A_502] {strides = array<i32>} : memref<128x16xf32, #tpu.memory_space<vmem>>, vector<16xf32>,
        %parallel_loop3A_504 = vector.extract_strided_slice %parallel_loop3A_286 {offsets = [15], sizes = [1], strides = [1]} : vector<16xf32> to vector<1xf32>
        %parallel_loop3A_505 = vector.extract %parallel_loop3A_504[0] : f32 from vector<1xf32>
        %parallel_loop3A_506 = vector.broadcast %parallel_loop3A_505 : f32 to vector<16xf32>
        %parallel_loop3A_507 = arith.mulf %parallel_loop3A_503, %parallel_loop3A_506 : vector<16xf32>
        %parallel_loop3A_508 = arith.constant 15 : i32
        %parallel_loop3A_509 = arith.addi %parallel_loop3A_288, %parallel_loop3A_508 : i32
        %parallel_loop3A_510 = arith.index_cast %parallel_loop3A_509 : i32 to index
        %parallel_loop3A_511 = arith.constant 0 : index
        %parallel_loop3A_512 = tpu.vector_load %arg20[%parallel_loop3A_510, %parallel_loop3A_511] {strides = array<i32>} : memref<128x16xf32, #tpu.memory_space<vmem>>, vector<16xf32>,
        tpu.vector_store %arg20[%parallel_loop3A_510, %parallel_loop3A_511], %parallel_loop3A_507 {strides = array<i32>} : memref<128x16xf32, #tpu.memory_space<vmem>>, vector<16xf32>,
      } {sc.loop_unroll_factor = 4 : i64, sc.parallel_access}
      %dma_start3A_223 = arith.constant 0 : i32
      %dma_start3A_224 = tpu.memref_slice %arg12[%add3A_209, %dma_start3A_223] : memref<80x128xi32, #tpu.memory_space<vmem>> -> memref<1x128xi32, #tpu.memory_space<vmem>>
      %dma_start3A_225 = tpu.memref_squeeze %dma_start3A_224 : memref<1x128xi32, #tpu.memory_space<vmem>> -> memref<128xi32, #tpu.memory_space<vmem>>
      %dma_start3A_226 = arith.constant 0 : i32
      %dma_start3A_227 = arith.constant 0 : i32
      %dma_start3A_228 = tpu.memref_slice %arg23[%dma_start3A_226, %dma_start3A_227] : memref<10240x16xf32, #tpu.memory_space<vmem_shared>> -> memref<10240x16xf32, #tpu.memory_space<vmem_shared>>
      tpu.enqueue_indirect_dma source(%arg20 : memref<128x16xf32, #tpu.memory_space<vmem>>) target(%dma_start3A_228 : memref<10240x16xf32, #tpu.memory_space<vmem_shared>>) offsets(%dma_start3A_225 : memref<128xi32, #tpu.memory_space<vmem>>) semaphore(%arg30 : memref<!tpu.dma_semaphore, #tpu.memory_space<semaphore_mem>>) {add = true}
      %add3A_229 = arith.constant 4 : i32
      %add3A_230 = arith.addi %add3A_209, %add3A_229 : i32
      %lt3A_231 = arith.constant 80 : i32
      %lt3A_232 = arith.cmpi slt, %add3A_230, %lt3A_231 : i32
      %convert_element_type3A_233 = arith.extui %lt3A_232 : i1 to i32
      %cond3A_234 = arith.constant 0 : i32
      %cond3A_235 = arith.cmpi ne, %convert_element_type3A_233, %cond3A_234 : i32
      scf.if %cond3A_235 {
        %add3A_266 = arith.constant 4 : i32
        %add3A_267 = arith.addi %add3A_209, %add3A_266 : i32
        %mul3A_268 = arith.constant 128 : i32
        %mul3A_269 = arith.muli %add3A_267, %mul3A_268 : i32
        %dma_start3A_270 = tpu.memref_slice %arg10[%mul3A_269] : memref<10240xi32, #tpu.memory_space<vmem>> -> memref<128xi32, #tpu.memory_space<vmem>>
        %dma_start3A_271 = arith.constant 0 : i32
        %dma_start3A_272 = arith.constant 0 : i32
        %dma_start3A_273 = tpu.memref_slice %arg3[%dma_start3A_271, %dma_start3A_272] : memref<10240x16xf32, #tpu.memory_space<hbm>> -> memref<10240x16xf32, #tpu.memory_space<hbm>>
        tpu.enqueue_indirect_dma source(%dma_start3A_273 : memref<10240x16xf32, #tpu.memory_space<hbm>>) target(%arg16 : memref<128x16xf32, #tpu.memory_space<vmem>>) offsets(%dma_start3A_270 : memref<128xi32, #tpu.memory_space<vmem>>) semaphore(%arg26 : memref<!tpu.dma_semaphore, #tpu.memory_space<semaphore_mem>>)
      } else {
      }
      %mul3A_236 = arith.constant 4 : i32
      %mul3A_237 = arith.muli %scan3A_150, %mul3A_236 : i32
      %add3A_238 = arith.constant 3 : i32
      %add3A_239 = arith.addi %mul3A_237, %add3A_238 : i32
      %dma_wait3A_240 = arith.constant 0 : i32
      %dma_wait3A_241 = tpu.memref_slice %arg10[%dma_wait3A_240] : memref<10240xi32, #tpu.memory_space<vmem>> -> memref<128xi32, #tpu.memory_space<vmem>>
      %dma_wait3A_242 = arith.constant 0 : i32
      %dma_wait3A_243 = arith.constant 0 : i32
      %dma_wait3A_244 = tpu.memref_slice %arg3[%dma_wait3A_242, %dma_wait3A_243] : memref<10240x16xf32, #tpu.memory_space<hbm>> -> memref<10240x16xf32, #tpu.memory_space<hbm>>
      tpu.wait_indirect_dma semaphore(%arg27 : memref<!tpu.dma_semaphore, #tpu.memory_space<semaphore_mem>>) src(%dma_wait3A_244 : memref<10240x16xf32, #tpu.memory_space<hbm>>) dst(%arg17 : memref<128x16xf32, #tpu.memory_space<vmem>>)
      %gt3A_245 = arith.constant 0 : i32
      %gt3A_246 = arith.cmpi sgt, %scan3A_150, %gt3A_245 : i32
      %convert_element_type3A_247 = arith.extui %gt3A_246 : i1 to i32
      %cond3A_248 = arith.constant 0 : i32
      %cond3A_249 = arith.cmpi ne, %convert_element_type3A_247, %cond3A_248 : i32
      scf.if %cond3A_249 {
        %dma_wait3A_266 = arith.constant 0 : i32
        %dma_wait3A_267 = tpu.memref_slice %arg12[%add3A_239, %dma_wait3A_266] : memref<80x128xi32, #tpu.memory_space<vmem>> -> memref<1x128xi32, #tpu.memory_space<vmem>>
        %dma_wait3A_268 = tpu.memref_squeeze %dma_wait3A_267 : memref<1x128xi32, #tpu.memory_space<vmem>> -> memref<128xi32, #tpu.memory_space<vmem>>
        %dma_wait3A_269 = arith.constant 0 : i32
        %dma_wait3A_270 = arith.constant 0 : i32
        %dma_wait3A_271 = tpu.memref_slice %arg23[%dma_wait3A_269, %dma_wait3A_270] : memref<10240x16xf32, #tpu.memory_space<vmem_shared>> -> memref<10240x16xf32, #tpu.memory_space<vmem_shared>>
        tpu.wait_indirect_dma semaphore(%arg31 : memref<!tpu.dma_semaphore, #tpu.memory_space<semaphore_mem>>) src(%arg21 : memref<128x16xf32, #tpu.memory_space<vmem>>) dst(%dma_wait3A_271 : memref<10240x16xf32, #tpu.memory_space<vmem_shared>>)
      } else {
      }
      %parallel_loop3A_250 = arith.constant 0 : i32
      %parallel_loop3A_251 = arith.constant 8 : i32
      %parallel_loop3A_252 = arith.constant 1 : i32
      scf.for %parallel_loop3A_266 = %parallel_loop3A_250 to %parallel_loop3A_251 step %parallel_loop3A_252  : i32 {
        %parallel_loop3A_267 = arith.constant 128 : i32
        %parallel_loop3A_268 = arith.muli %add3A_239, %parallel_loop3A_267 : i32
        %parallel_loop3A_269 = arith.constant 16 : i32
        %parallel_loop3A_270 = arith.muli %parallel_loop3A_266, %parallel_loop3A_269 : i32
        %parallel_loop3A_271 = arith.addi %parallel_loop3A_268, %parallel_loop3A_270 : i32
        %parallel_loop3A_272 = arith.index_cast %parallel_loop3A_271 : i32 to index
        %parallel_loop3A_273 = tpu.vector_load %arg10[%parallel_loop3A_272] {strides = array<i32>} : memref<10240xi32, #tpu.memory_space<vmem>>, vector<16xi32>,
        %parallel_loop3A_274 = arith.index_cast %parallel_loop3A_271 : i32 to index
        %parallel_loop3A_275 = tpu.vector_load %arg11[%parallel_loop3A_274] {strides = array<i32>} : memref<10240xi32, #tpu.memory_space<vmem>>, vector<16xi32>,
        %parallel_loop3A_276 = tpu.vector_load_idx %arg8[%parallel_loop3A_273] : memref<10240xf32, #tpu.memory_space<vmem>>[vector<16xi32>], vector<16xf32>,
        %parallel_loop3A_277 = tpu.vector_load_idx %arg9[%parallel_loop3A_275] : memref<10240xf32, #tpu.memory_space<vmem>>[vector<16xi32>], vector<16xf32>,
        %parallel_loop3A_278 = arith.addf %parallel_loop3A_276, %parallel_loop3A_277 : vector<16xf32>
        %parallel_loop3A_279 = arith.constant 0.000000e+00 : f32
        %parallel_loop3A_280 = vector.broadcast %parallel_loop3A_279 : f32 to vector<16xf32>
        %parallel_loop3A_281 = arith.cmpf ogt, %parallel_loop3A_278, %parallel_loop3A_280 : vector<16xf32>
        %parallel_loop3A_282 = arith.constant 0.00999999977 : f32
        %parallel_loop3A_283 = vector.broadcast %parallel_loop3A_282 : f32 to vector<16xf32>
        %parallel_loop3A_284 = arith.mulf %parallel_loop3A_278, %parallel_loop3A_283 : vector<16xf32>
        %parallel_loop3A_285 = arith.select %parallel_loop3A_281, %parallel_loop3A_278, %parallel_loop3A_284 : vector<16xi1>, vector<16xf32>
        %parallel_loop3A_286 = math.exp %parallel_loop3A_285 : vector<16xf32>
        tpu.vector_store_idx %arg13[%parallel_loop3A_275], %parallel_loop3A_286 {add = true} : memref<10240xf32, #tpu.memory_space<vmem>>[vector<16xi32>], vector<16xf32>,
        %parallel_loop3A_287 = arith.constant 16 : i32
        %parallel_loop3A_288 = arith.muli %parallel_loop3A_266, %parallel_loop3A_287 : i32
        %parallel_loop3A_289 = arith.constant 0 : i32
        %parallel_loop3A_290 = arith.addi %parallel_loop3A_288, %parallel_loop3A_289 : i32
        %parallel_loop3A_291 = arith.index_cast %parallel_loop3A_290 : i32 to index
        %parallel_loop3A_292 = arith.constant 0 : index
        %parallel_loop3A_293 = tpu.vector_load %arg17[%parallel_loop3A_291, %parallel_loop3A_292] {strides = array<i32>} : memref<128x16xf32, #tpu.memory_space<vmem>>, vector<16xf32>,
        %parallel_loop3A_294 = vector.extract_strided_slice %parallel_loop3A_286 {offsets = [0], sizes = [1], strides = [1]} : vector<16xf32> to vector<1xf32>
        %parallel_loop3A_295 = vector.extract %parallel_loop3A_294[0] : f32 from vector<1xf32>
        %parallel_loop3A_296 = vector.broadcast %parallel_loop3A_295 : f32 to vector<16xf32>
        %parallel_loop3A_297 = arith.mulf %parallel_loop3A_293, %parallel_loop3A_296 : vector<16xf32>
        %parallel_loop3A_298 = arith.constant 0 : i32
        %parallel_loop3A_299 = arith.addi %parallel_loop3A_288, %parallel_loop3A_298 : i32
        %parallel_loop3A_300 = arith.index_cast %parallel_loop3A_299 : i32 to index
        %parallel_loop3A_301 = arith.constant 0 : index
        %parallel_loop3A_302 = tpu.vector_load %arg21[%parallel_loop3A_300, %parallel_loop3A_301] {strides = array<i32>} : memref<128x16xf32, #tpu.memory_space<vmem>>, vector<16xf32>,
        tpu.vector_store %arg21[%parallel_loop3A_300, %parallel_loop3A_301], %parallel_loop3A_297 {strides = array<i32>} : memref<128x16xf32, #tpu.memory_space<vmem>>, vector<16xf32>,
        %parallel_loop3A_303 = arith.constant 1 : i32
        %parallel_loop3A_304 = arith.addi %parallel_loop3A_288, %parallel_loop3A_303 : i32
        %parallel_loop3A_305 = arith.index_cast %parallel_loop3A_304 : i32 to index
        %parallel_loop3A_306 = arith.constant 0 : index
        %parallel_loop3A_307 = tpu.vector_load %arg17[%parallel_loop3A_305, %parallel_loop3A_306] {strides = array<i32>} : memref<128x16xf32, #tpu.memory_space<vmem>>, vector<16xf32>,
        %parallel_loop3A_308 = vector.extract_strided_slice %parallel_loop3A_286 {offsets = [1], sizes = [1], strides = [1]} : vector<16xf32> to vector<1xf32>
        %parallel_loop3A_309 = vector.extract %parallel_loop3A_308[0] : f32 from vector<1xf32>
        %parallel_loop3A_310 = vector.broadcast %parallel_loop3A_309 : f32 to vector<16xf32>
        %parallel_loop3A_311 = arith.mulf %parallel_loop3A_307, %parallel_loop3A_310 : vector<16xf32>
        %parallel_loop3A_312 = arith.constant 1 : i32
        %parallel_loop3A_313 = arith.addi %parallel_loop3A_288, %parallel_loop3A_312 : i32
        %parallel_loop3A_314 = arith.index_cast %parallel_loop3A_313 : i32 to index
        %parallel_loop3A_315 = arith.constant 0 : index
        %parallel_loop3A_316 = tpu.vector_load %arg21[%parallel_loop3A_314, %parallel_loop3A_315] {strides = array<i32>} : memref<128x16xf32, #tpu.memory_space<vmem>>, vector<16xf32>,
        tpu.vector_store %arg21[%parallel_loop3A_314, %parallel_loop3A_315], %parallel_loop3A_311 {strides = array<i32>} : memref<128x16xf32, #tpu.memory_space<vmem>>, vector<16xf32>,
        %parallel_loop3A_317 = arith.constant 2 : i32
        %parallel_loop3A_318 = arith.addi %parallel_loop3A_288, %parallel_loop3A_317 : i32
        %parallel_loop3A_319 = arith.index_cast %parallel_loop3A_318 : i32 to index
        %parallel_loop3A_320 = arith.constant 0 : index
        %parallel_loop3A_321 = tpu.vector_load %arg17[%parallel_loop3A_319, %parallel_loop3A_320] {strides = array<i32>} : memref<128x16xf32, #tpu.memory_space<vmem>>, vector<16xf32>,
        %parallel_loop3A_322 = vector.extract_strided_slice %parallel_loop3A_286 {offsets = [2], sizes = [1], strides = [1]} : vector<16xf32> to vector<1xf32>
        %parallel_loop3A_323 = vector.extract %parallel_loop3A_322[0] : f32 from vector<1xf32>
        %parallel_loop3A_324 = vector.broadcast %parallel_loop3A_323 : f32 to vector<16xf32>
        %parallel_loop3A_325 = arith.mulf %parallel_loop3A_321, %parallel_loop3A_324 : vector<16xf32>
        %parallel_loop3A_326 = arith.constant 2 : i32
        %parallel_loop3A_327 = arith.addi %parallel_loop3A_288, %parallel_loop3A_326 : i32
        %parallel_loop3A_328 = arith.index_cast %parallel_loop3A_327 : i32 to index
        %parallel_loop3A_329 = arith.constant 0 : index
        %parallel_loop3A_330 = tpu.vector_load %arg21[%parallel_loop3A_328, %parallel_loop3A_329] {strides = array<i32>} : memref<128x16xf32, #tpu.memory_space<vmem>>, vector<16xf32>,
        tpu.vector_store %arg21[%parallel_loop3A_328, %parallel_loop3A_329], %parallel_loop3A_325 {strides = array<i32>} : memref<128x16xf32, #tpu.memory_space<vmem>>, vector<16xf32>,
        %parallel_loop3A_331 = arith.constant 3 : i32
        %parallel_loop3A_332 = arith.addi %parallel_loop3A_288, %parallel_loop3A_331 : i32
        %parallel_loop3A_333 = arith.index_cast %parallel_loop3A_332 : i32 to index
        %parallel_loop3A_334 = arith.constant 0 : index
        %parallel_loop3A_335 = tpu.vector_load %arg17[%parallel_loop3A_333, %parallel_loop3A_334] {strides = array<i32>} : memref<128x16xf32, #tpu.memory_space<vmem>>, vector<16xf32>,
        %parallel_loop3A_336 = vector.extract_strided_slice %parallel_loop3A_286 {offsets = [3], sizes = [1], strides = [1]} : vector<16xf32> to vector<1xf32>
        %parallel_loop3A_337 = vector.extract %parallel_loop3A_336[0] : f32 from vector<1xf32>
        %parallel_loop3A_338 = vector.broadcast %parallel_loop3A_337 : f32 to vector<16xf32>
        %parallel_loop3A_339 = arith.mulf %parallel_loop3A_335, %parallel_loop3A_338 : vector<16xf32>
        %parallel_loop3A_340 = arith.constant 3 : i32
        %parallel_loop3A_341 = arith.addi %parallel_loop3A_288, %parallel_loop3A_340 : i32
        %parallel_loop3A_342 = arith.index_cast %parallel_loop3A_341 : i32 to index
        %parallel_loop3A_343 = arith.constant 0 : index
        %parallel_loop3A_344 = tpu.vector_load %arg21[%parallel_loop3A_342, %parallel_loop3A_343] {strides = array<i32>} : memref<128x16xf32, #tpu.memory_space<vmem>>, vector<16xf32>,
        tpu.vector_store %arg21[%parallel_loop3A_342, %parallel_loop3A_343], %parallel_loop3A_339 {strides = array<i32>} : memref<128x16xf32, #tpu.memory_space<vmem>>, vector<16xf32>,
        %parallel_loop3A_345 = arith.constant 4 : i32
        %parallel_loop3A_346 = arith.addi %parallel_loop3A_288, %parallel_loop3A_345 : i32
        %parallel_loop3A_347 = arith.index_cast %parallel_loop3A_346 : i32 to index
        %parallel_loop3A_348 = arith.constant 0 : index
        %parallel_loop3A_349 = tpu.vector_load %arg17[%parallel_loop3A_347, %parallel_loop3A_348] {strides = array<i32>} : memref<128x16xf32, #tpu.memory_space<vmem>>, vector<16xf32>,
        %parallel_loop3A_350 = vector.extract_strided_slice %parallel_loop3A_286 {offsets = [4], sizes = [1], strides = [1]} : vector<16xf32> to vector<1xf32>
        %parallel_loop3A_351 = vector.extract %parallel_loop3A_350[0] : f32 from vector<1xf32>
        %parallel_loop3A_352 = vector.broadcast %parallel_loop3A_351 : f32 to vector<16xf32>
        %parallel_loop3A_353 = arith.mulf %parallel_loop3A_349, %parallel_loop3A_352 : vector<16xf32>
        %parallel_loop3A_354 = arith.constant 4 : i32
        %parallel_loop3A_355 = arith.addi %parallel_loop3A_288, %parallel_loop3A_354 : i32
        %parallel_loop3A_356 = arith.index_cast %parallel_loop3A_355 : i32 to index
        %parallel_loop3A_357 = arith.constant 0 : index
        %parallel_loop3A_358 = tpu.vector_load %arg21[%parallel_loop3A_356, %parallel_loop3A_357] {strides = array<i32>} : memref<128x16xf32, #tpu.memory_space<vmem>>, vector<16xf32>,
        tpu.vector_store %arg21[%parallel_loop3A_356, %parallel_loop3A_357], %parallel_loop3A_353 {strides = array<i32>} : memref<128x16xf32, #tpu.memory_space<vmem>>, vector<16xf32>,
        %parallel_loop3A_359 = arith.constant 5 : i32
        %parallel_loop3A_360 = arith.addi %parallel_loop3A_288, %parallel_loop3A_359 : i32
        %parallel_loop3A_361 = arith.index_cast %parallel_loop3A_360 : i32 to index
        %parallel_loop3A_362 = arith.constant 0 : index
        %parallel_loop3A_363 = tpu.vector_load %arg17[%parallel_loop3A_361, %parallel_loop3A_362] {strides = array<i32>} : memref<128x16xf32, #tpu.memory_space<vmem>>, vector<16xf32>,
        %parallel_loop3A_364 = vector.extract_strided_slice %parallel_loop3A_286 {offsets = [5], sizes = [1], strides = [1]} : vector<16xf32> to vector<1xf32>
        %parallel_loop3A_365 = vector.extract %parallel_loop3A_364[0] : f32 from vector<1xf32>
        %parallel_loop3A_366 = vector.broadcast %parallel_loop3A_365 : f32 to vector<16xf32>
        %parallel_loop3A_367 = arith.mulf %parallel_loop3A_363, %parallel_loop3A_366 : vector<16xf32>
        %parallel_loop3A_368 = arith.constant 5 : i32
        %parallel_loop3A_369 = arith.addi %parallel_loop3A_288, %parallel_loop3A_368 : i32
        %parallel_loop3A_370 = arith.index_cast %parallel_loop3A_369 : i32 to index
        %parallel_loop3A_371 = arith.constant 0 : index
        %parallel_loop3A_372 = tpu.vector_load %arg21[%parallel_loop3A_370, %parallel_loop3A_371] {strides = array<i32>} : memref<128x16xf32, #tpu.memory_space<vmem>>, vector<16xf32>,
        tpu.vector_store %arg21[%parallel_loop3A_370, %parallel_loop3A_371], %parallel_loop3A_367 {strides = array<i32>} : memref<128x16xf32, #tpu.memory_space<vmem>>, vector<16xf32>,
        %parallel_loop3A_373 = arith.constant 6 : i32
        %parallel_loop3A_374 = arith.addi %parallel_loop3A_288, %parallel_loop3A_373 : i32
        %parallel_loop3A_375 = arith.index_cast %parallel_loop3A_374 : i32 to index
        %parallel_loop3A_376 = arith.constant 0 : index
        %parallel_loop3A_377 = tpu.vector_load %arg17[%parallel_loop3A_375, %parallel_loop3A_376] {strides = array<i32>} : memref<128x16xf32, #tpu.memory_space<vmem>>, vector<16xf32>,
        %parallel_loop3A_378 = vector.extract_strided_slice %parallel_loop3A_286 {offsets = [6], sizes = [1], strides = [1]} : vector<16xf32> to vector<1xf32>
        %parallel_loop3A_379 = vector.extract %parallel_loop3A_378[0] : f32 from vector<1xf32>
        %parallel_loop3A_380 = vector.broadcast %parallel_loop3A_379 : f32 to vector<16xf32>
        %parallel_loop3A_381 = arith.mulf %parallel_loop3A_377, %parallel_loop3A_380 : vector<16xf32>
        %parallel_loop3A_382 = arith.constant 6 : i32
        %parallel_loop3A_383 = arith.addi %parallel_loop3A_288, %parallel_loop3A_382 : i32
        %parallel_loop3A_384 = arith.index_cast %parallel_loop3A_383 : i32 to index
        %parallel_loop3A_385 = arith.constant 0 : index
        %parallel_loop3A_386 = tpu.vector_load %arg21[%parallel_loop3A_384, %parallel_loop3A_385] {strides = array<i32>} : memref<128x16xf32, #tpu.memory_space<vmem>>, vector<16xf32>,
        tpu.vector_store %arg21[%parallel_loop3A_384, %parallel_loop3A_385], %parallel_loop3A_381 {strides = array<i32>} : memref<128x16xf32, #tpu.memory_space<vmem>>, vector<16xf32>,
        %parallel_loop3A_387 = arith.constant 7 : i32
        %parallel_loop3A_388 = arith.addi %parallel_loop3A_288, %parallel_loop3A_387 : i32
        %parallel_loop3A_389 = arith.index_cast %parallel_loop3A_388 : i32 to index
        %parallel_loop3A_390 = arith.constant 0 : index
        %parallel_loop3A_391 = tpu.vector_load %arg17[%parallel_loop3A_389, %parallel_loop3A_390] {strides = array<i32>} : memref<128x16xf32, #tpu.memory_space<vmem>>, vector<16xf32>,
        %parallel_loop3A_392 = vector.extract_strided_slice %parallel_loop3A_286 {offsets = [7], sizes = [1], strides = [1]} : vector<16xf32> to vector<1xf32>
        %parallel_loop3A_393 = vector.extract %parallel_loop3A_392[0] : f32 from vector<1xf32>
        %parallel_loop3A_394 = vector.broadcast %parallel_loop3A_393 : f32 to vector<16xf32>
        %parallel_loop3A_395 = arith.mulf %parallel_loop3A_391, %parallel_loop3A_394 : vector<16xf32>
        %parallel_loop3A_396 = arith.constant 7 : i32
        %parallel_loop3A_397 = arith.addi %parallel_loop3A_288, %parallel_loop3A_396 : i32
        %parallel_loop3A_398 = arith.index_cast %parallel_loop3A_397 : i32 to index
        %parallel_loop3A_399 = arith.constant 0 : index
        %parallel_loop3A_400 = tpu.vector_load %arg21[%parallel_loop3A_398, %parallel_loop3A_399] {strides = array<i32>} : memref<128x16xf32, #tpu.memory_space<vmem>>, vector<16xf32>,
        tpu.vector_store %arg21[%parallel_loop3A_398, %parallel_loop3A_399], %parallel_loop3A_395 {strides = array<i32>} : memref<128x16xf32, #tpu.memory_space<vmem>>, vector<16xf32>,
        %parallel_loop3A_401 = arith.constant 8 : i32
        %parallel_loop3A_402 = arith.addi %parallel_loop3A_288, %parallel_loop3A_401 : i32
        %parallel_loop3A_403 = arith.index_cast %parallel_loop3A_402 : i32 to index
        %parallel_loop3A_404 = arith.constant 0 : index
        %parallel_loop3A_405 = tpu.vector_load %arg17[%parallel_loop3A_403, %parallel_loop3A_404] {strides = array<i32>} : memref<128x16xf32, #tpu.memory_space<vmem>>, vector<16xf32>,
        %parallel_loop3A_406 = vector.extract_strided_slice %parallel_loop3A_286 {offsets = [8], sizes = [1], strides = [1]} : vector<16xf32> to vector<1xf32>
        %parallel_loop3A_407 = vector.extract %parallel_loop3A_406[0] : f32 from vector<1xf32>
        %parallel_loop3A_408 = vector.broadcast %parallel_loop3A_407 : f32 to vector<16xf32>
        %parallel_loop3A_409 = arith.mulf %parallel_loop3A_405, %parallel_loop3A_408 : vector<16xf32>
        %parallel_loop3A_410 = arith.constant 8 : i32
        %parallel_loop3A_411 = arith.addi %parallel_loop3A_288, %parallel_loop3A_410 : i32
        %parallel_loop3A_412 = arith.index_cast %parallel_loop3A_411 : i32 to index
        %parallel_loop3A_413 = arith.constant 0 : index
        %parallel_loop3A_414 = tpu.vector_load %arg21[%parallel_loop3A_412, %parallel_loop3A_413] {strides = array<i32>} : memref<128x16xf32, #tpu.memory_space<vmem>>, vector<16xf32>,
        tpu.vector_store %arg21[%parallel_loop3A_412, %parallel_loop3A_413], %parallel_loop3A_409 {strides = array<i32>} : memref<128x16xf32, #tpu.memory_space<vmem>>, vector<16xf32>,
        %parallel_loop3A_415 = arith.constant 9 : i32
        %parallel_loop3A_416 = arith.addi %parallel_loop3A_288, %parallel_loop3A_415 : i32
        %parallel_loop3A_417 = arith.index_cast %parallel_loop3A_416 : i32 to index
        %parallel_loop3A_418 = arith.constant 0 : index
        %parallel_loop3A_419 = tpu.vector_load %arg17[%parallel_loop3A_417, %parallel_loop3A_418] {strides = array<i32>} : memref<128x16xf32, #tpu.memory_space<vmem>>, vector<16xf32>,
        %parallel_loop3A_420 = vector.extract_strided_slice %parallel_loop3A_286 {offsets = [9], sizes = [1], strides = [1]} : vector<16xf32> to vector<1xf32>
        %parallel_loop3A_421 = vector.extract %parallel_loop3A_420[0] : f32 from vector<1xf32>
        %parallel_loop3A_422 = vector.broadcast %parallel_loop3A_421 : f32 to vector<16xf32>
        %parallel_loop3A_423 = arith.mulf %parallel_loop3A_419, %parallel_loop3A_422 : vector<16xf32>
        %parallel_loop3A_424 = arith.constant 9 : i32
        %parallel_loop3A_425 = arith.addi %parallel_loop3A_288, %parallel_loop3A_424 : i32
        %parallel_loop3A_426 = arith.index_cast %parallel_loop3A_425 : i32 to index
        %parallel_loop3A_427 = arith.constant 0 : index
        %parallel_loop3A_428 = tpu.vector_load %arg21[%parallel_loop3A_426, %parallel_loop3A_427] {strides = array<i32>} : memref<128x16xf32, #tpu.memory_space<vmem>>, vector<16xf32>,
        tpu.vector_store %arg21[%parallel_loop3A_426, %parallel_loop3A_427], %parallel_loop3A_423 {strides = array<i32>} : memref<128x16xf32, #tpu.memory_space<vmem>>, vector<16xf32>,
        %parallel_loop3A_429 = arith.constant 10 : i32
        %parallel_loop3A_430 = arith.addi %parallel_loop3A_288, %parallel_loop3A_429 : i32
        %parallel_loop3A_431 = arith.index_cast %parallel_loop3A_430 : i32 to index
        %parallel_loop3A_432 = arith.constant 0 : index
        %parallel_loop3A_433 = tpu.vector_load %arg17[%parallel_loop3A_431, %parallel_loop3A_432] {strides = array<i32>} : memref<128x16xf32, #tpu.memory_space<vmem>>, vector<16xf32>,
        %parallel_loop3A_434 = vector.extract_strided_slice %parallel_loop3A_286 {offsets = [10], sizes = [1], strides = [1]} : vector<16xf32> to vector<1xf32>
        %parallel_loop3A_435 = vector.extract %parallel_loop3A_434[0] : f32 from vector<1xf32>
        %parallel_loop3A_436 = vector.broadcast %parallel_loop3A_435 : f32 to vector<16xf32>
        %parallel_loop3A_437 = arith.mulf %parallel_loop3A_433, %parallel_loop3A_436 : vector<16xf32>
        %parallel_loop3A_438 = arith.constant 10 : i32
        %parallel_loop3A_439 = arith.addi %parallel_loop3A_288, %parallel_loop3A_438 : i32
        %parallel_loop3A_440 = arith.index_cast %parallel_loop3A_439 : i32 to index
        %parallel_loop3A_441 = arith.constant 0 : index
        %parallel_loop3A_442 = tpu.vector_load %arg21[%parallel_loop3A_440, %parallel_loop3A_441] {strides = array<i32>} : memref<128x16xf32, #tpu.memory_space<vmem>>, vector<16xf32>,
        tpu.vector_store %arg21[%parallel_loop3A_440, %parallel_loop3A_441], %parallel_loop3A_437 {strides = array<i32>} : memref<128x16xf32, #tpu.memory_space<vmem>>, vector<16xf32>,
        %parallel_loop3A_443 = arith.constant 11 : i32
        %parallel_loop3A_444 = arith.addi %parallel_loop3A_288, %parallel_loop3A_443 : i32
        %parallel_loop3A_445 = arith.index_cast %parallel_loop3A_444 : i32 to index
        %parallel_loop3A_446 = arith.constant 0 : index
        %parallel_loop3A_447 = tpu.vector_load %arg17[%parallel_loop3A_445, %parallel_loop3A_446] {strides = array<i32>} : memref<128x16xf32, #tpu.memory_space<vmem>>, vector<16xf32>,
        %parallel_loop3A_448 = vector.extract_strided_slice %parallel_loop3A_286 {offsets = [11], sizes = [1], strides = [1]} : vector<16xf32> to vector<1xf32>
        %parallel_loop3A_449 = vector.extract %parallel_loop3A_448[0] : f32 from vector<1xf32>
        %parallel_loop3A_450 = vector.broadcast %parallel_loop3A_449 : f32 to vector<16xf32>
        %parallel_loop3A_451 = arith.mulf %parallel_loop3A_447, %parallel_loop3A_450 : vector<16xf32>
        %parallel_loop3A_452 = arith.constant 11 : i32
        %parallel_loop3A_453 = arith.addi %parallel_loop3A_288, %parallel_loop3A_452 : i32
        %parallel_loop3A_454 = arith.index_cast %parallel_loop3A_453 : i32 to index
        %parallel_loop3A_455 = arith.constant 0 : index
        %parallel_loop3A_456 = tpu.vector_load %arg21[%parallel_loop3A_454, %parallel_loop3A_455] {strides = array<i32>} : memref<128x16xf32, #tpu.memory_space<vmem>>, vector<16xf32>,
        tpu.vector_store %arg21[%parallel_loop3A_454, %parallel_loop3A_455], %parallel_loop3A_451 {strides = array<i32>} : memref<128x16xf32, #tpu.memory_space<vmem>>, vector<16xf32>,
        %parallel_loop3A_457 = arith.constant 12 : i32
        %parallel_loop3A_458 = arith.addi %parallel_loop3A_288, %parallel_loop3A_457 : i32
        %parallel_loop3A_459 = arith.index_cast %parallel_loop3A_458 : i32 to index
        %parallel_loop3A_460 = arith.constant 0 : index
        %parallel_loop3A_461 = tpu.vector_load %arg17[%parallel_loop3A_459, %parallel_loop3A_460] {strides = array<i32>} : memref<128x16xf32, #tpu.memory_space<vmem>>, vector<16xf32>,
        %parallel_loop3A_462 = vector.extract_strided_slice %parallel_loop3A_286 {offsets = [12], sizes = [1], strides = [1]} : vector<16xf32> to vector<1xf32>
        %parallel_loop3A_463 = vector.extract %parallel_loop3A_462[0] : f32 from vector<1xf32>
        %parallel_loop3A_464 = vector.broadcast %parallel_loop3A_463 : f32 to vector<16xf32>
        %parallel_loop3A_465 = arith.mulf %parallel_loop3A_461, %parallel_loop3A_464 : vector<16xf32>
        %parallel_loop3A_466 = arith.constant 12 : i32
        %parallel_loop3A_467 = arith.addi %parallel_loop3A_288, %parallel_loop3A_466 : i32
        %parallel_loop3A_468 = arith.index_cast %parallel_loop3A_467 : i32 to index
        %parallel_loop3A_469 = arith.constant 0 : index
        %parallel_loop3A_470 = tpu.vector_load %arg21[%parallel_loop3A_468, %parallel_loop3A_469] {strides = array<i32>} : memref<128x16xf32, #tpu.memory_space<vmem>>, vector<16xf32>,
        tpu.vector_store %arg21[%parallel_loop3A_468, %parallel_loop3A_469], %parallel_loop3A_465 {strides = array<i32>} : memref<128x16xf32, #tpu.memory_space<vmem>>, vector<16xf32>,
        %parallel_loop3A_471 = arith.constant 13 : i32
        %parallel_loop3A_472 = arith.addi %parallel_loop3A_288, %parallel_loop3A_471 : i32
        %parallel_loop3A_473 = arith.index_cast %parallel_loop3A_472 : i32 to index
        %parallel_loop3A_474 = arith.constant 0 : index
        %parallel_loop3A_475 = tpu.vector_load %arg17[%parallel_loop3A_473, %parallel_loop3A_474] {strides = array<i32>} : memref<128x16xf32, #tpu.memory_space<vmem>>, vector<16xf32>,
        %parallel_loop3A_476 = vector.extract_strided_slice %parallel_loop3A_286 {offsets = [13], sizes = [1], strides = [1]} : vector<16xf32> to vector<1xf32>
        %parallel_loop3A_477 = vector.extract %parallel_loop3A_476[0] : f32 from vector<1xf32>
        %parallel_loop3A_478 = vector.broadcast %parallel_loop3A_477 : f32 to vector<16xf32>
        %parallel_loop3A_479 = arith.mulf %parallel_loop3A_475, %parallel_loop3A_478 : vector<16xf32>
        %parallel_loop3A_480 = arith.constant 13 : i32
        %parallel_loop3A_481 = arith.addi %parallel_loop3A_288, %parallel_loop3A_480 : i32
        %parallel_loop3A_482 = arith.index_cast %parallel_loop3A_481 : i32 to index
        %parallel_loop3A_483 = arith.constant 0 : index
        %parallel_loop3A_484 = tpu.vector_load %arg21[%parallel_loop3A_482, %parallel_loop3A_483] {strides = array<i32>} : memref<128x16xf32, #tpu.memory_space<vmem>>, vector<16xf32>,
        tpu.vector_store %arg21[%parallel_loop3A_482, %parallel_loop3A_483], %parallel_loop3A_479 {strides = array<i32>} : memref<128x16xf32, #tpu.memory_space<vmem>>, vector<16xf32>,
        %parallel_loop3A_485 = arith.constant 14 : i32
        %parallel_loop3A_486 = arith.addi %parallel_loop3A_288, %parallel_loop3A_485 : i32
        %parallel_loop3A_487 = arith.index_cast %parallel_loop3A_486 : i32 to index
        %parallel_loop3A_488 = arith.constant 0 : index
        %parallel_loop3A_489 = tpu.vector_load %arg17[%parallel_loop3A_487, %parallel_loop3A_488] {strides = array<i32>} : memref<128x16xf32, #tpu.memory_space<vmem>>, vector<16xf32>,
        %parallel_loop3A_490 = vector.extract_strided_slice %parallel_loop3A_286 {offsets = [14], sizes = [1], strides = [1]} : vector<16xf32> to vector<1xf32>
        %parallel_loop3A_491 = vector.extract %parallel_loop3A_490[0] : f32 from vector<1xf32>
        %parallel_loop3A_492 = vector.broadcast %parallel_loop3A_491 : f32 to vector<16xf32>
        %parallel_loop3A_493 = arith.mulf %parallel_loop3A_489, %parallel_loop3A_492 : vector<16xf32>
        %parallel_loop3A_494 = arith.constant 14 : i32
        %parallel_loop3A_495 = arith.addi %parallel_loop3A_288, %parallel_loop3A_494 : i32
        %parallel_loop3A_496 = arith.index_cast %parallel_loop3A_495 : i32 to index
        %parallel_loop3A_497 = arith.constant 0 : index
        %parallel_loop3A_498 = tpu.vector_load %arg21[%parallel_loop3A_496, %parallel_loop3A_497] {strides = array<i32>} : memref<128x16xf32, #tpu.memory_space<vmem>>, vector<16xf32>,
        tpu.vector_store %arg21[%parallel_loop3A_496, %parallel_loop3A_497], %parallel_loop3A_493 {strides = array<i32>} : memref<128x16xf32, #tpu.memory_space<vmem>>, vector<16xf32>,
        %parallel_loop3A_499 = arith.constant 15 : i32
        %parallel_loop3A_500 = arith.addi %parallel_loop3A_288, %parallel_loop3A_499 : i32
        %parallel_loop3A_501 = arith.index_cast %parallel_loop3A_500 : i32 to index
        %parallel_loop3A_502 = arith.constant 0 : index
        %parallel_loop3A_503 = tpu.vector_load %arg17[%parallel_loop3A_501, %parallel_loop3A_502] {strides = array<i32>} : memref<128x16xf32, #tpu.memory_space<vmem>>, vector<16xf32>,
        %parallel_loop3A_504 = vector.extract_strided_slice %parallel_loop3A_286 {offsets = [15], sizes = [1], strides = [1]} : vector<16xf32> to vector<1xf32>
        %parallel_loop3A_505 = vector.extract %parallel_loop3A_504[0] : f32 from vector<1xf32>
        %parallel_loop3A_506 = vector.broadcast %parallel_loop3A_505 : f32 to vector<16xf32>
        %parallel_loop3A_507 = arith.mulf %parallel_loop3A_503, %parallel_loop3A_506 : vector<16xf32>
        %parallel_loop3A_508 = arith.constant 15 : i32
        %parallel_loop3A_509 = arith.addi %parallel_loop3A_288, %parallel_loop3A_508 : i32
        %parallel_loop3A_510 = arith.index_cast %parallel_loop3A_509 : i32 to index
        %parallel_loop3A_511 = arith.constant 0 : index
        %parallel_loop3A_512 = tpu.vector_load %arg21[%parallel_loop3A_510, %parallel_loop3A_511] {strides = array<i32>} : memref<128x16xf32, #tpu.memory_space<vmem>>, vector<16xf32>,
        tpu.vector_store %arg21[%parallel_loop3A_510, %parallel_loop3A_511], %parallel_loop3A_507 {strides = array<i32>} : memref<128x16xf32, #tpu.memory_space<vmem>>, vector<16xf32>,
      } {sc.loop_unroll_factor = 4 : i64, sc.parallel_access}
      %dma_start3A_253 = arith.constant 0 : i32
      %dma_start3A_254 = tpu.memref_slice %arg12[%add3A_239, %dma_start3A_253] : memref<80x128xi32, #tpu.memory_space<vmem>> -> memref<1x128xi32, #tpu.memory_space<vmem>>
      %dma_start3A_255 = tpu.memref_squeeze %dma_start3A_254 : memref<1x128xi32, #tpu.memory_space<vmem>> -> memref<128xi32, #tpu.memory_space<vmem>>
      %dma_start3A_256 = arith.constant 0 : i32
      %dma_start3A_257 = arith.constant 0 : i32
      %dma_start3A_258 = tpu.memref_slice %arg23[%dma_start3A_256, %dma_start3A_257] : memref<10240x16xf32, #tpu.memory_space<vmem_shared>> -> memref<10240x16xf32, #tpu.memory_space<vmem_shared>>
      tpu.enqueue_indirect_dma source(%arg21 : memref<128x16xf32, #tpu.memory_space<vmem>>) target(%dma_start3A_258 : memref<10240x16xf32, #tpu.memory_space<vmem_shared>>) offsets(%dma_start3A_255 : memref<128xi32, #tpu.memory_space<vmem>>) semaphore(%arg31 : memref<!tpu.dma_semaphore, #tpu.memory_space<semaphore_mem>>) {add = true}
      %add3A_259 = arith.constant 4 : i32
      %add3A_260 = arith.addi %add3A_239, %add3A_259 : i32
      %lt3A_261 = arith.constant 80 : i32
      %lt3A_262 = arith.cmpi slt, %add3A_260, %lt3A_261 : i32
      %convert_element_type3A_263 = arith.extui %lt3A_262 : i1 to i32
      %cond3A_264 = arith.constant 0 : i32
      %cond3A_265 = arith.cmpi ne, %convert_element_type3A_263, %cond3A_264 : i32
      scf.if %cond3A_265 {
        %add3A_266 = arith.constant 4 : i32
        %add3A_267 = arith.addi %add3A_239, %add3A_266 : i32
        %mul3A_268 = arith.constant 128 : i32
        %mul3A_269 = arith.muli %add3A_267, %mul3A_268 : i32
        %dma_start3A_270 = tpu.memref_slice %arg10[%mul3A_269] : memref<10240xi32, #tpu.memory_space<vmem>> -> memref<128xi32, #tpu.memory_space<vmem>>
        %dma_start3A_271 = arith.constant 0 : i32
        %dma_start3A_272 = arith.constant 0 : i32
        %dma_start3A_273 = tpu.memref_slice %arg3[%dma_start3A_271, %dma_start3A_272] : memref<10240x16xf32, #tpu.memory_space<hbm>> -> memref<10240x16xf32, #tpu.memory_space<hbm>>
        tpu.enqueue_indirect_dma source(%dma_start3A_273 : memref<10240x16xf32, #tpu.memory_space<hbm>>) target(%arg17 : memref<128x16xf32, #tpu.memory_space<vmem>>) offsets(%dma_start3A_270 : memref<128xi32, #tpu.memory_space<vmem>>) semaphore(%arg27 : memref<!tpu.dma_semaphore, #tpu.memory_space<semaphore_mem>>)
      } else {
      }
    }
    %scan3A_118 = arith.constant 20 : i32
    "tpu.region"() ({
      %run_scoped3A = tpu.sem_alloc : memref<!tpu.dma_semaphore, #tpu.memory_space<semaphore_mem>>
      %dma_start3A_150 = arith.constant 0 : i32
      %dma_start3A_151 = tpu.memref_slice %arg7[%arg0, %arg1, %dma_start3A_150] : memref<2x16x10240xf32, #tpu.memory_space<hbm>> -> memref<1x1x10240xf32, #tpu.memory_space<hbm>>
      %dma_start3A_152 = tpu.memref_squeeze %dma_start3A_151 : memref<1x1x10240xf32, #tpu.memory_space<hbm>> -> memref<10240xf32, #tpu.memory_space<hbm>>
      %dma_start3A_153 = arith.constant 0 : i32
      %dma_start3A_154 = tpu.memref_slice %arg7[%arg0, %arg1, %dma_start3A_153] : memref<2x16x10240xf32, #tpu.memory_space<hbm>> -> memref<1x1x10240xf32, #tpu.memory_space<hbm>>
      %dma_start3A_155 = tpu.memref_squeeze %dma_start3A_154 : memref<1x1x10240xf32, #tpu.memory_space<hbm>> -> memref<10240xf32, #tpu.memory_space<hbm>>
      tpu.enqueue_dma source(%arg13 : memref<10240xf32, #tpu.memory_space<vmem>>) target(%dma_start3A_155 : memref<10240xf32, #tpu.memory_space<hbm>>) target_semaphore(%run_scoped3A : memref<!tpu.dma_semaphore, #tpu.memory_space<semaphore_mem>>)
      %dma_wait3A_156 = arith.constant 0 : i32
      %dma_wait3A_157 = tpu.memref_slice %arg7[%arg0, %arg1, %dma_wait3A_156] : memref<2x16x10240xf32, #tpu.memory_space<hbm>> -> memref<1x1x10240xf32, #tpu.memory_space<hbm>>
      %dma_wait3A_158 = tpu.memref_squeeze %dma_wait3A_157 : memref<1x1x10240xf32, #tpu.memory_space<hbm>> -> memref<10240xf32, #tpu.memory_space<hbm>>
      %dma_wait3A_159 = arith.constant 0 : i32
      %dma_wait3A_160 = tpu.memref_slice %arg7[%arg0, %arg1, %dma_wait3A_159] : memref<2x16x10240xf32, #tpu.memory_space<hbm>> -> memref<1x1x10240xf32, #tpu.memory_space<hbm>>
      %dma_wait3A_161 = tpu.memref_squeeze %dma_wait3A_160 : memref<1x1x10240xf32, #tpu.memory_space<hbm>> -> memref<10240xf32, #tpu.memory_space<hbm>>
      tpu.wait_dma2 semaphore(%run_scoped3A : memref<!tpu.dma_semaphore, #tpu.memory_space<semaphore_mem>>) src(%arg13 : memref<10240xf32, #tpu.memory_space<vmem>>) dst(%dma_wait3A_161 : memref<10240xf32, #tpu.memory_space<hbm>>)
      tpu.yield
    }) : () -> ()
    %dma_wait3A_119 = arith.constant 0 : i32
    %dma_wait3A_120 = arith.constant 0 : i32
    %dma_wait3A_121 = tpu.memref_slice %arg12[%dma_wait3A_119, %dma_wait3A_120] : memref<80x128xi32, #tpu.memory_space<vmem>> -> memref<1x128xi32, #tpu.memory_space<vmem>>
    %dma_wait3A_122 = tpu.memref_squeeze %dma_wait3A_121 : memref<1x128xi32, #tpu.memory_space<vmem>> -> memref<128xi32, #tpu.memory_space<vmem>>
    %dma_wait3A_123 = arith.constant 0 : i32
    %dma_wait3A_124 = arith.constant 0 : i32
    %dma_wait3A_125 = tpu.memref_slice %arg23[%dma_wait3A_123, %dma_wait3A_124] : memref<10240x16xf32, #tpu.memory_space<vmem_shared>> -> memref<10240x16xf32, #tpu.memory_space<vmem_shared>>
    tpu.wait_indirect_dma semaphore(%arg28 : memref<!tpu.dma_semaphore, #tpu.memory_space<semaphore_mem>>) src(%arg18 : memref<128x16xf32, #tpu.memory_space<vmem>>) dst(%dma_wait3A_125 : memref<10240x16xf32, #tpu.memory_space<vmem_shared>>)
    %dma_wait3A_126 = arith.constant 1 : i32
    %dma_wait3A_127 = arith.constant 0 : i32
    %dma_wait3A_128 = tpu.memref_slice %arg12[%dma_wait3A_126, %dma_wait3A_127] : memref<80x128xi32, #tpu.memory_space<vmem>> -> memref<1x128xi32, #tpu.memory_space<vmem>>
    %dma_wait3A_129 = tpu.memref_squeeze %dma_wait3A_128 : memref<1x128xi32, #tpu.memory_space<vmem>> -> memref<128xi32, #tpu.memory_space<vmem>>
    %dma_wait3A_130 = arith.constant 0 : i32
    %dma_wait3A_131 = arith.constant 0 : i32
    %dma_wait3A_132 = tpu.memref_slice %arg23[%dma_wait3A_130, %dma_wait3A_131] : memref<10240x16xf32, #tpu.memory_space<vmem_shared>> -> memref<10240x16xf32, #tpu.memory_space<vmem_shared>>
    tpu.wait_indirect_dma semaphore(%arg29 : memref<!tpu.dma_semaphore, #tpu.memory_space<semaphore_mem>>) src(%arg19 : memref<128x16xf32, #tpu.memory_space<vmem>>) dst(%dma_wait3A_132 : memref<10240x16xf32, #tpu.memory_space<vmem_shared>>)
    %dma_wait3A_133 = arith.constant 2 : i32
    %dma_wait3A_134 = arith.constant 0 : i32
    %dma_wait3A_135 = tpu.memref_slice %arg12[%dma_wait3A_133, %dma_wait3A_134] : memref<80x128xi32, #tpu.memory_space<vmem>> -> memref<1x128xi32, #tpu.memory_space<vmem>>
    %dma_wait3A_136 = tpu.memref_squeeze %dma_wait3A_135 : memref<1x128xi32, #tpu.memory_space<vmem>> -> memref<128xi32, #tpu.memory_space<vmem>>
    %dma_wait3A_137 = arith.constant 0 : i32
    %dma_wait3A_138 = arith.constant 0 : i32
    %dma_wait3A_139 = tpu.memref_slice %arg23[%dma_wait3A_137, %dma_wait3A_138] : memref<10240x16xf32, #tpu.memory_space<vmem_shared>> -> memref<10240x16xf32, #tpu.memory_space<vmem_shared>>
    tpu.wait_indirect_dma semaphore(%arg30 : memref<!tpu.dma_semaphore, #tpu.memory_space<semaphore_mem>>) src(%arg20 : memref<128x16xf32, #tpu.memory_space<vmem>>) dst(%dma_wait3A_139 : memref<10240x16xf32, #tpu.memory_space<vmem_shared>>)
    %dma_wait3A_140 = arith.constant 3 : i32
    %dma_wait3A_141 = arith.constant 0 : i32
    %dma_wait3A_142 = tpu.memref_slice %arg12[%dma_wait3A_140, %dma_wait3A_141] : memref<80x128xi32, #tpu.memory_space<vmem>> -> memref<1x128xi32, #tpu.memory_space<vmem>>
    %dma_wait3A_143 = tpu.memref_squeeze %dma_wait3A_142 : memref<1x128xi32, #tpu.memory_space<vmem>> -> memref<128xi32, #tpu.memory_space<vmem>>
    %dma_wait3A_144 = arith.constant 0 : i32
    %dma_wait3A_145 = arith.constant 0 : i32
    %dma_wait3A_146 = tpu.memref_slice %arg23[%dma_wait3A_144, %dma_wait3A_145] : memref<10240x16xf32, #tpu.memory_space<vmem_shared>> -> memref<10240x16xf32, #tpu.memory_space<vmem_shared>>
    tpu.wait_indirect_dma semaphore(%arg31 : memref<!tpu.dma_semaphore, #tpu.memory_space<semaphore_mem>>) src(%arg21 : memref<128x16xf32, #tpu.memory_space<vmem>>) dst(%dma_wait3A_146 : memref<10240x16xf32, #tpu.memory_space<vmem_shared>>)
    %barrier3A_147 = arith.constant 0 : index
    tpu.barrier barrier_id(%barrier3A_147)
    %mul3A_148 = arith.constant 640 : i32
    %mul3A_149 = arith.muli %arg1, %mul3A_148 : i32
    "tpu.region"() ({
      %run_scoped3A = tpu.sem_alloc : memref<!tpu.dma_semaphore, #tpu.memory_space<semaphore_mem>>
      %dma_start3A_150 = arith.constant 0 : i32
      %dma_start3A_151 = tpu.memref_slice %arg6[%arg0, %mul3A_149, %dma_start3A_150] : memref<2x10240x16xf32, #tpu.memory_space<hbm>> -> memref<1x640x16xf32, #tpu.memory_space<hbm>>
      %dma_start3A_152 = tpu.memref_squeeze %dma_start3A_151 : memref<1x640x16xf32, #tpu.memory_space<hbm>> -> memref<640x16xf32, #tpu.memory_space<hbm>>
      %dma_start3A_153 = arith.constant 0 : i32
      %dma_start3A_154 = tpu.memref_slice %arg23[%mul3A_149, %dma_start3A_153] : memref<10240x16xf32, #tpu.memory_space<vmem_shared>> -> memref<640x16xf32, #tpu.memory_space<vmem_shared>>
      tpu.enqueue_dma source(%dma_start3A_154 : memref<640x16xf32, #tpu.memory_space<vmem_shared>>) target(%dma_start3A_152 : memref<640x16xf32, #tpu.memory_space<hbm>>) target_semaphore(%run_scoped3A : memref<!tpu.dma_semaphore, #tpu.memory_space<semaphore_mem>>)
      %dma_wait3A_155 = arith.constant 0 : i32
      %dma_wait3A_156 = tpu.memref_slice %arg6[%arg0, %mul3A_149, %dma_wait3A_155] : memref<2x10240x16xf32, #tpu.memory_space<hbm>> -> memref<1x640x16xf32, #tpu.memory_space<hbm>>
      %dma_wait3A_157 = tpu.memref_squeeze %dma_wait3A_156 : memref<1x640x16xf32, #tpu.memory_space<hbm>> -> memref<640x16xf32, #tpu.memory_space<hbm>>
      %dma_wait3A_158 = arith.constant 0 : i32
      %dma_wait3A_159 = tpu.memref_slice %arg23[%mul3A_149, %dma_wait3A_158] : memref<10240x16xf32, #tpu.memory_space<vmem_shared>> -> memref<640x16xf32, #tpu.memory_space<vmem_shared>>
      tpu.wait_dma2 semaphore(%run_scoped3A : memref<!tpu.dma_semaphore, #tpu.memory_space<semaphore_mem>>) src(%dma_wait3A_159 : memref<640x16xf32, #tpu.memory_space<vmem_shared>>) dst(%dma_wait3A_157 : memref<640x16xf32, #tpu.memory_space<hbm>>)
      tpu.yield
    }) : () -> ()
    return
  }
}

#map = affine_map<(d0, d1) -> (0, 0, 0)>
#map1 = affine_map<(d0, d1) -> (0, 0)>
module attributes {stable_mosaic.version = 14 : i64} {
  func.func @_fin_body(%arg0: i32, %arg1: i32, %arg2: memref<2x10240x16xf32, #tpu.memory_space<hbm>>, %arg3: memref<2x16x10240xf32, #tpu.memory_space<hbm>>, %arg4: memref<10000x16xf32, #tpu.memory_space<hbm>>, %arg5: memref<320x16xf32, #tpu.memory_space<vmem>>, %arg6: memref<320x16xf32, #tpu.memory_space<vmem>>, %arg7: memref<2x16x320xf32, #tpu.memory_space<vmem>>, %arg8: memref<320x16xf32, #tpu.memory_space<vmem>>, %arg9: memref<!tpu.dma_semaphore, #tpu.memory_space<semaphore_mem>>, %arg10: memref<!tpu.dma_semaphore, #tpu.memory_space<semaphore_mem>>, %arg11: memref<!tpu.dma_semaphore, #tpu.memory_space<semaphore_mem>>) attributes {dimension_semantics = [#tpu.dimension_semantics<core_parallel>, #tpu.dimension_semantics<subcore_parallel>], iteration_bounds = array<i64: 2, 16>, scalar_prefetch = 0 : i64, scratch_operands = 7 : i64, tpu.core_type = #tpu.core_type<sc_vector_subcore>, window_params = [{transform_indices = #map}, {transform_indices = #map}, {transform_indices = #map1}]} {
    %mul3A = arith.constant 16 : i32
    %mul3A_0 = arith.muli %arg0, %mul3A : i32
    %add3A = arith.addi %mul3A_0, %arg1 : i32
    %mul3A_1 = arith.constant 320 : i32
    %mul3A_2 = arith.muli %add3A, %mul3A_1 : i32
    %dma_start3A = arith.constant 0 : i32
    %dma_start3A_3 = arith.constant 0 : i32
    %dma_start3A_4 = tpu.memref_slice %arg2[%dma_start3A, %mul3A_2, %dma_start3A_3] : memref<2x10240x16xf32, #tpu.memory_space<hbm>> -> memref<1x320x16xf32, #tpu.memory_space<hbm>>
    %dma_start3A_5 = tpu.memref_squeeze %dma_start3A_4 : memref<1x320x16xf32, #tpu.memory_space<hbm>> -> memref<320x16xf32, #tpu.memory_space<hbm>>
    %dma_start3A_6 = arith.constant 0 : i32
    %dma_start3A_7 = tpu.memref_slice %arg2[%dma_start3A, %mul3A_2, %dma_start3A_6] : memref<2x10240x16xf32, #tpu.memory_space<hbm>> -> memref<1x320x16xf32, #tpu.memory_space<hbm>>
    %dma_start3A_8 = tpu.memref_squeeze %dma_start3A_7 : memref<1x320x16xf32, #tpu.memory_space<hbm>> -> memref<320x16xf32, #tpu.memory_space<hbm>>
    tpu.enqueue_dma source(%dma_start3A_8 : memref<320x16xf32, #tpu.memory_space<hbm>>) target(%arg5 : memref<320x16xf32, #tpu.memory_space<vmem>>) target_semaphore(%arg9 : memref<!tpu.dma_semaphore, #tpu.memory_space<semaphore_mem>>)
    %dma_start3A_9 = arith.constant 1 : i32
    %dma_start3A_10 = arith.constant 0 : i32
    %dma_start3A_11 = tpu.memref_slice %arg2[%dma_start3A_9, %mul3A_2, %dma_start3A_10] : memref<2x10240x16xf32, #tpu.memory_space<hbm>> -> memref<1x320x16xf32, #tpu.memory_space<hbm>>
    %dma_start3A_12 = tpu.memref_squeeze %dma_start3A_11 : memref<1x320x16xf32, #tpu.memory_space<hbm>> -> memref<320x16xf32, #tpu.memory_space<hbm>>
    %dma_start3A_13 = arith.constant 0 : i32
    %dma_start3A_14 = tpu.memref_slice %arg2[%dma_start3A_9, %mul3A_2, %dma_start3A_13] : memref<2x10240x16xf32, #tpu.memory_space<hbm>> -> memref<1x320x16xf32, #tpu.memory_space<hbm>>
    %dma_start3A_15 = tpu.memref_squeeze %dma_start3A_14 : memref<1x320x16xf32, #tpu.memory_space<hbm>> -> memref<320x16xf32, #tpu.memory_space<hbm>>
    tpu.enqueue_dma source(%dma_start3A_15 : memref<320x16xf32, #tpu.memory_space<hbm>>) target(%arg6 : memref<320x16xf32, #tpu.memory_space<vmem>>) target_semaphore(%arg10 : memref<!tpu.dma_semaphore, #tpu.memory_space<semaphore_mem>>)
    %dma_start3A_16 = arith.constant 0 : i32
    %dma_start3A_17 = arith.constant 0 : i32
    %dma_start3A_18 = tpu.memref_slice %arg3[%dma_start3A_16, %dma_start3A_17, %mul3A_2] : memref<2x16x10240xf32, #tpu.memory_space<hbm>> -> memref<2x16x320xf32, #tpu.memory_space<hbm>>
    %dma_start3A_19 = arith.constant 0 : i32
    %dma_start3A_20 = arith.constant 0 : i32
    %dma_start3A_21 = tpu.memref_slice %arg3[%dma_start3A_19, %dma_start3A_20, %mul3A_2] : memref<2x16x10240xf32, #tpu.memory_space<hbm>> -> memref<2x16x320xf32, #tpu.memory_space<hbm>>
    tpu.enqueue_dma source(%dma_start3A_21 : memref<2x16x320xf32, #tpu.memory_space<hbm>>) target(%arg7 : memref<2x16x320xf32, #tpu.memory_space<vmem>>) target_semaphore(%arg11 : memref<!tpu.dma_semaphore, #tpu.memory_space<semaphore_mem>>)
    %dma_wait3A = arith.constant 0 : i32
    %dma_wait3A_22 = arith.constant 0 : i32
    %dma_wait3A_23 = tpu.memref_slice %arg2[%dma_wait3A, %mul3A_2, %dma_wait3A_22] : memref<2x10240x16xf32, #tpu.memory_space<hbm>> -> memref<1x320x16xf32, #tpu.memory_space<hbm>>
    %dma_wait3A_24 = tpu.memref_squeeze %dma_wait3A_23 : memref<1x320x16xf32, #tpu.memory_space<hbm>> -> memref<320x16xf32, #tpu.memory_space<hbm>>
    %dma_wait3A_25 = arith.constant 0 : i32
    %dma_wait3A_26 = tpu.memref_slice %arg2[%dma_wait3A, %mul3A_2, %dma_wait3A_25] : memref<2x10240x16xf32, #tpu.memory_space<hbm>> -> memref<1x320x16xf32, #tpu.memory_space<hbm>>
    %dma_wait3A_27 = tpu.memref_squeeze %dma_wait3A_26 : memref<1x320x16xf32, #tpu.memory_space<hbm>> -> memref<320x16xf32, #tpu.memory_space<hbm>>
    tpu.wait_dma2 semaphore(%arg9 : memref<!tpu.dma_semaphore, #tpu.memory_space<semaphore_mem>>) src(%dma_wait3A_27 : memref<320x16xf32, #tpu.memory_space<hbm>>) dst(%arg5 : memref<320x16xf32, #tpu.memory_space<vmem>>)
    %dma_wait3A_28 = arith.constant 1 : i32
    %dma_wait3A_29 = arith.constant 0 : i32
    %dma_wait3A_30 = tpu.memref_slice %arg2[%dma_wait3A_28, %mul3A_2, %dma_wait3A_29] : memref<2x10240x16xf32, #tpu.memory_space<hbm>> -> memref<1x320x16xf32, #tpu.memory_space<hbm>>
    %dma_wait3A_31 = tpu.memref_squeeze %dma_wait3A_30 : memref<1x320x16xf32, #tpu.memory_space<hbm>> -> memref<320x16xf32, #tpu.memory_space<hbm>>
    %dma_wait3A_32 = arith.constant 0 : i32
    %dma_wait3A_33 = tpu.memref_slice %arg2[%dma_wait3A_28, %mul3A_2, %dma_wait3A_32] : memref<2x10240x16xf32, #tpu.memory_space<hbm>> -> memref<1x320x16xf32, #tpu.memory_space<hbm>>
    %dma_wait3A_34 = tpu.memref_squeeze %dma_wait3A_33 : memref<1x320x16xf32, #tpu.memory_space<hbm>> -> memref<320x16xf32, #tpu.memory_space<hbm>>
    tpu.wait_dma2 semaphore(%arg10 : memref<!tpu.dma_semaphore, #tpu.memory_space<semaphore_mem>>) src(%dma_wait3A_34 : memref<320x16xf32, #tpu.memory_space<hbm>>) dst(%arg6 : memref<320x16xf32, #tpu.memory_space<vmem>>)
    %dma_wait3A_35 = arith.constant 0 : i32
    %dma_wait3A_36 = arith.constant 0 : i32
    %dma_wait3A_37 = tpu.memref_slice %arg3[%dma_wait3A_35, %dma_wait3A_36, %mul3A_2] : memref<2x16x10240xf32, #tpu.memory_space<hbm>> -> memref<2x16x320xf32, #tpu.memory_space<hbm>>
    %dma_wait3A_38 = arith.constant 0 : i32
    %dma_wait3A_39 = arith.constant 0 : i32
    %dma_wait3A_40 = tpu.memref_slice %arg3[%dma_wait3A_38, %dma_wait3A_39, %mul3A_2] : memref<2x16x10240xf32, #tpu.memory_space<hbm>> -> memref<2x16x320xf32, #tpu.memory_space<hbm>>
    tpu.wait_dma2 semaphore(%arg11 : memref<!tpu.dma_semaphore, #tpu.memory_space<semaphore_mem>>) src(%dma_wait3A_40 : memref<2x16x320xf32, #tpu.memory_space<hbm>>) dst(%arg7 : memref<2x16x320xf32, #tpu.memory_space<vmem>>)
    %scan3A = arith.constant 0 : i32
    %scan3A_41 = arith.constant 1.000000e-16 : f32
    %scan3A_42 = arith.constant 1.000000e+00 : f32
    %scan3A_43 = arith.constant 0 : i32
    %scan3A_44 = arith.constant 20 : i32
    %scan3A_45 = arith.addi %scan3A_43, %scan3A_44 : i32
    %scan3A_46 = arith.constant 1 : i32
    scf.for %scan3A_58 = %scan3A_43 to %scan3A_45 step %scan3A_46  : i32 {
      %mul3A_59 = arith.constant 16 : i32
      %mul3A_60 = arith.muli %scan3A_58, %mul3A_59 : i32
      %get3A = arith.constant 0 : i32
      %get3A_61 = arith.constant 0 : i32
      %get3A_62 = arith.index_cast %get3A : i32 to index
      %get3A_63 = arith.index_cast %get3A_61 : i32 to index
      %get3A_64 = arith.index_cast %mul3A_60 : i32 to index
      %get3A_65 = tpu.vector_load %arg7[%get3A_62, %get3A_63, %get3A_64] {strides = array<i32>} : memref<2x16x320xf32, #tpu.memory_space<vmem>>, vector<16xf32>,
      %mul3A_66 = arith.constant 16 : i32
      %mul3A_67 = arith.muli %scan3A_58, %mul3A_66 : i32
      %get3A_68 = arith.constant 0 : i32
      %get3A_69 = arith.constant 1 : i32
      %get3A_70 = arith.index_cast %get3A_68 : i32 to index
      %get3A_71 = arith.index_cast %get3A_69 : i32 to index
      %get3A_72 = arith.index_cast %mul3A_67 : i32 to index
      %get3A_73 = tpu.vector_load %arg7[%get3A_70, %get3A_71, %get3A_72] {strides = array<i32>} : memref<2x16x320xf32, #tpu.memory_space<vmem>>, vector<16xf32>,
      %add3A_74 = arith.addf %get3A_65, %get3A_73 : vector<16xf32>
      %mul3A_75 = arith.constant 16 : i32
      %mul3A_76 = arith.muli %scan3A_58, %mul3A_75 : i32
      %get3A_77 = arith.constant 0 : i32
      %get3A_78 = arith.constant 2 : i32
      %get3A_79 = arith.index_cast %get3A_77 : i32 to index
      %get3A_80 = arith.index_cast %get3A_78 : i32 to index
      %get3A_81 = arith.index_cast %mul3A_76 : i32 to index
      %get3A_82 = tpu.vector_load %arg7[%get3A_79, %get3A_80, %get3A_81] {strides = array<i32>} : memref<2x16x320xf32, #tpu.memory_space<vmem>>, vector<16xf32>,
      %add3A_83 = arith.addf %add3A_74, %get3A_82 : vector<16xf32>
      %mul3A_84 = arith.constant 16 : i32
      %mul3A_85 = arith.muli %scan3A_58, %mul3A_84 : i32
      %get3A_86 = arith.constant 0 : i32
      %get3A_87 = arith.constant 3 : i32
      %get3A_88 = arith.index_cast %get3A_86 : i32 to index
      %get3A_89 = arith.index_cast %get3A_87 : i32 to index
      %get3A_90 = arith.index_cast %mul3A_85 : i32 to index
      %get3A_91 = tpu.vector_load %arg7[%get3A_88, %get3A_89, %get3A_90] {strides = array<i32>} : memref<2x16x320xf32, #tpu.memory_space<vmem>>, vector<16xf32>,
      %add3A_92 = arith.addf %add3A_83, %get3A_91 : vector<16xf32>
      %mul3A_93 = arith.constant 16 : i32
      %mul3A_94 = arith.muli %scan3A_58, %mul3A_93 : i32
      %get3A_95 = arith.constant 0 : i32
      %get3A_96 = arith.constant 4 : i32
      %get3A_97 = arith.index_cast %get3A_95 : i32 to index
      %get3A_98 = arith.index_cast %get3A_96 : i32 to index
      %get3A_99 = arith.index_cast %mul3A_94 : i32 to index
      %get3A_100 = tpu.vector_load %arg7[%get3A_97, %get3A_98, %get3A_99] {strides = array<i32>} : memref<2x16x320xf32, #tpu.memory_space<vmem>>, vector<16xf32>,
      %add3A_101 = arith.addf %add3A_92, %get3A_100 : vector<16xf32>
      %mul3A_102 = arith.constant 16 : i32
      %mul3A_103 = arith.muli %scan3A_58, %mul3A_102 : i32
      %get3A_104 = arith.constant 0 : i32
      %get3A_105 = arith.constant 5 : i32
      %get3A_106 = arith.index_cast %get3A_104 : i32 to index
      %get3A_107 = arith.index_cast %get3A_105 : i32 to index
      %get3A_108 = arith.index_cast %mul3A_103 : i32 to index
      %get3A_109 = tpu.vector_load %arg7[%get3A_106, %get3A_107, %get3A_108] {strides = array<i32>} : memref<2x16x320xf32, #tpu.memory_space<vmem>>, vector<16xf32>,
      %add3A_110 = arith.addf %add3A_101, %get3A_109 : vector<16xf32>
      %mul3A_111 = arith.constant 16 : i32
      %mul3A_112 = arith.muli %scan3A_58, %mul3A_111 : i32
      %get3A_113 = arith.constant 0 : i32
      %get3A_114 = arith.constant 6 : i32
      %get3A_115 = arith.index_cast %get3A_113 : i32 to index
      %get3A_116 = arith.index_cast %get3A_114 : i32 to index
      %get3A_117 = arith.index_cast %mul3A_112 : i32 to index
      %get3A_118 = tpu.vector_load %arg7[%get3A_115, %get3A_116, %get3A_117] {strides = array<i32>} : memref<2x16x320xf32, #tpu.memory_space<vmem>>, vector<16xf32>,
      %add3A_119 = arith.addf %add3A_110, %get3A_118 : vector<16xf32>
      %mul3A_120 = arith.constant 16 : i32
      %mul3A_121 = arith.muli %scan3A_58, %mul3A_120 : i32
      %get3A_122 = arith.constant 0 : i32
      %get3A_123 = arith.constant 7 : i32
      %get3A_124 = arith.index_cast %get3A_122 : i32 to index
      %get3A_125 = arith.index_cast %get3A_123 : i32 to index
      %get3A_126 = arith.index_cast %mul3A_121 : i32 to index
      %get3A_127 = tpu.vector_load %arg7[%get3A_124, %get3A_125, %get3A_126] {strides = array<i32>} : memref<2x16x320xf32, #tpu.memory_space<vmem>>, vector<16xf32>,
      %add3A_128 = arith.addf %add3A_119, %get3A_127 : vector<16xf32>
      %mul3A_129 = arith.constant 16 : i32
      %mul3A_130 = arith.muli %scan3A_58, %mul3A_129 : i32
      %get3A_131 = arith.constant 0 : i32
      %get3A_132 = arith.constant 8 : i32
      %get3A_133 = arith.index_cast %get3A_131 : i32 to index
      %get3A_134 = arith.index_cast %get3A_132 : i32 to index
      %get3A_135 = arith.index_cast %mul3A_130 : i32 to index
      %get3A_136 = tpu.vector_load %arg7[%get3A_133, %get3A_134, %get3A_135] {strides = array<i32>} : memref<2x16x320xf32, #tpu.memory_space<vmem>>, vector<16xf32>,
      %add3A_137 = arith.addf %add3A_128, %get3A_136 : vector<16xf32>
      %mul3A_138 = arith.constant 16 : i32
      %mul3A_139 = arith.muli %scan3A_58, %mul3A_138 : i32
      %get3A_140 = arith.constant 0 : i32
      %get3A_141 = arith.constant 9 : i32
      %get3A_142 = arith.index_cast %get3A_140 : i32 to index
      %get3A_143 = arith.index_cast %get3A_141 : i32 to index
      %get3A_144 = arith.index_cast %mul3A_139 : i32 to index
      %get3A_145 = tpu.vector_load %arg7[%get3A_142, %get3A_143, %get3A_144] {strides = array<i32>} : memref<2x16x320xf32, #tpu.memory_space<vmem>>, vector<16xf32>,
      %add3A_146 = arith.addf %add3A_137, %get3A_145 : vector<16xf32>
      %mul3A_147 = arith.constant 16 : i32
      %mul3A_148 = arith.muli %scan3A_58, %mul3A_147 : i32
      %get3A_149 = arith.constant 0 : i32
      %get3A_150 = arith.constant 10 : i32
      %get3A_151 = arith.index_cast %get3A_149 : i32 to index
      %get3A_152 = arith.index_cast %get3A_150 : i32 to index
      %get3A_153 = arith.index_cast %mul3A_148 : i32 to index
      %get3A_154 = tpu.vector_load %arg7[%get3A_151, %get3A_152, %get3A_153] {strides = array<i32>} : memref<2x16x320xf32, #tpu.memory_space<vmem>>, vector<16xf32>,
      %add3A_155 = arith.addf %add3A_146, %get3A_154 : vector<16xf32>
      %mul3A_156 = arith.constant 16 : i32
      %mul3A_157 = arith.muli %scan3A_58, %mul3A_156 : i32
      %get3A_158 = arith.constant 0 : i32
      %get3A_159 = arith.constant 11 : i32
      %get3A_160 = arith.index_cast %get3A_158 : i32 to index
      %get3A_161 = arith.index_cast %get3A_159 : i32 to index
      %get3A_162 = arith.index_cast %mul3A_157 : i32 to index
      %get3A_163 = tpu.vector_load %arg7[%get3A_160, %get3A_161, %get3A_162] {strides = array<i32>} : memref<2x16x320xf32, #tpu.memory_space<vmem>>, vector<16xf32>,
      %add3A_164 = arith.addf %add3A_155, %get3A_163 : vector<16xf32>
      %mul3A_165 = arith.constant 16 : i32
      %mul3A_166 = arith.muli %scan3A_58, %mul3A_165 : i32
      %get3A_167 = arith.constant 0 : i32
      %get3A_168 = arith.constant 12 : i32
      %get3A_169 = arith.index_cast %get3A_167 : i32 to index
      %get3A_170 = arith.index_cast %get3A_168 : i32 to index
      %get3A_171 = arith.index_cast %mul3A_166 : i32 to index
      %get3A_172 = tpu.vector_load %arg7[%get3A_169, %get3A_170, %get3A_171] {strides = array<i32>} : memref<2x16x320xf32, #tpu.memory_space<vmem>>, vector<16xf32>,
      %add3A_173 = arith.addf %add3A_164, %get3A_172 : vector<16xf32>
      %mul3A_174 = arith.constant 16 : i32
      %mul3A_175 = arith.muli %scan3A_58, %mul3A_174 : i32
      %get3A_176 = arith.constant 0 : i32
      %get3A_177 = arith.constant 13 : i32
      %get3A_178 = arith.index_cast %get3A_176 : i32 to index
      %get3A_179 = arith.index_cast %get3A_177 : i32 to index
      %get3A_180 = arith.index_cast %mul3A_175 : i32 to index
      %get3A_181 = tpu.vector_load %arg7[%get3A_178, %get3A_179, %get3A_180] {strides = array<i32>} : memref<2x16x320xf32, #tpu.memory_space<vmem>>, vector<16xf32>,
      %add3A_182 = arith.addf %add3A_173, %get3A_181 : vector<16xf32>
      %mul3A_183 = arith.constant 16 : i32
      %mul3A_184 = arith.muli %scan3A_58, %mul3A_183 : i32
      %get3A_185 = arith.constant 0 : i32
      %get3A_186 = arith.constant 14 : i32
      %get3A_187 = arith.index_cast %get3A_185 : i32 to index
      %get3A_188 = arith.index_cast %get3A_186 : i32 to index
      %get3A_189 = arith.index_cast %mul3A_184 : i32 to index
      %get3A_190 = tpu.vector_load %arg7[%get3A_187, %get3A_188, %get3A_189] {strides = array<i32>} : memref<2x16x320xf32, #tpu.memory_space<vmem>>, vector<16xf32>,
      %add3A_191 = arith.addf %add3A_182, %get3A_190 : vector<16xf32>
      %mul3A_192 = arith.constant 16 : i32
      %mul3A_193 = arith.muli %scan3A_58, %mul3A_192 : i32
      %get3A_194 = arith.constant 0 : i32
      %get3A_195 = arith.constant 15 : i32
      %get3A_196 = arith.index_cast %get3A_194 : i32 to index
      %get3A_197 = arith.index_cast %get3A_195 : i32 to index
      %get3A_198 = arith.index_cast %mul3A_193 : i32 to index
      %get3A_199 = tpu.vector_load %arg7[%get3A_196, %get3A_197, %get3A_198] {strides = array<i32>} : memref<2x16x320xf32, #tpu.memory_space<vmem>>, vector<16xf32>,
      %add3A_200 = arith.addf %add3A_191, %get3A_199 : vector<16xf32>
      %mul3A_201 = arith.constant 16 : i32
      %mul3A_202 = arith.muli %scan3A_58, %mul3A_201 : i32
      %get3A_203 = arith.constant 1 : i32
      %get3A_204 = arith.constant 0 : i32
      %get3A_205 = arith.index_cast %get3A_203 : i32 to index
      %get3A_206 = arith.index_cast %get3A_204 : i32 to index
      %get3A_207 = arith.index_cast %mul3A_202 : i32 to index
      %get3A_208 = tpu.vector_load %arg7[%get3A_205, %get3A_206, %get3A_207] {strides = array<i32>} : memref<2x16x320xf32, #tpu.memory_space<vmem>>, vector<16xf32>,
      %add3A_209 = arith.addf %add3A_200, %get3A_208 : vector<16xf32>
      %mul3A_210 = arith.constant 16 : i32
      %mul3A_211 = arith.muli %scan3A_58, %mul3A_210 : i32
      %get3A_212 = arith.constant 1 : i32
      %get3A_213 = arith.constant 1 : i32
      %get3A_214 = arith.index_cast %get3A_212 : i32 to index
      %get3A_215 = arith.index_cast %get3A_213 : i32 to index
      %get3A_216 = arith.index_cast %mul3A_211 : i32 to index
      %get3A_217 = tpu.vector_load %arg7[%get3A_214, %get3A_215, %get3A_216] {strides = array<i32>} : memref<2x16x320xf32, #tpu.memory_space<vmem>>, vector<16xf32>,
      %add3A_218 = arith.addf %add3A_209, %get3A_217 : vector<16xf32>
      %mul3A_219 = arith.constant 16 : i32
      %mul3A_220 = arith.muli %scan3A_58, %mul3A_219 : i32
      %get3A_221 = arith.constant 1 : i32
      %get3A_222 = arith.constant 2 : i32
      %get3A_223 = arith.index_cast %get3A_221 : i32 to index
      %get3A_224 = arith.index_cast %get3A_222 : i32 to index
      %get3A_225 = arith.index_cast %mul3A_220 : i32 to index
      %get3A_226 = tpu.vector_load %arg7[%get3A_223, %get3A_224, %get3A_225] {strides = array<i32>} : memref<2x16x320xf32, #tpu.memory_space<vmem>>, vector<16xf32>,
      %add3A_227 = arith.addf %add3A_218, %get3A_226 : vector<16xf32>
      %mul3A_228 = arith.constant 16 : i32
      %mul3A_229 = arith.muli %scan3A_58, %mul3A_228 : i32
      %get3A_230 = arith.constant 1 : i32
      %get3A_231 = arith.constant 3 : i32
      %get3A_232 = arith.index_cast %get3A_230 : i32 to index
      %get3A_233 = arith.index_cast %get3A_231 : i32 to index
      %get3A_234 = arith.index_cast %mul3A_229 : i32 to index
      %get3A_235 = tpu.vector_load %arg7[%get3A_232, %get3A_233, %get3A_234] {strides = array<i32>} : memref<2x16x320xf32, #tpu.memory_space<vmem>>, vector<16xf32>,
      %add3A_236 = arith.addf %add3A_227, %get3A_235 : vector<16xf32>
      %mul3A_237 = arith.constant 16 : i32
      %mul3A_238 = arith.muli %scan3A_58, %mul3A_237 : i32
      %get3A_239 = arith.constant 1 : i32
      %get3A_240 = arith.constant 4 : i32
      %get3A_241 = arith.index_cast %get3A_239 : i32 to index
      %get3A_242 = arith.index_cast %get3A_240 : i32 to index
      %get3A_243 = arith.index_cast %mul3A_238 : i32 to index
      %get3A_244 = tpu.vector_load %arg7[%get3A_241, %get3A_242, %get3A_243] {strides = array<i32>} : memref<2x16x320xf32, #tpu.memory_space<vmem>>, vector<16xf32>,
      %add3A_245 = arith.addf %add3A_236, %get3A_244 : vector<16xf32>
      %mul3A_246 = arith.constant 16 : i32
      %mul3A_247 = arith.muli %scan3A_58, %mul3A_246 : i32
      %get3A_248 = arith.constant 1 : i32
      %get3A_249 = arith.constant 5 : i32
      %get3A_250 = arith.index_cast %get3A_248 : i32 to index
      %get3A_251 = arith.index_cast %get3A_249 : i32 to index
      %get3A_252 = arith.index_cast %mul3A_247 : i32 to index
      %get3A_253 = tpu.vector_load %arg7[%get3A_250, %get3A_251, %get3A_252] {strides = array<i32>} : memref<2x16x320xf32, #tpu.memory_space<vmem>>, vector<16xf32>,
      %add3A_254 = arith.addf %add3A_245, %get3A_253 : vector<16xf32>
      %mul3A_255 = arith.constant 16 : i32
      %mul3A_256 = arith.muli %scan3A_58, %mul3A_255 : i32
      %get3A_257 = arith.constant 1 : i32
      %get3A_258 = arith.constant 6 : i32
      %get3A_259 = arith.index_cast %get3A_257 : i32 to index
      %get3A_260 = arith.index_cast %get3A_258 : i32 to index
      %get3A_261 = arith.index_cast %mul3A_256 : i32 to index
      %get3A_262 = tpu.vector_load %arg7[%get3A_259, %get3A_260, %get3A_261] {strides = array<i32>} : memref<2x16x320xf32, #tpu.memory_space<vmem>>, vector<16xf32>,
      %add3A_263 = arith.addf %add3A_254, %get3A_262 : vector<16xf32>
      %mul3A_264 = arith.constant 16 : i32
      %mul3A_265 = arith.muli %scan3A_58, %mul3A_264 : i32
      %get3A_266 = arith.constant 1 : i32
      %get3A_267 = arith.constant 7 : i32
      %get3A_268 = arith.index_cast %get3A_266 : i32 to index
      %get3A_269 = arith.index_cast %get3A_267 : i32 to index
      %get3A_270 = arith.index_cast %mul3A_265 : i32 to index
      %get3A_271 = tpu.vector_load %arg7[%get3A_268, %get3A_269, %get3A_270] {strides = array<i32>} : memref<2x16x320xf32, #tpu.memory_space<vmem>>, vector<16xf32>,
      %add3A_272 = arith.addf %add3A_263, %get3A_271 : vector<16xf32>
      %mul3A_273 = arith.constant 16 : i32
      %mul3A_274 = arith.muli %scan3A_58, %mul3A_273 : i32
      %get3A_275 = arith.constant 1 : i32
      %get3A_276 = arith.constant 8 : i32
      %get3A_277 = arith.index_cast %get3A_275 : i32 to index
      %get3A_278 = arith.index_cast %get3A_276 : i32 to index
      %get3A_279 = arith.index_cast %mul3A_274 : i32 to index
      %get3A_280 = tpu.vector_load %arg7[%get3A_277, %get3A_278, %get3A_279] {strides = array<i32>} : memref<2x16x320xf32, #tpu.memory_space<vmem>>, vector<16xf32>,
      %add3A_281 = arith.addf %add3A_272, %get3A_280 : vector<16xf32>
      %mul3A_282 = arith.constant 16 : i32
      %mul3A_283 = arith.muli %scan3A_58, %mul3A_282 : i32
      %get3A_284 = arith.constant 1 : i32
      %get3A_285 = arith.constant 9 : i32
      %get3A_286 = arith.index_cast %get3A_284 : i32 to index
      %get3A_287 = arith.index_cast %get3A_285 : i32 to index
      %get3A_288 = arith.index_cast %mul3A_283 : i32 to index
      %get3A_289 = tpu.vector_load %arg7[%get3A_286, %get3A_287, %get3A_288] {strides = array<i32>} : memref<2x16x320xf32, #tpu.memory_space<vmem>>, vector<16xf32>,
      %add3A_290 = arith.addf %add3A_281, %get3A_289 : vector<16xf32>
      %mul3A_291 = arith.constant 16 : i32
      %mul3A_292 = arith.muli %scan3A_58, %mul3A_291 : i32
      %get3A_293 = arith.constant 1 : i32
      %get3A_294 = arith.constant 10 : i32
      %get3A_295 = arith.index_cast %get3A_293 : i32 to index
      %get3A_296 = arith.index_cast %get3A_294 : i32 to index
      %get3A_297 = arith.index_cast %mul3A_292 : i32 to index
      %get3A_298 = tpu.vector_load %arg7[%get3A_295, %get3A_296, %get3A_297] {strides = array<i32>} : memref<2x16x320xf32, #tpu.memory_space<vmem>>, vector<16xf32>,
      %add3A_299 = arith.addf %add3A_290, %get3A_298 : vector<16xf32>
      %mul3A_300 = arith.constant 16 : i32
      %mul3A_301 = arith.muli %scan3A_58, %mul3A_300 : i32
      %get3A_302 = arith.constant 1 : i32
      %get3A_303 = arith.constant 11 : i32
      %get3A_304 = arith.index_cast %get3A_302 : i32 to index
      %get3A_305 = arith.index_cast %get3A_303 : i32 to index
      %get3A_306 = arith.index_cast %mul3A_301 : i32 to index
      %get3A_307 = tpu.vector_load %arg7[%get3A_304, %get3A_305, %get3A_306] {strides = array<i32>} : memref<2x16x320xf32, #tpu.memory_space<vmem>>, vector<16xf32>,
      %add3A_308 = arith.addf %add3A_299, %get3A_307 : vector<16xf32>
      %mul3A_309 = arith.constant 16 : i32
      %mul3A_310 = arith.muli %scan3A_58, %mul3A_309 : i32
      %get3A_311 = arith.constant 1 : i32
      %get3A_312 = arith.constant 12 : i32
      %get3A_313 = arith.index_cast %get3A_311 : i32 to index
      %get3A_314 = arith.index_cast %get3A_312 : i32 to index
      %get3A_315 = arith.index_cast %mul3A_310 : i32 to index
      %get3A_316 = tpu.vector_load %arg7[%get3A_313, %get3A_314, %get3A_315] {strides = array<i32>} : memref<2x16x320xf32, #tpu.memory_space<vmem>>, vector<16xf32>,
      %add3A_317 = arith.addf %add3A_308, %get3A_316 : vector<16xf32>
      %mul3A_318 = arith.constant 16 : i32
      %mul3A_319 = arith.muli %scan3A_58, %mul3A_318 : i32
      %get3A_320 = arith.constant 1 : i32
      %get3A_321 = arith.constant 13 : i32
      %get3A_322 = arith.index_cast %get3A_320 : i32 to index
      %get3A_323 = arith.index_cast %get3A_321 : i32 to index
      %get3A_324 = arith.index_cast %mul3A_319 : i32 to index
      %get3A_325 = tpu.vector_load %arg7[%get3A_322, %get3A_323, %get3A_324] {strides = array<i32>} : memref<2x16x320xf32, #tpu.memory_space<vmem>>, vector<16xf32>,
      %add3A_326 = arith.addf %add3A_317, %get3A_325 : vector<16xf32>
      %mul3A_327 = arith.constant 16 : i32
      %mul3A_328 = arith.muli %scan3A_58, %mul3A_327 : i32
      %get3A_329 = arith.constant 1 : i32
      %get3A_330 = arith.constant 14 : i32
      %get3A_331 = arith.index_cast %get3A_329 : i32 to index
      %get3A_332 = arith.index_cast %get3A_330 : i32 to index
      %get3A_333 = arith.index_cast %mul3A_328 : i32 to index
      %get3A_334 = tpu.vector_load %arg7[%get3A_331, %get3A_332, %get3A_333] {strides = array<i32>} : memref<2x16x320xf32, #tpu.memory_space<vmem>>, vector<16xf32>,
      %add3A_335 = arith.addf %add3A_326, %get3A_334 : vector<16xf32>
      %mul3A_336 = arith.constant 16 : i32
      %mul3A_337 = arith.muli %scan3A_58, %mul3A_336 : i32
      %get3A_338 = arith.constant 1 : i32
      %get3A_339 = arith.constant 15 : i32
      %get3A_340 = arith.index_cast %get3A_338 : i32 to index
      %get3A_341 = arith.index_cast %get3A_339 : i32 to index
      %get3A_342 = arith.index_cast %mul3A_337 : i32 to index
      %get3A_343 = tpu.vector_load %arg7[%get3A_340, %get3A_341, %get3A_342] {strides = array<i32>} : memref<2x16x320xf32, #tpu.memory_space<vmem>>, vector<16xf32>,
      %add3A_344 = arith.addf %add3A_335, %get3A_343 : vector<16xf32>
      %add3A_345 = vector.broadcast %scan3A_41 : f32 to vector<16xf32>
      %add3A_346 = arith.addf %add3A_344, %add3A_345 : vector<16xf32>
      %mul3A_347 = arith.constant 16 : i32
      %mul3A_348 = arith.muli %scan3A_58, %mul3A_347 : i32
      %add3A_349 = arith.constant 0 : i32
      %add3A_350 = arith.addi %mul3A_348, %add3A_349 : i32
      %get3A_351 = arith.index_cast %add3A_350 : i32 to index
      %get3A_352 = arith.constant 0 : index
      %get3A_353 = tpu.vector_load %arg5[%get3A_351, %get3A_352] {strides = array<i32>} : memref<320x16xf32, #tpu.memory_space<vmem>>, vector<16xf32>,
      %add3A_354 = arith.constant 0 : i32
      %add3A_355 = arith.addi %mul3A_348, %add3A_354 : i32
      %get3A_356 = arith.index_cast %add3A_355 : i32 to index
      %get3A_357 = arith.constant 0 : index
      %get3A_358 = tpu.vector_load %arg6[%get3A_356, %get3A_357] {strides = array<i32>} : memref<320x16xf32, #tpu.memory_space<vmem>>, vector<16xf32>,
      %add3A_359 = arith.addf %get3A_353, %get3A_358 : vector<16xf32>
      %slice3A = vector.extract_strided_slice %add3A_346 {offsets = [0], sizes = [1], strides = [1]} : vector<16xf32> to vector<1xf32>
      %squeeze3A = vector.extract %slice3A[0] : f32 from vector<1xf32>
      %div3A = vector.broadcast %squeeze3A : f32 to vector<16xf32>
      %div3A_360 = arith.divf %add3A_359, %div3A : vector<16xf32>
      %gt3A_361 = arith.constant 0.000000e+00 : f32
      %gt3A_362 = vector.broadcast %gt3A_361 : f32 to vector<16xf32>
      %gt3A_363 = arith.cmpf ogt, %div3A_360, %gt3A_362 : vector<16xf32>
      %exp3A = math.exp %div3A_360 : vector<16xf32>
      %sub3A = vector.broadcast %scan3A_42 : f32 to vector<16xf32>
      %sub3A_364 = arith.subf %exp3A, %sub3A : vector<16xf32>
      %select_n3A = arith.select %gt3A_363, %div3A_360, %sub3A_364 : vector<16xi1>, vector<16xf32>
      %add3A_365 = arith.constant 0 : i32
      %add3A_366 = arith.addi %mul3A_348, %add3A_365 : i32
      %swap3A = arith.index_cast %add3A_366 : i32 to index
      %swap3A_367 = arith.constant 0 : index
      %swap3A_368 = tpu.vector_load %arg8[%swap3A, %swap3A_367] {strides = array<i32>} : memref<320x16xf32, #tpu.memory_space<vmem>>, vector<16xf32>,
      tpu.vector_store %arg8[%swap3A, %swap3A_367], %select_n3A {strides = array<i32>} : memref<320x16xf32, #tpu.memory_space<vmem>>, vector<16xf32>,
      %add3A_369 = arith.constant 1 : i32
      %add3A_370 = arith.addi %mul3A_348, %add3A_369 : i32
      %get3A_371 = arith.index_cast %add3A_370 : i32 to index
      %get3A_372 = arith.constant 0 : index
      %get3A_373 = tpu.vector_load %arg5[%get3A_371, %get3A_372] {strides = array<i32>} : memref<320x16xf32, #tpu.memory_space<vmem>>, vector<16xf32>,
      %add3A_374 = arith.constant 1 : i32
      %add3A_375 = arith.addi %mul3A_348, %add3A_374 : i32
      %get3A_376 = arith.index_cast %add3A_375 : i32 to index
      %get3A_377 = arith.constant 0 : index
      %get3A_378 = tpu.vector_load %arg6[%get3A_376, %get3A_377] {strides = array<i32>} : memref<320x16xf32, #tpu.memory_space<vmem>>, vector<16xf32>,
      %add3A_379 = arith.addf %get3A_373, %get3A_378 : vector<16xf32>
      %slice3A_380 = vector.extract_strided_slice %add3A_346 {offsets = [1], sizes = [1], strides = [1]} : vector<16xf32> to vector<1xf32>
      %squeeze3A_381 = vector.extract %slice3A_380[0] : f32 from vector<1xf32>
      %div3A_382 = vector.broadcast %squeeze3A_381 : f32 to vector<16xf32>
      %div3A_383 = arith.divf %add3A_379, %div3A_382 : vector<16xf32>
      %gt3A_384 = arith.constant 0.000000e+00 : f32
      %gt3A_385 = vector.broadcast %gt3A_384 : f32 to vector<16xf32>
      %gt3A_386 = arith.cmpf ogt, %div3A_383, %gt3A_385 : vector<16xf32>
      %exp3A_387 = math.exp %div3A_383 : vector<16xf32>
      %sub3A_388 = vector.broadcast %scan3A_42 : f32 to vector<16xf32>
      %sub3A_389 = arith.subf %exp3A_387, %sub3A_388 : vector<16xf32>
      %select_n3A_390 = arith.select %gt3A_386, %div3A_383, %sub3A_389 : vector<16xi1>, vector<16xf32>
      %add3A_391 = arith.constant 1 : i32
      %add3A_392 = arith.addi %mul3A_348, %add3A_391 : i32
      %swap3A_393 = arith.index_cast %add3A_392 : i32 to index
      %swap3A_394 = arith.constant 0 : index
      %swap3A_395 = tpu.vector_load %arg8[%swap3A_393, %swap3A_394] {strides = array<i32>} : memref<320x16xf32, #tpu.memory_space<vmem>>, vector<16xf32>,
      tpu.vector_store %arg8[%swap3A_393, %swap3A_394], %select_n3A_390 {strides = array<i32>} : memref<320x16xf32, #tpu.memory_space<vmem>>, vector<16xf32>,
      %add3A_396 = arith.constant 2 : i32
      %add3A_397 = arith.addi %mul3A_348, %add3A_396 : i32
      %get3A_398 = arith.index_cast %add3A_397 : i32 to index
      %get3A_399 = arith.constant 0 : index
      %get3A_400 = tpu.vector_load %arg5[%get3A_398, %get3A_399] {strides = array<i32>} : memref<320x16xf32, #tpu.memory_space<vmem>>, vector<16xf32>,
      %add3A_401 = arith.constant 2 : i32
      %add3A_402 = arith.addi %mul3A_348, %add3A_401 : i32
      %get3A_403 = arith.index_cast %add3A_402 : i32 to index
      %get3A_404 = arith.constant 0 : index
      %get3A_405 = tpu.vector_load %arg6[%get3A_403, %get3A_404] {strides = array<i32>} : memref<320x16xf32, #tpu.memory_space<vmem>>, vector<16xf32>,
      %add3A_406 = arith.addf %get3A_400, %get3A_405 : vector<16xf32>
      %slice3A_407 = vector.extract_strided_slice %add3A_346 {offsets = [2], sizes = [1], strides = [1]} : vector<16xf32> to vector<1xf32>
      %squeeze3A_408 = vector.extract %slice3A_407[0] : f32 from vector<1xf32>
      %div3A_409 = vector.broadcast %squeeze3A_408 : f32 to vector<16xf32>
      %div3A_410 = arith.divf %add3A_406, %div3A_409 : vector<16xf32>
      %gt3A_411 = arith.constant 0.000000e+00 : f32
      %gt3A_412 = vector.broadcast %gt3A_411 : f32 to vector<16xf32>
      %gt3A_413 = arith.cmpf ogt, %div3A_410, %gt3A_412 : vector<16xf32>
      %exp3A_414 = math.exp %div3A_410 : vector<16xf32>
      %sub3A_415 = vector.broadcast %scan3A_42 : f32 to vector<16xf32>
      %sub3A_416 = arith.subf %exp3A_414, %sub3A_415 : vector<16xf32>
      %select_n3A_417 = arith.select %gt3A_413, %div3A_410, %sub3A_416 : vector<16xi1>, vector<16xf32>
      %add3A_418 = arith.constant 2 : i32
      %add3A_419 = arith.addi %mul3A_348, %add3A_418 : i32
      %swap3A_420 = arith.index_cast %add3A_419 : i32 to index
      %swap3A_421 = arith.constant 0 : index
      %swap3A_422 = tpu.vector_load %arg8[%swap3A_420, %swap3A_421] {strides = array<i32>} : memref<320x16xf32, #tpu.memory_space<vmem>>, vector<16xf32>,
      tpu.vector_store %arg8[%swap3A_420, %swap3A_421], %select_n3A_417 {strides = array<i32>} : memref<320x16xf32, #tpu.memory_space<vmem>>, vector<16xf32>,
      %add3A_423 = arith.constant 3 : i32
      %add3A_424 = arith.addi %mul3A_348, %add3A_423 : i32
      %get3A_425 = arith.index_cast %add3A_424 : i32 to index
      %get3A_426 = arith.constant 0 : index
      %get3A_427 = tpu.vector_load %arg5[%get3A_425, %get3A_426] {strides = array<i32>} : memref<320x16xf32, #tpu.memory_space<vmem>>, vector<16xf32>,
      %add3A_428 = arith.constant 3 : i32
      %add3A_429 = arith.addi %mul3A_348, %add3A_428 : i32
      %get3A_430 = arith.index_cast %add3A_429 : i32 to index
      %get3A_431 = arith.constant 0 : index
      %get3A_432 = tpu.vector_load %arg6[%get3A_430, %get3A_431] {strides = array<i32>} : memref<320x16xf32, #tpu.memory_space<vmem>>, vector<16xf32>,
      %add3A_433 = arith.addf %get3A_427, %get3A_432 : vector<16xf32>
      %slice3A_434 = vector.extract_strided_slice %add3A_346 {offsets = [3], sizes = [1], strides = [1]} : vector<16xf32> to vector<1xf32>
      %squeeze3A_435 = vector.extract %slice3A_434[0] : f32 from vector<1xf32>
      %div3A_436 = vector.broadcast %squeeze3A_435 : f32 to vector<16xf32>
      %div3A_437 = arith.divf %add3A_433, %div3A_436 : vector<16xf32>
      %gt3A_438 = arith.constant 0.000000e+00 : f32
      %gt3A_439 = vector.broadcast %gt3A_438 : f32 to vector<16xf32>
      %gt3A_440 = arith.cmpf ogt, %div3A_437, %gt3A_439 : vector<16xf32>
      %exp3A_441 = math.exp %div3A_437 : vector<16xf32>
      %sub3A_442 = vector.broadcast %scan3A_42 : f32 to vector<16xf32>
      %sub3A_443 = arith.subf %exp3A_441, %sub3A_442 : vector<16xf32>
      %select_n3A_444 = arith.select %gt3A_440, %div3A_437, %sub3A_443 : vector<16xi1>, vector<16xf32>
      %add3A_445 = arith.constant 3 : i32
      %add3A_446 = arith.addi %mul3A_348, %add3A_445 : i32
      %swap3A_447 = arith.index_cast %add3A_446 : i32 to index
      %swap3A_448 = arith.constant 0 : index
      %swap3A_449 = tpu.vector_load %arg8[%swap3A_447, %swap3A_448] {strides = array<i32>} : memref<320x16xf32, #tpu.memory_space<vmem>>, vector<16xf32>,
      tpu.vector_store %arg8[%swap3A_447, %swap3A_448], %select_n3A_444 {strides = array<i32>} : memref<320x16xf32, #tpu.memory_space<vmem>>, vector<16xf32>,
      %add3A_450 = arith.constant 4 : i32
      %add3A_451 = arith.addi %mul3A_348, %add3A_450 : i32
      %get3A_452 = arith.index_cast %add3A_451 : i32 to index
      %get3A_453 = arith.constant 0 : index
      %get3A_454 = tpu.vector_load %arg5[%get3A_452, %get3A_453] {strides = array<i32>} : memref<320x16xf32, #tpu.memory_space<vmem>>, vector<16xf32>,
      %add3A_455 = arith.constant 4 : i32
      %add3A_456 = arith.addi %mul3A_348, %add3A_455 : i32
      %get3A_457 = arith.index_cast %add3A_456 : i32 to index
      %get3A_458 = arith.constant 0 : index
      %get3A_459 = tpu.vector_load %arg6[%get3A_457, %get3A_458] {strides = array<i32>} : memref<320x16xf32, #tpu.memory_space<vmem>>, vector<16xf32>,
      %add3A_460 = arith.addf %get3A_454, %get3A_459 : vector<16xf32>
      %slice3A_461 = vector.extract_strided_slice %add3A_346 {offsets = [4], sizes = [1], strides = [1]} : vector<16xf32> to vector<1xf32>
      %squeeze3A_462 = vector.extract %slice3A_461[0] : f32 from vector<1xf32>
      %div3A_463 = vector.broadcast %squeeze3A_462 : f32 to vector<16xf32>
      %div3A_464 = arith.divf %add3A_460, %div3A_463 : vector<16xf32>
      %gt3A_465 = arith.constant 0.000000e+00 : f32
      %gt3A_466 = vector.broadcast %gt3A_465 : f32 to vector<16xf32>
      %gt3A_467 = arith.cmpf ogt, %div3A_464, %gt3A_466 : vector<16xf32>
      %exp3A_468 = math.exp %div3A_464 : vector<16xf32>
      %sub3A_469 = vector.broadcast %scan3A_42 : f32 to vector<16xf32>
      %sub3A_470 = arith.subf %exp3A_468, %sub3A_469 : vector<16xf32>
      %select_n3A_471 = arith.select %gt3A_467, %div3A_464, %sub3A_470 : vector<16xi1>, vector<16xf32>
      %add3A_472 = arith.constant 4 : i32
      %add3A_473 = arith.addi %mul3A_348, %add3A_472 : i32
      %swap3A_474 = arith.index_cast %add3A_473 : i32 to index
      %swap3A_475 = arith.constant 0 : index
      %swap3A_476 = tpu.vector_load %arg8[%swap3A_474, %swap3A_475] {strides = array<i32>} : memref<320x16xf32, #tpu.memory_space<vmem>>, vector<16xf32>,
      tpu.vector_store %arg8[%swap3A_474, %swap3A_475], %select_n3A_471 {strides = array<i32>} : memref<320x16xf32, #tpu.memory_space<vmem>>, vector<16xf32>,
      %add3A_477 = arith.constant 5 : i32
      %add3A_478 = arith.addi %mul3A_348, %add3A_477 : i32
      %get3A_479 = arith.index_cast %add3A_478 : i32 to index
      %get3A_480 = arith.constant 0 : index
      %get3A_481 = tpu.vector_load %arg5[%get3A_479, %get3A_480] {strides = array<i32>} : memref<320x16xf32, #tpu.memory_space<vmem>>, vector<16xf32>,
      %add3A_482 = arith.constant 5 : i32
      %add3A_483 = arith.addi %mul3A_348, %add3A_482 : i32
      %get3A_484 = arith.index_cast %add3A_483 : i32 to index
      %get3A_485 = arith.constant 0 : index
      %get3A_486 = tpu.vector_load %arg6[%get3A_484, %get3A_485] {strides = array<i32>} : memref<320x16xf32, #tpu.memory_space<vmem>>, vector<16xf32>,
      %add3A_487 = arith.addf %get3A_481, %get3A_486 : vector<16xf32>
      %slice3A_488 = vector.extract_strided_slice %add3A_346 {offsets = [5], sizes = [1], strides = [1]} : vector<16xf32> to vector<1xf32>
      %squeeze3A_489 = vector.extract %slice3A_488[0] : f32 from vector<1xf32>
      %div3A_490 = vector.broadcast %squeeze3A_489 : f32 to vector<16xf32>
      %div3A_491 = arith.divf %add3A_487, %div3A_490 : vector<16xf32>
      %gt3A_492 = arith.constant 0.000000e+00 : f32
      %gt3A_493 = vector.broadcast %gt3A_492 : f32 to vector<16xf32>
      %gt3A_494 = arith.cmpf ogt, %div3A_491, %gt3A_493 : vector<16xf32>
      %exp3A_495 = math.exp %div3A_491 : vector<16xf32>
      %sub3A_496 = vector.broadcast %scan3A_42 : f32 to vector<16xf32>
      %sub3A_497 = arith.subf %exp3A_495, %sub3A_496 : vector<16xf32>
      %select_n3A_498 = arith.select %gt3A_494, %div3A_491, %sub3A_497 : vector<16xi1>, vector<16xf32>
      %add3A_499 = arith.constant 5 : i32
      %add3A_500 = arith.addi %mul3A_348, %add3A_499 : i32
      %swap3A_501 = arith.index_cast %add3A_500 : i32 to index
      %swap3A_502 = arith.constant 0 : index
      %swap3A_503 = tpu.vector_load %arg8[%swap3A_501, %swap3A_502] {strides = array<i32>} : memref<320x16xf32, #tpu.memory_space<vmem>>, vector<16xf32>,
      tpu.vector_store %arg8[%swap3A_501, %swap3A_502], %select_n3A_498 {strides = array<i32>} : memref<320x16xf32, #tpu.memory_space<vmem>>, vector<16xf32>,
      %add3A_504 = arith.constant 6 : i32
      %add3A_505 = arith.addi %mul3A_348, %add3A_504 : i32
      %get3A_506 = arith.index_cast %add3A_505 : i32 to index
      %get3A_507 = arith.constant 0 : index
      %get3A_508 = tpu.vector_load %arg5[%get3A_506, %get3A_507] {strides = array<i32>} : memref<320x16xf32, #tpu.memory_space<vmem>>, vector<16xf32>,
      %add3A_509 = arith.constant 6 : i32
      %add3A_510 = arith.addi %mul3A_348, %add3A_509 : i32
      %get3A_511 = arith.index_cast %add3A_510 : i32 to index
      %get3A_512 = arith.constant 0 : index
      %get3A_513 = tpu.vector_load %arg6[%get3A_511, %get3A_512] {strides = array<i32>} : memref<320x16xf32, #tpu.memory_space<vmem>>, vector<16xf32>,
      %add3A_514 = arith.addf %get3A_508, %get3A_513 : vector<16xf32>
      %slice3A_515 = vector.extract_strided_slice %add3A_346 {offsets = [6], sizes = [1], strides = [1]} : vector<16xf32> to vector<1xf32>
      %squeeze3A_516 = vector.extract %slice3A_515[0] : f32 from vector<1xf32>
      %div3A_517 = vector.broadcast %squeeze3A_516 : f32 to vector<16xf32>
      %div3A_518 = arith.divf %add3A_514, %div3A_517 : vector<16xf32>
      %gt3A_519 = arith.constant 0.000000e+00 : f32
      %gt3A_520 = vector.broadcast %gt3A_519 : f32 to vector<16xf32>
      %gt3A_521 = arith.cmpf ogt, %div3A_518, %gt3A_520 : vector<16xf32>
      %exp3A_522 = math.exp %div3A_518 : vector<16xf32>
      %sub3A_523 = vector.broadcast %scan3A_42 : f32 to vector<16xf32>
      %sub3A_524 = arith.subf %exp3A_522, %sub3A_523 : vector<16xf32>
      %select_n3A_525 = arith.select %gt3A_521, %div3A_518, %sub3A_524 : vector<16xi1>, vector<16xf32>
      %add3A_526 = arith.constant 6 : i32
      %add3A_527 = arith.addi %mul3A_348, %add3A_526 : i32
      %swap3A_528 = arith.index_cast %add3A_527 : i32 to index
      %swap3A_529 = arith.constant 0 : index
      %swap3A_530 = tpu.vector_load %arg8[%swap3A_528, %swap3A_529] {strides = array<i32>} : memref<320x16xf32, #tpu.memory_space<vmem>>, vector<16xf32>,
      tpu.vector_store %arg8[%swap3A_528, %swap3A_529], %select_n3A_525 {strides = array<i32>} : memref<320x16xf32, #tpu.memory_space<vmem>>, vector<16xf32>,
      %add3A_531 = arith.constant 7 : i32
      %add3A_532 = arith.addi %mul3A_348, %add3A_531 : i32
      %get3A_533 = arith.index_cast %add3A_532 : i32 to index
      %get3A_534 = arith.constant 0 : index
      %get3A_535 = tpu.vector_load %arg5[%get3A_533, %get3A_534] {strides = array<i32>} : memref<320x16xf32, #tpu.memory_space<vmem>>, vector<16xf32>,
      %add3A_536 = arith.constant 7 : i32
      %add3A_537 = arith.addi %mul3A_348, %add3A_536 : i32
      %get3A_538 = arith.index_cast %add3A_537 : i32 to index
      %get3A_539 = arith.constant 0 : index
      %get3A_540 = tpu.vector_load %arg6[%get3A_538, %get3A_539] {strides = array<i32>} : memref<320x16xf32, #tpu.memory_space<vmem>>, vector<16xf32>,
      %add3A_541 = arith.addf %get3A_535, %get3A_540 : vector<16xf32>
      %slice3A_542 = vector.extract_strided_slice %add3A_346 {offsets = [7], sizes = [1], strides = [1]} : vector<16xf32> to vector<1xf32>
      %squeeze3A_543 = vector.extract %slice3A_542[0] : f32 from vector<1xf32>
      %div3A_544 = vector.broadcast %squeeze3A_543 : f32 to vector<16xf32>
      %div3A_545 = arith.divf %add3A_541, %div3A_544 : vector<16xf32>
      %gt3A_546 = arith.constant 0.000000e+00 : f32
      %gt3A_547 = vector.broadcast %gt3A_546 : f32 to vector<16xf32>
      %gt3A_548 = arith.cmpf ogt, %div3A_545, %gt3A_547 : vector<16xf32>
      %exp3A_549 = math.exp %div3A_545 : vector<16xf32>
      %sub3A_550 = vector.broadcast %scan3A_42 : f32 to vector<16xf32>
      %sub3A_551 = arith.subf %exp3A_549, %sub3A_550 : vector<16xf32>
      %select_n3A_552 = arith.select %gt3A_548, %div3A_545, %sub3A_551 : vector<16xi1>, vector<16xf32>
      %add3A_553 = arith.constant 7 : i32
      %add3A_554 = arith.addi %mul3A_348, %add3A_553 : i32
      %swap3A_555 = arith.index_cast %add3A_554 : i32 to index
      %swap3A_556 = arith.constant 0 : index
      %swap3A_557 = tpu.vector_load %arg8[%swap3A_555, %swap3A_556] {strides = array<i32>} : memref<320x16xf32, #tpu.memory_space<vmem>>, vector<16xf32>,
      tpu.vector_store %arg8[%swap3A_555, %swap3A_556], %select_n3A_552 {strides = array<i32>} : memref<320x16xf32, #tpu.memory_space<vmem>>, vector<16xf32>,
      %add3A_558 = arith.constant 8 : i32
      %add3A_559 = arith.addi %mul3A_348, %add3A_558 : i32
      %get3A_560 = arith.index_cast %add3A_559 : i32 to index
      %get3A_561 = arith.constant 0 : index
      %get3A_562 = tpu.vector_load %arg5[%get3A_560, %get3A_561] {strides = array<i32>} : memref<320x16xf32, #tpu.memory_space<vmem>>, vector<16xf32>,
      %add3A_563 = arith.constant 8 : i32
      %add3A_564 = arith.addi %mul3A_348, %add3A_563 : i32
      %get3A_565 = arith.index_cast %add3A_564 : i32 to index
      %get3A_566 = arith.constant 0 : index
      %get3A_567 = tpu.vector_load %arg6[%get3A_565, %get3A_566] {strides = array<i32>} : memref<320x16xf32, #tpu.memory_space<vmem>>, vector<16xf32>,
      %add3A_568 = arith.addf %get3A_562, %get3A_567 : vector<16xf32>
      %slice3A_569 = vector.extract_strided_slice %add3A_346 {offsets = [8], sizes = [1], strides = [1]} : vector<16xf32> to vector<1xf32>
      %squeeze3A_570 = vector.extract %slice3A_569[0] : f32 from vector<1xf32>
      %div3A_571 = vector.broadcast %squeeze3A_570 : f32 to vector<16xf32>
      %div3A_572 = arith.divf %add3A_568, %div3A_571 : vector<16xf32>
      %gt3A_573 = arith.constant 0.000000e+00 : f32
      %gt3A_574 = vector.broadcast %gt3A_573 : f32 to vector<16xf32>
      %gt3A_575 = arith.cmpf ogt, %div3A_572, %gt3A_574 : vector<16xf32>
      %exp3A_576 = math.exp %div3A_572 : vector<16xf32>
      %sub3A_577 = vector.broadcast %scan3A_42 : f32 to vector<16xf32>
      %sub3A_578 = arith.subf %exp3A_576, %sub3A_577 : vector<16xf32>
      %select_n3A_579 = arith.select %gt3A_575, %div3A_572, %sub3A_578 : vector<16xi1>, vector<16xf32>
      %add3A_580 = arith.constant 8 : i32
      %add3A_581 = arith.addi %mul3A_348, %add3A_580 : i32
      %swap3A_582 = arith.index_cast %add3A_581 : i32 to index
      %swap3A_583 = arith.constant 0 : index
      %swap3A_584 = tpu.vector_load %arg8[%swap3A_582, %swap3A_583] {strides = array<i32>} : memref<320x16xf32, #tpu.memory_space<vmem>>, vector<16xf32>,
      tpu.vector_store %arg8[%swap3A_582, %swap3A_583], %select_n3A_579 {strides = array<i32>} : memref<320x16xf32, #tpu.memory_space<vmem>>, vector<16xf32>,
      %add3A_585 = arith.constant 9 : i32
      %add3A_586 = arith.addi %mul3A_348, %add3A_585 : i32
      %get3A_587 = arith.index_cast %add3A_586 : i32 to index
      %get3A_588 = arith.constant 0 : index
      %get3A_589 = tpu.vector_load %arg5[%get3A_587, %get3A_588] {strides = array<i32>} : memref<320x16xf32, #tpu.memory_space<vmem>>, vector<16xf32>,
      %add3A_590 = arith.constant 9 : i32
      %add3A_591 = arith.addi %mul3A_348, %add3A_590 : i32
      %get3A_592 = arith.index_cast %add3A_591 : i32 to index
      %get3A_593 = arith.constant 0 : index
      %get3A_594 = tpu.vector_load %arg6[%get3A_592, %get3A_593] {strides = array<i32>} : memref<320x16xf32, #tpu.memory_space<vmem>>, vector<16xf32>,
      %add3A_595 = arith.addf %get3A_589, %get3A_594 : vector<16xf32>
      %slice3A_596 = vector.extract_strided_slice %add3A_346 {offsets = [9], sizes = [1], strides = [1]} : vector<16xf32> to vector<1xf32>
      %squeeze3A_597 = vector.extract %slice3A_596[0] : f32 from vector<1xf32>
      %div3A_598 = vector.broadcast %squeeze3A_597 : f32 to vector<16xf32>
      %div3A_599 = arith.divf %add3A_595, %div3A_598 : vector<16xf32>
      %gt3A_600 = arith.constant 0.000000e+00 : f32
      %gt3A_601 = vector.broadcast %gt3A_600 : f32 to vector<16xf32>
      %gt3A_602 = arith.cmpf ogt, %div3A_599, %gt3A_601 : vector<16xf32>
      %exp3A_603 = math.exp %div3A_599 : vector<16xf32>
      %sub3A_604 = vector.broadcast %scan3A_42 : f32 to vector<16xf32>
      %sub3A_605 = arith.subf %exp3A_603, %sub3A_604 : vector<16xf32>
      %select_n3A_606 = arith.select %gt3A_602, %div3A_599, %sub3A_605 : vector<16xi1>, vector<16xf32>
      %add3A_607 = arith.constant 9 : i32
      %add3A_608 = arith.addi %mul3A_348, %add3A_607 : i32
      %swap3A_609 = arith.index_cast %add3A_608 : i32 to index
      %swap3A_610 = arith.constant 0 : index
      %swap3A_611 = tpu.vector_load %arg8[%swap3A_609, %swap3A_610] {strides = array<i32>} : memref<320x16xf32, #tpu.memory_space<vmem>>, vector<16xf32>,
      tpu.vector_store %arg8[%swap3A_609, %swap3A_610], %select_n3A_606 {strides = array<i32>} : memref<320x16xf32, #tpu.memory_space<vmem>>, vector<16xf32>,
      %add3A_612 = arith.constant 10 : i32
      %add3A_613 = arith.addi %mul3A_348, %add3A_612 : i32
      %get3A_614 = arith.index_cast %add3A_613 : i32 to index
      %get3A_615 = arith.constant 0 : index
      %get3A_616 = tpu.vector_load %arg5[%get3A_614, %get3A_615] {strides = array<i32>} : memref<320x16xf32, #tpu.memory_space<vmem>>, vector<16xf32>,
      %add3A_617 = arith.constant 10 : i32
      %add3A_618 = arith.addi %mul3A_348, %add3A_617 : i32
      %get3A_619 = arith.index_cast %add3A_618 : i32 to index
      %get3A_620 = arith.constant 0 : index
      %get3A_621 = tpu.vector_load %arg6[%get3A_619, %get3A_620] {strides = array<i32>} : memref<320x16xf32, #tpu.memory_space<vmem>>, vector<16xf32>,
      %add3A_622 = arith.addf %get3A_616, %get3A_621 : vector<16xf32>
      %slice3A_623 = vector.extract_strided_slice %add3A_346 {offsets = [10], sizes = [1], strides = [1]} : vector<16xf32> to vector<1xf32>
      %squeeze3A_624 = vector.extract %slice3A_623[0] : f32 from vector<1xf32>
      %div3A_625 = vector.broadcast %squeeze3A_624 : f32 to vector<16xf32>
      %div3A_626 = arith.divf %add3A_622, %div3A_625 : vector<16xf32>
      %gt3A_627 = arith.constant 0.000000e+00 : f32
      %gt3A_628 = vector.broadcast %gt3A_627 : f32 to vector<16xf32>
      %gt3A_629 = arith.cmpf ogt, %div3A_626, %gt3A_628 : vector<16xf32>
      %exp3A_630 = math.exp %div3A_626 : vector<16xf32>
      %sub3A_631 = vector.broadcast %scan3A_42 : f32 to vector<16xf32>
      %sub3A_632 = arith.subf %exp3A_630, %sub3A_631 : vector<16xf32>
      %select_n3A_633 = arith.select %gt3A_629, %div3A_626, %sub3A_632 : vector<16xi1>, vector<16xf32>
      %add3A_634 = arith.constant 10 : i32
      %add3A_635 = arith.addi %mul3A_348, %add3A_634 : i32
      %swap3A_636 = arith.index_cast %add3A_635 : i32 to index
      %swap3A_637 = arith.constant 0 : index
      %swap3A_638 = tpu.vector_load %arg8[%swap3A_636, %swap3A_637] {strides = array<i32>} : memref<320x16xf32, #tpu.memory_space<vmem>>, vector<16xf32>,
      tpu.vector_store %arg8[%swap3A_636, %swap3A_637], %select_n3A_633 {strides = array<i32>} : memref<320x16xf32, #tpu.memory_space<vmem>>, vector<16xf32>,
      %add3A_639 = arith.constant 11 : i32
      %add3A_640 = arith.addi %mul3A_348, %add3A_639 : i32
      %get3A_641 = arith.index_cast %add3A_640 : i32 to index
      %get3A_642 = arith.constant 0 : index
      %get3A_643 = tpu.vector_load %arg5[%get3A_641, %get3A_642] {strides = array<i32>} : memref<320x16xf32, #tpu.memory_space<vmem>>, vector<16xf32>,
      %add3A_644 = arith.constant 11 : i32
      %add3A_645 = arith.addi %mul3A_348, %add3A_644 : i32
      %get3A_646 = arith.index_cast %add3A_645 : i32 to index
      %get3A_647 = arith.constant 0 : index
      %get3A_648 = tpu.vector_load %arg6[%get3A_646, %get3A_647] {strides = array<i32>} : memref<320x16xf32, #tpu.memory_space<vmem>>, vector<16xf32>,
      %add3A_649 = arith.addf %get3A_643, %get3A_648 : vector<16xf32>
      %slice3A_650 = vector.extract_strided_slice %add3A_346 {offsets = [11], sizes = [1], strides = [1]} : vector<16xf32> to vector<1xf32>
      %squeeze3A_651 = vector.extract %slice3A_650[0] : f32 from vector<1xf32>
      %div3A_652 = vector.broadcast %squeeze3A_651 : f32 to vector<16xf32>
      %div3A_653 = arith.divf %add3A_649, %div3A_652 : vector<16xf32>
      %gt3A_654 = arith.constant 0.000000e+00 : f32
      %gt3A_655 = vector.broadcast %gt3A_654 : f32 to vector<16xf32>
      %gt3A_656 = arith.cmpf ogt, %div3A_653, %gt3A_655 : vector<16xf32>
      %exp3A_657 = math.exp %div3A_653 : vector<16xf32>
      %sub3A_658 = vector.broadcast %scan3A_42 : f32 to vector<16xf32>
      %sub3A_659 = arith.subf %exp3A_657, %sub3A_658 : vector<16xf32>
      %select_n3A_660 = arith.select %gt3A_656, %div3A_653, %sub3A_659 : vector<16xi1>, vector<16xf32>
      %add3A_661 = arith.constant 11 : i32
      %add3A_662 = arith.addi %mul3A_348, %add3A_661 : i32
      %swap3A_663 = arith.index_cast %add3A_662 : i32 to index
      %swap3A_664 = arith.constant 0 : index
      %swap3A_665 = tpu.vector_load %arg8[%swap3A_663, %swap3A_664] {strides = array<i32>} : memref<320x16xf32, #tpu.memory_space<vmem>>, vector<16xf32>,
      tpu.vector_store %arg8[%swap3A_663, %swap3A_664], %select_n3A_660 {strides = array<i32>} : memref<320x16xf32, #tpu.memory_space<vmem>>, vector<16xf32>,
      %add3A_666 = arith.constant 12 : i32
      %add3A_667 = arith.addi %mul3A_348, %add3A_666 : i32
      %get3A_668 = arith.index_cast %add3A_667 : i32 to index
      %get3A_669 = arith.constant 0 : index
      %get3A_670 = tpu.vector_load %arg5[%get3A_668, %get3A_669] {strides = array<i32>} : memref<320x16xf32, #tpu.memory_space<vmem>>, vector<16xf32>,
      %add3A_671 = arith.constant 12 : i32
      %add3A_672 = arith.addi %mul3A_348, %add3A_671 : i32
      %get3A_673 = arith.index_cast %add3A_672 : i32 to index
      %get3A_674 = arith.constant 0 : index
      %get3A_675 = tpu.vector_load %arg6[%get3A_673, %get3A_674] {strides = array<i32>} : memref<320x16xf32, #tpu.memory_space<vmem>>, vector<16xf32>,
      %add3A_676 = arith.addf %get3A_670, %get3A_675 : vector<16xf32>
      %slice3A_677 = vector.extract_strided_slice %add3A_346 {offsets = [12], sizes = [1], strides = [1]} : vector<16xf32> to vector<1xf32>
      %squeeze3A_678 = vector.extract %slice3A_677[0] : f32 from vector<1xf32>
      %div3A_679 = vector.broadcast %squeeze3A_678 : f32 to vector<16xf32>
      %div3A_680 = arith.divf %add3A_676, %div3A_679 : vector<16xf32>
      %gt3A_681 = arith.constant 0.000000e+00 : f32
      %gt3A_682 = vector.broadcast %gt3A_681 : f32 to vector<16xf32>
      %gt3A_683 = arith.cmpf ogt, %div3A_680, %gt3A_682 : vector<16xf32>
      %exp3A_684 = math.exp %div3A_680 : vector<16xf32>
      %sub3A_685 = vector.broadcast %scan3A_42 : f32 to vector<16xf32>
      %sub3A_686 = arith.subf %exp3A_684, %sub3A_685 : vector<16xf32>
      %select_n3A_687 = arith.select %gt3A_683, %div3A_680, %sub3A_686 : vector<16xi1>, vector<16xf32>
      %add3A_688 = arith.constant 12 : i32
      %add3A_689 = arith.addi %mul3A_348, %add3A_688 : i32
      %swap3A_690 = arith.index_cast %add3A_689 : i32 to index
      %swap3A_691 = arith.constant 0 : index
      %swap3A_692 = tpu.vector_load %arg8[%swap3A_690, %swap3A_691] {strides = array<i32>} : memref<320x16xf32, #tpu.memory_space<vmem>>, vector<16xf32>,
      tpu.vector_store %arg8[%swap3A_690, %swap3A_691], %select_n3A_687 {strides = array<i32>} : memref<320x16xf32, #tpu.memory_space<vmem>>, vector<16xf32>,
      %add3A_693 = arith.constant 13 : i32
      %add3A_694 = arith.addi %mul3A_348, %add3A_693 : i32
      %get3A_695 = arith.index_cast %add3A_694 : i32 to index
      %get3A_696 = arith.constant 0 : index
      %get3A_697 = tpu.vector_load %arg5[%get3A_695, %get3A_696] {strides = array<i32>} : memref<320x16xf32, #tpu.memory_space<vmem>>, vector<16xf32>,
      %add3A_698 = arith.constant 13 : i32
      %add3A_699 = arith.addi %mul3A_348, %add3A_698 : i32
      %get3A_700 = arith.index_cast %add3A_699 : i32 to index
      %get3A_701 = arith.constant 0 : index
      %get3A_702 = tpu.vector_load %arg6[%get3A_700, %get3A_701] {strides = array<i32>} : memref<320x16xf32, #tpu.memory_space<vmem>>, vector<16xf32>,
      %add3A_703 = arith.addf %get3A_697, %get3A_702 : vector<16xf32>
      %slice3A_704 = vector.extract_strided_slice %add3A_346 {offsets = [13], sizes = [1], strides = [1]} : vector<16xf32> to vector<1xf32>
      %squeeze3A_705 = vector.extract %slice3A_704[0] : f32 from vector<1xf32>
      %div3A_706 = vector.broadcast %squeeze3A_705 : f32 to vector<16xf32>
      %div3A_707 = arith.divf %add3A_703, %div3A_706 : vector<16xf32>
      %gt3A_708 = arith.constant 0.000000e+00 : f32
      %gt3A_709 = vector.broadcast %gt3A_708 : f32 to vector<16xf32>
      %gt3A_710 = arith.cmpf ogt, %div3A_707, %gt3A_709 : vector<16xf32>
      %exp3A_711 = math.exp %div3A_707 : vector<16xf32>
      %sub3A_712 = vector.broadcast %scan3A_42 : f32 to vector<16xf32>
      %sub3A_713 = arith.subf %exp3A_711, %sub3A_712 : vector<16xf32>
      %select_n3A_714 = arith.select %gt3A_710, %div3A_707, %sub3A_713 : vector<16xi1>, vector<16xf32>
      %add3A_715 = arith.constant 13 : i32
      %add3A_716 = arith.addi %mul3A_348, %add3A_715 : i32
      %swap3A_717 = arith.index_cast %add3A_716 : i32 to index
      %swap3A_718 = arith.constant 0 : index
      %swap3A_719 = tpu.vector_load %arg8[%swap3A_717, %swap3A_718] {strides = array<i32>} : memref<320x16xf32, #tpu.memory_space<vmem>>, vector<16xf32>,
      tpu.vector_store %arg8[%swap3A_717, %swap3A_718], %select_n3A_714 {strides = array<i32>} : memref<320x16xf32, #tpu.memory_space<vmem>>, vector<16xf32>,
      %add3A_720 = arith.constant 14 : i32
      %add3A_721 = arith.addi %mul3A_348, %add3A_720 : i32
      %get3A_722 = arith.index_cast %add3A_721 : i32 to index
      %get3A_723 = arith.constant 0 : index
      %get3A_724 = tpu.vector_load %arg5[%get3A_722, %get3A_723] {strides = array<i32>} : memref<320x16xf32, #tpu.memory_space<vmem>>, vector<16xf32>,
      %add3A_725 = arith.constant 14 : i32
      %add3A_726 = arith.addi %mul3A_348, %add3A_725 : i32
      %get3A_727 = arith.index_cast %add3A_726 : i32 to index
      %get3A_728 = arith.constant 0 : index
      %get3A_729 = tpu.vector_load %arg6[%get3A_727, %get3A_728] {strides = array<i32>} : memref<320x16xf32, #tpu.memory_space<vmem>>, vector<16xf32>,
      %add3A_730 = arith.addf %get3A_724, %get3A_729 : vector<16xf32>
      %slice3A_731 = vector.extract_strided_slice %add3A_346 {offsets = [14], sizes = [1], strides = [1]} : vector<16xf32> to vector<1xf32>
      %squeeze3A_732 = vector.extract %slice3A_731[0] : f32 from vector<1xf32>
      %div3A_733 = vector.broadcast %squeeze3A_732 : f32 to vector<16xf32>
      %div3A_734 = arith.divf %add3A_730, %div3A_733 : vector<16xf32>
      %gt3A_735 = arith.constant 0.000000e+00 : f32
      %gt3A_736 = vector.broadcast %gt3A_735 : f32 to vector<16xf32>
      %gt3A_737 = arith.cmpf ogt, %div3A_734, %gt3A_736 : vector<16xf32>
      %exp3A_738 = math.exp %div3A_734 : vector<16xf32>
      %sub3A_739 = vector.broadcast %scan3A_42 : f32 to vector<16xf32>
      %sub3A_740 = arith.subf %exp3A_738, %sub3A_739 : vector<16xf32>
      %select_n3A_741 = arith.select %gt3A_737, %div3A_734, %sub3A_740 : vector<16xi1>, vector<16xf32>
      %add3A_742 = arith.constant 14 : i32
      %add3A_743 = arith.addi %mul3A_348, %add3A_742 : i32
      %swap3A_744 = arith.index_cast %add3A_743 : i32 to index
      %swap3A_745 = arith.constant 0 : index
      %swap3A_746 = tpu.vector_load %arg8[%swap3A_744, %swap3A_745] {strides = array<i32>} : memref<320x16xf32, #tpu.memory_space<vmem>>, vector<16xf32>,
      tpu.vector_store %arg8[%swap3A_744, %swap3A_745], %select_n3A_741 {strides = array<i32>} : memref<320x16xf32, #tpu.memory_space<vmem>>, vector<16xf32>,
      %add3A_747 = arith.constant 15 : i32
      %add3A_748 = arith.addi %mul3A_348, %add3A_747 : i32
      %get3A_749 = arith.index_cast %add3A_748 : i32 to index
      %get3A_750 = arith.constant 0 : index
      %get3A_751 = tpu.vector_load %arg5[%get3A_749, %get3A_750] {strides = array<i32>} : memref<320x16xf32, #tpu.memory_space<vmem>>, vector<16xf32>,
      %add3A_752 = arith.constant 15 : i32
      %add3A_753 = arith.addi %mul3A_348, %add3A_752 : i32
      %get3A_754 = arith.index_cast %add3A_753 : i32 to index
      %get3A_755 = arith.constant 0 : index
      %get3A_756 = tpu.vector_load %arg6[%get3A_754, %get3A_755] {strides = array<i32>} : memref<320x16xf32, #tpu.memory_space<vmem>>, vector<16xf32>,
      %add3A_757 = arith.addf %get3A_751, %get3A_756 : vector<16xf32>
      %slice3A_758 = vector.extract_strided_slice %add3A_346 {offsets = [15], sizes = [1], strides = [1]} : vector<16xf32> to vector<1xf32>
      %squeeze3A_759 = vector.extract %slice3A_758[0] : f32 from vector<1xf32>
      %div3A_760 = vector.broadcast %squeeze3A_759 : f32 to vector<16xf32>
      %div3A_761 = arith.divf %add3A_757, %div3A_760 : vector<16xf32>
      %gt3A_762 = arith.constant 0.000000e+00 : f32
      %gt3A_763 = vector.broadcast %gt3A_762 : f32 to vector<16xf32>
      %gt3A_764 = arith.cmpf ogt, %div3A_761, %gt3A_763 : vector<16xf32>
      %exp3A_765 = math.exp %div3A_761 : vector<16xf32>
      %sub3A_766 = vector.broadcast %scan3A_42 : f32 to vector<16xf32>
      %sub3A_767 = arith.subf %exp3A_765, %sub3A_766 : vector<16xf32>
      %select_n3A_768 = arith.select %gt3A_764, %div3A_761, %sub3A_767 : vector<16xi1>, vector<16xf32>
      %add3A_769 = arith.constant 15 : i32
      %add3A_770 = arith.addi %mul3A_348, %add3A_769 : i32
      %swap3A_771 = arith.index_cast %add3A_770 : i32 to index
      %swap3A_772 = arith.constant 0 : index
      %swap3A_773 = tpu.vector_load %arg8[%swap3A_771, %swap3A_772] {strides = array<i32>} : memref<320x16xf32, #tpu.memory_space<vmem>>, vector<16xf32>,
      tpu.vector_store %arg8[%swap3A_771, %swap3A_772], %select_n3A_768 {strides = array<i32>} : memref<320x16xf32, #tpu.memory_space<vmem>>, vector<16xf32>,
    }
    %scan3A_47 = arith.constant 20 : i32
    %add3A_48 = arith.constant 320 : i32
    %add3A_49 = arith.addi %mul3A_2, %add3A_48 : i32
    %le3A = arith.constant 10000 : i32
    %le3A_50 = arith.cmpi sle, %add3A_49, %le3A : i32
    %convert_element_type3A = arith.extui %le3A_50 : i1 to i32
    %cond3A = arith.constant 0 : i32
    %cond3A_51 = arith.cmpi ne, %convert_element_type3A, %cond3A : i32
    scf.if %cond3A_51 {
      "tpu.region"() ({
        %run_scoped3A = tpu.sem_alloc : memref<!tpu.dma_semaphore, #tpu.memory_space<semaphore_mem>>
        %dma_start3A_58 = arith.constant 0 : i32
        %dma_start3A_59 = tpu.memref_slice %arg4[%mul3A_2, %dma_start3A_58] : memref<10000x16xf32, #tpu.memory_space<hbm>> -> memref<320x16xf32, #tpu.memory_space<hbm>>
        %dma_start3A_60 = arith.constant 0 : i32
        %dma_start3A_61 = tpu.memref_slice %arg4[%mul3A_2, %dma_start3A_60] : memref<10000x16xf32, #tpu.memory_space<hbm>> -> memref<320x16xf32, #tpu.memory_space<hbm>>
        tpu.enqueue_dma source(%arg8 : memref<320x16xf32, #tpu.memory_space<vmem>>) target(%dma_start3A_61 : memref<320x16xf32, #tpu.memory_space<hbm>>) target_semaphore(%run_scoped3A : memref<!tpu.dma_semaphore, #tpu.memory_space<semaphore_mem>>)
        %dma_wait3A_62 = arith.constant 0 : i32
        %dma_wait3A_63 = tpu.memref_slice %arg4[%mul3A_2, %dma_wait3A_62] : memref<10000x16xf32, #tpu.memory_space<hbm>> -> memref<320x16xf32, #tpu.memory_space<hbm>>
        %dma_wait3A_64 = arith.constant 0 : i32
        %dma_wait3A_65 = tpu.memref_slice %arg4[%mul3A_2, %dma_wait3A_64] : memref<10000x16xf32, #tpu.memory_space<hbm>> -> memref<320x16xf32, #tpu.memory_space<hbm>>
        tpu.wait_dma2 semaphore(%run_scoped3A : memref<!tpu.dma_semaphore, #tpu.memory_space<semaphore_mem>>) src(%arg8 : memref<320x16xf32, #tpu.memory_space<vmem>>) dst(%dma_wait3A_65 : memref<320x16xf32, #tpu.memory_space<hbm>>)
        tpu.yield
      }) : () -> ()
    } else {
    }
    %add3A_52 = arith.constant 320 : i32
    %add3A_53 = arith.addi %mul3A_2, %add3A_52 : i32
    %gt3A = arith.constant 10000 : i32
    %gt3A_54 = arith.cmpi sgt, %add3A_53, %gt3A : i32
    %convert_element_type3A_55 = arith.extui %gt3A_54 : i1 to i32
    %cond3A_56 = arith.constant 0 : i32
    %cond3A_57 = arith.cmpi ne, %convert_element_type3A_55, %cond3A_56 : i32
    scf.if %cond3A_57 {
      "tpu.region"() ({
        %run_scoped3A = tpu.sem_alloc : memref<!tpu.dma_semaphore, #tpu.memory_space<semaphore_mem>>
        %dma_start3A_58 = arith.constant 0 : i32
        %dma_start3A_59 = arith.constant 0 : i32
        %dma_start3A_60 = tpu.memref_slice %arg8[%dma_start3A_58, %dma_start3A_59] : memref<320x16xf32, #tpu.memory_space<vmem>> -> memref<80x16xf32, #tpu.memory_space<vmem>>
        %dma_start3A_61 = arith.constant 9920 : i32
        %dma_start3A_62 = arith.constant 0 : i32
        %dma_start3A_63 = tpu.memref_slice %arg4[%dma_start3A_61, %dma_start3A_62] : memref<10000x16xf32, #tpu.memory_space<hbm>> -> memref<80x16xf32, #tpu.memory_space<hbm>>
        %dma_start3A_64 = arith.constant 9920 : i32
        %dma_start3A_65 = arith.constant 0 : i32
        %dma_start3A_66 = tpu.memref_slice %arg4[%dma_start3A_64, %dma_start3A_65] : memref<10000x16xf32, #tpu.memory_space<hbm>> -> memref<80x16xf32, #tpu.memory_space<hbm>>
        %dma_start3A_67 = arith.constant 0 : i32
        %dma_start3A_68 = arith.constant 0 : i32
        %dma_start3A_69 = tpu.memref_slice %arg8[%dma_start3A_67, %dma_start3A_68] : memref<320x16xf32, #tpu.memory_space<vmem>> -> memref<80x16xf32, #tpu.memory_space<vmem>>
        tpu.enqueue_dma source(%dma_start3A_69 : memref<80x16xf32, #tpu.memory_space<vmem>>) target(%dma_start3A_66 : memref<80x16xf32, #tpu.memory_space<hbm>>) target_semaphore(%run_scoped3A : memref<!tpu.dma_semaphore, #tpu.memory_space<semaphore_mem>>)
        %dma_wait3A_70 = arith.constant 0 : i32
        %dma_wait3A_71 = arith.constant 0 : i32
        %dma_wait3A_72 = tpu.memref_slice %arg8[%dma_wait3A_70, %dma_wait3A_71] : memref<320x16xf32, #tpu.memory_space<vmem>> -> memref<80x16xf32, #tpu.memory_space<vmem>>
        %dma_wait3A_73 = arith.constant 9920 : i32
        %dma_wait3A_74 = arith.constant 0 : i32
        %dma_wait3A_75 = tpu.memref_slice %arg4[%dma_wait3A_73, %dma_wait3A_74] : memref<10000x16xf32, #tpu.memory_space<hbm>> -> memref<80x16xf32, #tpu.memory_space<hbm>>
        %dma_wait3A_76 = arith.constant 9920 : i32
        %dma_wait3A_77 = arith.constant 0 : i32
        %dma_wait3A_78 = tpu.memref_slice %arg4[%dma_wait3A_76, %dma_wait3A_77] : memref<10000x16xf32, #tpu.memory_space<hbm>> -> memref<80x16xf32, #tpu.memory_space<hbm>>
        %dma_wait3A_79 = arith.constant 0 : i32
        %dma_wait3A_80 = arith.constant 0 : i32
        %dma_wait3A_81 = tpu.memref_slice %arg8[%dma_wait3A_79, %dma_wait3A_80] : memref<320x16xf32, #tpu.memory_space<vmem>> -> memref<80x16xf32, #tpu.memory_space<vmem>>
        tpu.wait_dma2 semaphore(%run_scoped3A : memref<!tpu.dma_semaphore, #tpu.memory_space<semaphore_mem>>) src(%dma_wait3A_81 : memref<80x16xf32, #tpu.memory_space<vmem>>) dst(%dma_wait3A_78 : memref<80x16xf32, #tpu.memory_space<hbm>>)
        tpu.yield
      }) : () -> ()
    } else {
    }
    return
  }
}

module attributes {stable_mosaic.version = 14 : i64} {
  func.func @_zsd_body(%arg0: i32, %arg1: memref<1x1xf32, #tpu.memory_space<vmem>>, %arg2: memref<2048x128xf32, #tpu.memory_space<vmem>>, %arg3: memref<16x128xf32, #tpu.memory_space<vmem>>, %arg4: memref<1x32xf32, #tpu.memory_space<vmem>>, %arg5: memref<2048x16xf32, #tpu.memory_space<vmem>>, %arg6: memref<2048xf32, #tpu.memory_space<vmem>>, %arg7: memref<2048xf32, #tpu.memory_space<vmem>>) attributes {dimension_semantics = [#tpu.dimension_semantics<arbitrary>], iteration_bounds = array<i64: 5>, scalar_prefetch = 0 : i64, scratch_operands = 0 : i64, tpu.core_type = #tpu.core_type<tc>, window_params = [{pipeline_mode = #tpu.pipeline_mode<synchronous>, transform_indices = @transform_0, window_bounds = array<i64: 1, 1>}, {transform_indices = @transform_1, window_bounds = array<i64: 2048, 128>}, {pipeline_mode = #tpu.pipeline_mode<synchronous>, transform_indices = @transform_2, window_bounds = array<i64: 16, 128>}, {pipeline_mode = #tpu.pipeline_mode<synchronous>, transform_indices = @transform_3, window_bounds = array<i64: 1, 32>}, {transform_indices = @transform_4, window_bounds = array<i64: 2048, 16>}, {transform_indices = @transform_5, window_bounds = array<i64: 2048>}, {transform_indices = @transform_6, window_bounds = array<i64: 2048>}]} {
    %get3A = arith.constant 0 : index
    %get3A_0 = arith.constant 0 : index
    %get3A_1 = vector.load %arg1[%get3A, %get3A_0] : memref<1x1xf32, #tpu.memory_space<vmem>>, vector<1x1xf32>
    %get3A_2 = vector.extract %get3A_1[0, 0] : f32 from vector<1x1xf32>
    %get3A_3 = arith.constant 0 : index
    %get3A_4 = arith.constant 0 : index
    %get3A_5 = vector.load %arg3[%get3A_3, %get3A_4] : memref<16x128xf32, #tpu.memory_space<vmem>>, vector<16x128xf32>
    %abs3A = math.absf %get3A_5 : vector<16x128xf32>
    %gt3A = vector.broadcast %get3A_2 : f32 to vector<16x128xf32>
    %gt3A_6 = arith.cmpf ogt, %abs3A, %gt3A : vector<16x128xf32>
    %convert_element_type3A = arith.extui %gt3A_6 : vector<16x128xi1> to vector<16x128xi32>
    %convert_element_type3A_7 = arith.sitofp %convert_element_type3A : vector<16x128xi32> to vector<16x128xf32>
    %mul3A = arith.mulf %get3A_5, %convert_element_type3A_7 : vector<16x128xf32>
    %get3A_8 = arith.constant 0 : index
    %get3A_9 = arith.constant 0 : index
    %get3A_10 = vector.load %arg2[%get3A_8, %get3A_9] : memref<2048x128xf32, #tpu.memory_space<vmem>>, vector<2048x128xf32>
    %dot_general3A = arith.constant dense<0.000000e+00> : vector<2048x16xf32>
    %dot_general3A_11 = tpu.matmul %get3A_10, %mul3A, %dot_general3A {dimension_numbers = #tpu.dot_dimension_numbers<[1], [1], [0], [0], [0, 0, 1, 0], [], []>, transpose_lhs_hint = false} : vector<2048x128xf32>, vector<16x128xf32>, vector<2048x16xf32> -> vector<2048x16xf32>
    %get3A_12 = arith.constant 0 : index
    %get3A_13 = arith.constant 0 : index
    %get3A_14 = vector.load %arg4[%get3A_12, %get3A_13] : memref<1x32xf32, #tpu.memory_space<vmem>>, vector<1x32xf32>
    %abs3A_15 = math.absf %get3A_14 : vector<1x32xf32>
    %gt3A_16 = vector.broadcast %get3A_2 : f32 to vector<1x32xf32>
    %gt3A_17 = arith.cmpf ogt, %abs3A_15, %gt3A_16 : vector<1x32xf32>
    %convert_element_type3A_18 = arith.extui %gt3A_17 : vector<1x32xi1> to vector<1x32xi32>
    %convert_element_type3A_19 = arith.sitofp %convert_element_type3A_18 : vector<1x32xi32> to vector<1x32xf32>
    %mul3A_20 = arith.mulf %get3A_14, %convert_element_type3A_19 : vector<1x32xf32>
    %slice3A = vector.extract_strided_slice %mul3A_20 {offsets = [0, 0], sizes = [1, 16], strides = [1, 1]} : vector<1x32xf32> to vector<1x16xf32>
    %slice3A_21 = vector.extract_strided_slice %mul3A_20 {offsets = [0, 16], sizes = [1, 16], strides = [1, 1]} : vector<1x32xf32> to vector<1x16xf32>
    %swap3A = arith.constant 0 : index
    %swap3A_22 = arith.constant 0 : index
    %swap3A_23 = vector.load %arg5[%swap3A, %swap3A_22] : memref<2048x16xf32, #tpu.memory_space<vmem>>, vector<2048x16xf32>
    tpu.vector_store %arg5[%swap3A, %swap3A_22], %dot_general3A_11 {strides = array<i32>} : memref<2048x16xf32, #tpu.memory_space<vmem>>, vector<2048x16xf32>,
    %mul3A_24 = vector.broadcast %slice3A : vector<1x16xf32> to vector<2048x16xf32>
    %mul3A_25 = arith.mulf %dot_general3A_11, %mul3A_24 : vector<2048x16xf32>
    %reduce_sum3A = arith.constant dense<0.000000e+00> : vector<2048xf32>
    %reduce_sum3A_26 = vector.multi_reduction <add>, %mul3A_25, %reduce_sum3A [1] : vector<2048x16xf32> to vector<2048xf32>
    %swap3A_27 = arith.constant 0 : index
    %swap3A_28 = vector.load %arg6[%swap3A_27] : memref<2048xf32, #tpu.memory_space<vmem>>, vector<2048xf32>
    tpu.vector_store %arg6[%swap3A_27], %reduce_sum3A_26 {strides = array<i32>} : memref<2048xf32, #tpu.memory_space<vmem>>, vector<2048xf32>,
    %mul3A_29 = vector.broadcast %slice3A_21 : vector<1x16xf32> to vector<2048x16xf32>
    %mul3A_30 = arith.mulf %dot_general3A_11, %mul3A_29 : vector<2048x16xf32>
    %reduce_sum3A_31 = arith.constant dense<0.000000e+00> : vector<2048xf32>
    %reduce_sum3A_32 = vector.multi_reduction <add>, %mul3A_30, %reduce_sum3A_31 [1] : vector<2048x16xf32> to vector<2048xf32>
    %swap3A_33 = arith.constant 0 : index
    %swap3A_34 = vector.load %arg7[%swap3A_33] : memref<2048xf32, #tpu.memory_space<vmem>>, vector<2048xf32>
    tpu.vector_store %arg7[%swap3A_33], %reduce_sum3A_32 {strides = array<i32>} : memref<2048xf32, #tpu.memory_space<vmem>>, vector<2048xf32>,
    return
  }
  func.func @transform_0(%arg0: i32) -> (i32, i32) {
    %c0_i32 = arith.constant 0 : i32
    %c0_i32_0 = arith.constant 0 : i32
    %c0_i32_1 = arith.constant 0 : i32
    return %c0_i32, %c0_i32_0 : i32, i32
  }
  func.func @transform_1(%arg0: i32) -> (i32, i32) {
    %c0_i32 = arith.constant 0 : i32
    %c0_i32_0 = arith.constant 0 : i32
    return %arg0, %c0_i32 : i32, i32
  }
  func.func @transform_2(%arg0: i32) -> (i32, i32) {
    %c0_i32 = arith.constant 0 : i32
    %c0_i32_0 = arith.constant 0 : i32
    %c0_i32_1 = arith.constant 0 : i32
    return %c0_i32, %c0_i32_0 : i32, i32
  }
  func.func @transform_3(%arg0: i32) -> (i32, i32) {
    %c0_i32 = arith.constant 0 : i32
    %c0_i32_0 = arith.constant 0 : i32
    %c0_i32_1 = arith.constant 0 : i32
    return %c0_i32, %c0_i32_0 : i32, i32
  }
  func.func @transform_4(%arg0: i32) -> (i32, i32) {
    %c0_i32 = arith.constant 0 : i32
    %c0_i32_0 = arith.constant 0 : i32
    return %arg0, %c0_i32 : i32, i32
  }
  func.func @transform_5(%arg0: i32) -> i32 {
    %c0_i32 = arith.constant 0 : i32
    return %arg0 : i32
  }
  func.func @transform_6(%arg0: i32) -> i32 {
    %c0_i32 = arith.constant 0 : i32
    return %arg0 : i32
  }
}

</mosaic_0001>

<sc_bundles>
// kernel: kernel.5.cloned.1.call-start
scs
__scs_entry_jumppad:
0x0: {  	(pc) =	sbr.rel $0x88, $3  }
0x1: {  	(tag) =	ssettag $0x0;
	lr =	simm.s32 $0x1  }
0x2: {  	[smem:$0x3F9C] =	sst lr;
	_ =	strace $0xD0000000  }
0x3: {  	_ = 	snop  }
0x4: {  	_ = 	snop  }
0x5: {  	_ = 	snop  }
0x6: {  	_ = 	snop  }
0x7: {  	_ = 	snop  }
__scs_overlays_trampoline_lowered:
0x8: {  	[smem:$0x3FAB] =	sst s0  }
0x9: {  	[smem:$0x3FAC] =	sst s1  }
0xa: {  	[smem:$0x3FAD] =	sst s2  }
0xb: {  	[smem:$0x3FAE] =	sst s3  }
0xc: {  	[smem:$0x3FAF] =	sst s4  }
0xd: {  	[smem:$0x3FB0] =	sst s5  }
0xe: {  	[smem:$0x3FB1] =	sst s6  }
0xf: {  	[smem:$0x3FB2] =	sst s7  }
0x10: {  	[smem:$0x3FB3] =	sst s8  }
0x11: {  	[smem:$0x3FB4] =	sst s9;
	s0 =	simm.s32 @!p0 $0x0  }
0x12: {  	s1 =	sld [smem:$0x3F9A];
	s0 =	simm.s32 @p0 $0x1  }
0x13: {  	[smem:$0x3FB5] =	sst s0;
	s0 =	simm.s32 @!p1 $0x0  }
0x14: {  	s2 =	sld [smem:$0x3F99];
	s0 =	simm.s32 @p1 $0x1  }
0x15: {  	[smem:$0x3FB6] =	sst s0;
	s0 =	simm.s32 @!p2 $0x0  }
0x16: {  	s3 =	sld [smem:$0x3FDB];
	s0 =	simm.s32 @p2 $0x1  }
0x17: {  	s4 =	simm.s32 $0x1BF5;
	[smem:$0x3FB8] =	sst s0  }
0x18: {  	s0 =	sld [smem:$0x3F9B];
	_ =	swait.ge [sflag:s4], $0x0  }
0x19: {  	s7 =	sld [smem:$0x3F9C]  }
0x1a: {  	s8 =	sadd.s32 $0xFFFFE003, lr  }
0x1b: {  	s9 =	sadd.s32 $0xFFFFFEF7, lr;
	s5 =	simm.s32 $0xFFFFFFFF;
	p2 =	slt.u32 s8, $0xFFFFF086  }
0x1c: {  	p1 =	slt.u32 s9, $0xF7A;
	s5 =	simm.s32 @!p2 $0x0  }
0x1d: {  	s5 =	simm.s32 @p1 $0x1;
	p0 =	seq.s32 s7, s2  }
0x1e: {  	s7 =	smul.u32 @!p0 $0xF7A, s2;
	p2 =	seq.s32 @!p0 s5, $0x0  }
0x1f: {  	s9 =	smul.u32 $0xF7A, s1;
	s8 =	simm.s32 @!p0 $0x1BF5;
	p2 =	por !p2, p0  }
0x20: {  	[sflag:s8] =	ssyncset.s32 @!p0 $0xFFFFF086;
	s6 =	sadd.s32 @!p0 s3, s7;
	s7 =	simm.s32 @!p0 $0x108  }
0x21: {  	s3 =	sadd.s32 s3, s9;
	s6 =	sadd.s32 @!p0 $0x88, s6;
	s7 =	simm.s32 @p2 $0x1082  }
0x22: {  	[simem:s7], [sflag:s8] =	dma.local @!p0 [hbm:s6], $0xF7A  }
0x23: {  	s9 =	sor.u32 $0xD0000000, s2;
	s6 =	simm.s32 $0x108;
	_ =	swait.ge @!p0 [sflag:s8], $0x0  }
0x24: {  	s3 =	sadd.s32 $0x88, s3;
	s6 =	simm.s32 @!p1 $0x1082;
	[sflag:s4] =	ssyncset.s32 $0xFFFFF086  }
0x25: {  	[simem:s6], [sflag:s4] =	dma.local [hbm:s3], $0xF7A  }
0x26: {  	[smem:$0x3F9C] =	sst s1;
	(tag) =	ssettag s2;
	_ =	strace s9  }
0x27: {  	s1 =	sld [smem:$0x3FAC]  }
0x28: {  	s2 =	sld [smem:$0x3FAD]  }
0x29: {  	s4 =	sld [smem:$0x3FAF]  }
0x2a: {  	p0 =	seq.s32 s5, $0x0;
	s5 =	sld [smem:$0x3FB0]  }
0x2b: {  	s6 =	sld [smem:$0x3FB1]  }
0x2c: {  	s7 =	sld [smem:$0x3FB2]  }
0x2d: {  	s3 =	simm.s32 $0x108;
	s8 =	sld [smem:$0x3FB3]  }
0x2e: {  	s3 =	simm.s32 @!p0 $0x1082;
	s9 =	sld [smem:$0x3FB4]  }
0x2f: {  	lr =	sadd.s32 s0, s3;
	s0 =	sld [smem:$0x3FAB]  }
0x30: {  	s3 =	sld [smem:$0x3FAE]  }
0x31: {  	[smem:$0x3FB7] =	sst s10  }
0x32: {  	s10 =	sld [smem:$0x3FB5];
	_ =	sdelay $0x3  }
0x33: {  	p0 =	seq.s32 s10, $0x1;
	s10 =	sld [smem:$0x3FB7];
	_ =	sdelay $0x3  }
0x34: {  	[smem:$0x3FB7] =	sst s10  }
0x35: {  	s10 =	sld [smem:$0x3FB6];
	_ =	sdelay $0x3  }
0x36: {  	p1 =	seq.s32 s10, $0x1;
	s10 =	sld [smem:$0x3FB7];
	_ =	sdelay $0x3  }
0x37: {  	[smem:$0x3FB7] =	sst s10  }
0x38: {  	s10 =	sld [smem:$0x3FB8]  }
0x39: {  	_ = 	snop;
	(pc) =	sbr.ind lr, $3  }
0x3a: {  	_ = 	snop  }
0x3b: {  	_ = 	snop  }
0x3c: {  	p2 =	seq.s32 s10, $0x1;
	s10 =	sld [smem:$0x3FB7]  }
0x3d: {  	_ =	shalt  }
0x3e: {  	_ =	shalt  }
0x3f: {  	_ =	shalt  }
0x40: {  	_ =	shalt  }
0x41: {  	_ =	shalt  }
0x42: {  	_ =	shalt  }
0x43: {  	_ =	shalt  }
0x44: {  	_ =	shalt  }
0x45: {  	_ =	shalt  }
0x46: {  	_ =	shalt  }
0x47: {  	_ =	shalt  }
0x48: {  	_ =	shalt  }
0x49: {  	_ =	shalt  }
0x4a: {  	_ =	shalt  }
0x4b: {  	_ =	shalt  }
0x4c: {  	_ =	shalt  }
0x4d: {  	_ =	shalt  }
0x4e: {  	_ =	shalt  }
0x4f: {  	_ =	shalt  }
0x50: {  	_ =	shalt  }
0x51: {  	_ =	shalt  }
0x52: {  	_ =	shalt  }
0x53: {  	_ =	shalt  }
0x54: {  	_ =	shalt  }
0x55: {  	_ =	shalt  }
0x56: {  	_ =	shalt  }
0x57: {  	_ =	shalt  }
0x58: {  	_ =	shalt  }
0x59: {  	_ =	shalt  }
0x5a: {  	_ =	shalt  }
0x5b: {  	_ =	shalt  }
0x5c: {  	_ =	shalt  }
0x5d: {  	_ =	shalt  }
0x5e: {  	_ =	shalt  }
0x5f: {  	_ =	shalt  }
0x60: {  	_ =	shalt  }
0x61: {  	_ =	shalt  }
0x62: {  	_ =	shalt  }
0x63: {  	_ =	shalt  }
0x64: {  	_ =	shalt  }
0x65: {  	_ =	shalt  }
0x66: {  	_ =	shalt  }
0x67: {  	_ =	shalt  }
0x68: {  	_ =	shalt  }
0x69: {  	_ =	shalt  }
0x6a: {  	_ =	shalt  }
0x6b: {  	_ =	shalt  }
0x6c: {  	_ =	shalt  }
0x6d: {  	_ =	shalt  }
0x6e: {  	_ =	shalt  }
0x6f: {  	_ =	shalt  }
0x70: {  	_ =	shalt  }
0x71: {  	_ =	shalt  }
0x72: {  	_ =	shalt  }
0x73: {  	_ =	shalt  }
0x74: {  	_ =	shalt  }
0x75: {  	_ =	shalt  }
0x76: {  	_ =	shalt  }
0x77: {  	_ =	shalt  }
0x78: {  	_ =	shalt  }
0x79: {  	_ =	shalt  }
0x7a: {  	_ =	shalt  }
0x7b: {  	_ =	shalt  }
0x7c: {  	_ =	shalt  }
0x7d: {  	_ =	shalt  }
0x7e: {  	_ =	shalt  }
0x7f: {  	_ =	shalt  }
0x80: {  	_ =	shalt  }
0x81: {  	_ =	shalt  }
0x82: {  	_ =	shalt  }
0x83: {  	_ =	shalt  }
0x84: {  	_ =	shalt  }
0x85: {  	_ =	shalt  }
0x86: {  	_ =	shalt  }
0x87: {  	_ =	shalt  }
.Lfunc_end0:
.L_simem_size_0:
called_computation_lowered:
.L_overlay_start_0:
0x88: {  	s2 =	sld [smem:$0x3FD9]  }
0x89: {  	s3 =	sld [smem:$0x3FFE];
	_ =	sdelay $0x1  }
0x8a: {  	s1 =	srdreg.scid  }
0x8b: {  	s0 =	sand.u32 $0x1, s1  }
0x8c: {  	s17 =	sshll.u32 s0, $0xA;
	s2 =	sadd.s32 s3, s2  }
0x8d: {  	s2 =	sadd.s32 s2, s17  }
0x8e: {  	[smem:$0x3FC3] =	sst s2  }
0x8f: {  	_ = 	snop  }
0x90: {  	s2 =	sld [smem:$0x3FD0];
	(tm) =	ssettm $0x1  }
0x91: {  	s18 =	sld [smem:$0x3FFB];
	_ =	sdelay $0x3  }
0x92: {  	_ =	strace s18  }
0x93: {  	s3 =	sld [smem:$0x3FFC];
	_ =	sdelay $0x3  }
0x94: {  	_ =	strace s3  }
0x95: {  	s3 =	sld [smem:$0x3FFD];
	_ =	sdelay $0x3  }
0x96: {  	_ =	strace s3  }
0x97: {  	_ =	strace $0x8FFFFFFF  }
0x98: {  	s19 =	sld [smem:$0x3FDB];
	_ =	sdelay $0x1  }
0x99: {  	s4 =	simm.s32 $_scs_section_size  }
0x9a: {  	s5 =	simm.s32 $_size__tile_overlayer_lowered;
	s6 =	simm.s32 $_tile_overlayer_lowered  }
0x9b: {  	s22 =	simm.s32 $0x1BFF;
	s21 =	sshll.u32 s6, $0x1;
	s3 =	sadd.s32 s4, s19  }
0x9c: {  	s7 =	simm.s32 $0x0;
	s20 =	sshll.u32 s5, $0x1;
	s5 =	sadd.s32 s21, s3  }
0x9d: {  	[timem:s7], [sflag:s22] =	dma.local [hbm:s5], s20  }
0x9e: {  	_ =	swait.ge [sflag:s22], s20  }
0x9f: {  	s4 =	ssub.s32 $0x0, s20;
	[sflag:s22] =	ssyncset.done $0x0  }
0xa0: {  	[sflag:s22] =	ssyncadd.s32 s4;
	_ =	sdelay $0x1  }
0xa1: {  	s23 =	simm.s32 $0x1B8B  }
0xa2: {  	_ =	swait.ge [sflag:s23], $0x1  }
0xa3: {  	[sflag:s23] =	ssyncset.done $0x0  }
0xa4: {  	s25 =	simm.s32 $0x1B8E;
	s24 =	sld [smem:$0x3FFE];
	[sflag:s23] =	ssyncadd.s32 $0xFFFFFFFF  }
0xa5: {  	s26 =	simm.s32 $execute0_lowered;
	[smem:$0x3FD2] =	sst s25  }
0xa6: {  	s5 =	sshll.u32 s26, $0x1;
	_ =	strace $0x80000046;
	[dreg:$0x1] =	wrdreg $0xFFFFFFFF  }
0xa7: {  	s28 =	simm.s32 $_size_execute0_lowered;
	s3 =	sadd.s32 s3, s5;
	[dreg:$0x0] =	wrdreg $0x0  }
0xa8: {  	s5 =	sshll.u32 s28, $0x1;
	[dreg:$0x2] =	wrdreg s3  }
0xa9: {  	[dreg:$0x3] =	wrdreg s5  }
0xaa: {  	[dreg:$0x4] =	wrdreg $0xC0  }
0xab: {  	_ =	task [dreg:s7], $0x5FFFF  }
0xac: {  	[dreg:$0x1] =	wrdreg $0xFFFFFFFF  }
0xad: {  	[dreg:$0x0] =	wrdreg $0x60  }
0xae: {  	[dreg:$0x2] =	wrdreg s24  }
0xaf: {  	[dreg:$0x3] =	wrdreg s2  }
0xb0: {  	[dreg:$0x4] =	wrdreg $0x158000  }
0xb1: {  	[dreg:$0x5] =	wrdreg $0x9  }
0xb2: {  	_ =	task.clear_ibuf [dreg:s7], $0x6FFFF;
	_ =	strace $0x90000046  }
0xb3: {  	s29 =	simm.s32 $0x9;
	_ =	strace $0x80000048  }
0xb4: {  	_ =	swait.ge [sflag:s29], $0x1  }
0xb5: {  	[sflag:s29] =	ssyncadd.s32 $0xFFFFFFFF  }
0xb6: {  	_ =	strace $0x90000048  }
0xb7: {  	_ =	sfence  }
0xb8: {  	s30 =	sld [smem:$0x0];
	_ =	sdelay $0x2  }
0xb9: {  	s31 =	sshll.u32 s1, $0xD;
	s1 =	sshrl.u32 s1, $0x2  }
0xba: {  	s3 =	sand.u32 $0x4000, s31;
	s1 =	sadd.s32 s1, s30  }
0xbb: {  	s0 =	sor.u32 s3, s0;
	s1 =	sshll.u32 s1, $0x11  }
0xbc: {  	s0 =	sor.u32 s1, s0  }
0xbd: {  	s0 =	sadd.s32 $0x8F2B, s0  }
0xbe: {  	[sflag:s0] =	ssyncadd.remote.s32 $0x1  }
0xbf: {  	_ =	sfence.sel $0xFFFF  }
0xc0: {  	[dreg:$0x0] =	wrdreg $0xFFFFFFFF;
	(pc) =	sbr.abs _section_cstart, $3  }
0xc1: {  	[dreg:$0x1] =	wrdreg $0xFFFFFFFF  }
0xc2: {  	_ =	task.clear_ibuf [dreg:s7], $0x2FFFF;
	_ =	strace $0x9FFFFFFF  }
0xc3: {  	(tm) =	ssettm $0x7FFFFFFF  }
tec
execute0_lowered:
.L_overlay_start_1:
0x0: {  	(tag) =	ssettag $0x1  }
0x1: {  	s0 =	srdreg.scid  }
0x2: {  	s1 =	rddreg [dreg:$0x0];
	s5 =	stileid.u32  }
0x3: {  	s3 =	rddreg [dreg:$0x2];
	s4 =	simm.s32 $0x0;
	s13 =	simm.s32 $0x2800  }
0x4: {  	s10 =	simm.s32 $0x5000;
	s17 =	simm.s32 $0x9;
	s18 =	simm.s32 $0x4  }
0x5: {  	s19 =	simm.s32 $0x1;
	s20 =	simm.s32 $0x2;
	s21 =	simm.s32 $0x3  }
0x6: {  	s22 =	simm.s32 $0x80;
	s30 =	simm.s32 $0x10800;
	s31 =	simm.s32 $0xC800  }
0x7: {  	s15 =	simm.s32 $0x12000;
	s16 =	simm.s32 $0x12800;
	s0 =	sand.u32 $0x1, s0  }
0x8: {  	s6 =	smul.u32 $0x2800, s5;
	[smem:$0x7FF] =	sst s4;
	s2 =	sshll.u32 s0, $0x4  }
0x9: {  	s9 =	sadd.s32 $0x1A00, s1;
	s25 =	smul.u32 $0x28000, s0;
	s2 =	sor.u32 s5, s2  }
0xa: {  	_ =	strace $0x80000047;
	s0 =	ssub.s32 $0x2, s0;
	s2 =	smul.u32 $0x2710, s2  }
0xb: {  	[dreg:$0x4] =	wrdreg s9;
	s5 =	sadd.s32 $0x2000, s1;
	s8 =	sshrl.u32 s0, $0x1  }
0xc: {  	s7 =	sadd.s32 s6, s25;
	s0 =	ssub.s32 s0, s8;
	s2 =	sshrl.u32 s2, $0x3  }
0xd: {  	s7 =	sshrl.u32 s7, $0x3;
	s0 =	smax.u32 s0, $0x1;
	s2 =	sadd.s32 s2, s1  }
0xe: {  	[dreg:$0x9] =	wrdreg s0;
	s1 =	sadd.s32 s7, s1;
	s26 =	sadd.s32 $0x7000, s2  }
.Ltmp0:
0xf: {  	s2 =	sadd.s32 $0x10C40, s2;
	[dreg:$0x5] =	wrdreg s26;
	(pc) =	sbr.rel .LBB2_1-.Ltmp0, $4  }
0x10: {  	s24 =	simm.s32 $0x6;
	s29 =	sadd.s32 $0x24A00, s1;
	[dreg:$0x6] =	wrdreg s2  }
0x11: {  	s28 =	simm.s32 $0x0;
	s1 =	sadd.s32 $0x1AA00, s1;
	[dreg:$0x7] =	wrdreg s29  }
0x12: {  	s9 =	sadd.s32 s6, s3;
	s25 =	simm.s32 $0x7;
	[dreg:$0x8] =	wrdreg s1  }
0x13: {  	v0 =	vimm.s32 $0x0;
	v1 =	vimm.s32 $0x2710;
	v2 =	vimm.f32 $0.0e+00;
	s1 =	simm.s32 $0x11000;
	s2 =	simm.s32 $0x11800;
	s26 =	simm.s32 $0x8  }
.LBB2_18:
0x14: {  	s0 =	rddreg [dreg:$0x7]  }
0x15: {  	[hbm4b:s0+s4] =	stream.linear.scatter [tilespmem:s31], [sflag:$0x9], $0x2800, $0x38;
	[tilespmem:$0x18000] =	vst v63  }
0x16: {  	_ =	swait.ge [sflag:s17], $0x2800  }
0x17: {  	[sflag:s17] =	ssyncset.done $0x0  }
0x18: {  	s14 =	simm.s32 $0x5;
	[sflag:s17] =	ssyncadd.s32 $0xFFFFD800  }
0x19: {  	_ =	swait.ge [sflag:s14], $0x800  }
0x1a: {  	[sflag:s14] =	ssyncset.done $0x0  }
0x1b: {  	[sflag:s14] =	ssyncadd.s32 $0xFFFFF800  }
0x1c: {  	_ =	swait.ge [sflag:s24], $0x800  }
0x1d: {  	[sflag:s24] =	ssyncset.done $0x0  }
0x1e: {  	[sflag:s24] =	ssyncadd.s32 $0xFFFFF800  }
0x1f: {  	_ =	swait.ge [sflag:s25], $0x800  }
0x20: {  	[sflag:s25] =	ssyncset.done $0x0  }
0x21: {  	[sflag:s25] =	ssyncadd.s32 $0xFFFFF800  }
0x22: {  	_ =	swait.ge [sflag:s26], $0x800  }
0x23: {  	[sflag:s26] =	ssyncset.done $0x0  }
0x24: {  	s23 =	stileid.u32;
	[sflag:s26] =	ssyncadd.s32 $0xFFFFF800  }
0x25: {  	s0 =	sshll.u32 s23, $0x6;
	[bflag:$0x0] =	sbarrier.arrive $0xFFFF  }
0x26: {  	s6 =	sshrl.u32 s9, $0x3;
	s0 =	sor.u32 $0x1C09, s0;
	s7 =	rddreg [dreg:$0x8]  }
0x27: {  	[hbm:s7], [sflag:s0] =	dma.local [spmem:s6], $0x500  }
0x28: {  	_ =	swait.ge [sflag:s17], $0x500  }
0x29: {  	s28 =	sadd.s32 $0x1, s28;
	s29 =	rddreg [dreg:$0x9]  }
0x2a: {  	p0 =	sne.s32 s28, s29  }
.Ltmp1:
0x2b: {  	_ = 	snop;
	(pc) =	sbr.rel @!p0 .LBB2_19-.Ltmp1, $3  }
0x2c: {  	_ =	sdelay $0x1  }
0x2d: {  	[sflag:s17] =	ssyncset.done $0x0  }
0x2e: {  	s10 =	simm.s32 $0x5000;
	[sflag:s17] =	ssyncadd.s32 $0xFFFFFB00  }
.LBB2_1:
0x2f: {  	s6 =	simm.s32 $0x40;
	s0 =	simm.s32 $0x0  }
.LBB2_2:
0x30: {  	p0 =	sne.s32 s6, $0x380;
	[tilespmem:s0+$0x4F10] =	vst v2;
	s7 =	smov.u32 s6;
	s6 =	sadd.s32 $0x40, s6  }
.Ltmp2:
0x31: {  	[tilespmem:s0+$0x2710] =	vst v2;
	(pc) =	sbr.rel @p0 .LBB2_2-.Ltmp2, $3  }
0x32: {  	[tilespmem:s0+$0x7710] =	vst v0  }
0x33: {  	[tilespmem:s0+$0x9F10] =	vst v1;
	_ =	sdelay $0x1  }
0x34: {  	s0 =	sshra.s32 s7, $0x2  }
0x35: {  	[tilespmem:s0+$0x4F10] =	vst v2  }
0x36: {  	[tilespmem:s0+$0x2710] =	vst v2  }
0x37: {  	[tilespmem:s0+$0x7710] =	vst v0;
	s6 =	rddreg [dreg:$0x1]  }
0x38: {  	[tilespmem:s0+$0x9F10] =	vst v1;
	s12 =	simm.s32 $0x0;
	s14 =	rddreg [dreg:$0x4]  }
0x39: {  	[tilespmem:s12], [sflag:$0x1] =	stream.linear.gather [hbm4b:s6+s12], $0x2710, $0x38;
	[tilespmem:$0x18000] =	vst v63  }
0x3a: {  	s23 =	rddreg [dreg:$0x5]  }
0x3b: {  	[tilespmem:s13], [sflag:$0x2] =	stream.linear.gather [hbm4b:s14+s12], $0x2710, $0x38;
	[tilespmem:$0x18000] =	vst v63  }
0x3c: {  	s29 =	rddreg [dreg:$0x6]  }
0x3d: {  	[tilespmem:s10], [sflag:$0x3] =	stream.linear.gather [hbm4b:s23+s12], $0x2710, $0x38;
	[tilespmem:$0x18000] =	vst v63  }
0x3e: {  	s7 =	simm.s32 $0x7800;
	s0 =	simm.s32 $0x40;
	s6 =	simm.s32 $0x0  }
0x3f: {  	[tilespmem:s7], [sflag:$0x4] =	stream.linear.gather [hbm4b:s29+s12], $0x2710, $0x38;
	[tilespmem:$0x18000] =	vst v63  }
.LBB2_4:
0x40: {  	p0 =	sne.s32 s0, $0x9FC0;
	[tilespmem:s6+$0x13000] =	vst v2;
	s7 =	smov.u32 s0;
	s0 =	sadd.s32 $0x40, s0  }
.Ltmp3:
0x41: {  	[tilespmem:s6+$0xC800] =	vst v2;
	(pc) =	sbr.rel @p0 .LBB2_4-.Ltmp3, $2  }
0x42: {  	_ =	sdelay $0x2  }
0x43: {  	s6 =	sshra.s32 s7, $0x2  }
0x44: {  	[tilespmem:s6+$0x13000] =	vst v2  }
0x45: {  	[tilespmem:s6+$0xC800] =	vst v2;
	s0 =	simm.s32 $0x13000  }
0x46: {  	[spmem:s9] =	stream.linear.scatter [tilespmem:s0], [sflag:$0x9], $0x2800, $0x38;
	[tilespmem:$0x18000] =	vst v63  }
0x47: {  	_ =	swait.ge [sflag:s17], $0x2800  }
0x48: {  	[sflag:s17] =	ssyncset.done $0x0  }
0x49: {  	[sflag:s17] =	ssyncadd.s32 $0xFFFFD800  }
0x4a: {  	_ =	swait.ge [sflag:s18], $0x2710  }
0x4b: {  	[sflag:s18] =	ssyncset.done $0x0  }
0x4c: {  	s7 =	simm.s32 $0x0;
	[sflag:s18] =	ssyncadd.s32 $0xFFFFD8F0  }
0x4d: {  	s23 =	simm.s32 $0x0;
	v3 =	vld [tilespmem:s7+$0x7800]  }
0x4e: {  	s29 =	sand.u32 $0xFE00, s23  }
0x4f: {  	s8 =	sand.u32 $0x70, s23;
	s6 =	sshrl.u32 s29, $0x2  }
0x50: {  	s0 =	simm.s32 $0x10;
	s7 =	sor.u32 s8, s6;
	s6 =	simm.s32 $0x40  }
.LBB2_6:
0x51: {  	s8 =	sshra.s32 s6, $0x2  }
0x52: {  	p0 =	sne.s32 s0, $0x27F0;
	[tilespmem:s7+$0xA000] =	vst v3;
	s7 =	smov.u32 s0;
	s0 =	sadd.s32 $0x10, s0  }
.Ltmp4:
0x53: {  	v3 =	vld [tilespmem:s8+$0x7800];
	(pc) =	sbr.rel @p0 .LBB2_6-.Ltmp4, $4  }
0x54: {  	_ = 	snop  }
0x55: {  	s8 =	sand.u32 $0xFE00, s6  }
0x56: {  	s7 =	sand.u32 $0x70, s7;
	s8 =	sshrl.u32 s8, $0x2  }
0x57: {  	s6 =	sadd.s32 $0x40, s6;
	s7 =	sor.u32 s7, s8  }
0x58: {  	[tilespmem:s7+$0xA000] =	vst v3  }
0x59: {  	_ =	swait.ge [sflag:s19], $0x2710  }
0x5a: {  	[sflag:s19] =	ssyncset.done $0x0  }
0x5b: {  	[sflag:s19] =	ssyncadd.s32 $0xFFFFD8F0  }
0x5c: {  	_ =	swait.ge [sflag:s20], $0x2710  }
0x5d: {  	[sflag:s20] =	ssyncset.done $0x0  }
0x5e: {  	[sflag:s20] =	ssyncadd.s32 $0xFFFFD8F0  }
0x5f: {  	_ =	swait.ge [sflag:s21], $0x2710  }
0x60: {  	[sflag:s21] =	ssyncset.done $0x0  }
0x61: {  	[sflag:s21] =	ssyncadd.s32 $0xFFFFD8F0  }
0x62: {  	s0 =	simm.s32 $0xF000;
	[bflag:$0x0] =	sbarrier.arrive $0xFFFF  }
0x63: {  	[tilespmem:s0], [sflag:$0x1] =	stream.indirect.gather [hbm4b:s5+s22], $0x10, s10, s22, $0xb8;
	[tilespmem:$0x18000] =	vst v63  }
0x64: {  	s11 =	simm.s32 $0x5080;
	s6 =	simm.s32 $0xF800  }
0x65: {  	[tilespmem:s6], [sflag:$0x2] =	stream.indirect.gather [hbm4b:s5+s22], $0x10, s11, s22, $0xb8;
	[tilespmem:$0x18000] =	vst v63  }
0x66: {  	s12 =	simm.s32 $0x5100;
	s14 =	simm.s32 $0x10000  }
0x67: {  	[tilespmem:s14], [sflag:$0x3] =	stream.indirect.gather [hbm4b:s5+s22], $0x10, s12, s22, $0xb8;
	[tilespmem:$0x18000] =	vst v63  }
0x68: {  	s23 =	simm.s32 $0x5180;
	s29 =	simm.s32 $0x0  }
0x69: {  	[tilespmem:s30], [sflag:$0x4] =	stream.indirect.gather [hbm4b:s5+s22], $0x10, s23, s22, $0xb8;
	[tilespmem:$0x18000] =	vst v63  }
.LBB2_8:
0x6a: {  	_ =	swait.ge [sflag:s19], $0x800  }
0x6b: {  	p0 =	seq.s32 s29, $0x0;
	[sflag:s19] =	ssyncset.done $0x0  }
0x6c: {  	s0 =	simm.s32 @!p0 $0x5;
	[sflag:s19] =	ssyncadd.s32 $0xFFFFF800  }
0x6d: {  	_ =	swait.ge @!p0 [sflag:s0], $0x800  }
0x6e: {  	s14 =	sshll.u32 s29, $0x2;
	p1 =	por $0x1, $0x1;
	[sflag:s0] =	ssyncset.done @!p0 $0x0  }
0x6f: {  	s6 =	simm.s32 $0x0;
	[sflag:s0] =	ssyncadd.s32 @!p0 $0xFFFFF800;
	s0 =	sshll.u32 s29, $0x9  }
.LBB2_9:
0x70: {  	s7 =	sshll.u32 s6, $0x4  }
0x71: {  	s8 =	sor.u32 s0, s7  }
0x72: {  	v3 =	vld [tilespmem:s8+$0x5000]  }
0x73: {  	v5 =	vld [tilespmem:s8+$0x7800];
	_ =	sdelay $0x6  }
0x74: {  	v3 =	vld.idx.msk [tilespmem:v3+s4+$0x0], $0xffff  }
0x75: {  	s10 =	sor.u32 $0x10, s7;
	v4 =	vld.idx.msk [tilespmem:v5+s13+$0x0], $0xffff  }
0x76: {  	s11 =	sor.u32 s0, s10  }
0x77: {  	v7 =	vld [tilespmem:s11+$0x7800];
	_ =	sdelay $0x1  }
0x78: {  	v42 =	vld [tilespmem:s11+$0x5000]  }
0x79: {  	s8 =	sor.u32 $0x20, s7;
	v3 =	vadd.f32 v4, v3  }
0x7a: {  	s11 =	sor.u32 s0, s8  }
0x7b: {  	s7 =	sor.u32 $0x30, s7;
	v8 =	vld [tilespmem:s11+$0x7800];
	v6 =	vmul.f32 $9.999999770e-03, v3  }
0x7c: {  	s12 =	sor.u32 s0, s7;
	v44 =	vld [tilespmem:s11+$0x5000];
	vm0 =	vgt.f32 v3, $0.0e+00  }
0x7d: {  	v9 =	vld [tilespmem:s12+$0x5000];
	v3 =	vsel vm0, v3, v6  }
0x7e: {  	v43 =	vld.idx.msk [tilespmem:v7+s13+$0x0], $0xffff;
	v3 =	vmul.f32 $1.442695020e+00, v3  }
0x7f: {  	v4 =	vld [tilespmem:s12+$0x7800]  }
0x80: {  	(erf) = vpow2.f32 v3;
	v3 =	vld.idx.msk [tilespmem:v42+s4+$0x0], $0xffff;
	_ =	sdelay $0x2  }
0x81: {  	v23 =	vld.idx.msk [tilespmem:v8+s13+$0x0], $0xffff  }
0x82: {  	v6 =	vld.idx.msk [tilespmem:v44+s4+$0x0], $0xffff  }
0x83: {  	v3 =	vadd.f32 v43, v3;
	_ =	sdelay $0x1  }
0x84: {  	v9 =	vld.idx.msk [tilespmem:v9+s4+$0x0], $0xffff;
	v45 =	vmul.f32 $9.999999770e-03, v3  }
0x85: {  	v56 =	vld.idx.msk [tilespmem:v4+s13+$0x0], $0xffff;
	vm13 =	vgt.f32 v3, $0.0e+00  }
0x86: {  	v6 =	vadd.f32 v23, v6;
	v10 =	vpop (erf);
	v3 =	vsel vm13, v3, v45  }
0x87: {  	s23 =	sshll.u32 s6, $0x8;
	[tilespmem:v5+s31+$0x0] =	vst.idx.add.f32.msk $0xffff, v10;
	v3 =	vmul.f32 $1.442695020e+00, v3  }
0x88: {  	v63 =	vmul.f32 $9.999999770e-03, v6;
	v11 =	vld [tilespmem:s23+$0xF000]  }
0x89: {  	vm14 =	vgt.f32 v6, $0.0e+00;
	v12 =	vld [tilespmem:s23+$0xF010];
	(erf) = vpow2.f32 v3  }
0x8a: {  	v6 =	vsel vm14, v6, v63;
	v9 =	vadd.f32 v56, v9;
	v46 =	vld [tilespmem:s23+$0xF020]  }
0x8b: {  	v6 =	vmul.f32 $1.442695020e+00, v6;
	v13 =	vld [tilespmem:s23+$0xF030]  }
0x8c: {  	v28 =	vmul.f32 $9.999999770e-03, v9;
	v16 =	vbroadcast v10, $0x0;
	v14 =	vld [tilespmem:s23+$0xF040]  }
0x8d: {  	v18 =	vbroadcast v10, $0x1;
	v48 =	vbroadcast v10, $0x2;
	v15 =	vld [tilespmem:s23+$0xF060]  }
0x8e: {  	v21 =	vbroadcast v10, $0x3;
	v22 =	vbroadcast v10, $0x4;
	v17 =	vld [tilespmem:s23+$0xF070]  }
0x8f: {  	v49 =	vbroadcast v10, $0x5;
	v51 =	vbroadcast v10, $0x6;
	v19 =	vld [tilespmem:s23+$0xF080]  }
0x90: {  	v47 =	vld [tilespmem:s23+$0xF090];
	(erf) = vpow2.f32 v6;
	v11 =	vmul.f32 v16, v11  }
0x91: {  	v52 =	vbroadcast v10, $0x7;
	v53 =	vbroadcast v10, $0x8;
	v20 =	vld [tilespmem:s23+$0xF0A0]  }
0x92: {  	v3 =	vld [tilespmem:s23+$0xF050];
	v12 =	vmul.f32 v18, v12;
	v14 =	vmul.f32 v14, v22;
	[tilespmem:s23+$0x11000] =	vst v11;
	v22 =	vpop (erf)  }
0x93: {  	s10 =	sshll.u32 s10, $0x4;
	v55 =	vbroadcast v10, $0x9;
	v5 =	vmul.f32 v48, v46;
	[tilespmem:v7+s31+$0x0] =	vst.idx.add.f32.msk $0xffff, v22  }
0x94: {  	v61 =	vbroadcast v10, $0xA;
	v13 =	vmul.f32 v13, v21;
	[tilespmem:s23+$0x11010] =	vst v12;
	v59 =	vld [tilespmem:s10+$0xF000]  }
0x95: {  	v62 =	vbroadcast v10, $0xB;
	v27 =	vbroadcast v10, $0xC;
	v50 =	vld [tilespmem:s23+$0xF0B0];
	[tilespmem:s23+$0x11020] =	vst v5  }
0x96: {  	v29 =	vbroadcast v10, $0xD;
	v25 =	vld [tilespmem:s23+$0xF0D0];
	v54 =	vmul.f32 v15, v51;
	[tilespmem:s23+$0x11030] =	vst v13  }
0x97: {  	v26 =	vld [tilespmem:s23+$0xF0E0];
	v3 =	vmul.f32 v3, v49;
	[tilespmem:s23+$0x11040] =	vst v14;
	v23 =	vbroadcast v22, $0x0  }
0x98: {  	vm15 =	vgt.f32 v9, $0.0e+00;
	v31 =	vbroadcast v10, $0xE;
	v10 =	vbroadcast v10, $0xF;
	v30 =	vld [tilespmem:s23+$0xF0F0];
	[tilespmem:s23+$0x11060] =	vst v54  }
0x99: {  	v9 =	vsel vm15, v9, v28;
	[tilespmem:s23+$0x11050] =	vst v3;
	v3 =	vmul.f32 v20, v61;
	v20 =	vld [tilespmem:s23+$0xF0C0];
	v14 =	vpop (erf);
	v11 =	vmul.f32 v23, v59  }
0x9a: {  	s8 =	sshll.u32 s8, $0x4;
	v9 =	vmul.f32 $1.442695020e+00, v9;
	v57 =	vmul.f32 v17, v52;
	[tilespmem:v8+s31+$0x0] =	vst.idx.add.f32.msk $0xffff, v14  }
0x9b: {  	v58 =	vmul.f32 v19, v53;
	v60 =	vmul.f32 v47, v55;
	v8 =	vld [tilespmem:s8+$0xF000];
	[tilespmem:s10+$0x11000] =	vst v11  }
0x9c: {  	v24 =	vmul.f32 v50, v62;
	[tilespmem:s23+$0x11070] =	vst v57;
	v5 =	vmul.f32 v26, v31;
	v33 =	vld [tilespmem:s23+$0xF120]  }
0x9d: {  	[tilespmem:s23+$0x110A0] =	vst v3;
	v3 =	vmul.f32 v25, v29;
	(erf) = vpow2.f32 v9;
	v32 =	vld [tilespmem:s23+$0xF110]  }
0x9e: {  	[tilespmem:s23+$0x11080] =	vst v58;
	v35 =	vbroadcast v22, $0x1;
	v37 =	vbroadcast v22, $0x2;
	v34 =	vld [tilespmem:s23+$0xF130]  }
0x9f: {  	v41 =	vbroadcast v22, $0x3;
	[tilespmem:s23+$0x110D0] =	vst v3;
	v3 =	vmul.f32 v30, v10;
	v36 =	vld [tilespmem:s23+$0xF140]  }
0xa0: {  	[tilespmem:s23+$0x11090] =	vst v60;
	v43 =	vbroadcast v22, $0x4;
	v45 =	vbroadcast v22, $0x5;
	v38 =	vld [tilespmem:s23+$0xF150]  }
0xa1: {  	v47 =	vbroadcast v22, $0x6;
	[tilespmem:s23+$0x110F0] =	vst v3;
	v40 =	vld [tilespmem:s23+$0xF160];
	v3 =	vmul.f32 v37, v33  }
0xa2: {  	[tilespmem:s23+$0x110B0] =	vst v24;
	v48 =	vbroadcast v22, $0x7;
	v50 =	vbroadcast v22, $0x8;
	v42 =	vld [tilespmem:s23+$0xF170]  }
0xa3: {  	v54 =	vbroadcast v22, $0x9;
	v44 =	vld [tilespmem:s23+$0xF180];
	[tilespmem:s23+$0x11120] =	vst v3;
	v3 =	vmul.f32 v34, v41  }
0xa4: {  	[tilespmem:s23+$0x110E0] =	vst v5;
	v56 =	vbroadcast v22, $0xA;
	v7 =	vmul.f32 v20, v27;
	v46 =	vld [tilespmem:s23+$0xF190]  }
0xa5: {  	v49 =	vld [tilespmem:s23+$0xF1A0];
	v39 =	vmul.f32 v35, v32;
	[tilespmem:s23+$0x11130] =	vst v3;
	v3 =	vmul.f32 v38, v45  }
0xa6: {  	v61 =	vbroadcast v22, $0xC;
	[tilespmem:s23+$0x110C0] =	vst v7;
	v51 =	vld [tilespmem:s23+$0xF1B0];
	v5 =	vmul.f32 v36, v43  }
0xa7: {  	v16 =	vbroadcast v22, $0xD;
	v19 =	vbroadcast v22, $0xE;
	v55 =	vld [tilespmem:s23+$0xF1C0];
	[tilespmem:s23+$0x11110] =	vst v39  }
0xa8: {  	v52 =	vbroadcast v14, $0x0;
	v26 =	vbroadcast v14, $0x1;
	v57 =	vld [tilespmem:s23+$0xF1D0];
	[tilespmem:s23+$0x11140] =	vst v5  }
0xa9: {  	v28 =	vbroadcast v14, $0x2;
	v60 =	vld [tilespmem:s23+$0xF1E0];
	v6 =	vmul.f32 v40, v47;
	[tilespmem:s23+$0x11150] =	vst v3;
	v3 =	vpop (erf)  }
0xaa: {  	v31 =	vbroadcast v14, $0x3;
	[tilespmem:v4+s31+$0x0] =	vst.idx.add.f32.msk $0xffff, v3;
	v4 =	vmul.f32 v52, v8  }
0xab: {  	s7 =	sshll.u32 s7, $0x4;
	v59 =	vbroadcast v22, $0xB;
	v62 =	vld [tilespmem:s23+$0xF1F0];
	v53 =	vmul.f32 v44, v50;
	[tilespmem:s23+$0x11160] =	vst v6  }
0xac: {  	v23 =	vbroadcast v22, $0xF;
	v58 =	vmul.f32 v46, v54;
	v41 =	vld [tilespmem:s7+$0xF000];
	[tilespmem:s8+$0x11000] =	vst v4  }
0xad: {  	v63 =	vmul.f32 v51, v59;
	v18 =	vmul.f32 v55, v61;
	[tilespmem:s23+$0x11180] =	vst v53;
	v17 =	vld [tilespmem:s23+$0xF210]  }
0xae: {  	v21 =	vmul.f32 v57, v16;
	v25 =	vmul.f32 v60, v19;
	[tilespmem:s23+$0x11190] =	vst v58;
	v20 =	vld [tilespmem:s23+$0xF220]  }
0xaf: {  	v37 =	vbroadcast v14, $0x5;
	v40 =	vbroadcast v14, $0x6;
	[tilespmem:s23+$0x111B0] =	vst v63;
	v24 =	vld [tilespmem:s23+$0xF230]  }
0xb0: {  	v43 =	vbroadcast v14, $0x7;
	v5 =	vmul.f32 v42, v48;
	[tilespmem:s23+$0x111C0] =	vst v18;
	v27 =	vld [tilespmem:s23+$0xF240]  }
0xb1: {  	v46 =	vbroadcast v14, $0x8;
	v54 =	vbroadcast v14, $0xA;
	[tilespmem:s23+$0x111D0] =	vst v21;
	v29 =	vld [tilespmem:s23+$0xF250]  }
0xb2: {  	[tilespmem:s23+$0x11170] =	vst v5;
	v5 =	vmul.f32 v49, v56;
	v50 =	vbroadcast v3, $0x0;
	v32 =	vld [tilespmem:s23+$0xF260]  }
0xb3: {  	v57 =	vbroadcast v14, $0xB;
	[tilespmem:s23+$0x111E0] =	vst v25;
	v4 =	vmul.f32 v62, v23;
	v35 =	vld [tilespmem:s23+$0xF270]  }
0xb4: {  	v59 =	vbroadcast v14, $0xC;
	[tilespmem:s23+$0x111A0] =	vst v5;
	v38 =	vld [tilespmem:s23+$0xF280];
	v10 =	vmul.f32 v50, v41  }
0xb5: {  	v34 =	vbroadcast v14, $0x4;
	v44 =	vld [tilespmem:s23+$0xF290];
	[tilespmem:s23+$0x111F0] =	vst v4;
	v30 =	vmul.f32 v26, v17  }
0xb6: {  	v52 =	vbroadcast v14, $0x9;
	v47 =	vld [tilespmem:s23+$0xF2A0];
	v33 =	vmul.f32 v28, v20;
	[tilespmem:s7+$0x11000] =	vst v10  }
0xb7: {  	v62 =	vbroadcast v14, $0xD;
	v49 =	vld [tilespmem:s23+$0xF2B0];
	v36 =	vmul.f32 v24, v31;
	[tilespmem:s23+$0x11210] =	vst v30  }
0xb8: {  	v23 =	vbroadcast v3, $0x1;
	v53 =	vld [tilespmem:s23+$0xF2C0];
	v39 =	vmul.f32 v27, v34;
	[tilespmem:s23+$0x11220] =	vst v33  }
0xb9: {  	v55 =	vld [tilespmem:s23+$0xF2D0];
	v41 =	vbroadcast v3, $0x7;
	v42 =	vmul.f32 v29, v37;
	[tilespmem:s23+$0x11230] =	vst v36  }
0xba: {  	v50 =	vbroadcast v3, $0xA;
	v45 =	vmul.f32 v32, v40;
	[tilespmem:s23+$0x11240] =	vst v39  }
0xbb: {  	v48 =	vmul.f32 v35, v43;
	v51 =	vmul.f32 v38, v46;
	[tilespmem:s23+$0x11250] =	vst v42  }
0xbc: {  	v56 =	vmul.f32 v44, v52;
	v5 =	vmul.f32 v47, v54;
	[tilespmem:s23+$0x11260] =	vst v45  }
0xbd: {  	v58 =	vld [tilespmem:s23+$0xF2E0];
	v61 =	vmul.f32 v49, v57;
	v16 =	vmul.f32 v53, v59;
	[tilespmem:s23+$0x11270] =	vst v48  }
0xbe: {  	v60 =	vld [tilespmem:s23+$0xF2F0];
	v17 =	vbroadcast v14, $0xE;
	v19 =	vmul.f32 v55, v62;
	[tilespmem:s23+$0x11280] =	vst v51  }
0xbf: {  	v20 =	vbroadcast v14, $0xF;
	v26 =	vbroadcast v3, $0x2;
	v63 =	vld [tilespmem:s23+$0xF310];
	[tilespmem:s23+$0x11290] =	vst v56  }
0xc0: {  	v29 =	vbroadcast v3, $0x3;
	v32 =	vbroadcast v3, $0x4;
	v18 =	vld [tilespmem:s23+$0xF320];
	[tilespmem:s23+$0x112A0] =	vst v5  }
0xc1: {  	v35 =	vbroadcast v3, $0x5;
	v38 =	vbroadcast v3, $0x6;
	v21 =	vld [tilespmem:s23+$0xF330];
	[tilespmem:s23+$0x112B0] =	vst v61  }
0xc2: {  	v44 =	vbroadcast v3, $0x8;
	v24 =	vld [tilespmem:s23+$0xF340];
	[tilespmem:s23+$0x112C0] =	vst v16;
	v22 =	vmul.f32 v58, v17  }
0xc3: {  	v47 =	vbroadcast v3, $0x9;
	v27 =	vld [tilespmem:s23+$0xF350];
	[tilespmem:s23+$0x112D0] =	vst v19;
	v25 =	vmul.f32 v60, v20  }
0xc4: {  	v53 =	vbroadcast v3, $0xB;
	v54 =	vld [tilespmem:s23+$0xF3E0];
	[tilespmem:s23+$0x112E0] =	vst v22;
	v28 =	vmul.f32 v23, v63  }
0xc5: {  	v59 =	vbroadcast v3, $0xD;
	v57 =	vld [tilespmem:s23+$0xF3F0];
	[tilespmem:s23+$0x112F0] =	vst v25;
	v31 =	vmul.f32 v26, v18  }
0xc6: {  	v30 =	vld [tilespmem:s23+$0xF360];
	v56 =	vbroadcast v3, $0xC;
	v34 =	vmul.f32 v21, v29;
	[tilespmem:s23+$0x11310] =	vst v28  }
0xc7: {  	v33 =	vld [tilespmem:s23+$0xF370];
	v61 =	vbroadcast v3, $0xE;
	v37 =	vmul.f32 v24, v32;
	[tilespmem:s23+$0x11320] =	vst v31  }
0xc8: {  	v36 =	vld [tilespmem:s23+$0xF380];
	v3 =	vbroadcast v3, $0xF;
	v40 =	vmul.f32 v27, v35;
	[tilespmem:s23+$0x11330] =	vst v34  }
0xc9: {  	v39 =	vld [tilespmem:s23+$0xF390];
	v63 =	vmul.f32 v54, v61;
	[tilespmem:s23+$0x11340] =	vst v37  }
0xca: {  	v42 =	vld [tilespmem:s23+$0xF3A0];
	v3 =	vmul.f32 v57, v3;
	[tilespmem:s23+$0x11350] =	vst v40  }
0xcb: {  	v45 =	vld [tilespmem:s23+$0xF3B0];
	v43 =	vmul.f32 v30, v38;
	[tilespmem:s23+$0x113E0] =	vst v63  }
0xcc: {  	v48 =	vld [tilespmem:s23+$0xF3C0];
	v46 =	vmul.f32 v33, v41;
	[tilespmem:s23+$0x113F0] =	vst v3  }
0xcd: {  	v51 =	vld [tilespmem:s23+$0xF3D0];
	v49 =	vmul.f32 v36, v44;
	[tilespmem:s23+$0x11360] =	vst v43  }
0xce: {  	v52 =	vmul.f32 v39, v47;
	[tilespmem:s23+$0x11370] =	vst v46  }
0xcf: {  	p2 =	por p1, p1;
	v55 =	vmul.f32 v42, v50;
	[tilespmem:s23+$0x11380] =	vst v49  }
.Ltmp5:
0xd0: {  	v58 =	vmul.f32 v45, v53;
	[tilespmem:s23+$0x11390] =	vst v52;
	(pc) =	sbr.rel @p2 .LBB2_9-.Ltmp5, $4  }
0xd1: {  	v60 =	vmul.f32 v48, v56;
	[tilespmem:s23+$0x113A0] =	vst v55  }
0xd2: {  	v62 =	vmul.f32 v51, v59;
	[tilespmem:s23+$0x113B0] =	vst v58  }
0xd3: {  	[tilespmem:s23+$0x113C0] =	vst v60  }
0xd4: {  	s6 =	simm.s32 $0x4;
	p1 =	por $0x0, $0x0;
	[tilespmem:s23+$0x113D0] =	vst v62  }
0xd5: {  	s6 =	sshll.u32 s29, $0xB  }
0xd6: {  	p1 =	seq.s32 s29, $0x13;
	s0 =	sshrl.u32 s6, $0x2  }
0xd7: {  	s6 =	sshrl.u32 @!p1 s6, $0x2;
	s7 =	sadd.s32 $0xA000, s0  }
0xd8: {  	[spmem:s3] =	stream.indirect.scatter.add.f32 [tilespmem:s1], [sflag:$0x5], $0x10, s7, s22, $0xb8;
	[tilespmem:$0x18000] =	vst v63  }
0xd9: {  	s8 =	simm.s32 @!p1 $0x80;
	s10 =	simm.s32 @!p1 $0xF000;
	s7 =	sadd.s32 @!p1 $0x5200, s6  }
0xda: {  	[tilespmem:s10], [sflag:$0x1] =	stream.indirect.gather @!p1 [hbm4b:s5+s8], $0x10, s7, s8, $0xb8;
	[tilespmem:$0x18000] =	vst v63  }
0xdb: {  	_ =	swait.ge [sflag:s20], $0x800  }
0xdc: {  	[sflag:s20] =	ssyncset.done $0x0  }
0xdd: {  	s7 =	simm.s32 @!p0 $0x6;
	[sflag:s20] =	ssyncadd.s32 $0xFFFFF800  }
0xde: {  	_ =	swait.ge @!p0 [sflag:s7], $0x800  }
0xdf: {  	s23 =	sor.u32 $0x1, s14;
	p2 =	por $0x1, $0x1;
	[sflag:s7] =	ssyncset.done @!p0 $0x0  }
0xe0: {  	s8 =	simm.s32 $0x0;
	[sflag:s7] =	ssyncadd.s32 @!p0 $0xFFFFF800;
	s7 =	sshll.u32 s23, $0x7  }
.LBB2_11:
0xe1: {  	s10 =	sshll.u32 s8, $0x4  }
0xe2: {  	s11 =	sor.u32 s7, s10  }
0xe3: {  	v3 =	vld [tilespmem:s11+$0x5000]  }
0xe4: {  	v5 =	vld [tilespmem:s11+$0x7800];
	_ =	sdelay $0x6  }
0xe5: {  	v3 =	vld.idx.msk [tilespmem:v3+s4+$0x0], $0xffff  }
0xe6: {  	s12 =	sor.u32 $0x10, s10;
	v4 =	vld.idx.msk [tilespmem:v5+s13+$0x0], $0xffff  }
0xe7: {  	s23 =	sor.u32 s7, s12  }
0xe8: {  	v7 =	vld [tilespmem:s23+$0x7800];
	_ =	sdelay $0x1  }
0xe9: {  	v42 =	vld [tilespmem:s23+$0x5000]  }
0xea: {  	s11 =	sor.u32 $0x20, s10;
	v3 =	vadd.f32 v4, v3  }
0xeb: {  	s23 =	sor.u32 s7, s11  }
0xec: {  	s10 =	sor.u32 $0x30, s10;
	v8 =	vld [tilespmem:s23+$0x7800];
	v6 =	vmul.f32 $9.999999770e-03, v3  }
0xed: {  	v44 =	vld [tilespmem:s23+$0x5000];
	s23 =	sor.u32 s7, s10;
	vm0 =	vgt.f32 v3, $0.0e+00  }
0xee: {  	v9 =	vld [tilespmem:s23+$0x5000];
	v3 =	vsel vm0, v3, v6  }
0xef: {  	v43 =	vld.idx.msk [tilespmem:v7+s13+$0x0], $0xffff;
	v3 =	vmul.f32 $1.442695020e+00, v3  }
0xf0: {  	v4 =	vld [tilespmem:s23+$0x7800]  }
0xf1: {  	(erf) = vpow2.f32 v3;
	v3 =	vld.idx.msk [tilespmem:v42+s4+$0x0], $0xffff;
	_ =	sdelay $0x2  }
0xf2: {  	v23 =	vld.idx.msk [tilespmem:v8+s13+$0x0], $0xffff  }
0xf3: {  	v6 =	vld.idx.msk [tilespmem:v44+s4+$0x0], $0xffff  }
0xf4: {  	v3 =	vadd.f32 v43, v3;
	_ =	sdelay $0x1  }
0xf5: {  	v9 =	vld.idx.msk [tilespmem:v9+s4+$0x0], $0xffff;
	v45 =	vmul.f32 $9.999999770e-03, v3  }
0xf6: {  	v56 =	vld.idx.msk [tilespmem:v4+s13+$0x0], $0xffff;
	vm13 =	vgt.f32 v3, $0.0e+00  }
0xf7: {  	v6 =	vadd.f32 v23, v6;
	v10 =	vpop (erf);
	v3 =	vsel vm13, v3, v45  }
0xf8: {  	s23 =	sshll.u32 s8, $0x8;
	[tilespmem:v5+s31+$0x0] =	vst.idx.add.f32.msk $0xffff, v10;
	v3 =	vmul.f32 $1.442695020e+00, v3  }
0xf9: {  	v63 =	vmul.f32 $9.999999770e-03, v6;
	v11 =	vld [tilespmem:s23+$0xF800]  }
0xfa: {  	vm14 =	vgt.f32 v6, $0.0e+00;
	v12 =	vld [tilespmem:s23+$0xF810];
	(erf) = vpow2.f32 v3  }
0xfb: {  	v6 =	vsel vm14, v6, v63;
	v9 =	vadd.f32 v56, v9;
	v46 =	vld [tilespmem:s23+$0xF820]  }
0xfc: {  	v6 =	vmul.f32 $1.442695020e+00, v6;
	v13 =	vld [tilespmem:s23+$0xF830]  }
0xfd: {  	v28 =	vmul.f32 $9.999999770e-03, v9;
	v16 =	vbroadcast v10, $0x0;
	v14 =	vld [tilespmem:s23+$0xF840]  }
0xfe: {  	v18 =	vbroadcast v10, $0x1;
	v48 =	vbroadcast v10, $0x2;
	v15 =	vld [tilespmem:s23+$0xF860]  }
0xff: {  	v21 =	vbroadcast v10, $0x3;
	v22 =	vbroadcast v10, $0x4;
	v17 =	vld [tilespmem:s23+$0xF870]  }
0x100: {  	v49 =	vbroadcast v10, $0x5;
	v51 =	vbroadcast v10, $0x6;
	v19 =	vld [tilespmem:s23+$0xF880]  }
0x101: {  	v47 =	vld [tilespmem:s23+$0xF890];
	(erf) = vpow2.f32 v6;
	v11 =	vmul.f32 v16, v11  }
0x102: {  	v52 =	vbroadcast v10, $0x7;
	v53 =	vbroadcast v10, $0x8;
	v20 =	vld [tilespmem:s23+$0xF8A0]  }
0x103: {  	v3 =	vld [tilespmem:s23+$0xF850];
	v12 =	vmul.f32 v18, v12;
	v14 =	vmul.f32 v14, v22;
	[tilespmem:s23+$0x11800] =	vst v11;
	v22 =	vpop (erf)  }
0x104: {  	s12 =	sshll.u32 s12, $0x4;
	v55 =	vbroadcast v10, $0x9;
	v5 =	vmul.f32 v48, v46;
	[tilespmem:v7+s31+$0x0] =	vst.idx.add.f32.msk $0xffff, v22  }
0x105: {  	v61 =	vbroadcast v10, $0xA;
	v13 =	vmul.f32 v13, v21;
	[tilespmem:s23+$0x11810] =	vst v12;
	v59 =	vld [tilespmem:s12+$0xF800]  }
0x106: {  	v62 =	vbroadcast v10, $0xB;
	v27 =	vbroadcast v10, $0xC;
	v50 =	vld [tilespmem:s23+$0xF8B0];
	[tilespmem:s23+$0x11820] =	vst v5  }
0x107: {  	v29 =	vbroadcast v10, $0xD;
	v25 =	vld [tilespmem:s23+$0xF8D0];
	v54 =	vmul.f32 v15, v51;
	[tilespmem:s23+$0x11830] =	vst v13  }
0x108: {  	v26 =	vld [tilespmem:s23+$0xF8E0];
	v3 =	vmul.f32 v3, v49;
	[tilespmem:s23+$0x11840] =	vst v14;
	v23 =	vbroadcast v22, $0x0  }
0x109: {  	vm15 =	vgt.f32 v9, $0.0e+00;
	v31 =	vbroadcast v10, $0xE;
	v10 =	vbroadcast v10, $0xF;
	v30 =	vld [tilespmem:s23+$0xF8F0];
	[tilespmem:s23+$0x11860] =	vst v54  }
0x10a: {  	v9 =	vsel vm15, v9, v28;
	[tilespmem:s23+$0x11850] =	vst v3;
	v3 =	vmul.f32 v20, v61;
	v20 =	vld [tilespmem:s23+$0xF8C0];
	v14 =	vpop (erf);
	v11 =	vmul.f32 v23, v59  }
0x10b: {  	s11 =	sshll.u32 s11, $0x4;
	v9 =	vmul.f32 $1.442695020e+00, v9;
	v57 =	vmul.f32 v17, v52;
	[tilespmem:v8+s31+$0x0] =	vst.idx.add.f32.msk $0xffff, v14  }
0x10c: {  	v58 =	vmul.f32 v19, v53;
	v60 =	vmul.f32 v47, v55;
	v8 =	vld [tilespmem:s11+$0xF800];
	[tilespmem:s12+$0x11800] =	vst v11  }
0x10d: {  	v24 =	vmul.f32 v50, v62;
	[tilespmem:s23+$0x11870] =	vst v57;
	v5 =	vmul.f32 v26, v31;
	v33 =	vld [tilespmem:s23+$0xF920]  }
0x10e: {  	[tilespmem:s23+$0x118A0] =	vst v3;
	v3 =	vmul.f32 v25, v29;
	(erf) = vpow2.f32 v9;
	v32 =	vld [tilespmem:s23+$0xF910]  }
0x10f: {  	[tilespmem:s23+$0x11880] =	vst v58;
	v35 =	vbroadcast v22, $0x1;
	v37 =	vbroadcast v22, $0x2;
	v34 =	vld [tilespmem:s23+$0xF930]  }
0x110: {  	v41 =	vbroadcast v22, $0x3;
	[tilespmem:s23+$0x118D0] =	vst v3;
	v3 =	vmul.f32 v30, v10;
	v36 =	vld [tilespmem:s23+$0xF940]  }
0x111: {  	[tilespmem:s23+$0x11890] =	vst v60;
	v43 =	vbroadcast v22, $0x4;
	v45 =	vbroadcast v22, $0x5;
	v38 =	vld [tilespmem:s23+$0xF950]  }
0x112: {  	v47 =	vbroadcast v22, $0x6;
	[tilespmem:s23+$0x118F0] =	vst v3;
	v40 =	vld [tilespmem:s23+$0xF960];
	v3 =	vmul.f32 v37, v33  }
0x113: {  	[tilespmem:s23+$0x118B0] =	vst v24;
	v48 =	vbroadcast v22, $0x7;
	v50 =	vbroadcast v22, $0x8;
	v42 =	vld [tilespmem:s23+$0xF970]  }
0x114: {  	v54 =	vbroadcast v22, $0x9;
	v44 =	vld [tilespmem:s23+$0xF980];
	[tilespmem:s23+$0x11920] =	vst v3;
	v3 =	vmul.f32 v34, v41  }
0x115: {  	[tilespmem:s23+$0x118E0] =	vst v5;
	v56 =	vbroadcast v22, $0xA;
	v7 =	vmul.f32 v20, v27;
	v46 =	vld [tilespmem:s23+$0xF990]  }
0x116: {  	v49 =	vld [tilespmem:s23+$0xF9A0];
	v39 =	vmul.f32 v35, v32;
	[tilespmem:s23+$0x11930] =	vst v3;
	v3 =	vmul.f32 v38, v45  }
0x117: {  	v61 =	vbroadcast v22, $0xC;
	[tilespmem:s23+$0x118C0] =	vst v7;
	v51 =	vld [tilespmem:s23+$0xF9B0];
	v5 =	vmul.f32 v36, v43  }
0x118: {  	v16 =	vbroadcast v22, $0xD;
	v19 =	vbroadcast v22, $0xE;
	v55 =	vld [tilespmem:s23+$0xF9C0];
	[tilespmem:s23+$0x11910] =	vst v39  }
0x119: {  	v52 =	vbroadcast v14, $0x0;
	v26 =	vbroadcast v14, $0x1;
	v57 =	vld [tilespmem:s23+$0xF9D0];
	[tilespmem:s23+$0x11940] =	vst v5  }
0x11a: {  	v28 =	vbroadcast v14, $0x2;
	v60 =	vld [tilespmem:s23+$0xF9E0];
	v6 =	vmul.f32 v40, v47;
	[tilespmem:s23+$0x11950] =	vst v3;
	v3 =	vpop (erf)  }
0x11b: {  	v31 =	vbroadcast v14, $0x3;
	[tilespmem:v4+s31+$0x0] =	vst.idx.add.f32.msk $0xffff, v3;
	v4 =	vmul.f32 v52, v8  }
0x11c: {  	s10 =	sshll.u32 s10, $0x4;
	v59 =	vbroadcast v22, $0xB;
	v62 =	vld [tilespmem:s23+$0xF9F0];
	v53 =	vmul.f32 v44, v50;
	[tilespmem:s23+$0x11960] =	vst v6  }
0x11d: {  	v23 =	vbroadcast v22, $0xF;
	v58 =	vmul.f32 v46, v54;
	v41 =	vld [tilespmem:s10+$0xF800];
	[tilespmem:s11+$0x11800] =	vst v4  }
0x11e: {  	v63 =	vmul.f32 v51, v59;
	v18 =	vmul.f32 v55, v61;
	[tilespmem:s23+$0x11980] =	vst v53;
	v17 =	vld [tilespmem:s23+$0xFA10]  }
0x11f: {  	v21 =	vmul.f32 v57, v16;
	v25 =	vmul.f32 v60, v19;
	[tilespmem:s23+$0x11990] =	vst v58;
	v20 =	vld [tilespmem:s23+$0xFA20]  }
0x120: {  	v37 =	vbroadcast v14, $0x5;
	v40 =	vbroadcast v14, $0x6;
	[tilespmem:s23+$0x119B0] =	vst v63;
	v24 =	vld [tilespmem:s23+$0xFA30]  }
0x121: {  	v43 =	vbroadcast v14, $0x7;
	v5 =	vmul.f32 v42, v48;
	[tilespmem:s23+$0x119C0] =	vst v18;
	v27 =	vld [tilespmem:s23+$0xFA40]  }
0x122: {  	v46 =	vbroadcast v14, $0x8;
	v54 =	vbroadcast v14, $0xA;
	[tilespmem:s23+$0x119D0] =	vst v21;
	v29 =	vld [tilespmem:s23+$0xFA50]  }
0x123: {  	[tilespmem:s23+$0x11970] =	vst v5;
	v5 =	vmul.f32 v49, v56;
	v50 =	vbroadcast v3, $0x0;
	v32 =	vld [tilespmem:s23+$0xFA60]  }
0x124: {  	v57 =	vbroadcast v14, $0xB;
	[tilespmem:s23+$0x119E0] =	vst v25;
	v4 =	vmul.f32 v62, v23;
	v35 =	vld [tilespmem:s23+$0xFA70]  }
0x125: {  	v59 =	vbroadcast v14, $0xC;
	[tilespmem:s23+$0x119A0] =	vst v5;
	v38 =	vld [tilespmem:s23+$0xFA80];
	v10 =	vmul.f32 v50, v41  }
0x126: {  	v34 =	vbroadcast v14, $0x4;
	v44 =	vld [tilespmem:s23+$0xFA90];
	[tilespmem:s23+$0x119F0] =	vst v4;
	v30 =	vmul.f32 v26, v17  }
0x127: {  	v52 =	vbroadcast v14, $0x9;
	v47 =	vld [tilespmem:s23+$0xFAA0];
	v33 =	vmul.f32 v28, v20;
	[tilespmem:s10+$0x11800] =	vst v10  }
0x128: {  	v62 =	vbroadcast v14, $0xD;
	v49 =	vld [tilespmem:s23+$0xFAB0];
	v36 =	vmul.f32 v24, v31;
	[tilespmem:s23+$0x11A10] =	vst v30  }
0x129: {  	v23 =	vbroadcast v3, $0x1;
	v53 =	vld [tilespmem:s23+$0xFAC0];
	v39 =	vmul.f32 v27, v34;
	[tilespmem:s23+$0x11A20] =	vst v33  }
0x12a: {  	v55 =	vld [tilespmem:s23+$0xFAD0];
	v41 =	vbroadcast v3, $0x7;
	v42 =	vmul.f32 v29, v37;
	[tilespmem:s23+$0x11A30] =	vst v36  }
0x12b: {  	v50 =	vbroadcast v3, $0xA;
	v45 =	vmul.f32 v32, v40;
	[tilespmem:s23+$0x11A40] =	vst v39  }
0x12c: {  	v48 =	vmul.f32 v35, v43;
	v51 =	vmul.f32 v38, v46;
	[tilespmem:s23+$0x11A50] =	vst v42  }
0x12d: {  	v56 =	vmul.f32 v44, v52;
	v5 =	vmul.f32 v47, v54;
	[tilespmem:s23+$0x11A60] =	vst v45  }
0x12e: {  	v58 =	vld [tilespmem:s23+$0xFAE0];
	v61 =	vmul.f32 v49, v57;
	v16 =	vmul.f32 v53, v59;
	[tilespmem:s23+$0x11A70] =	vst v48  }
0x12f: {  	v60 =	vld [tilespmem:s23+$0xFAF0];
	v17 =	vbroadcast v14, $0xE;
	v19 =	vmul.f32 v55, v62;
	[tilespmem:s23+$0x11A80] =	vst v51  }
0x130: {  	v20 =	vbroadcast v14, $0xF;
	v26 =	vbroadcast v3, $0x2;
	v63 =	vld [tilespmem:s23+$0xFB10];
	[tilespmem:s23+$0x11A90] =	vst v56  }
0x131: {  	v29 =	vbroadcast v3, $0x3;
	v32 =	vbroadcast v3, $0x4;
	v18 =	vld [tilespmem:s23+$0xFB20];
	[tilespmem:s23+$0x11AA0] =	vst v5  }
0x132: {  	v35 =	vbroadcast v3, $0x5;
	v38 =	vbroadcast v3, $0x6;
	v21 =	vld [tilespmem:s23+$0xFB30];
	[tilespmem:s23+$0x11AB0] =	vst v61  }
0x133: {  	v44 =	vbroadcast v3, $0x8;
	v24 =	vld [tilespmem:s23+$0xFB40];
	[tilespmem:s23+$0x11AC0] =	vst v16;
	v22 =	vmul.f32 v58, v17  }
0x134: {  	v47 =	vbroadcast v3, $0x9;
	v27 =	vld [tilespmem:s23+$0xFB50];
	[tilespmem:s23+$0x11AD0] =	vst v19;
	v25 =	vmul.f32 v60, v20  }
0x135: {  	v53 =	vbroadcast v3, $0xB;
	v54 =	vld [tilespmem:s23+$0xFBE0];
	[tilespmem:s23+$0x11AE0] =	vst v22;
	v28 =	vmul.f32 v23, v63  }
0x136: {  	v59 =	vbroadcast v3, $0xD;
	v57 =	vld [tilespmem:s23+$0xFBF0];
	[tilespmem:s23+$0x11AF0] =	vst v25;
	v31 =	vmul.f32 v26, v18  }
0x137: {  	v30 =	vld [tilespmem:s23+$0xFB60];
	v56 =	vbroadcast v3, $0xC;
	v34 =	vmul.f32 v21, v29;
	[tilespmem:s23+$0x11B10] =	vst v28  }
0x138: {  	v33 =	vld [tilespmem:s23+$0xFB70];
	v61 =	vbroadcast v3, $0xE;
	v37 =	vmul.f32 v24, v32;
	[tilespmem:s23+$0x11B20] =	vst v31  }
0x139: {  	v36 =	vld [tilespmem:s23+$0xFB80];
	v3 =	vbroadcast v3, $0xF;
	v40 =	vmul.f32 v27, v35;
	[tilespmem:s23+$0x11B30] =	vst v34  }
0x13a: {  	v39 =	vld [tilespmem:s23+$0xFB90];
	v63 =	vmul.f32 v54, v61;
	[tilespmem:s23+$0x11B40] =	vst v37  }
0x13b: {  	v42 =	vld [tilespmem:s23+$0xFBA0];
	v3 =	vmul.f32 v57, v3;
	[tilespmem:s23+$0x11B50] =	vst v40  }
0x13c: {  	v45 =	vld [tilespmem:s23+$0xFBB0];
	v43 =	vmul.f32 v30, v38;
	[tilespmem:s23+$0x11BE0] =	vst v63  }
0x13d: {  	v48 =	vld [tilespmem:s23+$0xFBC0];
	v46 =	vmul.f32 v33, v41;
	[tilespmem:s23+$0x11BF0] =	vst v3  }
0x13e: {  	v51 =	vld [tilespmem:s23+$0xFBD0];
	v49 =	vmul.f32 v36, v44;
	[tilespmem:s23+$0x11B60] =	vst v43  }
0x13f: {  	v52 =	vmul.f32 v39, v47;
	[tilespmem:s23+$0x11B70] =	vst v46  }
0x140: {  	p3 =	por p2, p2;
	v55 =	vmul.f32 v42, v50;
	[tilespmem:s23+$0x11B80] =	vst v49  }
.Ltmp6:
0x141: {  	v58 =	vmul.f32 v45, v53;
	[tilespmem:s23+$0x11B90] =	vst v52;
	(pc) =	sbr.rel @p3 .LBB2_11-.Ltmp6, $4  }
0x142: {  	v60 =	vmul.f32 v48, v56;
	[tilespmem:s23+$0x11BA0] =	vst v55  }
0x143: {  	v62 =	vmul.f32 v51, v59;
	[tilespmem:s23+$0x11BB0] =	vst v58  }
0x144: {  	[tilespmem:s23+$0x11BC0] =	vst v60  }
0x145: {  	p2 =	por $0x0, $0x0;
	s8 =	simm.s32 $0x4;
	[tilespmem:s23+$0x11BD0] =	vst v62  }
0x146: {  	s7 =	sand.u32 $0x3FFFFF80, s7  }
0x147: {  	s7 =	sadd.s32 $0xA000, s7  }
0x148: {  	[spmem:s3] =	stream.indirect.scatter.add.f32 [tilespmem:s2], [sflag:$0x6], $0x10, s7, s22, $0xb8;
	[tilespmem:$0x18000] =	vst v63  }
0x149: {  	s8 =	simm.s32 @!p1 $0x80;
	s10 =	simm.s32 @!p1 $0xF800;
	s7 =	sadd.s32 @!p1 $0x5280, s6  }
0x14a: {  	[tilespmem:s10], [sflag:$0x2] =	stream.indirect.gather @!p1 [hbm4b:s5+s8], $0x10, s7, s8, $0xb8;
	[tilespmem:$0x18000] =	vst v63  }
0x14b: {  	_ =	swait.ge [sflag:s21], $0x800  }
0x14c: {  	[sflag:s21] =	ssyncset.done $0x0  }
0x14d: {  	s7 =	simm.s32 @!p0 $0x7;
	[sflag:s21] =	ssyncadd.s32 $0xFFFFF800  }
0x14e: {  	_ =	swait.ge @!p0 [sflag:s7], $0x800  }
0x14f: {  	s23 =	sor.u32 $0x2, s14;
	p2 =	por $0x1, $0x1;
	[sflag:s7] =	ssyncset.done @!p0 $0x0  }
0x150: {  	s8 =	simm.s32 $0x0;
	[sflag:s7] =	ssyncadd.s32 @!p0 $0xFFFFF800;
	s7 =	sshll.u32 s23, $0x7  }
.LBB2_13:
0x151: {  	s10 =	sshll.u32 s8, $0x4  }
0x152: {  	s11 =	sor.u32 s7, s10  }
0x153: {  	v3 =	vld [tilespmem:s11+$0x5000]  }
0x154: {  	v5 =	vld [tilespmem:s11+$0x7800];
	_ =	sdelay $0x6  }
0x155: {  	v3 =	vld.idx.msk [tilespmem:v3+s4+$0x0], $0xffff  }
0x156: {  	s12 =	sor.u32 $0x10, s10;
	v4 =	vld.idx.msk [tilespmem:v5+s13+$0x0], $0xffff  }
0x157: {  	s23 =	sor.u32 s7, s12  }
0x158: {  	v7 =	vld [tilespmem:s23+$0x7800];
	_ =	sdelay $0x1  }
0x159: {  	v42 =	vld [tilespmem:s23+$0x5000]  }
0x15a: {  	s11 =	sor.u32 $0x20, s10;
	v3 =	vadd.f32 v4, v3  }
0x15b: {  	s23 =	sor.u32 s7, s11  }
0x15c: {  	s10 =	sor.u32 $0x30, s10;
	v8 =	vld [tilespmem:s23+$0x7800];
	v6 =	vmul.f32 $9.999999770e-03, v3  }
0x15d: {  	v44 =	vld [tilespmem:s23+$0x5000];
	s23 =	sor.u32 s7, s10;
	vm0 =	vgt.f32 v3, $0.0e+00  }
0x15e: {  	v9 =	vld [tilespmem:s23+$0x5000];
	v3 =	vsel vm0, v3, v6  }
0x15f: {  	v43 =	vld.idx.msk [tilespmem:v7+s13+$0x0], $0xffff;
	v3 =	vmul.f32 $1.442695020e+00, v3  }
0x160: {  	v4 =	vld [tilespmem:s23+$0x7800]  }
0x161: {  	(erf) = vpow2.f32 v3;
	v3 =	vld.idx.msk [tilespmem:v42+s4+$0x0], $0xffff;
	_ =	sdelay $0x2  }
0x162: {  	v23 =	vld.idx.msk [tilespmem:v8+s13+$0x0], $0xffff  }
0x163: {  	v6 =	vld.idx.msk [tilespmem:v44+s4+$0x0], $0xffff  }
0x164: {  	v3 =	vadd.f32 v43, v3;
	_ =	sdelay $0x1  }
0x165: {  	v9 =	vld.idx.msk [tilespmem:v9+s4+$0x0], $0xffff;
	v45 =	vmul.f32 $9.999999770e-03, v3  }
0x166: {  	v56 =	vld.idx.msk [tilespmem:v4+s13+$0x0], $0xffff;
	vm13 =	vgt.f32 v3, $0.0e+00  }
0x167: {  	v6 =	vadd.f32 v23, v6;
	v10 =	vpop (erf);
	v3 =	vsel vm13, v3, v45  }
0x168: {  	s23 =	sshll.u32 s8, $0x8;
	[tilespmem:v5+s31+$0x0] =	vst.idx.add.f32.msk $0xffff, v10;
	v3 =	vmul.f32 $1.442695020e+00, v3  }
0x169: {  	v63 =	vmul.f32 $9.999999770e-03, v6;
	v11 =	vld [tilespmem:s23+$0x10000]  }
0x16a: {  	vm14 =	vgt.f32 v6, $0.0e+00;
	v12 =	vld [tilespmem:s23+$0x10010];
	(erf) = vpow2.f32 v3  }
0x16b: {  	v6 =	vsel vm14, v6, v63;
	v9 =	vadd.f32 v56, v9;
	v46 =	vld [tilespmem:s23+$0x10020]  }
0x16c: {  	v6 =	vmul.f32 $1.442695020e+00, v6;
	v13 =	vld [tilespmem:s23+$0x10030]  }
0x16d: {  	v28 =	vmul.f32 $9.999999770e-03, v9;
	v16 =	vbroadcast v10, $0x0;
	v14 =	vld [tilespmem:s23+$0x10040]  }
0x16e: {  	v18 =	vbroadcast v10, $0x1;
	v48 =	vbroadcast v10, $0x2;
	v15 =	vld [tilespmem:s23+$0x10060]  }
0x16f: {  	v21 =	vbroadcast v10, $0x3;
	v22 =	vbroadcast v10, $0x4;
	v17 =	vld [tilespmem:s23+$0x10070]  }
0x170: {  	v49 =	vbroadcast v10, $0x5;
	v51 =	vbroadcast v10, $0x6;
	v19 =	vld [tilespmem:s23+$0x10080]  }
0x171: {  	v47 =	vld [tilespmem:s23+$0x10090];
	(erf) = vpow2.f32 v6;
	v11 =	vmul.f32 v16, v11  }
0x172: {  	v52 =	vbroadcast v10, $0x7;
	v53 =	vbroadcast v10, $0x8;
	v20 =	vld [tilespmem:s23+$0x100A0]  }
0x173: {  	v3 =	vld [tilespmem:s23+$0x10050];
	v12 =	vmul.f32 v18, v12;
	v14 =	vmul.f32 v14, v22;
	[tilespmem:s23+$0x12000] =	vst v11;
	v22 =	vpop (erf)  }
0x174: {  	s12 =	sshll.u32 s12, $0x4;
	v55 =	vbroadcast v10, $0x9;
	v5 =	vmul.f32 v48, v46;
	[tilespmem:v7+s31+$0x0] =	vst.idx.add.f32.msk $0xffff, v22  }
0x175: {  	v61 =	vbroadcast v10, $0xA;
	v13 =	vmul.f32 v13, v21;
	[tilespmem:s23+$0x12010] =	vst v12;
	v59 =	vld [tilespmem:s12+$0x10000]  }
0x176: {  	v62 =	vbroadcast v10, $0xB;
	v27 =	vbroadcast v10, $0xC;
	v50 =	vld [tilespmem:s23+$0x100B0];
	[tilespmem:s23+$0x12020] =	vst v5  }
0x177: {  	v29 =	vbroadcast v10, $0xD;
	v25 =	vld [tilespmem:s23+$0x100D0];
	v54 =	vmul.f32 v15, v51;
	[tilespmem:s23+$0x12030] =	vst v13  }
0x178: {  	v26 =	vld [tilespmem:s23+$0x100E0];
	v3 =	vmul.f32 v3, v49;
	[tilespmem:s23+$0x12040] =	vst v14;
	v23 =	vbroadcast v22, $0x0  }
0x179: {  	vm15 =	vgt.f32 v9, $0.0e+00;
	v31 =	vbroadcast v10, $0xE;
	v10 =	vbroadcast v10, $0xF;
	v30 =	vld [tilespmem:s23+$0x100F0];
	[tilespmem:s23+$0x12060] =	vst v54  }
0x17a: {  	v9 =	vsel vm15, v9, v28;
	[tilespmem:s23+$0x12050] =	vst v3;
	v3 =	vmul.f32 v20, v61;
	v20 =	vld [tilespmem:s23+$0x100C0];
	v14 =	vpop (erf);
	v11 =	vmul.f32 v23, v59  }
0x17b: {  	s11 =	sshll.u32 s11, $0x4;
	v9 =	vmul.f32 $1.442695020e+00, v9;
	v57 =	vmul.f32 v17, v52;
	[tilespmem:v8+s31+$0x0] =	vst.idx.add.f32.msk $0xffff, v14  }
0x17c: {  	v58 =	vmul.f32 v19, v53;
	v60 =	vmul.f32 v47, v55;
	v8 =	vld [tilespmem:s11+$0x10000];
	[tilespmem:s12+$0x12000] =	vst v11  }
0x17d: {  	v24 =	vmul.f32 v50, v62;
	[tilespmem:s23+$0x12070] =	vst v57;
	v5 =	vmul.f32 v26, v31;
	v33 =	vld [tilespmem:s23+$0x10120]  }
0x17e: {  	[tilespmem:s23+$0x120A0] =	vst v3;
	v3 =	vmul.f32 v25, v29;
	(erf) = vpow2.f32 v9;
	v32 =	vld [tilespmem:s23+$0x10110]  }
0x17f: {  	[tilespmem:s23+$0x12080] =	vst v58;
	v35 =	vbroadcast v22, $0x1;
	v37 =	vbroadcast v22, $0x2;
	v34 =	vld [tilespmem:s23+$0x10130]  }
0x180: {  	v41 =	vbroadcast v22, $0x3;
	[tilespmem:s23+$0x120D0] =	vst v3;
	v3 =	vmul.f32 v30, v10;
	v36 =	vld [tilespmem:s23+$0x10140]  }
0x181: {  	[tilespmem:s23+$0x12090] =	vst v60;
	v43 =	vbroadcast v22, $0x4;
	v45 =	vbroadcast v22, $0x5;
	v38 =	vld [tilespmem:s23+$0x10150]  }
0x182: {  	v47 =	vbroadcast v22, $0x6;
	[tilespmem:s23+$0x120F0] =	vst v3;
	v40 =	vld [tilespmem:s23+$0x10160];
	v3 =	vmul.f32 v37, v33  }
0x183: {  	[tilespmem:s23+$0x120B0] =	vst v24;
	v48 =	vbroadcast v22, $0x7;
	v50 =	vbroadcast v22, $0x8;
	v42 =	vld [tilespmem:s23+$0x10170]  }
0x184: {  	v54 =	vbroadcast v22, $0x9;
	v44 =	vld [tilespmem:s23+$0x10180];
	[tilespmem:s23+$0x12120] =	vst v3;
	v3 =	vmul.f32 v34, v41  }
0x185: {  	[tilespmem:s23+$0x120E0] =	vst v5;
	v56 =	vbroadcast v22, $0xA;
	v7 =	vmul.f32 v20, v27;
	v46 =	vld [tilespmem:s23+$0x10190]  }
0x186: {  	v49 =	vld [tilespmem:s23+$0x101A0];
	v39 =	vmul.f32 v35, v32;
	[tilespmem:s23+$0x12130] =	vst v3;
	v3 =	vmul.f32 v38, v45  }
0x187: {  	v61 =	vbroadcast v22, $0xC;
	[tilespmem:s23+$0x120C0] =	vst v7;
	v51 =	vld [tilespmem:s23+$0x101B0];
	v5 =	vmul.f32 v36, v43  }
0x188: {  	v16 =	vbroadcast v22, $0xD;
	v19 =	vbroadcast v22, $0xE;
	v55 =	vld [tilespmem:s23+$0x101C0];
	[tilespmem:s23+$0x12110] =	vst v39  }
0x189: {  	v52 =	vbroadcast v14, $0x0;
	v26 =	vbroadcast v14, $0x1;
	v57 =	vld [tilespmem:s23+$0x101D0];
	[tilespmem:s23+$0x12140] =	vst v5  }
0x18a: {  	v28 =	vbroadcast v14, $0x2;
	v60 =	vld [tilespmem:s23+$0x101E0];
	v6 =	vmul.f32 v40, v47;
	[tilespmem:s23+$0x12150] =	vst v3;
	v3 =	vpop (erf)  }
0x18b: {  	v31 =	vbroadcast v14, $0x3;
	[tilespmem:v4+s31+$0x0] =	vst.idx.add.f32.msk $0xffff, v3;
	v4 =	vmul.f32 v52, v8  }
0x18c: {  	s10 =	sshll.u32 s10, $0x4;
	v59 =	vbroadcast v22, $0xB;
	v62 =	vld [tilespmem:s23+$0x101F0];
	v53 =	vmul.f32 v44, v50;
	[tilespmem:s23+$0x12160] =	vst v6  }
0x18d: {  	v23 =	vbroadcast v22, $0xF;
	v58 =	vmul.f32 v46, v54;
	v41 =	vld [tilespmem:s10+$0x10000];
	[tilespmem:s11+$0x12000] =	vst v4  }
0x18e: {  	v63 =	vmul.f32 v51, v59;
	v18 =	vmul.f32 v55, v61;
	[tilespmem:s23+$0x12180] =	vst v53;
	v17 =	vld [tilespmem:s23+$0x10210]  }
0x18f: {  	v21 =	vmul.f32 v57, v16;
	v25 =	vmul.f32 v60, v19;
	[tilespmem:s23+$0x12190] =	vst v58;
	v20 =	vld [tilespmem:s23+$0x10220]  }
0x190: {  	v37 =	vbroadcast v14, $0x5;
	v40 =	vbroadcast v14, $0x6;
	[tilespmem:s23+$0x121B0] =	vst v63;
	v24 =	vld [tilespmem:s23+$0x10230]  }
0x191: {  	v43 =	vbroadcast v14, $0x7;
	v5 =	vmul.f32 v42, v48;
	[tilespmem:s23+$0x121C0] =	vst v18;
	v27 =	vld [tilespmem:s23+$0x10240]  }
0x192: {  	v46 =	vbroadcast v14, $0x8;
	v54 =	vbroadcast v14, $0xA;
	[tilespmem:s23+$0x121D0] =	vst v21;
	v29 =	vld [tilespmem:s23+$0x10250]  }
0x193: {  	[tilespmem:s23+$0x12170] =	vst v5;
	v5 =	vmul.f32 v49, v56;
	v50 =	vbroadcast v3, $0x0;
	v32 =	vld [tilespmem:s23+$0x10260]  }
0x194: {  	v57 =	vbroadcast v14, $0xB;
	[tilespmem:s23+$0x121E0] =	vst v25;
	v4 =	vmul.f32 v62, v23;
	v35 =	vld [tilespmem:s23+$0x10270]  }
0x195: {  	v59 =	vbroadcast v14, $0xC;
	[tilespmem:s23+$0x121A0] =	vst v5;
	v38 =	vld [tilespmem:s23+$0x10280];
	v10 =	vmul.f32 v50, v41  }
0x196: {  	v34 =	vbroadcast v14, $0x4;
	v44 =	vld [tilespmem:s23+$0x10290];
	[tilespmem:s23+$0x121F0] =	vst v4;
	v30 =	vmul.f32 v26, v17  }
0x197: {  	v52 =	vbroadcast v14, $0x9;
	v47 =	vld [tilespmem:s23+$0x102A0];
	v33 =	vmul.f32 v28, v20;
	[tilespmem:s10+$0x12000] =	vst v10  }
0x198: {  	v62 =	vbroadcast v14, $0xD;
	v49 =	vld [tilespmem:s23+$0x102B0];
	v36 =	vmul.f32 v24, v31;
	[tilespmem:s23+$0x12210] =	vst v30  }
0x199: {  	v23 =	vbroadcast v3, $0x1;
	v53 =	vld [tilespmem:s23+$0x102C0];
	v39 =	vmul.f32 v27, v34;
	[tilespmem:s23+$0x12220] =	vst v33  }
0x19a: {  	v55 =	vld [tilespmem:s23+$0x102D0];
	v41 =	vbroadcast v3, $0x7;
	v42 =	vmul.f32 v29, v37;
	[tilespmem:s23+$0x12230] =	vst v36  }
0x19b: {  	v50 =	vbroadcast v3, $0xA;
	v45 =	vmul.f32 v32, v40;
	[tilespmem:s23+$0x12240] =	vst v39  }
0x19c: {  	v48 =	vmul.f32 v35, v43;
	v51 =	vmul.f32 v38, v46;
	[tilespmem:s23+$0x12250] =	vst v42  }
0x19d: {  	v56 =	vmul.f32 v44, v52;
	v5 =	vmul.f32 v47, v54;
	[tilespmem:s23+$0x12260] =	vst v45  }
0x19e: {  	v58 =	vld [tilespmem:s23+$0x102E0];
	v61 =	vmul.f32 v49, v57;
	v16 =	vmul.f32 v53, v59;
	[tilespmem:s23+$0x12270] =	vst v48  }
0x19f: {  	v60 =	vld [tilespmem:s23+$0x102F0];
	v17 =	vbroadcast v14, $0xE;
	v19 =	vmul.f32 v55, v62;
	[tilespmem:s23+$0x12280] =	vst v51  }
0x1a0: {  	v20 =	vbroadcast v14, $0xF;
	v26 =	vbroadcast v3, $0x2;
	v63 =	vld [tilespmem:s23+$0x10310];
	[tilespmem:s23+$0x12290] =	vst v56  }
0x1a1: {  	v29 =	vbroadcast v3, $0x3;
	v32 =	vbroadcast v3, $0x4;
	v18 =	vld [tilespmem:s23+$0x10320];
	[tilespmem:s23+$0x122A0] =	vst v5  }
0x1a2: {  	v35 =	vbroadcast v3, $0x5;
	v38 =	vbroadcast v3, $0x6;
	v21 =	vld [tilespmem:s23+$0x10330];
	[tilespmem:s23+$0x122B0] =	vst v61  }
0x1a3: {  	v44 =	vbroadcast v3, $0x8;
	v24 =	vld [tilespmem:s23+$0x10340];
	[tilespmem:s23+$0x122C0] =	vst v16;
	v22 =	vmul.f32 v58, v17  }
0x1a4: {  	v47 =	vbroadcast v3, $0x9;
	v27 =	vld [tilespmem:s23+$0x10350];
	[tilespmem:s23+$0x122D0] =	vst v19;
	v25 =	vmul.f32 v60, v20  }
0x1a5: {  	v53 =	vbroadcast v3, $0xB;
	v54 =	vld [tilespmem:s23+$0x103E0];
	[tilespmem:s23+$0x122E0] =	vst v22;
	v28 =	vmul.f32 v23, v63  }
0x1a6: {  	v59 =	vbroadcast v3, $0xD;
	v57 =	vld [tilespmem:s23+$0x103F0];
	[tilespmem:s23+$0x122F0] =	vst v25;
	v31 =	vmul.f32 v26, v18  }
0x1a7: {  	v30 =	vld [tilespmem:s23+$0x10360];
	v56 =	vbroadcast v3, $0xC;
	v34 =	vmul.f32 v21, v29;
	[tilespmem:s23+$0x12310] =	vst v28  }
0x1a8: {  	v33 =	vld [tilespmem:s23+$0x10370];
	v61 =	vbroadcast v3, $0xE;
	v37 =	vmul.f32 v24, v32;
	[tilespmem:s23+$0x12320] =	vst v31  }
0x1a9: {  	v36 =	vld [tilespmem:s23+$0x10380];
	v3 =	vbroadcast v3, $0xF;
	v40 =	vmul.f32 v27, v35;
	[tilespmem:s23+$0x12330] =	vst v34  }
0x1aa: {  	v39 =	vld [tilespmem:s23+$0x10390];
	v63 =	vmul.f32 v54, v61;
	[tilespmem:s23+$0x12340] =	vst v37  }
0x1ab: {  	v42 =	vld [tilespmem:s23+$0x103A0];
	v3 =	vmul.f32 v57, v3;
	[tilespmem:s23+$0x12350] =	vst v40  }
0x1ac: {  	v45 =	vld [tilespmem:s23+$0x103B0];
	v43 =	vmul.f32 v30, v38;
	[tilespmem:s23+$0x123E0] =	vst v63  }
0x1ad: {  	v48 =	vld [tilespmem:s23+$0x103C0];
	v46 =	vmul.f32 v33, v41;
	[tilespmem:s23+$0x123F0] =	vst v3  }
0x1ae: {  	v51 =	vld [tilespmem:s23+$0x103D0];
	v49 =	vmul.f32 v36, v44;
	[tilespmem:s23+$0x12360] =	vst v43  }
0x1af: {  	v52 =	vmul.f32 v39, v47;
	[tilespmem:s23+$0x12370] =	vst v46  }
0x1b0: {  	p3 =	por p2, p2;
	v55 =	vmul.f32 v42, v50;
	[tilespmem:s23+$0x12380] =	vst v49  }
.Ltmp7:
0x1b1: {  	v58 =	vmul.f32 v45, v53;
	[tilespmem:s23+$0x12390] =	vst v52;
	(pc) =	sbr.rel @p3 .LBB2_13-.Ltmp7, $4  }
0x1b2: {  	v60 =	vmul.f32 v48, v56;
	[tilespmem:s23+$0x123A0] =	vst v55  }
0x1b3: {  	v62 =	vmul.f32 v51, v59;
	[tilespmem:s23+$0x123B0] =	vst v58  }
0x1b4: {  	[tilespmem:s23+$0x123C0] =	vst v60  }
0x1b5: {  	p2 =	por $0x0, $0x0;
	s8 =	simm.s32 $0x4;
	[tilespmem:s23+$0x123D0] =	vst v62  }
0x1b6: {  	s7 =	sand.u32 $0x3FFFFF80, s7  }
0x1b7: {  	s7 =	sadd.s32 $0xA000, s7  }
0x1b8: {  	[spmem:s3] =	stream.indirect.scatter.add.f32 [tilespmem:s15], [sflag:$0x7], $0x10, s7, s22, $0xb8;
	[tilespmem:$0x18000] =	vst v63  }
0x1b9: {  	s6 =	sadd.s32 @!p1 $0x5300, s6;
	s8 =	simm.s32 @!p1 $0x10000;
	s7 =	simm.s32 @!p1 $0x80  }
0x1ba: {  	[tilespmem:s8], [sflag:$0x3] =	stream.indirect.gather @!p1 [hbm4b:s5+s7], $0x10, s6, s7, $0xb8;
	[tilespmem:$0x18000] =	vst v63  }
0x1bb: {  	_ =	swait.ge [sflag:s18], $0x800  }
0x1bc: {  	[sflag:s18] =	ssyncset.done $0x0  }
0x1bd: {  	s6 =	simm.s32 @!p0 $0x8;
	[sflag:s18] =	ssyncadd.s32 $0xFFFFF800  }
0x1be: {  	_ =	swait.ge @!p0 [sflag:s6], $0x800  }
0x1bf: {  	s23 =	sor.u32 $0x3, s14;
	s7 =	simm.s32 $0x0;
	[sflag:s6] =	ssyncset.done @!p0 $0x0  }
0x1c0: {  	[sflag:s6] =	ssyncadd.s32 @!p0 $0xFFFFF800;
	s6 =	sshll.u32 s23, $0x7;
	p0 =	por $0x1, $0x1  }
.LBB2_15:
0x1c1: {  	s8 =	sshll.u32 s7, $0x4  }
0x1c2: {  	s10 =	sor.u32 s6, s8  }
0x1c3: {  	v3 =	vld [tilespmem:s10+$0x5000]  }
0x1c4: {  	v5 =	vld [tilespmem:s10+$0x7800];
	_ =	sdelay $0x6  }
0x1c5: {  	v3 =	vld.idx.msk [tilespmem:v3+s4+$0x0], $0xffff  }
0x1c6: {  	s11 =	sor.u32 $0x10, s8;
	v4 =	vld.idx.msk [tilespmem:v5+s13+$0x0], $0xffff  }
0x1c7: {  	s12 =	sor.u32 s6, s11  }
0x1c8: {  	v7 =	vld [tilespmem:s12+$0x7800];
	_ =	sdelay $0x1  }
0x1c9: {  	v42 =	vld [tilespmem:s12+$0x5000]  }
0x1ca: {  	s10 =	sor.u32 $0x20, s8;
	v3 =	vadd.f32 v4, v3  }
0x1cb: {  	s12 =	sor.u32 s6, s10  }
0x1cc: {  	s8 =	sor.u32 $0x30, s8;
	v8 =	vld [tilespmem:s12+$0x7800];
	v6 =	vmul.f32 $9.999999770e-03, v3  }
0x1cd: {  	s14 =	sor.u32 s6, s8;
	v44 =	vld [tilespmem:s12+$0x5000];
	vm0 =	vgt.f32 v3, $0.0e+00  }
0x1ce: {  	v9 =	vld [tilespmem:s14+$0x5000];
	v3 =	vsel vm0, v3, v6  }
0x1cf: {  	v43 =	vld.idx.msk [tilespmem:v7+s13+$0x0], $0xffff;
	v3 =	vmul.f32 $1.442695020e+00, v3  }
0x1d0: {  	v4 =	vld [tilespmem:s14+$0x7800]  }
0x1d1: {  	(erf) = vpow2.f32 v3;
	v3 =	vld.idx.msk [tilespmem:v42+s4+$0x0], $0xffff;
	_ =	sdelay $0x2  }
0x1d2: {  	v23 =	vld.idx.msk [tilespmem:v8+s13+$0x0], $0xffff  }
0x1d3: {  	v6 =	vld.idx.msk [tilespmem:v44+s4+$0x0], $0xffff  }
0x1d4: {  	v3 =	vadd.f32 v43, v3;
	_ =	sdelay $0x1  }
0x1d5: {  	v9 =	vld.idx.msk [tilespmem:v9+s4+$0x0], $0xffff;
	v45 =	vmul.f32 $9.999999770e-03, v3  }
0x1d6: {  	v56 =	vld.idx.msk [tilespmem:v4+s13+$0x0], $0xffff;
	vm13 =	vgt.f32 v3, $0.0e+00  }
0x1d7: {  	v6 =	vadd.f32 v23, v6;
	v10 =	vpop (erf);
	v3 =	vsel vm13, v3, v45  }
0x1d8: {  	s23 =	sshll.u32 s7, $0x8;
	[tilespmem:v5+s31+$0x0] =	vst.idx.add.f32.msk $0xffff, v10;
	v3 =	vmul.f32 $1.442695020e+00, v3  }
0x1d9: {  	v63 =	vmul.f32 $9.999999770e-03, v6;
	v11 =	vld [tilespmem:s23+$0x10800]  }
0x1da: {  	vm14 =	vgt.f32 v6, $0.0e+00;
	v12 =	vld [tilespmem:s23+$0x10810];
	(erf) = vpow2.f32 v3  }
0x1db: {  	v6 =	vsel vm14, v6, v63;
	v9 =	vadd.f32 v56, v9;
	v46 =	vld [tilespmem:s23+$0x10820]  }
0x1dc: {  	v6 =	vmul.f32 $1.442695020e+00, v6;
	v13 =	vld [tilespmem:s23+$0x10830]  }
0x1dd: {  	v28 =	vmul.f32 $9.999999770e-03, v9;
	v16 =	vbroadcast v10, $0x0;
	v14 =	vld [tilespmem:s23+$0x10840]  }
0x1de: {  	v18 =	vbroadcast v10, $0x1;
	v48 =	vbroadcast v10, $0x2;
	v15 =	vld [tilespmem:s23+$0x10860]  }
0x1df: {  	v21 =	vbroadcast v10, $0x3;
	v22 =	vbroadcast v10, $0x4;
	v17 =	vld [tilespmem:s23+$0x10870]  }
0x1e0: {  	v49 =	vbroadcast v10, $0x5;
	v51 =	vbroadcast v10, $0x6;
	v19 =	vld [tilespmem:s23+$0x10880]  }
0x1e1: {  	v47 =	vld [tilespmem:s23+$0x10890];
	(erf) = vpow2.f32 v6;
	v11 =	vmul.f32 v16, v11  }
0x1e2: {  	v52 =	vbroadcast v10, $0x7;
	v53 =	vbroadcast v10, $0x8;
	v20 =	vld [tilespmem:s23+$0x108A0]  }
0x1e3: {  	v3 =	vld [tilespmem:s23+$0x10850];
	v12 =	vmul.f32 v18, v12;
	v14 =	vmul.f32 v14, v22;
	[tilespmem:s23+$0x12800] =	vst v11;
	v22 =	vpop (erf)  }
0x1e4: {  	s11 =	sshll.u32 s11, $0x4;
	v55 =	vbroadcast v10, $0x9;
	v5 =	vmul.f32 v48, v46;
	[tilespmem:v7+s31+$0x0] =	vst.idx.add.f32.msk $0xffff, v22  }
0x1e5: {  	v61 =	vbroadcast v10, $0xA;
	v13 =	vmul.f32 v13, v21;
	[tilespmem:s23+$0x12810] =	vst v12;
	v59 =	vld [tilespmem:s11+$0x10800]  }
0x1e6: {  	v62 =	vbroadcast v10, $0xB;
	v27 =	vbroadcast v10, $0xC;
	v50 =	vld [tilespmem:s23+$0x108B0];
	[tilespmem:s23+$0x12820] =	vst v5  }
0x1e7: {  	v29 =	vbroadcast v10, $0xD;
	v25 =	vld [tilespmem:s23+$0x108D0];
	v54 =	vmul.f32 v15, v51;
	[tilespmem:s23+$0x12830] =	vst v13  }
0x1e8: {  	v26 =	vld [tilespmem:s23+$0x108E0];
	v3 =	vmul.f32 v3, v49;
	[tilespmem:s23+$0x12840] =	vst v14;
	v23 =	vbroadcast v22, $0x0  }
0x1e9: {  	vm15 =	vgt.f32 v9, $0.0e+00;
	v31 =	vbroadcast v10, $0xE;
	v10 =	vbroadcast v10, $0xF;
	v30 =	vld [tilespmem:s23+$0x108F0];
	[tilespmem:s23+$0x12860] =	vst v54  }
0x1ea: {  	v9 =	vsel vm15, v9, v28;
	[tilespmem:s23+$0x12850] =	vst v3;
	v3 =	vmul.f32 v20, v61;
	v20 =	vld [tilespmem:s23+$0x108C0];
	v14 =	vpop (erf);
	v11 =	vmul.f32 v23, v59  }
0x1eb: {  	s10 =	sshll.u32 s10, $0x4;
	v9 =	vmul.f32 $1.442695020e+00, v9;
	v57 =	vmul.f32 v17, v52;
	[tilespmem:v8+s31+$0x0] =	vst.idx.add.f32.msk $0xffff, v14  }
0x1ec: {  	v58 =	vmul.f32 v19, v53;
	v60 =	vmul.f32 v47, v55;
	v8 =	vld [tilespmem:s10+$0x10800];
	[tilespmem:s11+$0x12800] =	vst v11  }
0x1ed: {  	v24 =	vmul.f32 v50, v62;
	[tilespmem:s23+$0x12870] =	vst v57;
	v5 =	vmul.f32 v26, v31;
	v33 =	vld [tilespmem:s23+$0x10920]  }
0x1ee: {  	[tilespmem:s23+$0x128A0] =	vst v3;
	v3 =	vmul.f32 v25, v29;
	(erf) = vpow2.f32 v9;
	v32 =	vld [tilespmem:s23+$0x10910]  }
0x1ef: {  	[tilespmem:s23+$0x12880] =	vst v58;
	v35 =	vbroadcast v22, $0x1;
	v37 =	vbroadcast v22, $0x2;
	v34 =	vld [tilespmem:s23+$0x10930]  }
0x1f0: {  	v41 =	vbroadcast v22, $0x3;
	[tilespmem:s23+$0x128D0] =	vst v3;
	v3 =	vmul.f32 v30, v10;
	v36 =	vld [tilespmem:s23+$0x10940]  }
0x1f1: {  	[tilespmem:s23+$0x12890] =	vst v60;
	v43 =	vbroadcast v22, $0x4;
	v45 =	vbroadcast v22, $0x5;
	v38 =	vld [tilespmem:s23+$0x10950]  }
0x1f2: {  	v47 =	vbroadcast v22, $0x6;
	[tilespmem:s23+$0x128F0] =	vst v3;
	v40 =	vld [tilespmem:s23+$0x10960];
	v3 =	vmul.f32 v37, v33  }
0x1f3: {  	[tilespmem:s23+$0x128B0] =	vst v24;
	v48 =	vbroadcast v22, $0x7;
	v50 =	vbroadcast v22, $0x8;
	v42 =	vld [tilespmem:s23+$0x10970]  }
0x1f4: {  	v54 =	vbroadcast v22, $0x9;
	v44 =	vld [tilespmem:s23+$0x10980];
	[tilespmem:s23+$0x12920] =	vst v3;
	v3 =	vmul.f32 v34, v41  }
0x1f5: {  	[tilespmem:s23+$0x128E0] =	vst v5;
	v56 =	vbroadcast v22, $0xA;
	v7 =	vmul.f32 v20, v27;
	v46 =	vld [tilespmem:s23+$0x10990]  }
0x1f6: {  	v49 =	vld [tilespmem:s23+$0x109A0];
	v39 =	vmul.f32 v35, v32;
	[tilespmem:s23+$0x12930] =	vst v3;
	v3 =	vmul.f32 v38, v45  }
0x1f7: {  	v61 =	vbroadcast v22, $0xC;
	[tilespmem:s23+$0x128C0] =	vst v7;
	v51 =	vld [tilespmem:s23+$0x109B0];
	v5 =	vmul.f32 v36, v43  }
0x1f8: {  	v16 =	vbroadcast v22, $0xD;
	v19 =	vbroadcast v22, $0xE;
	v55 =	vld [tilespmem:s23+$0x109C0];
	[tilespmem:s23+$0x12910] =	vst v39  }
0x1f9: {  	v52 =	vbroadcast v14, $0x0;
	v26 =	vbroadcast v14, $0x1;
	v57 =	vld [tilespmem:s23+$0x109D0];
	[tilespmem:s23+$0x12940] =	vst v5  }
0x1fa: {  	v28 =	vbroadcast v14, $0x2;
	v60 =	vld [tilespmem:s23+$0x109E0];
	v6 =	vmul.f32 v40, v47;
	[tilespmem:s23+$0x12950] =	vst v3;
	v3 =	vpop (erf)  }
0x1fb: {  	v31 =	vbroadcast v14, $0x3;
	[tilespmem:v4+s31+$0x0] =	vst.idx.add.f32.msk $0xffff, v3;
	v4 =	vmul.f32 v52, v8  }
0x1fc: {  	s8 =	sshll.u32 s8, $0x4;
	v59 =	vbroadcast v22, $0xB;
	v62 =	vld [tilespmem:s23+$0x109F0];
	v53 =	vmul.f32 v44, v50;
	[tilespmem:s23+$0x12960] =	vst v6  }
0x1fd: {  	v23 =	vbroadcast v22, $0xF;
	v58 =	vmul.f32 v46, v54;
	v41 =	vld [tilespmem:s8+$0x10800];
	[tilespmem:s10+$0x12800] =	vst v4  }
0x1fe: {  	v63 =	vmul.f32 v51, v59;
	v18 =	vmul.f32 v55, v61;
	[tilespmem:s23+$0x12980] =	vst v53;
	v17 =	vld [tilespmem:s23+$0x10A10]  }
0x1ff: {  	v21 =	vmul.f32 v57, v16;
	v25 =	vmul.f32 v60, v19;
	[tilespmem:s23+$0x12990] =	vst v58;
	v20 =	vld [tilespmem:s23+$0x10A20]  }
0x200: {  	v37 =	vbroadcast v14, $0x5;
	v40 =	vbroadcast v14, $0x6;
	[tilespmem:s23+$0x129B0] =	vst v63;
	v24 =	vld [tilespmem:s23+$0x10A30]  }
0x201: {  	v43 =	vbroadcast v14, $0x7;
	v5 =	vmul.f32 v42, v48;
	[tilespmem:s23+$0x129C0] =	vst v18;
	v27 =	vld [tilespmem:s23+$0x10A40]  }
0x202: {  	v46 =	vbroadcast v14, $0x8;
	v54 =	vbroadcast v14, $0xA;
	[tilespmem:s23+$0x129D0] =	vst v21;
	v29 =	vld [tilespmem:s23+$0x10A50]  }
0x203: {  	[tilespmem:s23+$0x12970] =	vst v5;
	v5 =	vmul.f32 v49, v56;
	v50 =	vbroadcast v3, $0x0;
	v32 =	vld [tilespmem:s23+$0x10A60]  }
0x204: {  	v57 =	vbroadcast v14, $0xB;
	[tilespmem:s23+$0x129E0] =	vst v25;
	v4 =	vmul.f32 v62, v23;
	v35 =	vld [tilespmem:s23+$0x10A70]  }
0x205: {  	v59 =	vbroadcast v14, $0xC;
	[tilespmem:s23+$0x129A0] =	vst v5;
	v38 =	vld [tilespmem:s23+$0x10A80];
	v10 =	vmul.f32 v50, v41  }
0x206: {  	v34 =	vbroadcast v14, $0x4;
	v44 =	vld [tilespmem:s23+$0x10A90];
	[tilespmem:s23+$0x129F0] =	vst v4;
	v30 =	vmul.f32 v26, v17  }
0x207: {  	v52 =	vbroadcast v14, $0x9;
	v47 =	vld [tilespmem:s23+$0x10AA0];
	v33 =	vmul.f32 v28, v20;
	[tilespmem:s8+$0x12800] =	vst v10  }
0x208: {  	v62 =	vbroadcast v14, $0xD;
	v49 =	vld [tilespmem:s23+$0x10AB0];
	v36 =	vmul.f32 v24, v31;
	[tilespmem:s23+$0x12A10] =	vst v30  }
0x209: {  	v23 =	vbroadcast v3, $0x1;
	v53 =	vld [tilespmem:s23+$0x10AC0];
	v39 =	vmul.f32 v27, v34;
	[tilespmem:s23+$0x12A20] =	vst v33  }
0x20a: {  	v55 =	vld [tilespmem:s23+$0x10AD0];
	v41 =	vbroadcast v3, $0x7;
	v42 =	vmul.f32 v29, v37;
	[tilespmem:s23+$0x12A30] =	vst v36  }
0x20b: {  	v50 =	vbroadcast v3, $0xA;
	v45 =	vmul.f32 v32, v40;
	[tilespmem:s23+$0x12A40] =	vst v39  }
0x20c: {  	v48 =	vmul.f32 v35, v43;
	v51 =	vmul.f32 v38, v46;
	[tilespmem:s23+$0x12A50] =	vst v42  }
0x20d: {  	v56 =	vmul.f32 v44, v52;
	v5 =	vmul.f32 v47, v54;
	[tilespmem:s23+$0x12A60] =	vst v45  }
0x20e: {  	v58 =	vld [tilespmem:s23+$0x10AE0];
	v61 =	vmul.f32 v49, v57;
	v16 =	vmul.f32 v53, v59;
	[tilespmem:s23+$0x12A70] =	vst v48  }
0x20f: {  	v60 =	vld [tilespmem:s23+$0x10AF0];
	v17 =	vbroadcast v14, $0xE;
	v19 =	vmul.f32 v55, v62;
	[tilespmem:s23+$0x12A80] =	vst v51  }
0x210: {  	v20 =	vbroadcast v14, $0xF;
	v26 =	vbroadcast v3, $0x2;
	v63 =	vld [tilespmem:s23+$0x10B10];
	[tilespmem:s23+$0x12A90] =	vst v56  }
0x211: {  	v29 =	vbroadcast v3, $0x3;
	v32 =	vbroadcast v3, $0x4;
	v18 =	vld [tilespmem:s23+$0x10B20];
	[tilespmem:s23+$0x12AA0] =	vst v5  }
0x212: {  	v35 =	vbroadcast v3, $0x5;
	v38 =	vbroadcast v3, $0x6;
	v21 =	vld [tilespmem:s23+$0x10B30];
	[tilespmem:s23+$0x12AB0] =	vst v61  }
0x213: {  	v44 =	vbroadcast v3, $0x8;
	v24 =	vld [tilespmem:s23+$0x10B40];
	[tilespmem:s23+$0x12AC0] =	vst v16;
	v22 =	vmul.f32 v58, v17  }
0x214: {  	v47 =	vbroadcast v3, $0x9;
	v27 =	vld [tilespmem:s23+$0x10B50];
	[tilespmem:s23+$0x12AD0] =	vst v19;
	v25 =	vmul.f32 v60, v20  }
0x215: {  	v53 =	vbroadcast v3, $0xB;
	v54 =	vld [tilespmem:s23+$0x10BE0];
	[tilespmem:s23+$0x12AE0] =	vst v22;
	v28 =	vmul.f32 v23, v63  }
0x216: {  	v59 =	vbroadcast v3, $0xD;
	v57 =	vld [tilespmem:s23+$0x10BF0];
	[tilespmem:s23+$0x12AF0] =	vst v25;
	v31 =	vmul.f32 v26, v18  }
0x217: {  	v30 =	vld [tilespmem:s23+$0x10B60];
	v56 =	vbroadcast v3, $0xC;
	v34 =	vmul.f32 v21, v29;
	[tilespmem:s23+$0x12B10] =	vst v28  }
0x218: {  	v33 =	vld [tilespmem:s23+$0x10B70];
	v61 =	vbroadcast v3, $0xE;
	v37 =	vmul.f32 v24, v32;
	[tilespmem:s23+$0x12B20] =	vst v31  }
0x219: {  	v36 =	vld [tilespmem:s23+$0x10B80];
	v3 =	vbroadcast v3, $0xF;
	v40 =	vmul.f32 v27, v35;
	[tilespmem:s23+$0x12B30] =	vst v34  }
0x21a: {  	v39 =	vld [tilespmem:s23+$0x10B90];
	v63 =	vmul.f32 v54, v61;
	[tilespmem:s23+$0x12B40] =	vst v37  }
0x21b: {  	v42 =	vld [tilespmem:s23+$0x10BA0];
	v3 =	vmul.f32 v57, v3;
	[tilespmem:s23+$0x12B50] =	vst v40  }
0x21c: {  	v45 =	vld [tilespmem:s23+$0x10BB0];
	v43 =	vmul.f32 v30, v38;
	[tilespmem:s23+$0x12BE0] =	vst v63  }
0x21d: {  	v48 =	vld [tilespmem:s23+$0x10BC0];
	v46 =	vmul.f32 v33, v41;
	[tilespmem:s23+$0x12BF0] =	vst v3  }
0x21e: {  	v51 =	vld [tilespmem:s23+$0x10BD0];
	v49 =	vmul.f32 v36, v44;
	[tilespmem:s23+$0x12B60] =	vst v43  }
0x21f: {  	v52 =	vmul.f32 v39, v47;
	[tilespmem:s23+$0x12B70] =	vst v46  }
0x220: {  	p2 =	por p0, p0;
	v55 =	vmul.f32 v42, v50;
	[tilespmem:s23+$0x12B80] =	vst v49  }
.Ltmp8:
0x221: {  	v58 =	vmul.f32 v45, v53;
	[tilespmem:s23+$0x12B90] =	vst v52;
	(pc) =	sbr.rel @p2 .LBB2_15-.Ltmp8, $4  }
0x222: {  	v60 =	vmul.f32 v48, v56;
	[tilespmem:s23+$0x12BA0] =	vst v55  }
0x223: {  	v62 =	vmul.f32 v51, v59;
	[tilespmem:s23+$0x12BB0] =	vst v58  }
0x224: {  	[tilespmem:s23+$0x12BC0] =	vst v60  }
0x225: {  	s7 =	simm.s32 $0x4;
	p0 =	por $0x0, $0x0;
	[tilespmem:s23+$0x12BD0] =	vst v62  }
.Ltmp9:
0x226: {  	(pc) =	sbr.rel @p1 .LBB2_18-.Ltmp9, $4  }
0x227: {  	_ = 	snop  }
0x228: {  	s6 =	sand.u32 $0x3FFFFF80, s6  }
0x229: {  	s6 =	sadd.s32 $0xA000, s6  }
0x22a: {  	[spmem:s3] =	stream.indirect.scatter.add.f32 [tilespmem:s16], [sflag:$0x8], $0x10, s6, s22, $0xb8;
	[tilespmem:$0x18000] =	vst v63  }
.Ltmp10:
0x22b: {  	(pc) =	sbr.rel .LBB2_8-.Ltmp10, $3  }
0x22c: {  	_ =	sdelay $0x1  }
0x22d: {  	s0 =	sadd.s32 $0x5380, s0;
	s29 =	sadd.s32 $0x1, s29  }
0x22e: {  	[tilespmem:s30], [sflag:$0x4] =	stream.indirect.gather [hbm4b:s5+s22], $0x10, s0, s22, $0xb8;
	[tilespmem:$0x18000] =	vst v63  }
.LBB2_19:
0x22f: {  	_ =	sfence.sel $0x180000  }
0x230: {  	[bflag:$0x0] =	sbarrier.arrive $0xFFFF  }
0x231: {  	_ =	strace $0x90000047  }
0x232: {  	s0 =	stileid.u32;
	[bflag:$0x2] =	sbarrier.arrive $0xFFFF  }
0x233: {  	p0 =	sne.s32 s0, $0x0;
	s0 =	rddreg [dreg:$0x3]  }
0x234: {  	s0 =	sadd.s32 @!p0 $0x100000, s0  }
0x235: {  	[sflag:s0] =	ssyncadd.tile.s32 @!p0 $0x1;
	_ =	shalt  }
.Lfunc_end2:
_tile_overlayer_lowered:
.L_overlay_start_2:
0x236: {  	(tag) =	ssettag $0x2  }
0x237: {  	s0 =	rddreg [dreg:$0x0];
	s2 =	stileid.u32  }
0x238: {  	s1 =	rddreg [dreg:$0x1];
	p0 =	sne.s32 s2, $0x0  }
0x239: {  	s3 =	rddreg [dreg:$0x2];
	[bflag:$0x3] =	sbarrier.arrive $0xFFFF;
	s2 =	simm.s32 @!p0 $0x1C09  }
0x23a: {  	[timem:s3], [sflag:s2] =	dma.local @!p0 [hbm:s0], s1  }
0x23b: {  	s0 =	simm.s32 @!p0 $0x9  }
0x23c: {  	_ =	swait.ge @!p0 [sflag:s0], s1  }
0x23d: {  	s1 =	ssub.s32 @!p0 $0x0, s1;
	[sflag:s0] =	ssyncset.done @!p0 $0x0  }
0x23e: {  	[sflag:s0] =	ssyncadd.s32 @!p0 s1  }
0x23f: {  	[bflag:$0x3] =	sbarrier.arrive $0xFFFF  }
0x240: {  	_ =	shalt  }

// kernel: kernel.8.cloned.1.call-start
scs
__scs_entry_jumppad:
0x0: {  	(pc) =	sbr.rel $0x88, $3  }
0x1: {  	(tag) =	ssettag $0x0;
	lr =	simm.s32 $0x1  }
0x2: {  	[smem:$0x3F9C] =	sst lr;
	_ =	strace $0xD0000000  }
0x3: {  	_ = 	snop  }
0x4: {  	_ = 	snop  }
0x5: {  	_ = 	snop  }
0x6: {  	_ = 	snop  }
0x7: {  	_ = 	snop  }
__scs_overlays_trampoline_lowered:
0x8: {  	[smem:$0x3FAB] =	sst s0  }
0x9: {  	[smem:$0x3FAC] =	sst s1  }
0xa: {  	[smem:$0x3FAD] =	sst s2  }
0xb: {  	[smem:$0x3FAE] =	sst s3  }
0xc: {  	[smem:$0x3FAF] =	sst s4  }
0xd: {  	[smem:$0x3FB0] =	sst s5  }
0xe: {  	[smem:$0x3FB1] =	sst s6  }
0xf: {  	[smem:$0x3FB2] =	sst s7  }
0x10: {  	[smem:$0x3FB3] =	sst s8  }
0x11: {  	[smem:$0x3FB4] =	sst s9;
	s0 =	simm.s32 @!p0 $0x0  }
0x12: {  	s1 =	sld [smem:$0x3F9A];
	s0 =	simm.s32 @p0 $0x1  }
0x13: {  	[smem:$0x3FB5] =	sst s0;
	s0 =	simm.s32 @!p1 $0x0  }
0x14: {  	s2 =	sld [smem:$0x3F99];
	s0 =	simm.s32 @p1 $0x1  }
0x15: {  	[smem:$0x3FB6] =	sst s0;
	s0 =	simm.s32 @!p2 $0x0  }
0x16: {  	s3 =	sld [smem:$0x3FDB];
	s0 =	simm.s32 @p2 $0x1  }
0x17: {  	s4 =	simm.s32 $0x1BF5;
	[smem:$0x3FB8] =	sst s0  }
0x18: {  	s0 =	sld [smem:$0x3F9B];
	_ =	swait.ge [sflag:s4], $0x0  }
0x19: {  	s7 =	sld [smem:$0x3F9C]  }
0x1a: {  	s8 =	sadd.s32 $0xFFFFE003, lr  }
0x1b: {  	s9 =	sadd.s32 $0xFFFFFEF7, lr;
	s5 =	simm.s32 $0xFFFFFFFF;
	p2 =	slt.u32 s8, $0xFFFFF086  }
0x1c: {  	p1 =	slt.u32 s9, $0xF7A;
	s5 =	simm.s32 @!p2 $0x0  }
0x1d: {  	s5 =	simm.s32 @p1 $0x1;
	p0 =	seq.s32 s7, s2  }
0x1e: {  	s7 =	smul.u32 @!p0 $0xF7A, s2;
	p2 =	seq.s32 @!p0 s5, $0x0  }
0x1f: {  	s9 =	smul.u32 $0xF7A, s1;
	s8 =	simm.s32 @!p0 $0x1BF5;
	p2 =	por !p2, p0  }
0x20: {  	[sflag:s8] =	ssyncset.s32 @!p0 $0xFFFFF086;
	s6 =	sadd.s32 @!p0 s3, s7;
	s7 =	simm.s32 @!p0 $0x108  }
0x21: {  	s3 =	sadd.s32 s3, s9;
	s6 =	sadd.s32 @!p0 $0x88, s6;
	s7 =	simm.s32 @p2 $0x1082  }
0x22: {  	[simem:s7], [sflag:s8] =	dma.local @!p0 [hbm:s6], $0xF7A  }
0x23: {  	s9 =	sor.u32 $0xD0000000, s2;
	s6 =	simm.s32 $0x108;
	_ =	swait.ge @!p0 [sflag:s8], $0x0  }
0x24: {  	s3 =	sadd.s32 $0x88, s3;
	s6 =	simm.s32 @!p1 $0x1082;
	[sflag:s4] =	ssyncset.s32 $0xFFFFF086  }
0x25: {  	[simem:s6], [sflag:s4] =	dma.local [hbm:s3], $0xF7A  }
0x26: {  	[smem:$0x3F9C] =	sst s1;
	(tag) =	ssettag s2;
	_ =	strace s9  }
0x27: {  	s1 =	sld [smem:$0x3FAC]  }
0x28: {  	s2 =	sld [smem:$0x3FAD]  }
0x29: {  	s4 =	sld [smem:$0x3FAF]  }
0x2a: {  	p0 =	seq.s32 s5, $0x0;
	s5 =	sld [smem:$0x3FB0]  }
0x2b: {  	s6 =	sld [smem:$0x3FB1]  }
0x2c: {  	s7 =	sld [smem:$0x3FB2]  }
0x2d: {  	s3 =	simm.s32 $0x108;
	s8 =	sld [smem:$0x3FB3]  }
0x2e: {  	s3 =	simm.s32 @!p0 $0x1082;
	s9 =	sld [smem:$0x3FB4]  }
0x2f: {  	lr =	sadd.s32 s0, s3;
	s0 =	sld [smem:$0x3FAB]  }
0x30: {  	s3 =	sld [smem:$0x3FAE]  }
0x31: {  	[smem:$0x3FB7] =	sst s10  }
0x32: {  	s10 =	sld [smem:$0x3FB5];
	_ =	sdelay $0x3  }
0x33: {  	p0 =	seq.s32 s10, $0x1;
	s10 =	sld [smem:$0x3FB7];
	_ =	sdelay $0x3  }
0x34: {  	[smem:$0x3FB7] =	sst s10  }
0x35: {  	s10 =	sld [smem:$0x3FB6];
	_ =	sdelay $0x3  }
0x36: {  	p1 =	seq.s32 s10, $0x1;
	s10 =	sld [smem:$0x3FB7];
	_ =	sdelay $0x3  }
0x37: {  	[smem:$0x3FB7] =	sst s10  }
0x38: {  	s10 =	sld [smem:$0x3FB8]  }
0x39: {  	_ = 	snop;
	(pc) =	sbr.ind lr, $3  }
0x3a: {  	_ = 	snop  }
0x3b: {  	_ = 	snop  }
0x3c: {  	p2 =	seq.s32 s10, $0x1;
	s10 =	sld [smem:$0x3FB7]  }
0x3d: {  	_ =	shalt  }
0x3e: {  	_ =	shalt  }
0x3f: {  	_ =	shalt  }
0x40: {  	_ =	shalt  }
0x41: {  	_ =	shalt  }
0x42: {  	_ =	shalt  }
0x43: {  	_ =	shalt  }
0x44: {  	_ =	shalt  }
0x45: {  	_ =	shalt  }
0x46: {  	_ =	shalt  }
0x47: {  	_ =	shalt  }
0x48: {  	_ =	shalt  }
0x49: {  	_ =	shalt  }
0x4a: {  	_ =	shalt  }
0x4b: {  	_ =	shalt  }
0x4c: {  	_ =	shalt  }
0x4d: {  	_ =	shalt  }
0x4e: {  	_ =	shalt  }
0x4f: {  	_ =	shalt  }
0x50: {  	_ =	shalt  }
0x51: {  	_ =	shalt  }
0x52: {  	_ =	shalt  }
0x53: {  	_ =	shalt  }
0x54: {  	_ =	shalt  }
0x55: {  	_ =	shalt  }
0x56: {  	_ =	shalt  }
0x57: {  	_ =	shalt  }
0x58: {  	_ =	shalt  }
0x59: {  	_ =	shalt  }
0x5a: {  	_ =	shalt  }
0x5b: {  	_ =	shalt  }
0x5c: {  	_ =	shalt  }
0x5d: {  	_ =	shalt  }
0x5e: {  	_ =	shalt  }
0x5f: {  	_ =	shalt  }
0x60: {  	_ =	shalt  }
0x61: {  	_ =	shalt  }
0x62: {  	_ =	shalt  }
0x63: {  	_ =	shalt  }
0x64: {  	_ =	shalt  }
0x65: {  	_ =	shalt  }
0x66: {  	_ =	shalt  }
0x67: {  	_ =	shalt  }
0x68: {  	_ =	shalt  }
0x69: {  	_ =	shalt  }
0x6a: {  	_ =	shalt  }
0x6b: {  	_ =	shalt  }
0x6c: {  	_ =	shalt  }
0x6d: {  	_ =	shalt  }
0x6e: {  	_ =	shalt  }
0x6f: {  	_ =	shalt  }
0x70: {  	_ =	shalt  }
0x71: {  	_ =	shalt  }
0x72: {  	_ =	shalt  }
0x73: {  	_ =	shalt  }
0x74: {  	_ =	shalt  }
0x75: {  	_ =	shalt  }
0x76: {  	_ =	shalt  }
0x77: {  	_ =	shalt  }
0x78: {  	_ =	shalt  }
0x79: {  	_ =	shalt  }
0x7a: {  	_ =	shalt  }
0x7b: {  	_ =	shalt  }
0x7c: {  	_ =	shalt  }
0x7d: {  	_ =	shalt  }
0x7e: {  	_ =	shalt  }
0x7f: {  	_ =	shalt  }
0x80: {  	_ =	shalt  }
0x81: {  	_ =	shalt  }
0x82: {  	_ =	shalt  }
0x83: {  	_ =	shalt  }
0x84: {  	_ =	shalt  }
0x85: {  	_ =	shalt  }
0x86: {  	_ =	shalt  }
0x87: {  	_ =	shalt  }
.Lfunc_end0:
.L_simem_size_0:
called_computation.1_lowered:
.L_overlay_start_0:
0x88: {  	s2 =	sld [smem:$0x3FD9]  }
0x89: {  	s3 =	sld [smem:$0x3FFE];
	_ =	sdelay $0x1  }
0x8a: {  	s1 =	srdreg.scid  }
0x8b: {  	s0 =	sand.u32 $0x1, s1  }
0x8c: {  	s17 =	sshll.u32 s0, $0xA;
	s2 =	sadd.s32 s3, s2  }
0x8d: {  	s2 =	sadd.s32 s2, s17  }
0x8e: {  	[smem:$0x3FC3] =	sst s2  }
0x8f: {  	_ = 	snop  }
0x90: {  	s2 =	sld [smem:$0x3FD0];
	(tm) =	ssettm $0x1  }
0x91: {  	s18 =	sld [smem:$0x3FFB];
	_ =	sdelay $0x3  }
0x92: {  	_ =	strace s18  }
0x93: {  	s3 =	sld [smem:$0x3FFC];
	_ =	sdelay $0x3  }
0x94: {  	_ =	strace s3  }
0x95: {  	s3 =	sld [smem:$0x3FFD];
	_ =	sdelay $0x3  }
0x96: {  	_ =	strace s3  }
0x97: {  	_ =	strace $0x8FFFFFFF  }
0x98: {  	s19 =	sld [smem:$0x3FDB];
	_ =	sdelay $0x1  }
0x99: {  	s4 =	simm.s32 $_scs_section_size  }
0x9a: {  	s5 =	simm.s32 $_size__tile_overlayer_lowered;
	s6 =	simm.s32 $_tile_overlayer_lowered  }
0x9b: {  	s22 =	simm.s32 $0x1BFF;
	s21 =	sshll.u32 s6, $0x1;
	s3 =	sadd.s32 s4, s19  }
0x9c: {  	s7 =	simm.s32 $0x0;
	s20 =	sshll.u32 s5, $0x1;
	s5 =	sadd.s32 s21, s3  }
0x9d: {  	[timem:s7], [sflag:s22] =	dma.local [hbm:s5], s20  }
0x9e: {  	_ =	swait.ge [sflag:s22], s20  }
0x9f: {  	s4 =	ssub.s32 $0x0, s20;
	[sflag:s22] =	ssyncset.done $0x0  }
0xa0: {  	[sflag:s22] =	ssyncadd.s32 s4;
	_ =	sdelay $0x1  }
0xa1: {  	s23 =	simm.s32 $0x1B8B  }
0xa2: {  	_ =	swait.ge [sflag:s23], $0x1  }
0xa3: {  	[sflag:s23] =	ssyncset.done $0x0  }
0xa4: {  	s25 =	simm.s32 $0x1B8E;
	s24 =	sld [smem:$0x3FFE];
	[sflag:s23] =	ssyncadd.s32 $0xFFFFFFFF  }
0xa5: {  	s26 =	simm.s32 $execute0_lowered;
	[smem:$0x3FD2] =	sst s25  }
0xa6: {  	s5 =	sshll.u32 s26, $0x1;
	_ =	strace $0x80000049;
	[dreg:$0x1] =	wrdreg $0xFFFFFFFF  }
0xa7: {  	s28 =	simm.s32 $_size_execute0_lowered;
	s3 =	sadd.s32 s3, s5;
	[dreg:$0x0] =	wrdreg $0x0  }
0xa8: {  	s5 =	sshll.u32 s28, $0x1;
	[dreg:$0x2] =	wrdreg s3  }
0xa9: {  	[dreg:$0x3] =	wrdreg s5  }
0xaa: {  	[dreg:$0x4] =	wrdreg $0xC0  }
0xab: {  	_ =	task [dreg:s7], $0x5FFFF  }
0xac: {  	[dreg:$0x1] =	wrdreg $0xFFFFFFFF  }
0xad: {  	[dreg:$0x0] =	wrdreg $0x60  }
0xae: {  	[dreg:$0x2] =	wrdreg s24  }
0xaf: {  	[dreg:$0x3] =	wrdreg s2  }
0xb0: {  	[dreg:$0x4] =	wrdreg $0x9  }
0xb1: {  	_ =	task.clear_ibuf [dreg:s7], $0x5FFFF;
	_ =	strace $0x90000049  }
0xb2: {  	s29 =	simm.s32 $0x9;
	_ =	strace $0x8000004B  }
0xb3: {  	_ =	swait.ge [sflag:s29], $0x1  }
0xb4: {  	[sflag:s29] =	ssyncadd.s32 $0xFFFFFFFF  }
0xb5: {  	_ =	strace $0x9000004B  }
0xb6: {  	_ =	sfence  }
0xb7: {  	s30 =	sld [smem:$0x0];
	_ =	sdelay $0x2  }
0xb8: {  	s31 =	sshll.u32 s1, $0xD;
	s1 =	sshrl.u32 s1, $0x2  }
0xb9: {  	s3 =	sand.u32 $0x4000, s31;
	s1 =	sadd.s32 s1, s30  }
0xba: {  	s0 =	sor.u32 s3, s0;
	s1 =	sshll.u32 s1, $0x11  }
0xbb: {  	s0 =	sor.u32 s1, s0  }
0xbc: {  	s0 =	sadd.s32 $0x8F2B, s0  }
0xbd: {  	[sflag:s0] =	ssyncadd.remote.s32 $0x1  }
0xbe: {  	_ =	sfence.sel $0xFFFF  }
0xbf: {  	[dreg:$0x0] =	wrdreg $0xFFFFFFFF;
	(pc) =	sbr.abs _section_cstart, $3  }
0xc0: {  	[dreg:$0x1] =	wrdreg $0xFFFFFFFF  }
0xc1: {  	_ =	task.clear_ibuf [dreg:s7], $0x2FFFF;
	_ =	strace $0x9FFFFFFF  }
0xc2: {  	(tm) =	ssettm $0x7FFFFFFF  }
0xc3: {  	_ =	shalt  }
tec
execute0_lowered:
.L_overlay_start_1:
0x0: {  	(tag) =	ssettag $0x1  }
0x1: {  	s4 =	rddreg [dreg:$0x0]  }
0x2: {  	s0 =	srdreg.scid;
	s7 =	rddreg [dreg:$0x1]  }
0x3: {  	s2 =	simm.s32 $0x0;
	s10 =	simm.s32 $0x140;
	s3 =	sand.u32 $0x1, s0  }
0x4: {  	s11 =	simm.s32 $0x2800;
	s0 =	stileid.u32;
	s1 =	sshll.u32 s3, $0x4  }
0x5: {  	s12 =	simm.s32 $0x1;
	s13 =	simm.s32 $0x2;
	s15 =	sor.u32 s0, s1  }
0x6: {  	s14 =	simm.s32 $0x3;
	[smem:$0x7FF] =	sst s2;
	s5 =	smul.u32 $0x1400, s15  }
0x7: {  	s3 =	ssub.s32 $0x2, s3;
	s1 =	rddreg [dreg:$0x2];
	_ =	strace $0x8000004A  }
0x8: {  	s31 =	sshrl.u32 s3, $0x1;
	s6 =	smul.u32 $0x28, s15;
	s8 =	sshrl.u32 s5, $0x3  }
0x9: {  	s9 =	ssub.s32 s3, s31;
	p0 =	seq.s32 s15, $0x1F;
	s5 =	sadd.s32 s8, s4  }
0xa: {  	s15 =	simm.s32 $0x0;
	s6 =	sadd.s32 s6, s4;
	s3 =	sadd.s32 $0x1AA00, s5  }
0xb: {  	s4 =	sadd.s32 $0x1FA00, s5;
	s5 =	sadd.s32 $0x24A00, s6;
	s6 =	sadd.s32 s7, s8  }
0xc: {  	s7 =	sadd.s32 $0x4D80, s7;
	s8 =	smax.u32 s9, $0x1;
	s9 =	simm.s32 $0x1400  }
.LBB2_1:
0xd: {  	[tilespmem:s2], [sflag:$0x1] =	stream.linear.gather [hbm4b:s3+s2], $0x1400, $0x38;
	[tilespmem:$0x6400] =	vst v63  }
0xe: {  	_ = 	snop  }
0xf: {  	[tilespmem:s9], [sflag:$0x2] =	stream.linear.gather [hbm4b:s4+s2], $0x1400, $0x38;
	[tilespmem:$0x6400] =	vst v63  }
0x10: {  	_ = 	snop  }
0x11: {  	[tilespmem:s11], [sflag:$0x3] =	stream.strided.gather [hbm4b:s5+s10], $0x2800, s11, s10, $0x38;
	[tilespmem:$0x6400] =	vst v63  }
0x12: {  	_ =	swait.ge [sflag:s12], $0x1400  }
0x13: {  	[sflag:s12] =	ssyncset.done $0x0  }
0x14: {  	[sflag:s12] =	ssyncadd.s32 $0xFFFFEC00  }
0x15: {  	_ =	swait.ge [sflag:s13], $0x1400  }
0x16: {  	[sflag:s13] =	ssyncset.done $0x0  }
0x17: {  	[sflag:s13] =	ssyncadd.s32 $0xFFFFEC00  }
0x18: {  	_ =	swait.ge [sflag:s14], $0x2800  }
0x19: {  	[sflag:s14] =	ssyncset.done $0x0  }
0x1a: {  	s16 =	simm.s32 $0x3C00;
	s17 =	simm.s32 $0x0;
	[sflag:s14] =	ssyncadd.s32 $0xFFFFD800  }
.LBB2_2:
0x1b: {  	v0 =	vld [tilespmem:s16+$0xFFFFEC00]  }
0x1c: {  	v1 =	vld [tilespmem:s16+$0xFFFFED40];
	_ =	sdelay $0x1  }
0x1d: {  	v2 =	vld [tilespmem:s16+$0xFFFFEE80];
	_ =	sdelay $0x1  }
0x1e: {  	v3 =	vld [tilespmem:s16+$0xFFFFEFC0]  }
0x1f: {  	v0 =	vadd.f32 v1, v0  }
0x20: {  	v49 =	vld [tilespmem:s16+$0xFFFFF100]  }
0x21: {  	v0 =	vadd.f32 v2, v0  }
0x22: {  	v50 =	vld [tilespmem:s16+$0xFFFFF240]  }
0x23: {  	v0 =	vadd.f32 v3, v0  }
0x24: {  	v51 =	vld [tilespmem:s16+$0xFFFFF380]  }
0x25: {  	v0 =	vadd.f32 v49, v0  }
0x26: {  	v52 =	vld [tilespmem:s16+$0xFFFFF4C0]  }
0x27: {  	v0 =	vadd.f32 v50, v0  }
0x28: {  	v53 =	vld [tilespmem:s16+$0xFFFFF600]  }
0x29: {  	v0 =	vadd.f32 v51, v0  }
0x2a: {  	v54 =	vld [tilespmem:s16+$0xFFFFF740]  }
0x2b: {  	v0 =	vadd.f32 v52, v0  }
0x2c: {  	v55 =	vld [tilespmem:s16+$0xFFFFF880]  }
0x2d: {  	v0 =	vadd.f32 v53, v0  }
0x2e: {  	v56 =	vld [tilespmem:s16+$0xFFFFF9C0]  }
0x2f: {  	v0 =	vadd.f32 v54, v0  }
0x30: {  	v57 =	vld [tilespmem:s16+$0xFFFFFB00]  }
0x31: {  	v0 =	vadd.f32 v55, v0  }
0x32: {  	v58 =	vld [tilespmem:s16+$0xFFFFFC40]  }
0x33: {  	v0 =	vadd.f32 v56, v0  }
0x34: {  	v59 =	vld [tilespmem:s16+$0xFFFFFD80]  }
0x35: {  	v0 =	vadd.f32 v57, v0  }
0x36: {  	v60 =	vld [tilespmem:s16+$0xFFFFFEC0]  }
0x37: {  	v0 =	vadd.f32 v58, v0  }
0x38: {  	v61 =	vld [tilespmem:s16+$0x0]  }
0x39: {  	v0 =	vadd.f32 v59, v0  }
0x3a: {  	v62 =	vld [tilespmem:s16+$0x140]  }
0x3b: {  	v0 =	vadd.f32 v60, v0  }
0x3c: {  	v63 =	vld [tilespmem:s16+$0x280]  }
0x3d: {  	v0 =	vadd.f32 v61, v0  }
0x3e: {  	v6 =	vld [tilespmem:s16+$0x3C0]  }
0x3f: {  	v0 =	vadd.f32 v62, v0  }
0x40: {  	v7 =	vld [tilespmem:s16+$0x500]  }
0x41: {  	v0 =	vadd.f32 v63, v0  }
0x42: {  	v8 =	vld [tilespmem:s16+$0x640]  }
0x43: {  	v0 =	vadd.f32 v6, v0  }
0x44: {  	v9 =	vld [tilespmem:s16+$0x780]  }
0x45: {  	v0 =	vadd.f32 v7, v0  }
0x46: {  	v10 =	vld [tilespmem:s16+$0x8C0]  }
0x47: {  	v0 =	vadd.f32 v8, v0  }
0x48: {  	v11 =	vld [tilespmem:s16+$0xA00]  }
0x49: {  	v0 =	vadd.f32 v9, v0  }
0x4a: {  	v12 =	vld [tilespmem:s16+$0xB40]  }
0x4b: {  	v0 =	vadd.f32 v10, v0  }
0x4c: {  	v13 =	vld [tilespmem:s16+$0xC80]  }
0x4d: {  	v0 =	vadd.f32 v11, v0  }
0x4e: {  	v14 =	vld [tilespmem:s16+$0xDC0]  }
0x4f: {  	v0 =	vadd.f32 v12, v0  }
0x50: {  	v15 =	vld [tilespmem:s16+$0xF00]  }
0x51: {  	v0 =	vadd.f32 v13, v0  }
0x52: {  	v16 =	vld [tilespmem:s16+$0x1040]  }
0x53: {  	v0 =	vadd.f32 v14, v0  }
0x54: {  	v17 =	vld [tilespmem:s16+$0x1180]  }
0x55: {  	v0 =	vadd.f32 v15, v0  }
0x56: {  	v18 =	vld [tilespmem:s16+$0x12C0]  }
0x57: {  	v0 =	vadd.f32 v16, v0;
	_ =	sdelay $0x1  }
0x58: {  	v0 =	vadd.f32 v17, v0;
	_ =	sdelay $0x1  }
0x59: {  	v0 =	vadd.f32 v18, v0;
	_ =	sdelay $0x1  }
0x5a: {  	v1 =	vadd.f32 $1.000000020e-16, v0;
	_ =	sdelay $0x1  }
0x5b: {  	v0 =	vbroadcast v1, $0x0;
	_ =	sdelay $0x1  }
0x5c: {  	(erf) = vrcp.f32 v0  }
0x5d: {  	s18 =	sshra.s32 s17, $0x2  }
0x5e: {  	v19 =	vld [tilespmem:s18+$0x0]  }
0x5f: {  	v20 =	vld [tilespmem:s18+$0x1400];
	_ =	sdelay $0x4  }
0x60: {  	v0 =	vadd.f32 v20, v19  }
0x61: {  	v21 =	vpop (erf)  }
0x62: {  	v0 =	vmul.f32 v21, v0;
	_ =	sdelay $0x1  }
0x63: {  	v2 =	vmul.f32 $1.442695020e+00, v0  }
0x64: {  	v22 =	vbroadcast v1, $0x1  }
0x65: {  	(erf) = vpow2.f32 v2  }
0x66: {  	(erf) = vrcp.f32 v22;
	_ =	sdelay $0x1  }
0x67: {  	v23 =	vld [tilespmem:s18+$0x10]  }
0x68: {  	v24 =	vld [tilespmem:s18+$0x1410];
	_ =	sdelay $0x4  }
0x69: {  	v2 =	vadd.f32 v24, v23;
	v4 =	vpop (erf)  }
0x6a: {  	v25 =	vpop (erf)  }
0x6b: {  	v2 =	vmul.f32 v2, v25;
	_ =	sdelay $0x1  }
0x6c: {  	v3 =	vmul.f32 $1.442695020e+00, v2  }
0x6d: {  	v5 =	vbroadcast v1, $0x2  }
0x6e: {  	(erf) = vpow2.f32 v3  }
0x6f: {  	(erf) = vrcp.f32 v5;
	_ =	sdelay $0x1  }
0x70: {  	v26 =	vld [tilespmem:s18+$0x20]  }
0x71: {  	v27 =	vld [tilespmem:s18+$0x1420];
	_ =	sdelay $0x4  }
0x72: {  	v3 =	vadd.f32 v27, v26;
	v6 =	vpop (erf)  }
0x73: {  	v28 =	vpop (erf)  }
0x74: {  	v3 =	vmul.f32 v3, v28;
	_ =	sdelay $0x1  }
0x75: {  	v5 =	vmul.f32 $1.442695020e+00, v3  }
0x76: {  	v7 =	vbroadcast v1, $0x3  }
0x77: {  	(erf) = vpow2.f32 v5  }
0x78: {  	(erf) = vrcp.f32 v7;
	_ =	sdelay $0x1  }
0x79: {  	v29 =	vld [tilespmem:s18+$0x30]  }
0x7a: {  	v30 =	vld [tilespmem:s18+$0x1430];
	_ =	sdelay $0x4  }
0x7b: {  	v5 =	vadd.f32 v30, v29;
	v8 =	vpop (erf)  }
0x7c: {  	v31 =	vpop (erf)  }
0x7d: {  	v5 =	vmul.f32 v5, v31;
	_ =	sdelay $0x1  }
0x7e: {  	v7 =	vmul.f32 $1.442695020e+00, v5  }
0x7f: {  	v9 =	vbroadcast v1, $0x4  }
0x80: {  	(erf) = vpow2.f32 v7  }
0x81: {  	(erf) = vrcp.f32 v9;
	_ =	sdelay $0x1  }
0x82: {  	v32 =	vld [tilespmem:s18+$0x40]  }
0x83: {  	v33 =	vld [tilespmem:s18+$0x1440];
	_ =	sdelay $0x4  }
0x84: {  	v7 =	vadd.f32 v33, v32;
	v10 =	vpop (erf)  }
0x85: {  	v34 =	vpop (erf)  }
0x86: {  	v7 =	vmul.f32 v7, v34;
	_ =	sdelay $0x1  }
0x87: {  	v9 =	vmul.f32 $1.442695020e+00, v7  }
0x88: {  	v11 =	vbroadcast v1, $0x5  }
0x89: {  	(erf) = vpow2.f32 v9  }
0x8a: {  	(erf) = vrcp.f32 v11;
	_ =	sdelay $0x1  }
0x8b: {  	v35 =	vld [tilespmem:s18+$0x50]  }
0x8c: {  	v36 =	vld [tilespmem:s18+$0x1450];
	_ =	sdelay $0x4  }
0x8d: {  	v9 =	vadd.f32 v36, v35;
	v12 =	vpop (erf)  }
0x8e: {  	v37 =	vpop (erf)  }
0x8f: {  	v9 =	vmul.f32 v9, v37;
	_ =	sdelay $0x1  }
0x90: {  	v11 =	vmul.f32 $1.442695020e+00, v9  }
0x91: {  	v13 =	vbroadcast v1, $0x6  }
0x92: {  	(erf) = vpow2.f32 v11  }
0x93: {  	(erf) = vrcp.f32 v13;
	_ =	sdelay $0x1  }
0x94: {  	v38 =	vld [tilespmem:s18+$0x60]  }
0x95: {  	v39 =	vld [tilespmem:s18+$0x1460];
	_ =	sdelay $0x4  }
0x96: {  	v11 =	vadd.f32 v39, v38;
	v14 =	vpop (erf)  }
0x97: {  	v40 =	vpop (erf)  }
0x98: {  	v11 =	vmul.f32 v11, v40;
	_ =	sdelay $0x1  }
0x99: {  	v13 =	vmul.f32 $1.442695020e+00, v11  }
0x9a: {  	v15 =	vbroadcast v1, $0x7  }
0x9b: {  	(erf) = vpow2.f32 v13  }
0x9c: {  	(erf) = vrcp.f32 v15;
	_ =	sdelay $0x1  }
0x9d: {  	v41 =	vld [tilespmem:s18+$0x70]  }
0x9e: {  	v42 =	vld [tilespmem:s18+$0x1470];
	_ =	sdelay $0x4  }
0x9f: {  	v13 =	vadd.f32 v42, v41;
	v16 =	vpop (erf)  }
0xa0: {  	v43 =	vpop (erf)  }
0xa1: {  	v13 =	vmul.f32 v13, v43;
	_ =	sdelay $0x1  }
0xa2: {  	v15 =	vmul.f32 $1.442695020e+00, v13  }
0xa3: {  	v17 =	vbroadcast v1, $0x8  }
0xa4: {  	(erf) = vpow2.f32 v15  }
0xa5: {  	(erf) = vrcp.f32 v17;
	_ =	sdelay $0x1  }
0xa6: {  	v44 =	vld [tilespmem:s18+$0x80]  }
0xa7: {  	v45 =	vld [tilespmem:s18+$0x1480];
	_ =	sdelay $0x4  }
0xa8: {  	v15 =	vadd.f32 v45, v44;
	v18 =	vpop (erf)  }
0xa9: {  	v46 =	vpop (erf)  }
0xaa: {  	v15 =	vmul.f32 v15, v46;
	_ =	sdelay $0x1  }
0xab: {  	v17 =	vmul.f32 $1.442695020e+00, v15  }
0xac: {  	v19 =	vbroadcast v1, $0x9  }
0xad: {  	(erf) = vpow2.f32 v17  }
0xae: {  	(erf) = vrcp.f32 v19;
	_ =	sdelay $0x1  }
0xaf: {  	v47 =	vld [tilespmem:s18+$0x90]  }
0xb0: {  	v48 =	vld [tilespmem:s18+$0x1490];
	_ =	sdelay $0x4  }
0xb1: {  	v17 =	vadd.f32 v48, v47;
	v20 =	vpop (erf)  }
0xb2: {  	v49 =	vpop (erf)  }
0xb3: {  	v17 =	vmul.f32 v17, v49;
	_ =	sdelay $0x1  }
0xb4: {  	v19 =	vmul.f32 $1.442695020e+00, v17  }
0xb5: {  	v21 =	vbroadcast v1, $0xA  }
0xb6: {  	(erf) = vpow2.f32 v19  }
0xb7: {  	(erf) = vrcp.f32 v21;
	_ =	sdelay $0x1  }
0xb8: {  	v50 =	vld [tilespmem:s18+$0xA0]  }
0xb9: {  	v51 =	vld [tilespmem:s18+$0x14A0];
	_ =	sdelay $0x4  }
0xba: {  	v19 =	vadd.f32 v51, v50;
	v22 =	vpop (erf)  }
0xbb: {  	v52 =	vpop (erf)  }
0xbc: {  	v19 =	vmul.f32 v19, v52;
	_ =	sdelay $0x1  }
0xbd: {  	v21 =	vmul.f32 $1.442695020e+00, v19  }
0xbe: {  	v23 =	vbroadcast v1, $0xB  }
0xbf: {  	(erf) = vpow2.f32 v21  }
0xc0: {  	(erf) = vrcp.f32 v23;
	_ =	sdelay $0x1  }
0xc1: {  	v53 =	vld [tilespmem:s18+$0xB0]  }
0xc2: {  	v54 =	vld [tilespmem:s18+$0x14B0];
	_ =	sdelay $0x4  }
0xc3: {  	v21 =	vadd.f32 v54, v53;
	v24 =	vpop (erf)  }
0xc4: {  	v55 =	vpop (erf)  }
0xc5: {  	v21 =	vmul.f32 v21, v55;
	_ =	sdelay $0x1  }
0xc6: {  	v23 =	vmul.f32 $1.442695020e+00, v21  }
0xc7: {  	v25 =	vbroadcast v1, $0xC  }
0xc8: {  	(erf) = vpow2.f32 v23  }
0xc9: {  	(erf) = vrcp.f32 v25;
	_ =	sdelay $0x1  }
0xca: {  	v56 =	vld [tilespmem:s18+$0xC0]  }
0xcb: {  	v57 =	vld [tilespmem:s18+$0x14C0];
	_ =	sdelay $0x4  }
0xcc: {  	v23 =	vadd.f32 v57, v56;
	v26 =	vpop (erf)  }
0xcd: {  	v58 =	vpop (erf)  }
0xce: {  	v23 =	vmul.f32 v23, v58;
	_ =	sdelay $0x1  }
0xcf: {  	v25 =	vmul.f32 $1.442695020e+00, v23  }
0xd0: {  	v27 =	vbroadcast v1, $0xD  }
0xd1: {  	(erf) = vpow2.f32 v25  }
0xd2: {  	(erf) = vrcp.f32 v27;
	_ =	sdelay $0x1  }
0xd3: {  	v59 =	vld [tilespmem:s18+$0xD0]  }
0xd4: {  	v60 =	vld [tilespmem:s18+$0x14D0];
	_ =	sdelay $0x4  }
0xd5: {  	v25 =	vadd.f32 v60, v59;
	v28 =	vpop (erf)  }
0xd6: {  	v61 =	vpop (erf)  }
0xd7: {  	v25 =	vmul.f32 v25, v61;
	_ =	sdelay $0x1  }
0xd8: {  	v27 =	vmul.f32 $1.442695020e+00, v25  }
0xd9: {  	v29 =	vbroadcast v1, $0xE  }
0xda: {  	(erf) = vpow2.f32 v27  }
0xdb: {  	(erf) = vrcp.f32 v29;
	_ =	sdelay $0x1  }
0xdc: {  	v62 =	vld [tilespmem:s18+$0xE0]  }
0xdd: {  	v63 =	vld [tilespmem:s18+$0x14E0];
	_ =	sdelay $0x4  }
0xde: {  	v27 =	vadd.f32 v63, v62;
	v30 =	vpop (erf)  }
0xdf: {  	v32 =	vpop (erf)  }
0xe0: {  	v27 =	vmul.f32 v27, v32;
	_ =	sdelay $0x1  }
0xe1: {  	v29 =	vmul.f32 $1.442695020e+00, v27  }
0xe2: {  	v1 =	vbroadcast v1, $0xF  }
0xe3: {  	(erf) = vpow2.f32 v29  }
0xe4: {  	(erf) = vrcp.f32 v1;
	_ =	sdelay $0x1  }
0xe5: {  	v33 =	vld [tilespmem:s18+$0xF0]  }
0xe6: {  	v34 =	vld [tilespmem:s18+$0x14F0];
	_ =	sdelay $0x4  }
0xe7: {  	v4 =	vadd.f32 $-1.000000000e+00, v4;
	v1 =	vadd.f32 v34, v33;
	v31 =	vpop (erf)  }
0xe8: {  	vm0 =	vgt.f32 v0, $0.0e+00;
	v6 =	vadd.f32 $-1.000000000e+00, v6;
	v35 =	vpop (erf)  }
0xe9: {  	v0 =	vsel vm0, v0, v4;
	vm14 =	vgt.f32 v2, $0.0e+00;
	v1 =	vmul.f32 v1, v35  }
0xea: {  	v2 =	vsel vm14, v2, v6;
	vm15 =	vgt.f32 v3, $0.0e+00;
	v36 =	vadd.f32 $-1.000000000e+00, v8  }
0xeb: {  	[tilespmem:s18+$0x5000] =	vst v0;
	vm1 =	vgt.f32 v5, $0.0e+00;
	v37 =	vadd.f32 $-1.000000000e+00, v10;
	v38 =	vmul.f32 $1.442695020e+00, v1  }
0xec: {  	[tilespmem:s18+$0x5010] =	vst v2;
	vm4 =	vgt.f32 v7, $0.0e+00;
	v3 =	vsel vm15, v3, v36;
	v40 =	vadd.f32 $-1.000000000e+00, v12  }
0xed: {  	[tilespmem:s18+$0x5020] =	vst v3;
	v39 =	vsel vm1, v5, v37;
	v41 =	vadd.f32 $-1.000000000e+00, v14;
	(erf) = vpow2.f32 v38  }
0xee: {  	vm5 =	vgt.f32 v9, $0.0e+00;
	[tilespmem:s18+$0x5030] =	vst v39;
	v42 =	vsel vm4, v7, v40;
	v43 =	vadd.f32 $-1.000000000e+00, v16  }
0xef: {  	vm6 =	vgt.f32 v11, $0.0e+00;
	[tilespmem:s18+$0x5040] =	vst v42;
	v0 =	vsel vm5, v9, v41;
	v44 =	vadd.f32 $-1.000000000e+00, v18  }
0xf0: {  	[tilespmem:s18+$0x5050] =	vst v0;
	vm7 =	vgt.f32 v13, $0.0e+00;
	v45 =	vsel vm6, v11, v43;
	v46 =	vadd.f32 $-1.000000000e+00, v20  }
0xf1: {  	[tilespmem:s18+$0x5060] =	vst v45;
	vm8 =	vgt.f32 v15, $0.0e+00;
	v47 =	vsel vm7, v13, v44;
	v48 =	vadd.f32 $-1.000000000e+00, v22  }
0xf2: {  	[tilespmem:s18+$0x5070] =	vst v47;
	v49 =	vsel vm8, v15, v46;
	vm9 =	vgt.f32 v17, $0.0e+00;
	v50 =	vadd.f32 $-1.000000000e+00, v24  }
0xf3: {  	[tilespmem:s18+$0x5080] =	vst v49;
	v51 =	vsel vm9, v17, v48;
	vm10 =	vgt.f32 v19, $0.0e+00;
	v52 =	vadd.f32 $-1.000000000e+00, v26  }
0xf4: {  	[tilespmem:s18+$0x5090] =	vst v51;
	v53 =	vsel vm10, v19, v50;
	vm11 =	vgt.f32 v21, $0.0e+00;
	v54 =	vadd.f32 $-1.000000000e+00, v28  }
0xf5: {  	p1 =	sne.s32 s17, $0x4C00;
	[tilespmem:s18+$0x50A0] =	vst v53;
	v55 =	vsel vm11, v21, v52;
	vm12 =	vgt.f32 v23, $0.0e+00;
	v56 =	vadd.f32 $-1.000000000e+00, v30  }
.Ltmp0:
0xf6: {  	[tilespmem:s18+$0x50B0] =	vst v55;
	v57 =	vsel vm12, v23, v54;
	vm13 =	vgt.f32 v25, $0.0e+00;
	v58 =	vadd.f32 $-1.000000000e+00, v31;
	v59 =	vpop (erf);
	(pc) =	sbr.rel @p1 .LBB2_2-.Ltmp0, $4  }
0xf7: {  	[tilespmem:s18+$0x50C0] =	vst v57;
	v60 =	vsel vm13, v25, v56;
	vm14 =	vgt.f32 v27, $0.0e+00;
	v61 =	vadd.f32 $-1.000000000e+00, v59  }
0xf8: {  	[tilespmem:s18+$0x50D0] =	vst v60;
	v62 =	vsel vm14, v27, v58;
	vm15 =	vgt.f32 v1, $0.0e+00  }
0xf9: {  	[tilespmem:s18+$0x50E0] =	vst v62;
	v63 =	vsel vm15, v1, v61  }
0xfa: {  	s16 =	sadd.s32 $0x10, s16;
	s17 =	sadd.s32 $0x400, s17;
	[tilespmem:s18+$0x50F0] =	vst v63  }
0xfb: {  	s16 =	simm.s32 @p0 $0x0;
	s17 =	simm.s32 @p0 $0x5000  }
0xfc: {  	[hbm4b:s7+s16] =	stream.linear.scatter @p0 [tilespmem:s17], [sflag:$0x4], $0x500, $0x38;
	[tilespmem:$0x6400] =	vst v63  }
0xfd: {  	s16 =	simm.s32 @p0 $0x4  }
0xfe: {  	_ =	swait.ge @p0 [sflag:s16], $0x500  }
0xff: {  	s15 =	sadd.s32 $0x1, s15;
	s17 =	simm.s32 @!p0 $0x5000;
	[sflag:s16] =	ssyncset.done @p0 $0x0  }
0x100: {  	p1 =	sne.s32 s15, s8;
	[sflag:s16] =	ssyncadd.s32 @p0 $0xFFFFFB00;
	s16 =	simm.s32 @!p0 $0x0  }
0x101: {  	[hbm4b:s6+s16] =	stream.linear.scatter @!p0 [tilespmem:s17], [sflag:$0x4], $0x1400, $0x38;
	[tilespmem:$0x6400] =	vst v63  }
.Ltmp1:
0x102: {  	_ = 	snop;
	(pc) =	sbr.rel @p1 .LBB2_1-.Ltmp1, $4  }
0x103: {  	s16 =	simm.s32 @!p0 $0x4  }
0x104: {  	_ =	swait.ge @!p0 [sflag:s16], $0x1400  }
0x105: {  	[sflag:s16] =	ssyncset.done @!p0 $0x0  }
0x106: {  	[sflag:s16] =	ssyncadd.s32 @!p0 $0xFFFFEC00  }
0x107: {  	_ =	sfence.sel $0x180000  }
0x108: {  	[bflag:$0x0] =	sbarrier.arrive $0xFFFF  }
0x109: {  	p0 =	sne.s32 s0, $0x0;
	_ =	strace $0x9000004A  }
0x10a: {  	s0 =	sadd.s32 @!p0 $0x100000, s1;
	[bflag:$0x2] =	sbarrier.arrive $0xFFFF  }
0x10b: {  	[sflag:s0] =	ssyncadd.tile.s32 @!p0 $0x1;
	_ =	shalt  }
.Lfunc_end2:
_tile_overlayer_lowered:
.L_overlay_start_2:
0x10c: {  	(tag) =	ssettag $0x2  }
0x10d: {  	s0 =	rddreg [dreg:$0x0];
	s2 =	stileid.u32  }
0x10e: {  	s1 =	rddreg [dreg:$0x1];
	p0 =	sne.s32 s2, $0x0  }
0x10f: {  	s3 =	rddreg [dreg:$0x2];
	[bflag:$0x3] =	sbarrier.arrive $0xFFFF;
	s2 =	simm.s32 @!p0 $0x1C04  }
0x110: {  	[timem:s3], [sflag:s2] =	dma.local @!p0 [hbm:s0], s1  }
0x111: {  	s0 =	simm.s32 @!p0 $0x4  }
0x112: {  	_ =	swait.ge @!p0 [sflag:s0], s1  }
0x113: {  	s1 =	ssub.s32 @!p0 $0x0, s1;
	[sflag:s0] =	ssyncset.done @!p0 $0x0  }
0x114: {  	[sflag:s0] =	ssyncadd.s32 @!p0 s1  }
0x115: {  	[bflag:$0x3] =	sbarrier.arrive $0xFFFF  }
0x116: {  	_ =	shalt  }

</sc_bundles>
